<compile_context>
chip_gen: v7x
topology: tpu7x:2x2x1
jax: 0.10.2.dev20260603
libtpu: 0.0.44.dev20260713+nightly
codegen_flags: <defaults>
</compile_context>

<pallas_src>
import functools

import jax
import jax.numpy as jnp
from jax import lax
from jax.experimental import pallas as pl
from jax.experimental.pallas import tpu as pltpu
from jax.experimental.pallas import tpu_sc as plsc

NUM_CLASSES = 21
VAR0 = 0.1
VAR1 = 0.2
THRESHOLD = 0.5
NEGPOS_RATIO = 3

LN2 = 0.6931471805599453
SQRT2 = 1.4142135623730951

TBLK = 10
CATBLK = 112
MINEBLK = 21


def _ln16(x):
    b = lax.bitcast_convert_type(x, jnp.int32)
    e = lax.shift_right_logical(b, 23) - 127
    mb = (b & 0x7FFFFF) | 0x3F800000
    m = lax.bitcast_convert_type(mb, jnp.float32)
    big = m > SQRT2
    m = jnp.where(big, m * 0.5, m)
    e = e + jnp.where(big, 1, 0)
    t = (m - 1.0) / (m + 1.0)
    t2 = t * t
    p = 2.0 * t * (1.0 + t2 * (1.0 / 3.0 + t2 * (0.2 + t2 * (1.0 / 7.0
                                                            + t2 / 9.0))))
    return p + e.astype(jnp.float32) * LN2


def _loss_kernel(db_hbm, loc_hbm, tgt_hbm, cat_hbm, ctail_hbm, misc_hbm,
                 t_v, db0, db1, db2, db3, lb0_v, lb1_v,
                 mrg_v, cat0_v, cat1_v, ctail_v, misc_v,
                 sem0, sem1, sem2, sem3, sem4, *, P, PPAD, O, C):
    NCHUNK = PPAD // 16
    b = lax.axis_index("s") * 2 + lax.axis_index("c")

    pltpu.sync_copy(tgt_hbm.at[b], t_v)
    pltpu.sync_copy(db_hbm.at[0], db0)
    pltpu.sync_copy(db_hbm.at[1], db1)
    pltpu.sync_copy(db_hbm.at[2], db2)
    pltpu.sync_copy(db_hbm.at[3], db3)

    iota16 = lax.iota(jnp.int32, 16)
    negone = jnp.full((16,), -1.0, jnp.float32)
    zero16f = jnp.zeros((16,), jnp.float32)
    zero16i = jnp.zeros((16,), jnp.int32)

    def _init(c, _):
        mrg_v[pl.ds(c * 16, 16)] = negone
        mrg_v[pl.ds(PPAD + c * 16, 16)] = zero16f
        return 0

    lax.fori_loop(0, NCHUNK, _init, 0)

    def _tblock(bk, _):
        t0 = bk * TBLK
        xs1, ys1, xs2, ys2, aas = [], [], [], [], []
        for j in range(TBLK):
            row = t_v[pl.ds((t0 + j) * 8, 16)]
            xs1.append(row[0])
            ys1.append(row[1])
            xs2.append(row[2])
            ys2.append(row[3])
            aas.append((row[2] - row[0]) * (row[3] - row[1]))

        def _chunk(c, carry):
            bpvs = list(carry[:TBLK])
            bpcs = list(carry[TBLK:])
            base = c * 16
            pcx = db0[pl.ds(base, 16)]
            pcy = db1[pl.ds(base, 16)]
            pw = db2[pl.ds(base, 16)]
            ph = db3[pl.ds(base, 16)]
            px1 = pcx - pw * 0.5
            px2 = pcx + pw * 0.5
            py1 = pcy - ph * 0.5
            py2 = pcy + ph * 0.5
            ab = (px2 - px1) * (py2 - py1)
            bto = mrg_v[pl.ds(base, 16)]
            bti = lax.bitcast_convert_type(
                mrg_v[pl.ds(PPAD + base, 16)], jnp.int32)
            ious = []
            for j in range(TBLK):
                iw = jnp.maximum(
                    jnp.minimum(xs2[j], px2) - jnp.maximum(xs1[j], px1), 0.0)
                ih = jnp.maximum(
                    jnp.minimum(ys2[j], py2) - jnp.maximum(ys1[j], py1), 0.0)
                inter = iw * ih
                iou = inter / ((aas[j] + ab) - inter)
                ious.append(iou)
                m2 = iou > bpvs[j]
                bpvs[j] = jnp.where(m2, iou, bpvs[j])
                bpcs[j] = jnp.where(m2, c, bpcs[j])
            pairs = [(ious[j], jnp.full((16,), t0 + j, jnp.int32))
                     for j in range(TBLK)]
            while len(pairs) > 1:
                nxt = []
                for i2 in range(0, len(pairs) - 1, 2):
                    (v1, i1), (v2, j2) = pairs[i2], pairs[i2 + 1]
                    mm = v2 > v1
                    nxt.append((jnp.where(mm, v2, v1),
                                jnp.where(mm, j2, i1)))
                if len(pairs) % 2:
                    nxt.append(pairs[-1])
                pairs = nxt
            bv, bidx = pairs[0]
            m = bv > bto
            bti = jnp.where(m, bidx, bti)
            bto = jnp.where(m, bv, bto)
            mrg_v[pl.ds(base, 16)] = bto
            mrg_v[pl.ds(PPAD + base, 16)] = lax.bitcast_convert_type(
                bti, jnp.float32)
            return tuple(bpvs) + tuple(bpcs)

        carry0 = (negone,) * TBLK + (zero16i,) * TBLK
        carry = lax.fori_loop(0, NCHUNK, _chunk, carry0)

        for j in range(TBLK):
            bpv = carry[j]
            bpc = carry[TBLK + j]
            mx = jnp.max(bpv)
            gidx = bpc * 16 + iota16
            cand = jnp.where(bpv == mx, gidx, jnp.int32(0x7FFFFFF))
            pstar = jnp.full((16,), jnp.min(cand), jnp.int32)
            plsc.store_scatter(mrg_v, [pstar],
                               jnp.full((16,), 2.0, jnp.float32))
            plsc.store_scatter(
                mrg_v, [pstar + PPAD],
                lax.bitcast_convert_type(
                    jnp.full((16,), t0 + j, jnp.int32), jnp.float32))
        return 0

    lax.fori_loop(0, O // TBLK, _tblock, 0)

    NCAT = PPAD // CATBLK
    SUBC = CATBLK // 16

    def _cat_dma(blk, buf, sem):
        return pltpu.async_copy(cat_hbm.at[b, pl.ds(blk * CATBLK, CATBLK)],
                                buf, sem)

    def _loc_dma(blk, buf, sem):
        return pltpu.async_copy(loc_hbm.at[b, blk], buf, sem)

    def _process(blk, buf, lbuf, carry):
        def _sub(sub, carry2):
            sl_acc, np_acc, cep_acc = carry2
            base = blk * CATBLK + sub * 16
            bti_c = lax.bitcast_convert_type(
                mrg_v[pl.ds(PPAD + base, 16)], jnp.int32)
            pos = jnp.logical_not(mrg_v[pl.ds(base, 16)] < THRESHOLD)
            trow = bti_c * 8
            mx1 = plsc.load_gather(t_v, [trow])
            my1 = plsc.load_gather(t_v, [trow + 1])
            mx2 = plsc.load_gather(t_v, [trow + 2])
            my2 = plsc.load_gather(t_v, [trow + 3])
            mlab = plsc.load_gather(t_v, [trow + 4])
            pcx = db0[pl.ds(base, 16)]
            pcy = db1[pl.ds(base, 16)]
            pw = db2[pl.ds(base, 16)]
            ph = db3[pl.ds(base, 16)]
            g_cx = ((mx1 + mx2) * 0.5 - pcx) / (VAR0 * pw)
            g_cy = ((my1 + my2) * 0.5 - pcy) / (VAR0 * ph)
            g_w = _ln16((mx2 - mx1) / pw) / VAR1
            g_h = _ln16((my2 - my1) / ph) / VAR1

            def _sl1(d):
                a = jnp.abs(d)
                return jnp.where(a < 1.0, 0.5 * d * d, a - 0.5)

            lbase = (iota16 + sub * 16) * 4
            s4 = (_sl1(plsc.load_gather(lbuf, [lbase]) - g_cx)
                  + _sl1(plsc.load_gather(lbuf, [lbase + 1]) - g_cy)
                  + _sl1(plsc.load_gather(lbuf, [lbase + 2]) - g_w)
                  + _sl1(plsc.load_gather(lbuf, [lbase + 3]) - g_h))
            sl_acc = sl_acc + jnp.where(pos, s4, 0.0)
            np_acc = np_acc + jnp.where(pos, 1, 0)

            rows = iota16 + sub * 16
            vs = [plsc.load_gather(buf, [rows, jnp.full((16,), c2,
                                                        jnp.int32)])
                  for c2 in range(C)]
            mx = vs
            while len(mx) > 1:
                mx = ([jnp.maximum(mx[i2], mx[i2 + 1])
                       for i2 in range(0, len(mx) - 1, 2)]
                      + ([mx[-1]] if len(mx) % 2 else []))
            mval = mx[0]
            es = [jnp.exp(v - mval) for v in vs]
            while len(es) > 1:
                es = ([es[i2] + es[i2 + 1]
                       for i2 in range(0, len(es) - 1, 2)]
                      + ([es[-1]] if len(es) % 2 else []))
            ssum = es[0]
            logz = _ln16(ssum) + mval
            conf_i = jnp.where(pos, (mlab + 1.0).astype(jnp.int32), 0)
            gt = plsc.load_gather(buf, [rows, conf_i])
            ce_all = logz - gt
            valid = (base + iota16) < P
            ce_mined = jnp.where(
                pos | jnp.logical_not(valid), 0.0, jnp.maximum(ce_all, 0.0))
            mrg_v[pl.ds(2 * PPAD + base, 16)] = ce_mined
            cep_acc = cep_acc + jnp.where(pos, ce_all, 0.0)
            return sl_acc, np_acc, cep_acc

        return lax.fori_loop(0, SUBC, _sub, carry)

    NMAIN = P // CATBLK
    _cat_dma(0, cat0_v, sem0)
    _loc_dma(0, lb0_v, sem3)
    pltpu.async_copy(ctail_hbm.at[b], ctail_v, sem2)

    def _p2(k, carry):
        blk0 = k * 2
        d1 = _cat_dma(blk0 + 1, cat1_v, sem1)
        d1l = _loc_dma(blk0 + 1, lb1_v, sem4)
        pltpu.make_async_copy(cat_hbm.at[b, pl.ds(blk0 * CATBLK, CATBLK)],
                              cat0_v, sem0).wait()
        pltpu.make_async_copy(loc_hbm.at[b, blk0], lb0_v, sem3).wait()
        carry = _process(blk0, cat0_v, lb0_v, carry)

        @pl.when(blk0 + 2 <= NMAIN - 1)
        def _():
            _cat_dma(blk0 + 2, cat0_v, sem0)
            _loc_dma(blk0 + 2, lb0_v, sem3)

        d1.wait()
        d1l.wait()
        carry = _process(blk0 + 1, cat1_v, lb1_v, carry)
        return carry

    carry = lax.fori_loop(0, (NMAIN - 1) // 2, _p2,
                          (zero16f, zero16i, zero16f))
    pltpu.make_async_copy(
        cat_hbm.at[b, pl.ds((NMAIN - 1) * CATBLK, CATBLK)],
        cat0_v, sem0).wait()
    pltpu.make_async_copy(loc_hbm.at[b, NMAIN - 1], lb0_v, sem3).wait()
    carry = _process(NMAIN - 1, cat0_v, lb0_v, carry)
    _loc_dma(NMAIN, lb1_v, sem4).wait()
    pltpu.make_async_copy(ctail_hbm.at[b], ctail_v, sem2).wait()
    sl_acc, np_acc, cep_acc = _process(NMAIN, ctail_v, lb1_v, carry)

    loss_l = jnp.sum(sl_acc)
    npos = jnp.sum(np_acc)
    cepos = jnp.sum(cep_acc)
    k_neg = jnp.minimum(NEGPOS_RATIO * npos, P - 1)

    NSTRIP = PPAD // (16 * MINEBLK)

    def _bit_step(j, cand):
        test = jnp.full((16,), cand | (1 << (30 - j)), jnp.int32)

        def _cnt(i2, accs):
            a0, a1, a2 = accs
            parts = []
            for u in range(MINEBLK):
                v = lax.bitcast_convert_type(
                    mrg_v[pl.ds(2 * PPAD + (i2 * MINEBLK + u) * 16, 16)],
                    jnp.int32)
                parts.append(plsc.all_reduce_population_count(v >= test))
            for u in range(0, MINEBLK, 3):
                a0 = a0 + parts[u]
                a1 = a1 + parts[u + 1]
                a2 = a2 + parts[u + 2]
            return a0, a1, a2

        c0, c1, c2m = lax.fori_loop(0, NSTRIP, _cnt,
                                    (zero16i, zero16i, zero16i))
        cnt = (c0 + c1 + c2m)[0]
        return jnp.where(cnt >= k_neg, cand | (1 << (30 - j)), cand)

    tbits = lax.fori_loop(0, 31, _bit_step, jnp.int32(0))
    tval = lax.bitcast_convert_type(tbits, jnp.float32)
    tvec = jnp.full((16,), tbits, jnp.int32)

    def _final(i2, carry):
        cnt_acc, sum_acc = carry
        for u in range(MINEBLK):
            vb = lax.bitcast_convert_type(
                mrg_v[pl.ds(2 * PPAD + (i2 * MINEBLK + u) * 16, 16)],
                jnp.int32)
            gtm = vb > tvec
            cnt_acc = cnt_acc + plsc.all_reduce_population_count(gtm)
            sum_acc = sum_acc + jnp.where(
                gtm, lax.bitcast_convert_type(vb, jnp.float32), 0.0)
        return cnt_acc, sum_acc

    cnt_gt16, sum_gt16 = lax.fori_loop(0, NSTRIP, _final, (zero16i, zero16f))
    cnt_gt = cnt_gt16[0]
    sum_gt = jnp.sum(sum_gt16)
    topk = sum_gt + (k_neg - cnt_gt).astype(jnp.float32) * tval
    loss_c = cepos + topk

    misc_v[...] = (jnp.where(iota16 == 0, loss_l, 0.0)
                   + jnp.where(iota16 == 1, loss_c, 0.0)
                   + jnp.where(iota16 == 2, npos.astype(jnp.float32), 0.0))
    pltpu.sync_copy(misc_v, misc_hbm.at[b])


def _combine_kernel(misc_ref, out_l_ref, out_c_ref):
    m = misc_ref[...]
    n = jnp.sum(m[:, 2])
    out_l_ref[0, 0] = jnp.sum(m[:, 0]) / n
    out_c_ref[0, 0] = jnp.sum(m[:, 1]) / n


def kernel(location, category, defaultbox, targets):
    B, P, C = category.shape
    O = targets.shape[1]
    PPAD = ((P + 15) // 16) * 16

    db_t = jnp.transpose(defaultbox, (1, 0))
    pad_col = jnp.array([2.0, 2.0, 0.01, 0.01], jnp.float32)[:, None]
    db_pad = jnp.concatenate(
        [db_t, jnp.broadcast_to(pad_col, (4, PPAD - P))], axis=1)
    loc_pad = jnp.concatenate(
        [location, jnp.zeros((B, PPAD - P, 4), jnp.float32)],
        axis=1).reshape(B, PPAD // CATBLK, CATBLK * 4)
    tgt_pad = jnp.concatenate(
        [targets, jnp.zeros((B, O, 3), jnp.float32)], axis=2)
    tgt_pad = jnp.concatenate(
        [tgt_pad, jnp.zeros((B, 2, 8), jnp.float32)],
        axis=1).reshape(B, (O + 2) * 8)

    mesh = plsc.VectorSubcoreMesh(core_axis_name="c", subcore_axis_name="s")
    loss = functools.partial(
        pl.kernel,
        mesh=mesh,
        compiler_params=pltpu.CompilerParams(needs_layout_passes=False),
        out_type=[
            jax.ShapeDtypeStruct((B, 16), jnp.float32),
        ],
        scratch_types=[
            pltpu.VMEM(((O + 2) * 8,), jnp.float32),
            pltpu.VMEM((PPAD,), jnp.float32),
            pltpu.VMEM((PPAD,), jnp.float32),
            pltpu.VMEM((PPAD,), jnp.float32),
            pltpu.VMEM((PPAD,), jnp.float32),
            pltpu.VMEM((CATBLK * 4,), jnp.float32),
            pltpu.VMEM((CATBLK * 4,), jnp.float32),
            pltpu.VMEM((3 * PPAD,), jnp.float32),
            pltpu.VMEM((CATBLK, NUM_CLASSES), jnp.float32),
            pltpu.VMEM((CATBLK, NUM_CLASSES), jnp.float32),
            pltpu.VMEM((CATBLK, NUM_CLASSES), jnp.float32),
            pltpu.VMEM((16,), jnp.float32),
            pltpu.SemaphoreType.DMA,
            pltpu.SemaphoreType.DMA,
            pltpu.SemaphoreType.DMA,
            pltpu.SemaphoreType.DMA,
            pltpu.SemaphoreType.DMA,
        ],
    )(functools.partial(_loss_kernel, P=P, PPAD=PPAD, O=O, C=C))
    nmain = P // CATBLK
    cat_tail = jnp.concatenate(
        [category[:, nmain * CATBLK:, :],
         jnp.zeros((B, CATBLK - (P - nmain * CATBLK), C), jnp.float32)],
        axis=1)
    (misc,) = loss(db_pad, loc_pad, tgt_pad, category, cat_tail)

    out_l, out_c = pl.pallas_call(
        _combine_kernel,
        out_specs=[
            pl.BlockSpec(memory_space=pltpu.SMEM),
            pl.BlockSpec(memory_space=pltpu.SMEM),
        ],
        out_shape=[
            jax.ShapeDtypeStruct((1, 1), jnp.float32),
            jax.ShapeDtypeStruct((1, 1), jnp.float32),
        ],
    )(misc)
    return out_l[0, 0], out_c[0, 0]

# --- scband reference (transcript-rebuilt; emitter-appended) ---
"""Pipeline reference for scband-multi-box-loss-39178691674621 (READ-ONLY COPY).

The authoritative reference and input builder live on the scoring server;
editing this copy changes nothing except your own understanding.
"""

import jax, jax.numpy as jnp
import numpy as np

NUM_CLASSES = 21
VARIANCE = (0.1, 0.2)
THRESHOLD = 0.5
NEGPOS_RATIO = 3

def point_form(priors):
    return jnp.concatenate([priors[:, :2] - priors[:, 2:] / 2.0, priors[:, :2] + priors[:, 2:] / 2.0], axis=1)

def jaccard(box_a, box_b):
    max_xy = jnp.minimum(box_a[:, None, 2:], box_b[None, :, 2:])
    min_xy = jnp.maximum(box_a[:, None, :2], box_b[None, :, :2])
    inter = jnp.clip(max_xy - min_xy, 0.0, None).prod(axis=2)
    area_a = ((box_a[:, 2] - box_a[:, 0]) * (box_a[:, 3] - box_a[:, 1]))[:, None]
    area_b = ((box_b[:, 2] - box_b[:, 0]) * (box_b[:, 3] - box_b[:, 1]))[None, :]
    return inter / (area_a + area_b - inter)

def encode(matched, priors, variances):
    g_cxcy = (matched[:, :2] + matched[:, 2:]) / 2.0 - priors[:, :2]
    g_cxcy = g_cxcy / (variances[0] * priors[:, 2:])
    g_wh = (matched[:, 2:] - matched[:, :2]) / priors[:, 2:]
    g_wh = jnp.log(g_wh) / variances[1]
    return jnp.concatenate([g_cxcy, g_wh], axis=1)

def match_one(truths, labels, priors):
    overlaps = jaccard(truths, point_form(priors))
    best_prior_idx = jnp.argmax(overlaps, axis=1)
    best_truth_overlap = jnp.max(overlaps, axis=0)
    best_truth_idx = jnp.argmax(overlaps, axis=0)
    best_truth_overlap = best_truth_overlap.at[best_prior_idx].set(2.0)
    best_truth_idx = best_truth_idx.at[best_prior_idx].set(jnp.arange(truths.shape[0]))
    matches = truths[best_truth_idx]
    conf = labels[best_truth_idx] + 1
    conf = jnp.where(best_truth_overlap < THRESHOLD, 0, conf)
    loc = encode(matches, priors, VARIANCE)
    return loc, conf

def setup_inputs(seed: int = 0):
    key = jax.random.key(seed)
    B, P, O, C = 32, 8732, 50, NUM_CLASSES
    k1, k2, k3, k4, k5, k6 = jax.random.split(key, 6)
    location = jax.random.normal(k1, (B, P, 4), dtype=jnp.float32)
    category = jax.random.normal(k2, (B, P, C), dtype=jnp.float32)
    centers = jax.random.uniform(k3, (P, 2), minval=0.1, maxval=0.9)
    wh = jax.random.uniform(k4, (P, 2), minval=0.05, maxval=0.5)
    defaultbox = jnp.concatenate([centers, wh], axis=1).astype(jnp.float32)
    xy1 = jax.random.uniform(k5, (B, O, 2), minval=0.0, maxval=0.7)
    twh = jax.random.uniform(k6, (B, O, 2), minval=0.05, maxval=0.3)
    labels = jax.random.randint(jax.random.fold_in(key, 7), (B, O), 0, C - 1).astype(jnp.float32)
    targets = jnp.concatenate([xy1, xy1 + twh, labels[:, :, None]], axis=2).astype(jnp.float32)
    return {"location": location, "category": category, "defaultbox": defaultbox, "targets": targets}

def reference(location, category, defaultbox, targets):
    B, P, C = category.shape
    truths = targets[:, :, :4]
    labels = targets[:, :, 4].astype(jnp.int32)
    loc_t, conf_t = jax.vmap(lambda t, l: match_one(t, l, defaultbox))(truths, labels)
    pos = conf_t > 0
    diff = location - loc_t
    absd = jnp.abs(diff)
    sl1 = jnp.where(absd < 1.0, 0.5 * diff * diff, absd - 0.5)
    loss_l = jnp.sum(sl1 * pos[:, :, None].astype(location.dtype))
    logZ = jax.scipy.special.logsumexp(category, axis=2)
    gt_logit = jnp.take_along_axis(category, conf_t[:, :, None], axis=2)[:, :, 0]
    ce_all = logZ - gt_logit
    ce_mined = jnp.where(pos, 0.0, ce_all)
    loss_idx = jnp.argsort(-ce_mined, axis=1)
    idx_rank = jnp.argsort(loss_idx, axis=1)
    num_pos = jnp.sum(pos.astype(jnp.int32), axis=1, keepdims=True)
    num_neg = jnp.clip(NEGPOS_RATIO * num_pos, None, P - 1)
    neg = idx_rank < num_neg
    mask = jnp.logical_or(pos, neg)
    loss_c = jnp.sum(jnp.where(mask, ce_all, 0.0))
    N = jnp.sum(num_pos).astype(location.dtype)
    return loss_l / N, loss_c / N

if __name__ == "__main__":
    import jax
    _d = setup_inputs()
    print(jax.jit(kernel)(*tuple(_d.values())))

</pallas_src>

<mosaic_0001>
#map = affine_map<(d0, d1) -> (0, 0)>
#map1 = affine_map<(d0, d1) -> (0, 0, 0)>
module attributes {stable_mosaic.version = 14 : i64} {
  func.func @_loss_kernel(%arg0: i32, %arg1: i32, %arg2: memref<4x8736xf32, #tpu.memory_space<hbm>>, %arg3: memref<32x78x448xf32, #tpu.memory_space<hbm>>, %arg4: memref<32x416xf32, #tpu.memory_space<hbm>>, %arg5: memref<32x8732x21xf32, #tpu.memory_space<hbm>>, %arg6: memref<32x112x21xf32, #tpu.memory_space<hbm>>, %arg7: memref<32x16xf32, #tpu.memory_space<hbm>>, %arg8: memref<416xf32, #tpu.memory_space<vmem>>, %arg9: memref<8736xf32, #tpu.memory_space<vmem>>, %arg10: memref<8736xf32, #tpu.memory_space<vmem>>, %arg11: memref<8736xf32, #tpu.memory_space<vmem>>, %arg12: memref<8736xf32, #tpu.memory_space<vmem>>, %arg13: memref<448xf32, #tpu.memory_space<vmem>>, %arg14: memref<448xf32, #tpu.memory_space<vmem>>, %arg15: memref<26208xf32, #tpu.memory_space<vmem>>, %arg16: memref<112x21xf32, #tpu.memory_space<vmem>>, %arg17: memref<112x21xf32, #tpu.memory_space<vmem>>, %arg18: memref<112x21xf32, #tpu.memory_space<vmem>>, %arg19: memref<16xf32, #tpu.memory_space<vmem>>, %arg20: memref<!tpu.dma_semaphore, #tpu.memory_space<semaphore_mem>>, %arg21: memref<!tpu.dma_semaphore, #tpu.memory_space<semaphore_mem>>, %arg22: memref<!tpu.dma_semaphore, #tpu.memory_space<semaphore_mem>>, %arg23: memref<!tpu.dma_semaphore, #tpu.memory_space<semaphore_mem>>, %arg24: memref<!tpu.dma_semaphore, #tpu.memory_space<semaphore_mem>>) attributes {dimension_semantics = [#tpu.dimension_semantics<core_parallel>, #tpu.dimension_semantics<subcore_parallel>], iteration_bounds = array<i64: 2, 16>, scalar_prefetch = 0 : i64, scratch_operands = 17 : i64, tpu.core_type = #tpu.core_type<sc_vector_subcore>, window_params = [{transform_indices = #map}, {transform_indices = #map1}, {transform_indices = #map}, {transform_indices = #map1}, {transform_indices = #map1}, {transform_indices = #map}]} {
    %mul3A = arith.constant 2 : i32
    %mul3A_0 = arith.muli %arg1, %mul3A : i32
    %add3A = arith.addi %mul3A_0, %arg0 : i32
    "tpu.region"() ({
      %run_scoped3A_155 = tpu.sem_alloc : memref<!tpu.dma_semaphore, #tpu.memory_space<semaphore_mem>>
      %dma_start3A_156 = arith.constant 0 : i32
      %dma_start3A_157 = tpu.memref_slice %arg4[%add3A, %dma_start3A_156] : memref<32x416xf32, #tpu.memory_space<hbm>> -> memref<1x416xf32, #tpu.memory_space<hbm>>
      %dma_start3A_158 = tpu.memref_squeeze %dma_start3A_157 : memref<1x416xf32, #tpu.memory_space<hbm>> -> memref<416xf32, #tpu.memory_space<hbm>>
      %dma_start3A_159 = arith.constant 0 : i32
      %dma_start3A_160 = tpu.memref_slice %arg4[%add3A, %dma_start3A_159] : memref<32x416xf32, #tpu.memory_space<hbm>> -> memref<1x416xf32, #tpu.memory_space<hbm>>
      %dma_start3A_161 = tpu.memref_squeeze %dma_start3A_160 : memref<1x416xf32, #tpu.memory_space<hbm>> -> memref<416xf32, #tpu.memory_space<hbm>>
      tpu.enqueue_dma source(%dma_start3A_161 : memref<416xf32, #tpu.memory_space<hbm>>) target(%arg8 : memref<416xf32, #tpu.memory_space<vmem>>) target_semaphore(%run_scoped3A_155 : memref<!tpu.dma_semaphore, #tpu.memory_space<semaphore_mem>>)
      %dma_wait3A_162 = arith.constant 0 : i32
      %dma_wait3A_163 = tpu.memref_slice %arg4[%add3A, %dma_wait3A_162] : memref<32x416xf32, #tpu.memory_space<hbm>> -> memref<1x416xf32, #tpu.memory_space<hbm>>
      %dma_wait3A_164 = tpu.memref_squeeze %dma_wait3A_163 : memref<1x416xf32, #tpu.memory_space<hbm>> -> memref<416xf32, #tpu.memory_space<hbm>>
      %dma_wait3A_165 = arith.constant 0 : i32
      %dma_wait3A_166 = tpu.memref_slice %arg4[%add3A, %dma_wait3A_165] : memref<32x416xf32, #tpu.memory_space<hbm>> -> memref<1x416xf32, #tpu.memory_space<hbm>>
      %dma_wait3A_167 = tpu.memref_squeeze %dma_wait3A_166 : memref<1x416xf32, #tpu.memory_space<hbm>> -> memref<416xf32, #tpu.memory_space<hbm>>
      tpu.wait_dma2 semaphore(%run_scoped3A_155 : memref<!tpu.dma_semaphore, #tpu.memory_space<semaphore_mem>>) src(%dma_wait3A_167 : memref<416xf32, #tpu.memory_space<hbm>>) dst(%arg8 : memref<416xf32, #tpu.memory_space<vmem>>)
      tpu.yield
    }) : () -> ()
    %run_scoped3A = arith.constant 0 : i32
    "tpu.region"() ({
      %run_scoped3A_155 = tpu.sem_alloc : memref<!tpu.dma_semaphore, #tpu.memory_space<semaphore_mem>>
      %dma_start3A_156 = arith.constant 0 : i32
      %dma_start3A_157 = tpu.memref_slice %arg2[%run_scoped3A, %dma_start3A_156] : memref<4x8736xf32, #tpu.memory_space<hbm>> -> memref<1x8736xf32, #tpu.memory_space<hbm>>
      %dma_start3A_158 = tpu.memref_squeeze %dma_start3A_157 : memref<1x8736xf32, #tpu.memory_space<hbm>> -> memref<8736xf32, #tpu.memory_space<hbm>>
      %dma_start3A_159 = arith.constant 0 : i32
      %dma_start3A_160 = tpu.memref_slice %arg2[%run_scoped3A, %dma_start3A_159] : memref<4x8736xf32, #tpu.memory_space<hbm>> -> memref<1x8736xf32, #tpu.memory_space<hbm>>
      %dma_start3A_161 = tpu.memref_squeeze %dma_start3A_160 : memref<1x8736xf32, #tpu.memory_space<hbm>> -> memref<8736xf32, #tpu.memory_space<hbm>>
      tpu.enqueue_dma source(%dma_start3A_161 : memref<8736xf32, #tpu.memory_space<hbm>>) target(%arg9 : memref<8736xf32, #tpu.memory_space<vmem>>) target_semaphore(%run_scoped3A_155 : memref<!tpu.dma_semaphore, #tpu.memory_space<semaphore_mem>>)
      %dma_wait3A_162 = arith.constant 0 : i32
      %dma_wait3A_163 = tpu.memref_slice %arg2[%run_scoped3A, %dma_wait3A_162] : memref<4x8736xf32, #tpu.memory_space<hbm>> -> memref<1x8736xf32, #tpu.memory_space<hbm>>
      %dma_wait3A_164 = tpu.memref_squeeze %dma_wait3A_163 : memref<1x8736xf32, #tpu.memory_space<hbm>> -> memref<8736xf32, #tpu.memory_space<hbm>>
      %dma_wait3A_165 = arith.constant 0 : i32
      %dma_wait3A_166 = tpu.memref_slice %arg2[%run_scoped3A, %dma_wait3A_165] : memref<4x8736xf32, #tpu.memory_space<hbm>> -> memref<1x8736xf32, #tpu.memory_space<hbm>>
      %dma_wait3A_167 = tpu.memref_squeeze %dma_wait3A_166 : memref<1x8736xf32, #tpu.memory_space<hbm>> -> memref<8736xf32, #tpu.memory_space<hbm>>
      tpu.wait_dma2 semaphore(%run_scoped3A_155 : memref<!tpu.dma_semaphore, #tpu.memory_space<semaphore_mem>>) src(%dma_wait3A_167 : memref<8736xf32, #tpu.memory_space<hbm>>) dst(%arg9 : memref<8736xf32, #tpu.memory_space<vmem>>)
      tpu.yield
    }) : () -> ()
    %run_scoped3A_1 = arith.constant 1 : i32
    "tpu.region"() ({
      %run_scoped3A_155 = tpu.sem_alloc : memref<!tpu.dma_semaphore, #tpu.memory_space<semaphore_mem>>
      %dma_start3A_156 = arith.constant 0 : i32
      %dma_start3A_157 = tpu.memref_slice %arg2[%run_scoped3A_1, %dma_start3A_156] : memref<4x8736xf32, #tpu.memory_space<hbm>> -> memref<1x8736xf32, #tpu.memory_space<hbm>>
      %dma_start3A_158 = tpu.memref_squeeze %dma_start3A_157 : memref<1x8736xf32, #tpu.memory_space<hbm>> -> memref<8736xf32, #tpu.memory_space<hbm>>
      %dma_start3A_159 = arith.constant 0 : i32
      %dma_start3A_160 = tpu.memref_slice %arg2[%run_scoped3A_1, %dma_start3A_159] : memref<4x8736xf32, #tpu.memory_space<hbm>> -> memref<1x8736xf32, #tpu.memory_space<hbm>>
      %dma_start3A_161 = tpu.memref_squeeze %dma_start3A_160 : memref<1x8736xf32, #tpu.memory_space<hbm>> -> memref<8736xf32, #tpu.memory_space<hbm>>
      tpu.enqueue_dma source(%dma_start3A_161 : memref<8736xf32, #tpu.memory_space<hbm>>) target(%arg10 : memref<8736xf32, #tpu.memory_space<vmem>>) target_semaphore(%run_scoped3A_155 : memref<!tpu.dma_semaphore, #tpu.memory_space<semaphore_mem>>)
      %dma_wait3A_162 = arith.constant 0 : i32
      %dma_wait3A_163 = tpu.memref_slice %arg2[%run_scoped3A_1, %dma_wait3A_162] : memref<4x8736xf32, #tpu.memory_space<hbm>> -> memref<1x8736xf32, #tpu.memory_space<hbm>>
      %dma_wait3A_164 = tpu.memref_squeeze %dma_wait3A_163 : memref<1x8736xf32, #tpu.memory_space<hbm>> -> memref<8736xf32, #tpu.memory_space<hbm>>
      %dma_wait3A_165 = arith.constant 0 : i32
      %dma_wait3A_166 = tpu.memref_slice %arg2[%run_scoped3A_1, %dma_wait3A_165] : memref<4x8736xf32, #tpu.memory_space<hbm>> -> memref<1x8736xf32, #tpu.memory_space<hbm>>
      %dma_wait3A_167 = tpu.memref_squeeze %dma_wait3A_166 : memref<1x8736xf32, #tpu.memory_space<hbm>> -> memref<8736xf32, #tpu.memory_space<hbm>>
      tpu.wait_dma2 semaphore(%run_scoped3A_155 : memref<!tpu.dma_semaphore, #tpu.memory_space<semaphore_mem>>) src(%dma_wait3A_167 : memref<8736xf32, #tpu.memory_space<hbm>>) dst(%arg10 : memref<8736xf32, #tpu.memory_space<vmem>>)
      tpu.yield
    }) : () -> ()
    %run_scoped3A_2 = arith.constant 2 : i32
    "tpu.region"() ({
      %run_scoped3A_155 = tpu.sem_alloc : memref<!tpu.dma_semaphore, #tpu.memory_space<semaphore_mem>>
      %dma_start3A_156 = arith.constant 0 : i32
      %dma_start3A_157 = tpu.memref_slice %arg2[%run_scoped3A_2, %dma_start3A_156] : memref<4x8736xf32, #tpu.memory_space<hbm>> -> memref<1x8736xf32, #tpu.memory_space<hbm>>
      %dma_start3A_158 = tpu.memref_squeeze %dma_start3A_157 : memref<1x8736xf32, #tpu.memory_space<hbm>> -> memref<8736xf32, #tpu.memory_space<hbm>>
      %dma_start3A_159 = arith.constant 0 : i32
      %dma_start3A_160 = tpu.memref_slice %arg2[%run_scoped3A_2, %dma_start3A_159] : memref<4x8736xf32, #tpu.memory_space<hbm>> -> memref<1x8736xf32, #tpu.memory_space<hbm>>
      %dma_start3A_161 = tpu.memref_squeeze %dma_start3A_160 : memref<1x8736xf32, #tpu.memory_space<hbm>> -> memref<8736xf32, #tpu.memory_space<hbm>>
      tpu.enqueue_dma source(%dma_start3A_161 : memref<8736xf32, #tpu.memory_space<hbm>>) target(%arg11 : memref<8736xf32, #tpu.memory_space<vmem>>) target_semaphore(%run_scoped3A_155 : memref<!tpu.dma_semaphore, #tpu.memory_space<semaphore_mem>>)
      %dma_wait3A_162 = arith.constant 0 : i32
      %dma_wait3A_163 = tpu.memref_slice %arg2[%run_scoped3A_2, %dma_wait3A_162] : memref<4x8736xf32, #tpu.memory_space<hbm>> -> memref<1x8736xf32, #tpu.memory_space<hbm>>
      %dma_wait3A_164 = tpu.memref_squeeze %dma_wait3A_163 : memref<1x8736xf32, #tpu.memory_space<hbm>> -> memref<8736xf32, #tpu.memory_space<hbm>>
      %dma_wait3A_165 = arith.constant 0 : i32
      %dma_wait3A_166 = tpu.memref_slice %arg2[%run_scoped3A_2, %dma_wait3A_165] : memref<4x8736xf32, #tpu.memory_space<hbm>> -> memref<1x8736xf32, #tpu.memory_space<hbm>>
      %dma_wait3A_167 = tpu.memref_squeeze %dma_wait3A_166 : memref<1x8736xf32, #tpu.memory_space<hbm>> -> memref<8736xf32, #tpu.memory_space<hbm>>
      tpu.wait_dma2 semaphore(%run_scoped3A_155 : memref<!tpu.dma_semaphore, #tpu.memory_space<semaphore_mem>>) src(%dma_wait3A_167 : memref<8736xf32, #tpu.memory_space<hbm>>) dst(%arg11 : memref<8736xf32, #tpu.memory_space<vmem>>)
      tpu.yield
    }) : () -> ()
    %run_scoped3A_3 = arith.constant 3 : i32
    "tpu.region"() ({
      %run_scoped3A_155 = tpu.sem_alloc : memref<!tpu.dma_semaphore, #tpu.memory_space<semaphore_mem>>
      %dma_start3A_156 = arith.constant 0 : i32
      %dma_start3A_157 = tpu.memref_slice %arg2[%run_scoped3A_3, %dma_start3A_156] : memref<4x8736xf32, #tpu.memory_space<hbm>> -> memref<1x8736xf32, #tpu.memory_space<hbm>>
      %dma_start3A_158 = tpu.memref_squeeze %dma_start3A_157 : memref<1x8736xf32, #tpu.memory_space<hbm>> -> memref<8736xf32, #tpu.memory_space<hbm>>
      %dma_start3A_159 = arith.constant 0 : i32
      %dma_start3A_160 = tpu.memref_slice %arg2[%run_scoped3A_3, %dma_start3A_159] : memref<4x8736xf32, #tpu.memory_space<hbm>> -> memref<1x8736xf32, #tpu.memory_space<hbm>>
      %dma_start3A_161 = tpu.memref_squeeze %dma_start3A_160 : memref<1x8736xf32, #tpu.memory_space<hbm>> -> memref<8736xf32, #tpu.memory_space<hbm>>
      tpu.enqueue_dma source(%dma_start3A_161 : memref<8736xf32, #tpu.memory_space<hbm>>) target(%arg12 : memref<8736xf32, #tpu.memory_space<vmem>>) target_semaphore(%run_scoped3A_155 : memref<!tpu.dma_semaphore, #tpu.memory_space<semaphore_mem>>)
      %dma_wait3A_162 = arith.constant 0 : i32
      %dma_wait3A_163 = tpu.memref_slice %arg2[%run_scoped3A_3, %dma_wait3A_162] : memref<4x8736xf32, #tpu.memory_space<hbm>> -> memref<1x8736xf32, #tpu.memory_space<hbm>>
      %dma_wait3A_164 = tpu.memref_squeeze %dma_wait3A_163 : memref<1x8736xf32, #tpu.memory_space<hbm>> -> memref<8736xf32, #tpu.memory_space<hbm>>
      %dma_wait3A_165 = arith.constant 0 : i32
      %dma_wait3A_166 = tpu.memref_slice %arg2[%run_scoped3A_3, %dma_wait3A_165] : memref<4x8736xf32, #tpu.memory_space<hbm>> -> memref<1x8736xf32, #tpu.memory_space<hbm>>
      %dma_wait3A_167 = tpu.memref_squeeze %dma_wait3A_166 : memref<1x8736xf32, #tpu.memory_space<hbm>> -> memref<8736xf32, #tpu.memory_space<hbm>>
      tpu.wait_dma2 semaphore(%run_scoped3A_155 : memref<!tpu.dma_semaphore, #tpu.memory_space<semaphore_mem>>) src(%dma_wait3A_167 : memref<8736xf32, #tpu.memory_space<hbm>>) dst(%arg12 : memref<8736xf32, #tpu.memory_space<vmem>>)
      tpu.yield
    }) : () -> ()
    %iota3A = tpu.iota {dimensions = array<i32: 0>} : vector<16xi32>
    %broadcast_in_dim3A = arith.constant -1.000000e+00 : f32
    %broadcast_in_dim3A_4 = vector.broadcast %broadcast_in_dim3A : f32 to vector<16xf32>
    %broadcast_in_dim3A_5 = arith.constant 0.000000e+00 : f32
    %broadcast_in_dim3A_6 = vector.broadcast %broadcast_in_dim3A_5 : f32 to vector<16xf32>
    %broadcast_in_dim3A_7 = arith.constant 0 : i32
    %broadcast_in_dim3A_8 = vector.broadcast %broadcast_in_dim3A_7 : i32 to vector<16xi32>
    %scan3A = arith.constant 0 : i32
    %scan3A_9 = arith.constant 0 : i32
    %scan3A_10 = arith.constant 546 : i32
    %scan3A_11 = arith.addi %scan3A_9, %scan3A_10 : i32
    %scan3A_12 = arith.constant 1 : i32
    %scan3A_13 = scf.for %scan3A_155 = %scan3A_9 to %scan3A_11 step %scan3A_12 iter_args(%scan3A_156 = %scan3A) -> (i32)  : i32 {
      %mul3A_157 = arith.constant 16 : i32
      %mul3A_158 = arith.muli %scan3A_155, %mul3A_157 : i32
      %swap3A_159 = arith.index_cast %mul3A_158 : i32 to index
      %swap3A_160 = tpu.vector_load %arg15[%swap3A_159] {strides = array<i32>} : memref<26208xf32, #tpu.memory_space<vmem>>, vector<16xf32>,
      tpu.vector_store %arg15[%swap3A_159], %broadcast_in_dim3A_4 {strides = array<i32>} : memref<26208xf32, #tpu.memory_space<vmem>>, vector<16xf32>,
      %mul3A_161 = arith.constant 16 : i32
      %mul3A_162 = arith.muli %scan3A_155, %mul3A_161 : i32
      %add3A_163 = arith.constant 8736 : i32
      %add3A_164 = arith.addi %add3A_163, %mul3A_162 : i32
      %swap3A_165 = arith.index_cast %add3A_164 : i32 to index
      %swap3A_166 = tpu.vector_load %arg15[%swap3A_165] {strides = array<i32>} : memref<26208xf32, #tpu.memory_space<vmem>>, vector<16xf32>,
      tpu.vector_store %arg15[%swap3A_165], %broadcast_in_dim3A_6 {strides = array<i32>} : memref<26208xf32, #tpu.memory_space<vmem>>, vector<16xf32>,
      %scan3A_167 = arith.constant 0 : i32
      scf.yield %scan3A_167 : i32
    }
    %scan3A_14 = arith.constant 546 : i32
    %scan3A_15 = arith.constant 0 : i32
    %scan3A_16 = arith.constant 0 : i32
    %scan3A_17 = arith.constant 5 : i32
    %scan3A_18 = arith.addi %scan3A_16, %scan3A_17 : i32
    %scan3A_19 = arith.constant 1 : i32
    %scan3A_20 = scf.for %scan3A_155 = %scan3A_16 to %scan3A_18 step %scan3A_19 iter_args(%scan3A_156 = %scan3A_15) -> (i32)  : i32 {
      %mul3A_157 = arith.constant 10 : i32
      %mul3A_158 = arith.muli %scan3A_155, %mul3A_157 : i32
      %add3A_159 = arith.constant 0 : i32
      %add3A_160 = arith.addi %mul3A_158, %add3A_159 : i32
      %mul3A_161 = arith.constant 8 : i32
      %mul3A_162 = arith.muli %add3A_160, %mul3A_161 : i32
      %get3A = arith.index_cast %mul3A_162 : i32 to index
      %get3A_163 = tpu.vector_load %arg8[%get3A] {strides = array<i32>} : memref<416xf32, #tpu.memory_space<vmem>>, vector<16xf32>,
      %slice3A_164 = vector.extract_strided_slice %get3A_163 {offsets = [0], sizes = [1], strides = [1]} : vector<16xf32> to vector<1xf32>
      %squeeze3A_165 = vector.extract %slice3A_164[0] : f32 from vector<1xf32>
      %slice3A_166 = vector.extract_strided_slice %get3A_163 {offsets = [1], sizes = [1], strides = [1]} : vector<16xf32> to vector<1xf32>
      %squeeze3A_167 = vector.extract %slice3A_166[0] : f32 from vector<1xf32>
      %slice3A_168 = vector.extract_strided_slice %get3A_163 {offsets = [2], sizes = [1], strides = [1]} : vector<16xf32> to vector<1xf32>
      %squeeze3A_169 = vector.extract %slice3A_168[0] : f32 from vector<1xf32>
      %slice3A_170 = vector.extract_strided_slice %get3A_163 {offsets = [3], sizes = [1], strides = [1]} : vector<16xf32> to vector<1xf32>
      %squeeze3A_171 = vector.extract %slice3A_170[0] : f32 from vector<1xf32>
      %slice3A_172 = vector.extract_strided_slice %get3A_163 {offsets = [2], sizes = [1], strides = [1]} : vector<16xf32> to vector<1xf32>
      %squeeze3A_173 = vector.extract %slice3A_172[0] : f32 from vector<1xf32>
      %slice3A_174 = vector.extract_strided_slice %get3A_163 {offsets = [0], sizes = [1], strides = [1]} : vector<16xf32> to vector<1xf32>
      %squeeze3A_175 = vector.extract %slice3A_174[0] : f32 from vector<1xf32>
      %sub3A_176 = arith.subf %squeeze3A_173, %squeeze3A_175 : f32
      %slice3A_177 = vector.extract_strided_slice %get3A_163 {offsets = [3], sizes = [1], strides = [1]} : vector<16xf32> to vector<1xf32>
      %squeeze3A_178 = vector.extract %slice3A_177[0] : f32 from vector<1xf32>
      %slice3A_179 = vector.extract_strided_slice %get3A_163 {offsets = [1], sizes = [1], strides = [1]} : vector<16xf32> to vector<1xf32>
      %squeeze3A_180 = vector.extract %slice3A_179[0] : f32 from vector<1xf32>
      %sub3A_181 = arith.subf %squeeze3A_178, %squeeze3A_180 : f32
      %mul3A_182 = arith.mulf %sub3A_176, %sub3A_181 : f32
      %add3A_183 = arith.constant 1 : i32
      %add3A_184 = arith.addi %mul3A_158, %add3A_183 : i32
      %mul3A_185 = arith.constant 8 : i32
      %mul3A_186 = arith.muli %add3A_184, %mul3A_185 : i32
      %get3A_187 = arith.index_cast %mul3A_186 : i32 to index
      %get3A_188 = tpu.vector_load %arg8[%get3A_187] {strides = array<i32>} : memref<416xf32, #tpu.memory_space<vmem>>, vector<16xf32>,
      %slice3A_189 = vector.extract_strided_slice %get3A_188 {offsets = [0], sizes = [1], strides = [1]} : vector<16xf32> to vector<1xf32>
      %squeeze3A_190 = vector.extract %slice3A_189[0] : f32 from vector<1xf32>
      %slice3A_191 = vector.extract_strided_slice %get3A_188 {offsets = [1], sizes = [1], strides = [1]} : vector<16xf32> to vector<1xf32>
      %squeeze3A_192 = vector.extract %slice3A_191[0] : f32 from vector<1xf32>
      %slice3A_193 = vector.extract_strided_slice %get3A_188 {offsets = [2], sizes = [1], strides = [1]} : vector<16xf32> to vector<1xf32>
      %squeeze3A_194 = vector.extract %slice3A_193[0] : f32 from vector<1xf32>
      %slice3A_195 = vector.extract_strided_slice %get3A_188 {offsets = [3], sizes = [1], strides = [1]} : vector<16xf32> to vector<1xf32>
      %squeeze3A_196 = vector.extract %slice3A_195[0] : f32 from vector<1xf32>
      %slice3A_197 = vector.extract_strided_slice %get3A_188 {offsets = [2], sizes = [1], strides = [1]} : vector<16xf32> to vector<1xf32>
      %squeeze3A_198 = vector.extract %slice3A_197[0] : f32 from vector<1xf32>
      %slice3A_199 = vector.extract_strided_slice %get3A_188 {offsets = [0], sizes = [1], strides = [1]} : vector<16xf32> to vector<1xf32>
      %squeeze3A_200 = vector.extract %slice3A_199[0] : f32 from vector<1xf32>
      %sub3A_201 = arith.subf %squeeze3A_198, %squeeze3A_200 : f32
      %slice3A_202 = vector.extract_strided_slice %get3A_188 {offsets = [3], sizes = [1], strides = [1]} : vector<16xf32> to vector<1xf32>
      %squeeze3A_203 = vector.extract %slice3A_202[0] : f32 from vector<1xf32>
      %slice3A_204 = vector.extract_strided_slice %get3A_188 {offsets = [1], sizes = [1], strides = [1]} : vector<16xf32> to vector<1xf32>
      %squeeze3A_205 = vector.extract %slice3A_204[0] : f32 from vector<1xf32>
      %sub3A_206 = arith.subf %squeeze3A_203, %squeeze3A_205 : f32
      %mul3A_207 = arith.mulf %sub3A_201, %sub3A_206 : f32
      %add3A_208 = arith.constant 2 : i32
      %add3A_209 = arith.addi %mul3A_158, %add3A_208 : i32
      %mul3A_210 = arith.constant 8 : i32
      %mul3A_211 = arith.muli %add3A_209, %mul3A_210 : i32
      %get3A_212 = arith.index_cast %mul3A_211 : i32 to index
      %get3A_213 = tpu.vector_load %arg8[%get3A_212] {strides = array<i32>} : memref<416xf32, #tpu.memory_space<vmem>>, vector<16xf32>,
      %slice3A_214 = vector.extract_strided_slice %get3A_213 {offsets = [0], sizes = [1], strides = [1]} : vector<16xf32> to vector<1xf32>
      %squeeze3A_215 = vector.extract %slice3A_214[0] : f32 from vector<1xf32>
      %slice3A_216 = vector.extract_strided_slice %get3A_213 {offsets = [1], sizes = [1], strides = [1]} : vector<16xf32> to vector<1xf32>
      %squeeze3A_217 = vector.extract %slice3A_216[0] : f32 from vector<1xf32>
      %slice3A_218 = vector.extract_strided_slice %get3A_213 {offsets = [2], sizes = [1], strides = [1]} : vector<16xf32> to vector<1xf32>
      %squeeze3A_219 = vector.extract %slice3A_218[0] : f32 from vector<1xf32>
      %slice3A_220 = vector.extract_strided_slice %get3A_213 {offsets = [3], sizes = [1], strides = [1]} : vector<16xf32> to vector<1xf32>
      %squeeze3A_221 = vector.extract %slice3A_220[0] : f32 from vector<1xf32>
      %slice3A_222 = vector.extract_strided_slice %get3A_213 {offsets = [2], sizes = [1], strides = [1]} : vector<16xf32> to vector<1xf32>
      %squeeze3A_223 = vector.extract %slice3A_222[0] : f32 from vector<1xf32>
      %slice3A_224 = vector.extract_strided_slice %get3A_213 {offsets = [0], sizes = [1], strides = [1]} : vector<16xf32> to vector<1xf32>
      %squeeze3A_225 = vector.extract %slice3A_224[0] : f32 from vector<1xf32>
      %sub3A_226 = arith.subf %squeeze3A_223, %squeeze3A_225 : f32
      %slice3A_227 = vector.extract_strided_slice %get3A_213 {offsets = [3], sizes = [1], strides = [1]} : vector<16xf32> to vector<1xf32>
      %squeeze3A_228 = vector.extract %slice3A_227[0] : f32 from vector<1xf32>
      %slice3A_229 = vector.extract_strided_slice %get3A_213 {offsets = [1], sizes = [1], strides = [1]} : vector<16xf32> to vector<1xf32>
      %squeeze3A_230 = vector.extract %slice3A_229[0] : f32 from vector<1xf32>
      %sub3A_231 = arith.subf %squeeze3A_228, %squeeze3A_230 : f32
      %mul3A_232 = arith.mulf %sub3A_226, %sub3A_231 : f32
      %add3A_233 = arith.constant 3 : i32
      %add3A_234 = arith.addi %mul3A_158, %add3A_233 : i32
      %mul3A_235 = arith.constant 8 : i32
      %mul3A_236 = arith.muli %add3A_234, %mul3A_235 : i32
      %get3A_237 = arith.index_cast %mul3A_236 : i32 to index
      %get3A_238 = tpu.vector_load %arg8[%get3A_237] {strides = array<i32>} : memref<416xf32, #tpu.memory_space<vmem>>, vector<16xf32>,
      %slice3A_239 = vector.extract_strided_slice %get3A_238 {offsets = [0], sizes = [1], strides = [1]} : vector<16xf32> to vector<1xf32>
      %squeeze3A_240 = vector.extract %slice3A_239[0] : f32 from vector<1xf32>
      %slice3A_241 = vector.extract_strided_slice %get3A_238 {offsets = [1], sizes = [1], strides = [1]} : vector<16xf32> to vector<1xf32>
      %squeeze3A_242 = vector.extract %slice3A_241[0] : f32 from vector<1xf32>
      %slice3A_243 = vector.extract_strided_slice %get3A_238 {offsets = [2], sizes = [1], strides = [1]} : vector<16xf32> to vector<1xf32>
      %squeeze3A_244 = vector.extract %slice3A_243[0] : f32 from vector<1xf32>
      %slice3A_245 = vector.extract_strided_slice %get3A_238 {offsets = [3], sizes = [1], strides = [1]} : vector<16xf32> to vector<1xf32>
      %squeeze3A_246 = vector.extract %slice3A_245[0] : f32 from vector<1xf32>
      %slice3A_247 = vector.extract_strided_slice %get3A_238 {offsets = [2], sizes = [1], strides = [1]} : vector<16xf32> to vector<1xf32>
      %squeeze3A_248 = vector.extract %slice3A_247[0] : f32 from vector<1xf32>
      %slice3A_249 = vector.extract_strided_slice %get3A_238 {offsets = [0], sizes = [1], strides = [1]} : vector<16xf32> to vector<1xf32>
      %squeeze3A_250 = vector.extract %slice3A_249[0] : f32 from vector<1xf32>
      %sub3A_251 = arith.subf %squeeze3A_248, %squeeze3A_250 : f32
      %slice3A_252 = vector.extract_strided_slice %get3A_238 {offsets = [3], sizes = [1], strides = [1]} : vector<16xf32> to vector<1xf32>
      %squeeze3A_253 = vector.extract %slice3A_252[0] : f32 from vector<1xf32>
      %slice3A_254 = vector.extract_strided_slice %get3A_238 {offsets = [1], sizes = [1], strides = [1]} : vector<16xf32> to vector<1xf32>
      %squeeze3A_255 = vector.extract %slice3A_254[0] : f32 from vector<1xf32>
      %sub3A_256 = arith.subf %squeeze3A_253, %squeeze3A_255 : f32
      %mul3A_257 = arith.mulf %sub3A_251, %sub3A_256 : f32
      %add3A_258 = arith.constant 4 : i32
      %add3A_259 = arith.addi %mul3A_158, %add3A_258 : i32
      %mul3A_260 = arith.constant 8 : i32
      %mul3A_261 = arith.muli %add3A_259, %mul3A_260 : i32
      %get3A_262 = arith.index_cast %mul3A_261 : i32 to index
      %get3A_263 = tpu.vector_load %arg8[%get3A_262] {strides = array<i32>} : memref<416xf32, #tpu.memory_space<vmem>>, vector<16xf32>,
      %slice3A_264 = vector.extract_strided_slice %get3A_263 {offsets = [0], sizes = [1], strides = [1]} : vector<16xf32> to vector<1xf32>
      %squeeze3A_265 = vector.extract %slice3A_264[0] : f32 from vector<1xf32>
      %slice3A_266 = vector.extract_strided_slice %get3A_263 {offsets = [1], sizes = [1], strides = [1]} : vector<16xf32> to vector<1xf32>
      %squeeze3A_267 = vector.extract %slice3A_266[0] : f32 from vector<1xf32>
      %slice3A_268 = vector.extract_strided_slice %get3A_263 {offsets = [2], sizes = [1], strides = [1]} : vector<16xf32> to vector<1xf32>
      %squeeze3A_269 = vector.extract %slice3A_268[0] : f32 from vector<1xf32>
      %slice3A_270 = vector.extract_strided_slice %get3A_263 {offsets = [3], sizes = [1], strides = [1]} : vector<16xf32> to vector<1xf32>
      %squeeze3A_271 = vector.extract %slice3A_270[0] : f32 from vector<1xf32>
      %slice3A_272 = vector.extract_strided_slice %get3A_263 {offsets = [2], sizes = [1], strides = [1]} : vector<16xf32> to vector<1xf32>
      %squeeze3A_273 = vector.extract %slice3A_272[0] : f32 from vector<1xf32>
      %slice3A_274 = vector.extract_strided_slice %get3A_263 {offsets = [0], sizes = [1], strides = [1]} : vector<16xf32> to vector<1xf32>
      %squeeze3A_275 = vector.extract %slice3A_274[0] : f32 from vector<1xf32>
      %sub3A_276 = arith.subf %squeeze3A_273, %squeeze3A_275 : f32
      %slice3A_277 = vector.extract_strided_slice %get3A_263 {offsets = [3], sizes = [1], strides = [1]} : vector<16xf32> to vector<1xf32>
      %squeeze3A_278 = vector.extract %slice3A_277[0] : f32 from vector<1xf32>
      %slice3A_279 = vector.extract_strided_slice %get3A_263 {offsets = [1], sizes = [1], strides = [1]} : vector<16xf32> to vector<1xf32>
      %squeeze3A_280 = vector.extract %slice3A_279[0] : f32 from vector<1xf32>
      %sub3A_281 = arith.subf %squeeze3A_278, %squeeze3A_280 : f32
      %mul3A_282 = arith.mulf %sub3A_276, %sub3A_281 : f32
      %add3A_283 = arith.constant 5 : i32
      %add3A_284 = arith.addi %mul3A_158, %add3A_283 : i32
      %mul3A_285 = arith.constant 8 : i32
      %mul3A_286 = arith.muli %add3A_284, %mul3A_285 : i32
      %get3A_287 = arith.index_cast %mul3A_286 : i32 to index
      %get3A_288 = tpu.vector_load %arg8[%get3A_287] {strides = array<i32>} : memref<416xf32, #tpu.memory_space<vmem>>, vector<16xf32>,
      %slice3A_289 = vector.extract_strided_slice %get3A_288 {offsets = [0], sizes = [1], strides = [1]} : vector<16xf32> to vector<1xf32>
      %squeeze3A_290 = vector.extract %slice3A_289[0] : f32 from vector<1xf32>
      %slice3A_291 = vector.extract_strided_slice %get3A_288 {offsets = [1], sizes = [1], strides = [1]} : vector<16xf32> to vector<1xf32>
      %squeeze3A_292 = vector.extract %slice3A_291[0] : f32 from vector<1xf32>
      %slice3A_293 = vector.extract_strided_slice %get3A_288 {offsets = [2], sizes = [1], strides = [1]} : vector<16xf32> to vector<1xf32>
      %squeeze3A_294 = vector.extract %slice3A_293[0] : f32 from vector<1xf32>
      %slice3A_295 = vector.extract_strided_slice %get3A_288 {offsets = [3], sizes = [1], strides = [1]} : vector<16xf32> to vector<1xf32>
      %squeeze3A_296 = vector.extract %slice3A_295[0] : f32 from vector<1xf32>
      %slice3A_297 = vector.extract_strided_slice %get3A_288 {offsets = [2], sizes = [1], strides = [1]} : vector<16xf32> to vector<1xf32>
      %squeeze3A_298 = vector.extract %slice3A_297[0] : f32 from vector<1xf32>
      %slice3A_299 = vector.extract_strided_slice %get3A_288 {offsets = [0], sizes = [1], strides = [1]} : vector<16xf32> to vector<1xf32>
      %squeeze3A_300 = vector.extract %slice3A_299[0] : f32 from vector<1xf32>
      %sub3A_301 = arith.subf %squeeze3A_298, %squeeze3A_300 : f32
      %slice3A_302 = vector.extract_strided_slice %get3A_288 {offsets = [3], sizes = [1], strides = [1]} : vector<16xf32> to vector<1xf32>
      %squeeze3A_303 = vector.extract %slice3A_302[0] : f32 from vector<1xf32>
      %slice3A_304 = vector.extract_strided_slice %get3A_288 {offsets = [1], sizes = [1], strides = [1]} : vector<16xf32> to vector<1xf32>
      %squeeze3A_305 = vector.extract %slice3A_304[0] : f32 from vector<1xf32>
      %sub3A_306 = arith.subf %squeeze3A_303, %squeeze3A_305 : f32
      %mul3A_307 = arith.mulf %sub3A_301, %sub3A_306 : f32
      %add3A_308 = arith.constant 6 : i32
      %add3A_309 = arith.addi %mul3A_158, %add3A_308 : i32
      %mul3A_310 = arith.constant 8 : i32
      %mul3A_311 = arith.muli %add3A_309, %mul3A_310 : i32
      %get3A_312 = arith.index_cast %mul3A_311 : i32 to index
      %get3A_313 = tpu.vector_load %arg8[%get3A_312] {strides = array<i32>} : memref<416xf32, #tpu.memory_space<vmem>>, vector<16xf32>,
      %slice3A_314 = vector.extract_strided_slice %get3A_313 {offsets = [0], sizes = [1], strides = [1]} : vector<16xf32> to vector<1xf32>
      %squeeze3A_315 = vector.extract %slice3A_314[0] : f32 from vector<1xf32>
      %slice3A_316 = vector.extract_strided_slice %get3A_313 {offsets = [1], sizes = [1], strides = [1]} : vector<16xf32> to vector<1xf32>
      %squeeze3A_317 = vector.extract %slice3A_316[0] : f32 from vector<1xf32>
      %slice3A_318 = vector.extract_strided_slice %get3A_313 {offsets = [2], sizes = [1], strides = [1]} : vector<16xf32> to vector<1xf32>
      %squeeze3A_319 = vector.extract %slice3A_318[0] : f32 from vector<1xf32>
      %slice3A_320 = vector.extract_strided_slice %get3A_313 {offsets = [3], sizes = [1], strides = [1]} : vector<16xf32> to vector<1xf32>
      %squeeze3A_321 = vector.extract %slice3A_320[0] : f32 from vector<1xf32>
      %slice3A_322 = vector.extract_strided_slice %get3A_313 {offsets = [2], sizes = [1], strides = [1]} : vector<16xf32> to vector<1xf32>
      %squeeze3A_323 = vector.extract %slice3A_322[0] : f32 from vector<1xf32>
      %slice3A_324 = vector.extract_strided_slice %get3A_313 {offsets = [0], sizes = [1], strides = [1]} : vector<16xf32> to vector<1xf32>
      %squeeze3A_325 = vector.extract %slice3A_324[0] : f32 from vector<1xf32>
      %sub3A_326 = arith.subf %squeeze3A_323, %squeeze3A_325 : f32
      %slice3A_327 = vector.extract_strided_slice %get3A_313 {offsets = [3], sizes = [1], strides = [1]} : vector<16xf32> to vector<1xf32>
      %squeeze3A_328 = vector.extract %slice3A_327[0] : f32 from vector<1xf32>
      %slice3A_329 = vector.extract_strided_slice %get3A_313 {offsets = [1], sizes = [1], strides = [1]} : vector<16xf32> to vector<1xf32>
      %squeeze3A_330 = vector.extract %slice3A_329[0] : f32 from vector<1xf32>
      %sub3A_331 = arith.subf %squeeze3A_328, %squeeze3A_330 : f32
      %mul3A_332 = arith.mulf %sub3A_326, %sub3A_331 : f32
      %add3A_333 = arith.constant 7 : i32
      %add3A_334 = arith.addi %mul3A_158, %add3A_333 : i32
      %mul3A_335 = arith.constant 8 : i32
      %mul3A_336 = arith.muli %add3A_334, %mul3A_335 : i32
      %get3A_337 = arith.index_cast %mul3A_336 : i32 to index
      %get3A_338 = tpu.vector_load %arg8[%get3A_337] {strides = array<i32>} : memref<416xf32, #tpu.memory_space<vmem>>, vector<16xf32>,
      %slice3A_339 = vector.extract_strided_slice %get3A_338 {offsets = [0], sizes = [1], strides = [1]} : vector<16xf32> to vector<1xf32>
      %squeeze3A_340 = vector.extract %slice3A_339[0] : f32 from vector<1xf32>
      %slice3A_341 = vector.extract_strided_slice %get3A_338 {offsets = [1], sizes = [1], strides = [1]} : vector<16xf32> to vector<1xf32>
      %squeeze3A_342 = vector.extract %slice3A_341[0] : f32 from vector<1xf32>
      %slice3A_343 = vector.extract_strided_slice %get3A_338 {offsets = [2], sizes = [1], strides = [1]} : vector<16xf32> to vector<1xf32>
      %squeeze3A_344 = vector.extract %slice3A_343[0] : f32 from vector<1xf32>
      %slice3A_345 = vector.extract_strided_slice %get3A_338 {offsets = [3], sizes = [1], strides = [1]} : vector<16xf32> to vector<1xf32>
      %squeeze3A_346 = vector.extract %slice3A_345[0] : f32 from vector<1xf32>
      %slice3A_347 = vector.extract_strided_slice %get3A_338 {offsets = [2], sizes = [1], strides = [1]} : vector<16xf32> to vector<1xf32>
      %squeeze3A_348 = vector.extract %slice3A_347[0] : f32 from vector<1xf32>
      %slice3A_349 = vector.extract_strided_slice %get3A_338 {offsets = [0], sizes = [1], strides = [1]} : vector<16xf32> to vector<1xf32>
      %squeeze3A_350 = vector.extract %slice3A_349[0] : f32 from vector<1xf32>
      %sub3A_351 = arith.subf %squeeze3A_348, %squeeze3A_350 : f32
      %slice3A_352 = vector.extract_strided_slice %get3A_338 {offsets = [3], sizes = [1], strides = [1]} : vector<16xf32> to vector<1xf32>
      %squeeze3A_353 = vector.extract %slice3A_352[0] : f32 from vector<1xf32>
      %slice3A_354 = vector.extract_strided_slice %get3A_338 {offsets = [1], sizes = [1], strides = [1]} : vector<16xf32> to vector<1xf32>
      %squeeze3A_355 = vector.extract %slice3A_354[0] : f32 from vector<1xf32>
      %sub3A_356 = arith.subf %squeeze3A_353, %squeeze3A_355 : f32
      %mul3A_357 = arith.mulf %sub3A_351, %sub3A_356 : f32
      %add3A_358 = arith.constant 8 : i32
      %add3A_359 = arith.addi %mul3A_158, %add3A_358 : i32
      %mul3A_360 = arith.constant 8 : i32
      %mul3A_361 = arith.muli %add3A_359, %mul3A_360 : i32
      %get3A_362 = arith.index_cast %mul3A_361 : i32 to index
      %get3A_363 = tpu.vector_load %arg8[%get3A_362] {strides = array<i32>} : memref<416xf32, #tpu.memory_space<vmem>>, vector<16xf32>,
      %slice3A_364 = vector.extract_strided_slice %get3A_363 {offsets = [0], sizes = [1], strides = [1]} : vector<16xf32> to vector<1xf32>
      %squeeze3A_365 = vector.extract %slice3A_364[0] : f32 from vector<1xf32>
      %slice3A_366 = vector.extract_strided_slice %get3A_363 {offsets = [1], sizes = [1], strides = [1]} : vector<16xf32> to vector<1xf32>
      %squeeze3A_367 = vector.extract %slice3A_366[0] : f32 from vector<1xf32>
      %slice3A_368 = vector.extract_strided_slice %get3A_363 {offsets = [2], sizes = [1], strides = [1]} : vector<16xf32> to vector<1xf32>
      %squeeze3A_369 = vector.extract %slice3A_368[0] : f32 from vector<1xf32>
      %slice3A_370 = vector.extract_strided_slice %get3A_363 {offsets = [3], sizes = [1], strides = [1]} : vector<16xf32> to vector<1xf32>
      %squeeze3A_371 = vector.extract %slice3A_370[0] : f32 from vector<1xf32>
      %slice3A_372 = vector.extract_strided_slice %get3A_363 {offsets = [2], sizes = [1], strides = [1]} : vector<16xf32> to vector<1xf32>
      %squeeze3A_373 = vector.extract %slice3A_372[0] : f32 from vector<1xf32>
      %slice3A_374 = vector.extract_strided_slice %get3A_363 {offsets = [0], sizes = [1], strides = [1]} : vector<16xf32> to vector<1xf32>
      %squeeze3A_375 = vector.extract %slice3A_374[0] : f32 from vector<1xf32>
      %sub3A_376 = arith.subf %squeeze3A_373, %squeeze3A_375 : f32
      %slice3A_377 = vector.extract_strided_slice %get3A_363 {offsets = [3], sizes = [1], strides = [1]} : vector<16xf32> to vector<1xf32>
      %squeeze3A_378 = vector.extract %slice3A_377[0] : f32 from vector<1xf32>
      %slice3A_379 = vector.extract_strided_slice %get3A_363 {offsets = [1], sizes = [1], strides = [1]} : vector<16xf32> to vector<1xf32>
      %squeeze3A_380 = vector.extract %slice3A_379[0] : f32 from vector<1xf32>
      %sub3A_381 = arith.subf %squeeze3A_378, %squeeze3A_380 : f32
      %mul3A_382 = arith.mulf %sub3A_376, %sub3A_381 : f32
      %add3A_383 = arith.constant 9 : i32
      %add3A_384 = arith.addi %mul3A_158, %add3A_383 : i32
      %mul3A_385 = arith.constant 8 : i32
      %mul3A_386 = arith.muli %add3A_384, %mul3A_385 : i32
      %get3A_387 = arith.index_cast %mul3A_386 : i32 to index
      %get3A_388 = tpu.vector_load %arg8[%get3A_387] {strides = array<i32>} : memref<416xf32, #tpu.memory_space<vmem>>, vector<16xf32>,
      %slice3A_389 = vector.extract_strided_slice %get3A_388 {offsets = [0], sizes = [1], strides = [1]} : vector<16xf32> to vector<1xf32>
      %squeeze3A_390 = vector.extract %slice3A_389[0] : f32 from vector<1xf32>
      %slice3A_391 = vector.extract_strided_slice %get3A_388 {offsets = [1], sizes = [1], strides = [1]} : vector<16xf32> to vector<1xf32>
      %squeeze3A_392 = vector.extract %slice3A_391[0] : f32 from vector<1xf32>
      %slice3A_393 = vector.extract_strided_slice %get3A_388 {offsets = [2], sizes = [1], strides = [1]} : vector<16xf32> to vector<1xf32>
      %squeeze3A_394 = vector.extract %slice3A_393[0] : f32 from vector<1xf32>
      %slice3A_395 = vector.extract_strided_slice %get3A_388 {offsets = [3], sizes = [1], strides = [1]} : vector<16xf32> to vector<1xf32>
      %squeeze3A_396 = vector.extract %slice3A_395[0] : f32 from vector<1xf32>
      %slice3A_397 = vector.extract_strided_slice %get3A_388 {offsets = [2], sizes = [1], strides = [1]} : vector<16xf32> to vector<1xf32>
      %squeeze3A_398 = vector.extract %slice3A_397[0] : f32 from vector<1xf32>
      %slice3A_399 = vector.extract_strided_slice %get3A_388 {offsets = [0], sizes = [1], strides = [1]} : vector<16xf32> to vector<1xf32>
      %squeeze3A_400 = vector.extract %slice3A_399[0] : f32 from vector<1xf32>
      %sub3A_401 = arith.subf %squeeze3A_398, %squeeze3A_400 : f32
      %slice3A_402 = vector.extract_strided_slice %get3A_388 {offsets = [3], sizes = [1], strides = [1]} : vector<16xf32> to vector<1xf32>
      %squeeze3A_403 = vector.extract %slice3A_402[0] : f32 from vector<1xf32>
      %slice3A_404 = vector.extract_strided_slice %get3A_388 {offsets = [1], sizes = [1], strides = [1]} : vector<16xf32> to vector<1xf32>
      %squeeze3A_405 = vector.extract %slice3A_404[0] : f32 from vector<1xf32>
      %sub3A_406 = arith.subf %squeeze3A_403, %squeeze3A_405 : f32
      %mul3A_407 = arith.mulf %sub3A_401, %sub3A_406 : f32
      %scan3A_408 = arith.constant 0 : i32
      %scan3A_409 = arith.constant 546 : i32
      %scan3A_410 = arith.addi %scan3A_408, %scan3A_409 : i32
      %scan3A_411 = arith.constant 1 : i32
      %scan3A_412:20 = scf.for %scan3A_723 = %scan3A_408 to %scan3A_410 step %scan3A_411 iter_args(%scan3A_724 = %broadcast_in_dim3A_4, %scan3A_725 = %broadcast_in_dim3A_4, %scan3A_726 = %broadcast_in_dim3A_4, %scan3A_727 = %broadcast_in_dim3A_4, %scan3A_728 = %broadcast_in_dim3A_4, %scan3A_729 = %broadcast_in_dim3A_4, %scan3A_730 = %broadcast_in_dim3A_4, %scan3A_731 = %broadcast_in_dim3A_4, %scan3A_732 = %broadcast_in_dim3A_4, %scan3A_733 = %broadcast_in_dim3A_4, %scan3A_734 = %broadcast_in_dim3A_8, %scan3A_735 = %broadcast_in_dim3A_8, %scan3A_736 = %broadcast_in_dim3A_8, %scan3A_737 = %broadcast_in_dim3A_8, %scan3A_738 = %broadcast_in_dim3A_8, %scan3A_739 = %broadcast_in_dim3A_8, %scan3A_740 = %broadcast_in_dim3A_8, %scan3A_741 = %broadcast_in_dim3A_8, %scan3A_742 = %broadcast_in_dim3A_8, %scan3A_743 = %broadcast_in_dim3A_8) -> (vector<16xf32>, vector<16xf32>, vector<16xf32>, vector<16xf32>, vector<16xf32>, vector<16xf32>, vector<16xf32>, vector<16xf32>, vector<16xf32>, vector<16xf32>, vector<16xi32>, vector<16xi32>, vector<16xi32>, vector<16xi32>, vector<16xi32>, vector<16xi32>, vector<16xi32>, vector<16xi32>, vector<16xi32>, vector<16xi32>)  : i32 {
        %mul3A_744 = arith.constant 16 : i32
        %mul3A_745 = arith.muli %scan3A_723, %mul3A_744 : i32
        %get3A_746 = arith.index_cast %mul3A_745 : i32 to index
        %get3A_747 = tpu.vector_load %arg9[%get3A_746] {strides = array<i32>} : memref<8736xf32, #tpu.memory_space<vmem>>, vector<16xf32>,
        %get3A_748 = arith.index_cast %mul3A_745 : i32 to index
        %get3A_749 = tpu.vector_load %arg10[%get3A_748] {strides = array<i32>} : memref<8736xf32, #tpu.memory_space<vmem>>, vector<16xf32>,
        %get3A_750 = arith.index_cast %mul3A_745 : i32 to index
        %get3A_751 = tpu.vector_load %arg11[%get3A_750] {strides = array<i32>} : memref<8736xf32, #tpu.memory_space<vmem>>, vector<16xf32>,
        %get3A_752 = arith.index_cast %mul3A_745 : i32 to index
        %get3A_753 = tpu.vector_load %arg12[%get3A_752] {strides = array<i32>} : memref<8736xf32, #tpu.memory_space<vmem>>, vector<16xf32>,
        %mul3A_754 = arith.constant 5.000000e-01 : f32
        %mul3A_755 = vector.broadcast %mul3A_754 : f32 to vector<16xf32>
        %mul3A_756 = arith.mulf %get3A_751, %mul3A_755 : vector<16xf32>
        %sub3A_757 = arith.subf %get3A_747, %mul3A_756 : vector<16xf32>
        %mul3A_758 = arith.constant 5.000000e-01 : f32
        %mul3A_759 = vector.broadcast %mul3A_758 : f32 to vector<16xf32>
        %mul3A_760 = arith.mulf %get3A_751, %mul3A_759 : vector<16xf32>
        %add3A_761 = arith.addf %get3A_747, %mul3A_760 : vector<16xf32>
        %mul3A_762 = arith.constant 5.000000e-01 : f32
        %mul3A_763 = vector.broadcast %mul3A_762 : f32 to vector<16xf32>
        %mul3A_764 = arith.mulf %get3A_753, %mul3A_763 : vector<16xf32>
        %sub3A_765 = arith.subf %get3A_749, %mul3A_764 : vector<16xf32>
        %mul3A_766 = arith.constant 5.000000e-01 : f32
        %mul3A_767 = vector.broadcast %mul3A_766 : f32 to vector<16xf32>
        %mul3A_768 = arith.mulf %get3A_753, %mul3A_767 : vector<16xf32>
        %add3A_769 = arith.addf %get3A_749, %mul3A_768 : vector<16xf32>
        %sub3A_770 = arith.subf %add3A_761, %sub3A_757 : vector<16xf32>
        %sub3A_771 = arith.subf %add3A_769, %sub3A_765 : vector<16xf32>
        %mul3A_772 = arith.mulf %sub3A_770, %sub3A_771 : vector<16xf32>
        %get3A_773 = arith.index_cast %mul3A_745 : i32 to index
        %get3A_774 = tpu.vector_load %arg15[%get3A_773] {strides = array<i32>} : memref<26208xf32, #tpu.memory_space<vmem>>, vector<16xf32>,
        %add3A_775 = arith.constant 8736 : i32
        %add3A_776 = arith.addi %add3A_775, %mul3A_745 : i32
        %get3A_777 = arith.index_cast %add3A_776 : i32 to index
        %get3A_778 = tpu.vector_load %arg15[%get3A_777] {strides = array<i32>} : memref<26208xf32, #tpu.memory_space<vmem>>, vector<16xf32>,
        %bitcast_convert_type3A_779 = tpu.bitcast %get3A_778 : vector<16xf32> -> vector<16xi32>
        %min3A_780 = vector.broadcast %squeeze3A_169 : f32 to vector<16xf32>
        %min3A_781 = arith.minimumf %min3A_780, %add3A_761 : vector<16xf32>
        %max3A = vector.broadcast %squeeze3A_165 : f32 to vector<16xf32>
        %max3A_782 = arith.maximumf %max3A, %sub3A_757 : vector<16xf32>
        %sub3A_783 = arith.subf %min3A_781, %max3A_782 : vector<16xf32>
        %max3A_784 = arith.constant 0.000000e+00 : f32
        %max3A_785 = vector.broadcast %max3A_784 : f32 to vector<16xf32>
        %max3A_786 = arith.maximumf %sub3A_783, %max3A_785 : vector<16xf32>
        %min3A_787 = vector.broadcast %squeeze3A_171 : f32 to vector<16xf32>
        %min3A_788 = arith.minimumf %min3A_787, %add3A_769 : vector<16xf32>
        %max3A_789 = vector.broadcast %squeeze3A_167 : f32 to vector<16xf32>
        %max3A_790 = arith.maximumf %max3A_789, %sub3A_765 : vector<16xf32>
        %sub3A_791 = arith.subf %min3A_788, %max3A_790 : vector<16xf32>
        %max3A_792 = arith.constant 0.000000e+00 : f32
        %max3A_793 = vector.broadcast %max3A_792 : f32 to vector<16xf32>
        %max3A_794 = arith.maximumf %sub3A_791, %max3A_793 : vector<16xf32>
        %mul3A_795 = arith.mulf %max3A_786, %max3A_794 : vector<16xf32>
        %add3A_796 = vector.broadcast %mul3A_182 : f32 to vector<16xf32>
        %add3A_797 = arith.addf %add3A_796, %mul3A_772 : vector<16xf32>
        %sub3A_798 = arith.subf %add3A_797, %mul3A_795 : vector<16xf32>
        %div3A = arith.divf %mul3A_795, %sub3A_798 : vector<16xf32>
        %gt3A = arith.cmpf ogt, %div3A, %scan3A_724 : vector<16xf32>
        %select_n3A_799 = arith.select %gt3A, %div3A, %scan3A_724 : vector<16xi1>, vector<16xf32>
        %broadcast_in_dim3A_800 = vector.broadcast %scan3A_723 : i32 to vector<16xi32>
        %select_n3A_801 = arith.select %gt3A, %broadcast_in_dim3A_800, %scan3A_734 : vector<16xi1>, vector<16xi32>
        %min3A_802 = vector.broadcast %squeeze3A_194 : f32 to vector<16xf32>
        %min3A_803 = arith.minimumf %min3A_802, %add3A_761 : vector<16xf32>
        %max3A_804 = vector.broadcast %squeeze3A_190 : f32 to vector<16xf32>
        %max3A_805 = arith.maximumf %max3A_804, %sub3A_757 : vector<16xf32>
        %sub3A_806 = arith.subf %min3A_803, %max3A_805 : vector<16xf32>
        %max3A_807 = arith.constant 0.000000e+00 : f32
        %max3A_808 = vector.broadcast %max3A_807 : f32 to vector<16xf32>
        %max3A_809 = arith.maximumf %sub3A_806, %max3A_808 : vector<16xf32>
        %min3A_810 = vector.broadcast %squeeze3A_196 : f32 to vector<16xf32>
        %min3A_811 = arith.minimumf %min3A_810, %add3A_769 : vector<16xf32>
        %max3A_812 = vector.broadcast %squeeze3A_192 : f32 to vector<16xf32>
        %max3A_813 = arith.maximumf %max3A_812, %sub3A_765 : vector<16xf32>
        %sub3A_814 = arith.subf %min3A_811, %max3A_813 : vector<16xf32>
        %max3A_815 = arith.constant 0.000000e+00 : f32
        %max3A_816 = vector.broadcast %max3A_815 : f32 to vector<16xf32>
        %max3A_817 = arith.maximumf %sub3A_814, %max3A_816 : vector<16xf32>
        %mul3A_818 = arith.mulf %max3A_809, %max3A_817 : vector<16xf32>
        %add3A_819 = vector.broadcast %mul3A_207 : f32 to vector<16xf32>
        %add3A_820 = arith.addf %add3A_819, %mul3A_772 : vector<16xf32>
        %sub3A_821 = arith.subf %add3A_820, %mul3A_818 : vector<16xf32>
        %div3A_822 = arith.divf %mul3A_818, %sub3A_821 : vector<16xf32>
        %gt3A_823 = arith.cmpf ogt, %div3A_822, %scan3A_725 : vector<16xf32>
        %select_n3A_824 = arith.select %gt3A_823, %div3A_822, %scan3A_725 : vector<16xi1>, vector<16xf32>
        %broadcast_in_dim3A_825 = vector.broadcast %scan3A_723 : i32 to vector<16xi32>
        %select_n3A_826 = arith.select %gt3A_823, %broadcast_in_dim3A_825, %scan3A_735 : vector<16xi1>, vector<16xi32>
        %min3A_827 = vector.broadcast %squeeze3A_219 : f32 to vector<16xf32>
        %min3A_828 = arith.minimumf %min3A_827, %add3A_761 : vector<16xf32>
        %max3A_829 = vector.broadcast %squeeze3A_215 : f32 to vector<16xf32>
        %max3A_830 = arith.maximumf %max3A_829, %sub3A_757 : vector<16xf32>
        %sub3A_831 = arith.subf %min3A_828, %max3A_830 : vector<16xf32>
        %max3A_832 = arith.constant 0.000000e+00 : f32
        %max3A_833 = vector.broadcast %max3A_832 : f32 to vector<16xf32>
        %max3A_834 = arith.maximumf %sub3A_831, %max3A_833 : vector<16xf32>
        %min3A_835 = vector.broadcast %squeeze3A_221 : f32 to vector<16xf32>
        %min3A_836 = arith.minimumf %min3A_835, %add3A_769 : vector<16xf32>
        %max3A_837 = vector.broadcast %squeeze3A_217 : f32 to vector<16xf32>
        %max3A_838 = arith.maximumf %max3A_837, %sub3A_765 : vector<16xf32>
        %sub3A_839 = arith.subf %min3A_836, %max3A_838 : vector<16xf32>
        %max3A_840 = arith.constant 0.000000e+00 : f32
        %max3A_841 = vector.broadcast %max3A_840 : f32 to vector<16xf32>
        %max3A_842 = arith.maximumf %sub3A_839, %max3A_841 : vector<16xf32>
        %mul3A_843 = arith.mulf %max3A_834, %max3A_842 : vector<16xf32>
        %add3A_844 = vector.broadcast %mul3A_232 : f32 to vector<16xf32>
        %add3A_845 = arith.addf %add3A_844, %mul3A_772 : vector<16xf32>
        %sub3A_846 = arith.subf %add3A_845, %mul3A_843 : vector<16xf32>
        %div3A_847 = arith.divf %mul3A_843, %sub3A_846 : vector<16xf32>
        %gt3A_848 = arith.cmpf ogt, %div3A_847, %scan3A_726 : vector<16xf32>
        %select_n3A_849 = arith.select %gt3A_848, %div3A_847, %scan3A_726 : vector<16xi1>, vector<16xf32>
        %broadcast_in_dim3A_850 = vector.broadcast %scan3A_723 : i32 to vector<16xi32>
        %select_n3A_851 = arith.select %gt3A_848, %broadcast_in_dim3A_850, %scan3A_736 : vector<16xi1>, vector<16xi32>
        %min3A_852 = vector.broadcast %squeeze3A_244 : f32 to vector<16xf32>
        %min3A_853 = arith.minimumf %min3A_852, %add3A_761 : vector<16xf32>
        %max3A_854 = vector.broadcast %squeeze3A_240 : f32 to vector<16xf32>
        %max3A_855 = arith.maximumf %max3A_854, %sub3A_757 : vector<16xf32>
        %sub3A_856 = arith.subf %min3A_853, %max3A_855 : vector<16xf32>
        %max3A_857 = arith.constant 0.000000e+00 : f32
        %max3A_858 = vector.broadcast %max3A_857 : f32 to vector<16xf32>
        %max3A_859 = arith.maximumf %sub3A_856, %max3A_858 : vector<16xf32>
        %min3A_860 = vector.broadcast %squeeze3A_246 : f32 to vector<16xf32>
        %min3A_861 = arith.minimumf %min3A_860, %add3A_769 : vector<16xf32>
        %max3A_862 = vector.broadcast %squeeze3A_242 : f32 to vector<16xf32>
        %max3A_863 = arith.maximumf %max3A_862, %sub3A_765 : vector<16xf32>
        %sub3A_864 = arith.subf %min3A_861, %max3A_863 : vector<16xf32>
        %max3A_865 = arith.constant 0.000000e+00 : f32
        %max3A_866 = vector.broadcast %max3A_865 : f32 to vector<16xf32>
        %max3A_867 = arith.maximumf %sub3A_864, %max3A_866 : vector<16xf32>
        %mul3A_868 = arith.mulf %max3A_859, %max3A_867 : vector<16xf32>
        %add3A_869 = vector.broadcast %mul3A_257 : f32 to vector<16xf32>
        %add3A_870 = arith.addf %add3A_869, %mul3A_772 : vector<16xf32>
        %sub3A_871 = arith.subf %add3A_870, %mul3A_868 : vector<16xf32>
        %div3A_872 = arith.divf %mul3A_868, %sub3A_871 : vector<16xf32>
        %gt3A_873 = arith.cmpf ogt, %div3A_872, %scan3A_727 : vector<16xf32>
        %select_n3A_874 = arith.select %gt3A_873, %div3A_872, %scan3A_727 : vector<16xi1>, vector<16xf32>
        %broadcast_in_dim3A_875 = vector.broadcast %scan3A_723 : i32 to vector<16xi32>
        %select_n3A_876 = arith.select %gt3A_873, %broadcast_in_dim3A_875, %scan3A_737 : vector<16xi1>, vector<16xi32>
        %min3A_877 = vector.broadcast %squeeze3A_269 : f32 to vector<16xf32>
        %min3A_878 = arith.minimumf %min3A_877, %add3A_761 : vector<16xf32>
        %max3A_879 = vector.broadcast %squeeze3A_265 : f32 to vector<16xf32>
        %max3A_880 = arith.maximumf %max3A_879, %sub3A_757 : vector<16xf32>
        %sub3A_881 = arith.subf %min3A_878, %max3A_880 : vector<16xf32>
        %max3A_882 = arith.constant 0.000000e+00 : f32
        %max3A_883 = vector.broadcast %max3A_882 : f32 to vector<16xf32>
        %max3A_884 = arith.maximumf %sub3A_881, %max3A_883 : vector<16xf32>
        %min3A_885 = vector.broadcast %squeeze3A_271 : f32 to vector<16xf32>
        %min3A_886 = arith.minimumf %min3A_885, %add3A_769 : vector<16xf32>
        %max3A_887 = vector.broadcast %squeeze3A_267 : f32 to vector<16xf32>
        %max3A_888 = arith.maximumf %max3A_887, %sub3A_765 : vector<16xf32>
        %sub3A_889 = arith.subf %min3A_886, %max3A_888 : vector<16xf32>
        %max3A_890 = arith.constant 0.000000e+00 : f32
        %max3A_891 = vector.broadcast %max3A_890 : f32 to vector<16xf32>
        %max3A_892 = arith.maximumf %sub3A_889, %max3A_891 : vector<16xf32>
        %mul3A_893 = arith.mulf %max3A_884, %max3A_892 : vector<16xf32>
        %add3A_894 = vector.broadcast %mul3A_282 : f32 to vector<16xf32>
        %add3A_895 = arith.addf %add3A_894, %mul3A_772 : vector<16xf32>
        %sub3A_896 = arith.subf %add3A_895, %mul3A_893 : vector<16xf32>
        %div3A_897 = arith.divf %mul3A_893, %sub3A_896 : vector<16xf32>
        %gt3A_898 = arith.cmpf ogt, %div3A_897, %scan3A_728 : vector<16xf32>
        %select_n3A_899 = arith.select %gt3A_898, %div3A_897, %scan3A_728 : vector<16xi1>, vector<16xf32>
        %broadcast_in_dim3A_900 = vector.broadcast %scan3A_723 : i32 to vector<16xi32>
        %select_n3A_901 = arith.select %gt3A_898, %broadcast_in_dim3A_900, %scan3A_738 : vector<16xi1>, vector<16xi32>
        %min3A_902 = vector.broadcast %squeeze3A_294 : f32 to vector<16xf32>
        %min3A_903 = arith.minimumf %min3A_902, %add3A_761 : vector<16xf32>
        %max3A_904 = vector.broadcast %squeeze3A_290 : f32 to vector<16xf32>
        %max3A_905 = arith.maximumf %max3A_904, %sub3A_757 : vector<16xf32>
        %sub3A_906 = arith.subf %min3A_903, %max3A_905 : vector<16xf32>
        %max3A_907 = arith.constant 0.000000e+00 : f32
        %max3A_908 = vector.broadcast %max3A_907 : f32 to vector<16xf32>
        %max3A_909 = arith.maximumf %sub3A_906, %max3A_908 : vector<16xf32>
        %min3A_910 = vector.broadcast %squeeze3A_296 : f32 to vector<16xf32>
        %min3A_911 = arith.minimumf %min3A_910, %add3A_769 : vector<16xf32>
        %max3A_912 = vector.broadcast %squeeze3A_292 : f32 to vector<16xf32>
        %max3A_913 = arith.maximumf %max3A_912, %sub3A_765 : vector<16xf32>
        %sub3A_914 = arith.subf %min3A_911, %max3A_913 : vector<16xf32>
        %max3A_915 = arith.constant 0.000000e+00 : f32
        %max3A_916 = vector.broadcast %max3A_915 : f32 to vector<16xf32>
        %max3A_917 = arith.maximumf %sub3A_914, %max3A_916 : vector<16xf32>
        %mul3A_918 = arith.mulf %max3A_909, %max3A_917 : vector<16xf32>
        %add3A_919 = vector.broadcast %mul3A_307 : f32 to vector<16xf32>
        %add3A_920 = arith.addf %add3A_919, %mul3A_772 : vector<16xf32>
        %sub3A_921 = arith.subf %add3A_920, %mul3A_918 : vector<16xf32>
        %div3A_922 = arith.divf %mul3A_918, %sub3A_921 : vector<16xf32>
        %gt3A_923 = arith.cmpf ogt, %div3A_922, %scan3A_729 : vector<16xf32>
        %select_n3A_924 = arith.select %gt3A_923, %div3A_922, %scan3A_729 : vector<16xi1>, vector<16xf32>
        %broadcast_in_dim3A_925 = vector.broadcast %scan3A_723 : i32 to vector<16xi32>
        %select_n3A_926 = arith.select %gt3A_923, %broadcast_in_dim3A_925, %scan3A_739 : vector<16xi1>, vector<16xi32>
        %min3A_927 = vector.broadcast %squeeze3A_319 : f32 to vector<16xf32>
        %min3A_928 = arith.minimumf %min3A_927, %add3A_761 : vector<16xf32>
        %max3A_929 = vector.broadcast %squeeze3A_315 : f32 to vector<16xf32>
        %max3A_930 = arith.maximumf %max3A_929, %sub3A_757 : vector<16xf32>
        %sub3A_931 = arith.subf %min3A_928, %max3A_930 : vector<16xf32>
        %max3A_932 = arith.constant 0.000000e+00 : f32
        %max3A_933 = vector.broadcast %max3A_932 : f32 to vector<16xf32>
        %max3A_934 = arith.maximumf %sub3A_931, %max3A_933 : vector<16xf32>
        %min3A_935 = vector.broadcast %squeeze3A_321 : f32 to vector<16xf32>
        %min3A_936 = arith.minimumf %min3A_935, %add3A_769 : vector<16xf32>
        %max3A_937 = vector.broadcast %squeeze3A_317 : f32 to vector<16xf32>
        %max3A_938 = arith.maximumf %max3A_937, %sub3A_765 : vector<16xf32>
        %sub3A_939 = arith.subf %min3A_936, %max3A_938 : vector<16xf32>
        %max3A_940 = arith.constant 0.000000e+00 : f32
        %max3A_941 = vector.broadcast %max3A_940 : f32 to vector<16xf32>
        %max3A_942 = arith.maximumf %sub3A_939, %max3A_941 : vector<16xf32>
        %mul3A_943 = arith.mulf %max3A_934, %max3A_942 : vector<16xf32>
        %add3A_944 = vector.broadcast %mul3A_332 : f32 to vector<16xf32>
        %add3A_945 = arith.addf %add3A_944, %mul3A_772 : vector<16xf32>
        %sub3A_946 = arith.subf %add3A_945, %mul3A_943 : vector<16xf32>
        %div3A_947 = arith.divf %mul3A_943, %sub3A_946 : vector<16xf32>
        %gt3A_948 = arith.cmpf ogt, %div3A_947, %scan3A_730 : vector<16xf32>
        %select_n3A_949 = arith.select %gt3A_948, %div3A_947, %scan3A_730 : vector<16xi1>, vector<16xf32>
        %broadcast_in_dim3A_950 = vector.broadcast %scan3A_723 : i32 to vector<16xi32>
        %select_n3A_951 = arith.select %gt3A_948, %broadcast_in_dim3A_950, %scan3A_740 : vector<16xi1>, vector<16xi32>
        %min3A_952 = vector.broadcast %squeeze3A_344 : f32 to vector<16xf32>
        %min3A_953 = arith.minimumf %min3A_952, %add3A_761 : vector<16xf32>
        %max3A_954 = vector.broadcast %squeeze3A_340 : f32 to vector<16xf32>
        %max3A_955 = arith.maximumf %max3A_954, %sub3A_757 : vector<16xf32>
        %sub3A_956 = arith.subf %min3A_953, %max3A_955 : vector<16xf32>
        %max3A_957 = arith.constant 0.000000e+00 : f32
        %max3A_958 = vector.broadcast %max3A_957 : f32 to vector<16xf32>
        %max3A_959 = arith.maximumf %sub3A_956, %max3A_958 : vector<16xf32>
        %min3A_960 = vector.broadcast %squeeze3A_346 : f32 to vector<16xf32>
        %min3A_961 = arith.minimumf %min3A_960, %add3A_769 : vector<16xf32>
        %max3A_962 = vector.broadcast %squeeze3A_342 : f32 to vector<16xf32>
        %max3A_963 = arith.maximumf %max3A_962, %sub3A_765 : vector<16xf32>
        %sub3A_964 = arith.subf %min3A_961, %max3A_963 : vector<16xf32>
        %max3A_965 = arith.constant 0.000000e+00 : f32
        %max3A_966 = vector.broadcast %max3A_965 : f32 to vector<16xf32>
        %max3A_967 = arith.maximumf %sub3A_964, %max3A_966 : vector<16xf32>
        %mul3A_968 = arith.mulf %max3A_959, %max3A_967 : vector<16xf32>
        %add3A_969 = vector.broadcast %mul3A_357 : f32 to vector<16xf32>
        %add3A_970 = arith.addf %add3A_969, %mul3A_772 : vector<16xf32>
        %sub3A_971 = arith.subf %add3A_970, %mul3A_968 : vector<16xf32>
        %div3A_972 = arith.divf %mul3A_968, %sub3A_971 : vector<16xf32>
        %gt3A_973 = arith.cmpf ogt, %div3A_972, %scan3A_731 : vector<16xf32>
        %select_n3A_974 = arith.select %gt3A_973, %div3A_972, %scan3A_731 : vector<16xi1>, vector<16xf32>
        %broadcast_in_dim3A_975 = vector.broadcast %scan3A_723 : i32 to vector<16xi32>
        %select_n3A_976 = arith.select %gt3A_973, %broadcast_in_dim3A_975, %scan3A_741 : vector<16xi1>, vector<16xi32>
        %min3A_977 = vector.broadcast %squeeze3A_369 : f32 to vector<16xf32>
        %min3A_978 = arith.minimumf %min3A_977, %add3A_761 : vector<16xf32>
        %max3A_979 = vector.broadcast %squeeze3A_365 : f32 to vector<16xf32>
        %max3A_980 = arith.maximumf %max3A_979, %sub3A_757 : vector<16xf32>
        %sub3A_981 = arith.subf %min3A_978, %max3A_980 : vector<16xf32>
        %max3A_982 = arith.constant 0.000000e+00 : f32
        %max3A_983 = vector.broadcast %max3A_982 : f32 to vector<16xf32>
        %max3A_984 = arith.maximumf %sub3A_981, %max3A_983 : vector<16xf32>
        %min3A_985 = vector.broadcast %squeeze3A_371 : f32 to vector<16xf32>
        %min3A_986 = arith.minimumf %min3A_985, %add3A_769 : vector<16xf32>
        %max3A_987 = vector.broadcast %squeeze3A_367 : f32 to vector<16xf32>
        %max3A_988 = arith.maximumf %max3A_987, %sub3A_765 : vector<16xf32>
        %sub3A_989 = arith.subf %min3A_986, %max3A_988 : vector<16xf32>
        %max3A_990 = arith.constant 0.000000e+00 : f32
        %max3A_991 = vector.broadcast %max3A_990 : f32 to vector<16xf32>
        %max3A_992 = arith.maximumf %sub3A_989, %max3A_991 : vector<16xf32>
        %mul3A_993 = arith.mulf %max3A_984, %max3A_992 : vector<16xf32>
        %add3A_994 = vector.broadcast %mul3A_382 : f32 to vector<16xf32>
        %add3A_995 = arith.addf %add3A_994, %mul3A_772 : vector<16xf32>
        %sub3A_996 = arith.subf %add3A_995, %mul3A_993 : vector<16xf32>
        %div3A_997 = arith.divf %mul3A_993, %sub3A_996 : vector<16xf32>
        %gt3A_998 = arith.cmpf ogt, %div3A_997, %scan3A_732 : vector<16xf32>
        %select_n3A_999 = arith.select %gt3A_998, %div3A_997, %scan3A_732 : vector<16xi1>, vector<16xf32>
        %broadcast_in_dim3A_1000 = vector.broadcast %scan3A_723 : i32 to vector<16xi32>
        %select_n3A_1001 = arith.select %gt3A_998, %broadcast_in_dim3A_1000, %scan3A_742 : vector<16xi1>, vector<16xi32>
        %min3A_1002 = vector.broadcast %squeeze3A_394 : f32 to vector<16xf32>
        %min3A_1003 = arith.minimumf %min3A_1002, %add3A_761 : vector<16xf32>
        %max3A_1004 = vector.broadcast %squeeze3A_390 : f32 to vector<16xf32>
        %max3A_1005 = arith.maximumf %max3A_1004, %sub3A_757 : vector<16xf32>
        %sub3A_1006 = arith.subf %min3A_1003, %max3A_1005 : vector<16xf32>
        %max3A_1007 = arith.constant 0.000000e+00 : f32
        %max3A_1008 = vector.broadcast %max3A_1007 : f32 to vector<16xf32>
        %max3A_1009 = arith.maximumf %sub3A_1006, %max3A_1008 : vector<16xf32>
        %min3A_1010 = vector.broadcast %squeeze3A_396 : f32 to vector<16xf32>
        %min3A_1011 = arith.minimumf %min3A_1010, %add3A_769 : vector<16xf32>
        %max3A_1012 = vector.broadcast %squeeze3A_392 : f32 to vector<16xf32>
        %max3A_1013 = arith.maximumf %max3A_1012, %sub3A_765 : vector<16xf32>
        %sub3A_1014 = arith.subf %min3A_1011, %max3A_1013 : vector<16xf32>
        %max3A_1015 = arith.constant 0.000000e+00 : f32
        %max3A_1016 = vector.broadcast %max3A_1015 : f32 to vector<16xf32>
        %max3A_1017 = arith.maximumf %sub3A_1014, %max3A_1016 : vector<16xf32>
        %mul3A_1018 = arith.mulf %max3A_1009, %max3A_1017 : vector<16xf32>
        %add3A_1019 = vector.broadcast %mul3A_407 : f32 to vector<16xf32>
        %add3A_1020 = arith.addf %add3A_1019, %mul3A_772 : vector<16xf32>
        %sub3A_1021 = arith.subf %add3A_1020, %mul3A_1018 : vector<16xf32>
        %div3A_1022 = arith.divf %mul3A_1018, %sub3A_1021 : vector<16xf32>
        %gt3A_1023 = arith.cmpf ogt, %div3A_1022, %scan3A_733 : vector<16xf32>
        %select_n3A_1024 = arith.select %gt3A_1023, %div3A_1022, %scan3A_733 : vector<16xi1>, vector<16xf32>
        %broadcast_in_dim3A_1025 = vector.broadcast %scan3A_723 : i32 to vector<16xi32>
        %select_n3A_1026 = arith.select %gt3A_1023, %broadcast_in_dim3A_1025, %scan3A_743 : vector<16xi1>, vector<16xi32>
        %add3A_1027 = arith.constant 0 : i32
        %add3A_1028 = arith.addi %mul3A_158, %add3A_1027 : i32
        %broadcast_in_dim3A_1029 = vector.broadcast %add3A_1028 : i32 to vector<16xi32>
        %add3A_1030 = arith.constant 1 : i32
        %add3A_1031 = arith.addi %mul3A_158, %add3A_1030 : i32
        %broadcast_in_dim3A_1032 = vector.broadcast %add3A_1031 : i32 to vector<16xi32>
        %add3A_1033 = arith.constant 2 : i32
        %add3A_1034 = arith.addi %mul3A_158, %add3A_1033 : i32
        %broadcast_in_dim3A_1035 = vector.broadcast %add3A_1034 : i32 to vector<16xi32>
        %add3A_1036 = arith.constant 3 : i32
        %add3A_1037 = arith.addi %mul3A_158, %add3A_1036 : i32
        %broadcast_in_dim3A_1038 = vector.broadcast %add3A_1037 : i32 to vector<16xi32>
        %add3A_1039 = arith.constant 4 : i32
        %add3A_1040 = arith.addi %mul3A_158, %add3A_1039 : i32
        %broadcast_in_dim3A_1041 = vector.broadcast %add3A_1040 : i32 to vector<16xi32>
        %add3A_1042 = arith.constant 5 : i32
        %add3A_1043 = arith.addi %mul3A_158, %add3A_1042 : i32
        %broadcast_in_dim3A_1044 = vector.broadcast %add3A_1043 : i32 to vector<16xi32>
        %add3A_1045 = arith.constant 6 : i32
        %add3A_1046 = arith.addi %mul3A_158, %add3A_1045 : i32
        %broadcast_in_dim3A_1047 = vector.broadcast %add3A_1046 : i32 to vector<16xi32>
        %add3A_1048 = arith.constant 7 : i32
        %add3A_1049 = arith.addi %mul3A_158, %add3A_1048 : i32
        %broadcast_in_dim3A_1050 = vector.broadcast %add3A_1049 : i32 to vector<16xi32>
        %add3A_1051 = arith.constant 8 : i32
        %add3A_1052 = arith.addi %mul3A_158, %add3A_1051 : i32
        %broadcast_in_dim3A_1053 = vector.broadcast %add3A_1052 : i32 to vector<16xi32>
        %add3A_1054 = arith.constant 9 : i32
        %add3A_1055 = arith.addi %mul3A_158, %add3A_1054 : i32
        %broadcast_in_dim3A_1056 = vector.broadcast %add3A_1055 : i32 to vector<16xi32>
        %gt3A_1057 = arith.cmpf ogt, %div3A_822, %div3A : vector<16xf32>
        %select_n3A_1058 = arith.select %gt3A_1057, %div3A_822, %div3A : vector<16xi1>, vector<16xf32>
        %select_n3A_1059 = arith.select %gt3A_1057, %broadcast_in_dim3A_1032, %broadcast_in_dim3A_1029 : vector<16xi1>, vector<16xi32>
        %gt3A_1060 = arith.cmpf ogt, %div3A_872, %div3A_847 : vector<16xf32>
        %select_n3A_1061 = arith.select %gt3A_1060, %div3A_872, %div3A_847 : vector<16xi1>, vector<16xf32>
        %select_n3A_1062 = arith.select %gt3A_1060, %broadcast_in_dim3A_1038, %broadcast_in_dim3A_1035 : vector<16xi1>, vector<16xi32>
        %gt3A_1063 = arith.cmpf ogt, %div3A_922, %div3A_897 : vector<16xf32>
        %select_n3A_1064 = arith.select %gt3A_1063, %div3A_922, %div3A_897 : vector<16xi1>, vector<16xf32>
        %select_n3A_1065 = arith.select %gt3A_1063, %broadcast_in_dim3A_1044, %broadcast_in_dim3A_1041 : vector<16xi1>, vector<16xi32>
        %gt3A_1066 = arith.cmpf ogt, %div3A_972, %div3A_947 : vector<16xf32>
        %select_n3A_1067 = arith.select %gt3A_1066, %div3A_972, %div3A_947 : vector<16xi1>, vector<16xf32>
        %select_n3A_1068 = arith.select %gt3A_1066, %broadcast_in_dim3A_1050, %broadcast_in_dim3A_1047 : vector<16xi1>, vector<16xi32>
        %gt3A_1069 = arith.cmpf ogt, %div3A_1022, %div3A_997 : vector<16xf32>
        %select_n3A_1070 = arith.select %gt3A_1069, %div3A_1022, %div3A_997 : vector<16xi1>, vector<16xf32>
        %select_n3A_1071 = arith.select %gt3A_1069, %broadcast_in_dim3A_1056, %broadcast_in_dim3A_1053 : vector<16xi1>, vector<16xi32>
        %gt3A_1072 = arith.cmpf ogt, %select_n3A_1061, %select_n3A_1058 : vector<16xf32>
        %select_n3A_1073 = arith.select %gt3A_1072, %select_n3A_1061, %select_n3A_1058 : vector<16xi1>, vector<16xf32>
        %select_n3A_1074 = arith.select %gt3A_1072, %select_n3A_1062, %select_n3A_1059 : vector<16xi1>, vector<16xi32>
        %gt3A_1075 = arith.cmpf ogt, %select_n3A_1067, %select_n3A_1064 : vector<16xf32>
        %select_n3A_1076 = arith.select %gt3A_1075, %select_n3A_1067, %select_n3A_1064 : vector<16xi1>, vector<16xf32>
        %select_n3A_1077 = arith.select %gt3A_1075, %select_n3A_1068, %select_n3A_1065 : vector<16xi1>, vector<16xi32>
        %gt3A_1078 = arith.cmpf ogt, %select_n3A_1076, %select_n3A_1073 : vector<16xf32>
        %select_n3A_1079 = arith.select %gt3A_1078, %select_n3A_1076, %select_n3A_1073 : vector<16xi1>, vector<16xf32>
        %select_n3A_1080 = arith.select %gt3A_1078, %select_n3A_1077, %select_n3A_1074 : vector<16xi1>, vector<16xi32>
        %gt3A_1081 = arith.cmpf ogt, %select_n3A_1070, %select_n3A_1079 : vector<16xf32>
        %select_n3A_1082 = arith.select %gt3A_1081, %select_n3A_1070, %select_n3A_1079 : vector<16xi1>, vector<16xf32>
        %select_n3A_1083 = arith.select %gt3A_1081, %select_n3A_1071, %select_n3A_1080 : vector<16xi1>, vector<16xi32>
        %gt3A_1084 = arith.cmpf ogt, %select_n3A_1082, %get3A_774 : vector<16xf32>
        %select_n3A_1085 = arith.select %gt3A_1084, %select_n3A_1083, %bitcast_convert_type3A_779 : vector<16xi1>, vector<16xi32>
        %select_n3A_1086 = arith.select %gt3A_1084, %select_n3A_1082, %get3A_774 : vector<16xi1>, vector<16xf32>
        %swap3A_1087 = arith.index_cast %mul3A_745 : i32 to index
        %swap3A_1088 = tpu.vector_load %arg15[%swap3A_1087] {strides = array<i32>} : memref<26208xf32, #tpu.memory_space<vmem>>, vector<16xf32>,
        tpu.vector_store %arg15[%swap3A_1087], %select_n3A_1086 {strides = array<i32>} : memref<26208xf32, #tpu.memory_space<vmem>>, vector<16xf32>,
        %bitcast_convert_type3A_1089 = tpu.bitcast %select_n3A_1085 : vector<16xi32> -> vector<16xf32>
        %add3A_1090 = arith.constant 8736 : i32
        %add3A_1091 = arith.addi %add3A_1090, %mul3A_745 : i32
        %swap3A_1092 = arith.index_cast %add3A_1091 : i32 to index
        %swap3A_1093 = tpu.vector_load %arg15[%swap3A_1092] {strides = array<i32>} : memref<26208xf32, #tpu.memory_space<vmem>>, vector<16xf32>,
        tpu.vector_store %arg15[%swap3A_1092], %bitcast_convert_type3A_1089 {strides = array<i32>} : memref<26208xf32, #tpu.memory_space<vmem>>, vector<16xf32>,
        scf.yield %select_n3A_799, %select_n3A_824, %select_n3A_849, %select_n3A_874, %select_n3A_899, %select_n3A_924, %select_n3A_949, %select_n3A_974, %select_n3A_999, %select_n3A_1024, %select_n3A_801, %select_n3A_826, %select_n3A_851, %select_n3A_876, %select_n3A_901, %select_n3A_926, %select_n3A_951, %select_n3A_976, %select_n3A_1001, %select_n3A_1026 : vector<16xf32>, vector<16xf32>, vector<16xf32>, vector<16xf32>, vector<16xf32>, vector<16xf32>, vector<16xf32>, vector<16xf32>, vector<16xf32>, vector<16xf32>, vector<16xi32>, vector<16xi32>, vector<16xi32>, vector<16xi32>, vector<16xi32>, vector<16xi32>, vector<16xi32>, vector<16xi32>, vector<16xi32>, vector<16xi32>
      }
      %scan3A_413 = arith.constant 546 : i32
      %reduce_max3A = arith.constant true
      %reduce_max3A_414 = vector.broadcast %reduce_max3A : i1 to vector<16xi1>
      %reduce_max3A_415 = tpu.scan <max>, %scan3A_412#0 masked %reduce_max3A_414 : vector<16xf32>, vector<16xi1> -> vector<16xf32>
      %reduce_max3A_416 = vector.extract %reduce_max3A_415[15] : f32 from vector<16xf32>
      %mul3A_417 = arith.constant 16 : i32
      %mul3A_418 = vector.broadcast %mul3A_417 : i32 to vector<16xi32>
      %mul3A_419 = arith.muli %scan3A_412#10, %mul3A_418 : vector<16xi32>
      %add3A_420 = arith.addi %mul3A_419, %iota3A : vector<16xi32>
      %eq3A_421 = vector.broadcast %reduce_max3A_416 : f32 to vector<16xf32>
      %eq3A_422 = arith.cmpf oeq, %scan3A_412#0, %eq3A_421 : vector<16xf32>
      %jit3A_423 = arith.constant 134217727 : i32
      %broadcast_in_dim3A_424 = vector.broadcast %jit3A_423 : i32 to vector<16xi32>
      %select_n3A_425 = arith.select %eq3A_422, %add3A_420, %broadcast_in_dim3A_424 : vector<16xi1>, vector<16xi32>
      %reduce_min3A = arith.constant true
      %reduce_min3A_426 = vector.broadcast %reduce_min3A : i1 to vector<16xi1>
      %reduce_min3A_427 = arith.constant -2147483648 : i32
      %reduce_min3A_428 = vector.broadcast %reduce_min3A_427 : i32 to vector<16xi32>
      %reduce_min3A_429 = arith.xori %select_n3A_425, %reduce_min3A_428 : vector<16xi32>
      %reduce_min3A_430 = tpu.scan <min>, %reduce_min3A_429 masked %reduce_min3A_426 : vector<16xi32>, vector<16xi1> -> vector<16xi32>
      %reduce_min3A_431 = arith.xori %reduce_min3A_430, %reduce_min3A_428 : vector<16xi32>
      %reduce_min3A_432 = vector.extract %reduce_min3A_431[15] : i32 from vector<16xi32>
      %broadcast_in_dim3A_433 = vector.broadcast %reduce_min3A_432 : i32 to vector<16xi32>
      %broadcast_in_dim3A_434 = arith.constant 2.000000e+00 : f32
      %broadcast_in_dim3A_435 = vector.broadcast %broadcast_in_dim3A_434 : f32 to vector<16xf32>
      tpu.vector_store_idx %arg15[%broadcast_in_dim3A_433], %broadcast_in_dim3A_435 : memref<26208xf32, #tpu.memory_space<vmem>>[vector<16xi32>], vector<16xf32>,
      %add3A_436 = arith.constant 8736 : i32
      %add3A_437 = vector.broadcast %add3A_436 : i32 to vector<16xi32>
      %add3A_438 = arith.addi %broadcast_in_dim3A_433, %add3A_437 : vector<16xi32>
      %add3A_439 = arith.constant 0 : i32
      %add3A_440 = arith.addi %mul3A_158, %add3A_439 : i32
      %broadcast_in_dim3A_441 = vector.broadcast %add3A_440 : i32 to vector<16xi32>
      %bitcast_convert_type3A_442 = tpu.bitcast %broadcast_in_dim3A_441 : vector<16xi32> -> vector<16xf32>
      tpu.vector_store_idx %arg15[%add3A_438], %bitcast_convert_type3A_442 : memref<26208xf32, #tpu.memory_space<vmem>>[vector<16xi32>], vector<16xf32>,
      %reduce_max3A_443 = arith.constant true
      %reduce_max3A_444 = vector.broadcast %reduce_max3A_443 : i1 to vector<16xi1>
      %reduce_max3A_445 = tpu.scan <max>, %scan3A_412#1 masked %reduce_max3A_444 : vector<16xf32>, vector<16xi1> -> vector<16xf32>
      %reduce_max3A_446 = vector.extract %reduce_max3A_445[15] : f32 from vector<16xf32>
      %mul3A_447 = arith.constant 16 : i32
      %mul3A_448 = vector.broadcast %mul3A_447 : i32 to vector<16xi32>
      %mul3A_449 = arith.muli %scan3A_412#11, %mul3A_448 : vector<16xi32>
      %add3A_450 = arith.addi %mul3A_449, %iota3A : vector<16xi32>
      %eq3A_451 = vector.broadcast %reduce_max3A_446 : f32 to vector<16xf32>
      %eq3A_452 = arith.cmpf oeq, %scan3A_412#1, %eq3A_451 : vector<16xf32>
      %jit3A_453 = arith.constant 134217727 : i32
      %broadcast_in_dim3A_454 = vector.broadcast %jit3A_453 : i32 to vector<16xi32>
      %select_n3A_455 = arith.select %eq3A_452, %add3A_450, %broadcast_in_dim3A_454 : vector<16xi1>, vector<16xi32>
      %reduce_min3A_456 = arith.constant true
      %reduce_min3A_457 = vector.broadcast %reduce_min3A_456 : i1 to vector<16xi1>
      %reduce_min3A_458 = arith.constant -2147483648 : i32
      %reduce_min3A_459 = vector.broadcast %reduce_min3A_458 : i32 to vector<16xi32>
      %reduce_min3A_460 = arith.xori %select_n3A_455, %reduce_min3A_459 : vector<16xi32>
      %reduce_min3A_461 = tpu.scan <min>, %reduce_min3A_460 masked %reduce_min3A_457 : vector<16xi32>, vector<16xi1> -> vector<16xi32>
      %reduce_min3A_462 = arith.xori %reduce_min3A_461, %reduce_min3A_459 : vector<16xi32>
      %reduce_min3A_463 = vector.extract %reduce_min3A_462[15] : i32 from vector<16xi32>
      %broadcast_in_dim3A_464 = vector.broadcast %reduce_min3A_463 : i32 to vector<16xi32>
      %broadcast_in_dim3A_465 = arith.constant 2.000000e+00 : f32
      %broadcast_in_dim3A_466 = vector.broadcast %broadcast_in_dim3A_465 : f32 to vector<16xf32>
      tpu.vector_store_idx %arg15[%broadcast_in_dim3A_464], %broadcast_in_dim3A_466 : memref<26208xf32, #tpu.memory_space<vmem>>[vector<16xi32>], vector<16xf32>,
      %add3A_467 = arith.constant 8736 : i32
      %add3A_468 = vector.broadcast %add3A_467 : i32 to vector<16xi32>
      %add3A_469 = arith.addi %broadcast_in_dim3A_464, %add3A_468 : vector<16xi32>
      %add3A_470 = arith.constant 1 : i32
      %add3A_471 = arith.addi %mul3A_158, %add3A_470 : i32
      %broadcast_in_dim3A_472 = vector.broadcast %add3A_471 : i32 to vector<16xi32>
      %bitcast_convert_type3A_473 = tpu.bitcast %broadcast_in_dim3A_472 : vector<16xi32> -> vector<16xf32>
      tpu.vector_store_idx %arg15[%add3A_469], %bitcast_convert_type3A_473 : memref<26208xf32, #tpu.memory_space<vmem>>[vector<16xi32>], vector<16xf32>,
      %reduce_max3A_474 = arith.constant true
      %reduce_max3A_475 = vector.broadcast %reduce_max3A_474 : i1 to vector<16xi1>
      %reduce_max3A_476 = tpu.scan <max>, %scan3A_412#2 masked %reduce_max3A_475 : vector<16xf32>, vector<16xi1> -> vector<16xf32>
      %reduce_max3A_477 = vector.extract %reduce_max3A_476[15] : f32 from vector<16xf32>
      %mul3A_478 = arith.constant 16 : i32
      %mul3A_479 = vector.broadcast %mul3A_478 : i32 to vector<16xi32>
      %mul3A_480 = arith.muli %scan3A_412#12, %mul3A_479 : vector<16xi32>
      %add3A_481 = arith.addi %mul3A_480, %iota3A : vector<16xi32>
      %eq3A_482 = vector.broadcast %reduce_max3A_477 : f32 to vector<16xf32>
      %eq3A_483 = arith.cmpf oeq, %scan3A_412#2, %eq3A_482 : vector<16xf32>
      %jit3A_484 = arith.constant 134217727 : i32
      %broadcast_in_dim3A_485 = vector.broadcast %jit3A_484 : i32 to vector<16xi32>
      %select_n3A_486 = arith.select %eq3A_483, %add3A_481, %broadcast_in_dim3A_485 : vector<16xi1>, vector<16xi32>
      %reduce_min3A_487 = arith.constant true
      %reduce_min3A_488 = vector.broadcast %reduce_min3A_487 : i1 to vector<16xi1>
      %reduce_min3A_489 = arith.constant -2147483648 : i32
      %reduce_min3A_490 = vector.broadcast %reduce_min3A_489 : i32 to vector<16xi32>
      %reduce_min3A_491 = arith.xori %select_n3A_486, %reduce_min3A_490 : vector<16xi32>
      %reduce_min3A_492 = tpu.scan <min>, %reduce_min3A_491 masked %reduce_min3A_488 : vector<16xi32>, vector<16xi1> -> vector<16xi32>
      %reduce_min3A_493 = arith.xori %reduce_min3A_492, %reduce_min3A_490 : vector<16xi32>
      %reduce_min3A_494 = vector.extract %reduce_min3A_493[15] : i32 from vector<16xi32>
      %broadcast_in_dim3A_495 = vector.broadcast %reduce_min3A_494 : i32 to vector<16xi32>
      %broadcast_in_dim3A_496 = arith.constant 2.000000e+00 : f32
      %broadcast_in_dim3A_497 = vector.broadcast %broadcast_in_dim3A_496 : f32 to vector<16xf32>
      tpu.vector_store_idx %arg15[%broadcast_in_dim3A_495], %broadcast_in_dim3A_497 : memref<26208xf32, #tpu.memory_space<vmem>>[vector<16xi32>], vector<16xf32>,
      %add3A_498 = arith.constant 8736 : i32
      %add3A_499 = vector.broadcast %add3A_498 : i32 to vector<16xi32>
      %add3A_500 = arith.addi %broadcast_in_dim3A_495, %add3A_499 : vector<16xi32>
      %add3A_501 = arith.constant 2 : i32
      %add3A_502 = arith.addi %mul3A_158, %add3A_501 : i32
      %broadcast_in_dim3A_503 = vector.broadcast %add3A_502 : i32 to vector<16xi32>
      %bitcast_convert_type3A_504 = tpu.bitcast %broadcast_in_dim3A_503 : vector<16xi32> -> vector<16xf32>
      tpu.vector_store_idx %arg15[%add3A_500], %bitcast_convert_type3A_504 : memref<26208xf32, #tpu.memory_space<vmem>>[vector<16xi32>], vector<16xf32>,
      %reduce_max3A_505 = arith.constant true
      %reduce_max3A_506 = vector.broadcast %reduce_max3A_505 : i1 to vector<16xi1>
      %reduce_max3A_507 = tpu.scan <max>, %scan3A_412#3 masked %reduce_max3A_506 : vector<16xf32>, vector<16xi1> -> vector<16xf32>
      %reduce_max3A_508 = vector.extract %reduce_max3A_507[15] : f32 from vector<16xf32>
      %mul3A_509 = arith.constant 16 : i32
      %mul3A_510 = vector.broadcast %mul3A_509 : i32 to vector<16xi32>
      %mul3A_511 = arith.muli %scan3A_412#13, %mul3A_510 : vector<16xi32>
      %add3A_512 = arith.addi %mul3A_511, %iota3A : vector<16xi32>
      %eq3A_513 = vector.broadcast %reduce_max3A_508 : f32 to vector<16xf32>
      %eq3A_514 = arith.cmpf oeq, %scan3A_412#3, %eq3A_513 : vector<16xf32>
      %jit3A_515 = arith.constant 134217727 : i32
      %broadcast_in_dim3A_516 = vector.broadcast %jit3A_515 : i32 to vector<16xi32>
      %select_n3A_517 = arith.select %eq3A_514, %add3A_512, %broadcast_in_dim3A_516 : vector<16xi1>, vector<16xi32>
      %reduce_min3A_518 = arith.constant true
      %reduce_min3A_519 = vector.broadcast %reduce_min3A_518 : i1 to vector<16xi1>
      %reduce_min3A_520 = arith.constant -2147483648 : i32
      %reduce_min3A_521 = vector.broadcast %reduce_min3A_520 : i32 to vector<16xi32>
      %reduce_min3A_522 = arith.xori %select_n3A_517, %reduce_min3A_521 : vector<16xi32>
      %reduce_min3A_523 = tpu.scan <min>, %reduce_min3A_522 masked %reduce_min3A_519 : vector<16xi32>, vector<16xi1> -> vector<16xi32>
      %reduce_min3A_524 = arith.xori %reduce_min3A_523, %reduce_min3A_521 : vector<16xi32>
      %reduce_min3A_525 = vector.extract %reduce_min3A_524[15] : i32 from vector<16xi32>
      %broadcast_in_dim3A_526 = vector.broadcast %reduce_min3A_525 : i32 to vector<16xi32>
      %broadcast_in_dim3A_527 = arith.constant 2.000000e+00 : f32
      %broadcast_in_dim3A_528 = vector.broadcast %broadcast_in_dim3A_527 : f32 to vector<16xf32>
      tpu.vector_store_idx %arg15[%broadcast_in_dim3A_526], %broadcast_in_dim3A_528 : memref<26208xf32, #tpu.memory_space<vmem>>[vector<16xi32>], vector<16xf32>,
      %add3A_529 = arith.constant 8736 : i32
      %add3A_530 = vector.broadcast %add3A_529 : i32 to vector<16xi32>
      %add3A_531 = arith.addi %broadcast_in_dim3A_526, %add3A_530 : vector<16xi32>
      %add3A_532 = arith.constant 3 : i32
      %add3A_533 = arith.addi %mul3A_158, %add3A_532 : i32
      %broadcast_in_dim3A_534 = vector.broadcast %add3A_533 : i32 to vector<16xi32>
      %bitcast_convert_type3A_535 = tpu.bitcast %broadcast_in_dim3A_534 : vector<16xi32> -> vector<16xf32>
      tpu.vector_store_idx %arg15[%add3A_531], %bitcast_convert_type3A_535 : memref<26208xf32, #tpu.memory_space<vmem>>[vector<16xi32>], vector<16xf32>,
      %reduce_max3A_536 = arith.constant true
      %reduce_max3A_537 = vector.broadcast %reduce_max3A_536 : i1 to vector<16xi1>
      %reduce_max3A_538 = tpu.scan <max>, %scan3A_412#4 masked %reduce_max3A_537 : vector<16xf32>, vector<16xi1> -> vector<16xf32>
      %reduce_max3A_539 = vector.extract %reduce_max3A_538[15] : f32 from vector<16xf32>
      %mul3A_540 = arith.constant 16 : i32
      %mul3A_541 = vector.broadcast %mul3A_540 : i32 to vector<16xi32>
      %mul3A_542 = arith.muli %scan3A_412#14, %mul3A_541 : vector<16xi32>
      %add3A_543 = arith.addi %mul3A_542, %iota3A : vector<16xi32>
      %eq3A_544 = vector.broadcast %reduce_max3A_539 : f32 to vector<16xf32>
      %eq3A_545 = arith.cmpf oeq, %scan3A_412#4, %eq3A_544 : vector<16xf32>
      %jit3A_546 = arith.constant 134217727 : i32
      %broadcast_in_dim3A_547 = vector.broadcast %jit3A_546 : i32 to vector<16xi32>
      %select_n3A_548 = arith.select %eq3A_545, %add3A_543, %broadcast_in_dim3A_547 : vector<16xi1>, vector<16xi32>
      %reduce_min3A_549 = arith.constant true
      %reduce_min3A_550 = vector.broadcast %reduce_min3A_549 : i1 to vector<16xi1>
      %reduce_min3A_551 = arith.constant -2147483648 : i32
      %reduce_min3A_552 = vector.broadcast %reduce_min3A_551 : i32 to vector<16xi32>
      %reduce_min3A_553 = arith.xori %select_n3A_548, %reduce_min3A_552 : vector<16xi32>
      %reduce_min3A_554 = tpu.scan <min>, %reduce_min3A_553 masked %reduce_min3A_550 : vector<16xi32>, vector<16xi1> -> vector<16xi32>
      %reduce_min3A_555 = arith.xori %reduce_min3A_554, %reduce_min3A_552 : vector<16xi32>
      %reduce_min3A_556 = vector.extract %reduce_min3A_555[15] : i32 from vector<16xi32>
      %broadcast_in_dim3A_557 = vector.broadcast %reduce_min3A_556 : i32 to vector<16xi32>
      %broadcast_in_dim3A_558 = arith.constant 2.000000e+00 : f32
      %broadcast_in_dim3A_559 = vector.broadcast %broadcast_in_dim3A_558 : f32 to vector<16xf32>
      tpu.vector_store_idx %arg15[%broadcast_in_dim3A_557], %broadcast_in_dim3A_559 : memref<26208xf32, #tpu.memory_space<vmem>>[vector<16xi32>], vector<16xf32>,
      %add3A_560 = arith.constant 8736 : i32
      %add3A_561 = vector.broadcast %add3A_560 : i32 to vector<16xi32>
      %add3A_562 = arith.addi %broadcast_in_dim3A_557, %add3A_561 : vector<16xi32>
      %add3A_563 = arith.constant 4 : i32
      %add3A_564 = arith.addi %mul3A_158, %add3A_563 : i32
      %broadcast_in_dim3A_565 = vector.broadcast %add3A_564 : i32 to vector<16xi32>
      %bitcast_convert_type3A_566 = tpu.bitcast %broadcast_in_dim3A_565 : vector<16xi32> -> vector<16xf32>
      tpu.vector_store_idx %arg15[%add3A_562], %bitcast_convert_type3A_566 : memref<26208xf32, #tpu.memory_space<vmem>>[vector<16xi32>], vector<16xf32>,
      %reduce_max3A_567 = arith.constant true
      %reduce_max3A_568 = vector.broadcast %reduce_max3A_567 : i1 to vector<16xi1>
      %reduce_max3A_569 = tpu.scan <max>, %scan3A_412#5 masked %reduce_max3A_568 : vector<16xf32>, vector<16xi1> -> vector<16xf32>
      %reduce_max3A_570 = vector.extract %reduce_max3A_569[15] : f32 from vector<16xf32>
      %mul3A_571 = arith.constant 16 : i32
      %mul3A_572 = vector.broadcast %mul3A_571 : i32 to vector<16xi32>
      %mul3A_573 = arith.muli %scan3A_412#15, %mul3A_572 : vector<16xi32>
      %add3A_574 = arith.addi %mul3A_573, %iota3A : vector<16xi32>
      %eq3A_575 = vector.broadcast %reduce_max3A_570 : f32 to vector<16xf32>
      %eq3A_576 = arith.cmpf oeq, %scan3A_412#5, %eq3A_575 : vector<16xf32>
      %jit3A_577 = arith.constant 134217727 : i32
      %broadcast_in_dim3A_578 = vector.broadcast %jit3A_577 : i32 to vector<16xi32>
      %select_n3A_579 = arith.select %eq3A_576, %add3A_574, %broadcast_in_dim3A_578 : vector<16xi1>, vector<16xi32>
      %reduce_min3A_580 = arith.constant true
      %reduce_min3A_581 = vector.broadcast %reduce_min3A_580 : i1 to vector<16xi1>
      %reduce_min3A_582 = arith.constant -2147483648 : i32
      %reduce_min3A_583 = vector.broadcast %reduce_min3A_582 : i32 to vector<16xi32>
      %reduce_min3A_584 = arith.xori %select_n3A_579, %reduce_min3A_583 : vector<16xi32>
      %reduce_min3A_585 = tpu.scan <min>, %reduce_min3A_584 masked %reduce_min3A_581 : vector<16xi32>, vector<16xi1> -> vector<16xi32>
      %reduce_min3A_586 = arith.xori %reduce_min3A_585, %reduce_min3A_583 : vector<16xi32>
      %reduce_min3A_587 = vector.extract %reduce_min3A_586[15] : i32 from vector<16xi32>
      %broadcast_in_dim3A_588 = vector.broadcast %reduce_min3A_587 : i32 to vector<16xi32>
      %broadcast_in_dim3A_589 = arith.constant 2.000000e+00 : f32
      %broadcast_in_dim3A_590 = vector.broadcast %broadcast_in_dim3A_589 : f32 to vector<16xf32>
      tpu.vector_store_idx %arg15[%broadcast_in_dim3A_588], %broadcast_in_dim3A_590 : memref<26208xf32, #tpu.memory_space<vmem>>[vector<16xi32>], vector<16xf32>,
      %add3A_591 = arith.constant 8736 : i32
      %add3A_592 = vector.broadcast %add3A_591 : i32 to vector<16xi32>
      %add3A_593 = arith.addi %broadcast_in_dim3A_588, %add3A_592 : vector<16xi32>
      %add3A_594 = arith.constant 5 : i32
      %add3A_595 = arith.addi %mul3A_158, %add3A_594 : i32
      %broadcast_in_dim3A_596 = vector.broadcast %add3A_595 : i32 to vector<16xi32>
      %bitcast_convert_type3A_597 = tpu.bitcast %broadcast_in_dim3A_596 : vector<16xi32> -> vector<16xf32>
      tpu.vector_store_idx %arg15[%add3A_593], %bitcast_convert_type3A_597 : memref<26208xf32, #tpu.memory_space<vmem>>[vector<16xi32>], vector<16xf32>,
      %reduce_max3A_598 = arith.constant true
      %reduce_max3A_599 = vector.broadcast %reduce_max3A_598 : i1 to vector<16xi1>
      %reduce_max3A_600 = tpu.scan <max>, %scan3A_412#6 masked %reduce_max3A_599 : vector<16xf32>, vector<16xi1> -> vector<16xf32>
      %reduce_max3A_601 = vector.extract %reduce_max3A_600[15] : f32 from vector<16xf32>
      %mul3A_602 = arith.constant 16 : i32
      %mul3A_603 = vector.broadcast %mul3A_602 : i32 to vector<16xi32>
      %mul3A_604 = arith.muli %scan3A_412#16, %mul3A_603 : vector<16xi32>
      %add3A_605 = arith.addi %mul3A_604, %iota3A : vector<16xi32>
      %eq3A_606 = vector.broadcast %reduce_max3A_601 : f32 to vector<16xf32>
      %eq3A_607 = arith.cmpf oeq, %scan3A_412#6, %eq3A_606 : vector<16xf32>
      %jit3A_608 = arith.constant 134217727 : i32
      %broadcast_in_dim3A_609 = vector.broadcast %jit3A_608 : i32 to vector<16xi32>
      %select_n3A_610 = arith.select %eq3A_607, %add3A_605, %broadcast_in_dim3A_609 : vector<16xi1>, vector<16xi32>
      %reduce_min3A_611 = arith.constant true
      %reduce_min3A_612 = vector.broadcast %reduce_min3A_611 : i1 to vector<16xi1>
      %reduce_min3A_613 = arith.constant -2147483648 : i32
      %reduce_min3A_614 = vector.broadcast %reduce_min3A_613 : i32 to vector<16xi32>
      %reduce_min3A_615 = arith.xori %select_n3A_610, %reduce_min3A_614 : vector<16xi32>
      %reduce_min3A_616 = tpu.scan <min>, %reduce_min3A_615 masked %reduce_min3A_612 : vector<16xi32>, vector<16xi1> -> vector<16xi32>
      %reduce_min3A_617 = arith.xori %reduce_min3A_616, %reduce_min3A_614 : vector<16xi32>
      %reduce_min3A_618 = vector.extract %reduce_min3A_617[15] : i32 from vector<16xi32>
      %broadcast_in_dim3A_619 = vector.broadcast %reduce_min3A_618 : i32 to vector<16xi32>
      %broadcast_in_dim3A_620 = arith.constant 2.000000e+00 : f32
      %broadcast_in_dim3A_621 = vector.broadcast %broadcast_in_dim3A_620 : f32 to vector<16xf32>
      tpu.vector_store_idx %arg15[%broadcast_in_dim3A_619], %broadcast_in_dim3A_621 : memref<26208xf32, #tpu.memory_space<vmem>>[vector<16xi32>], vector<16xf32>,
      %add3A_622 = arith.constant 8736 : i32
      %add3A_623 = vector.broadcast %add3A_622 : i32 to vector<16xi32>
      %add3A_624 = arith.addi %broadcast_in_dim3A_619, %add3A_623 : vector<16xi32>
      %add3A_625 = arith.constant 6 : i32
      %add3A_626 = arith.addi %mul3A_158, %add3A_625 : i32
      %broadcast_in_dim3A_627 = vector.broadcast %add3A_626 : i32 to vector<16xi32>
      %bitcast_convert_type3A_628 = tpu.bitcast %broadcast_in_dim3A_627 : vector<16xi32> -> vector<16xf32>
      tpu.vector_store_idx %arg15[%add3A_624], %bitcast_convert_type3A_628 : memref<26208xf32, #tpu.memory_space<vmem>>[vector<16xi32>], vector<16xf32>,
      %reduce_max3A_629 = arith.constant true
      %reduce_max3A_630 = vector.broadcast %reduce_max3A_629 : i1 to vector<16xi1>
      %reduce_max3A_631 = tpu.scan <max>, %scan3A_412#7 masked %reduce_max3A_630 : vector<16xf32>, vector<16xi1> -> vector<16xf32>
      %reduce_max3A_632 = vector.extract %reduce_max3A_631[15] : f32 from vector<16xf32>
      %mul3A_633 = arith.constant 16 : i32
      %mul3A_634 = vector.broadcast %mul3A_633 : i32 to vector<16xi32>
      %mul3A_635 = arith.muli %scan3A_412#17, %mul3A_634 : vector<16xi32>
      %add3A_636 = arith.addi %mul3A_635, %iota3A : vector<16xi32>
      %eq3A_637 = vector.broadcast %reduce_max3A_632 : f32 to vector<16xf32>
      %eq3A_638 = arith.cmpf oeq, %scan3A_412#7, %eq3A_637 : vector<16xf32>
      %jit3A_639 = arith.constant 134217727 : i32
      %broadcast_in_dim3A_640 = vector.broadcast %jit3A_639 : i32 to vector<16xi32>
      %select_n3A_641 = arith.select %eq3A_638, %add3A_636, %broadcast_in_dim3A_640 : vector<16xi1>, vector<16xi32>
      %reduce_min3A_642 = arith.constant true
      %reduce_min3A_643 = vector.broadcast %reduce_min3A_642 : i1 to vector<16xi1>
      %reduce_min3A_644 = arith.constant -2147483648 : i32
      %reduce_min3A_645 = vector.broadcast %reduce_min3A_644 : i32 to vector<16xi32>
      %reduce_min3A_646 = arith.xori %select_n3A_641, %reduce_min3A_645 : vector<16xi32>
      %reduce_min3A_647 = tpu.scan <min>, %reduce_min3A_646 masked %reduce_min3A_643 : vector<16xi32>, vector<16xi1> -> vector<16xi32>
      %reduce_min3A_648 = arith.xori %reduce_min3A_647, %reduce_min3A_645 : vector<16xi32>
      %reduce_min3A_649 = vector.extract %reduce_min3A_648[15] : i32 from vector<16xi32>
      %broadcast_in_dim3A_650 = vector.broadcast %reduce_min3A_649 : i32 to vector<16xi32>
      %broadcast_in_dim3A_651 = arith.constant 2.000000e+00 : f32
      %broadcast_in_dim3A_652 = vector.broadcast %broadcast_in_dim3A_651 : f32 to vector<16xf32>
      tpu.vector_store_idx %arg15[%broadcast_in_dim3A_650], %broadcast_in_dim3A_652 : memref<26208xf32, #tpu.memory_space<vmem>>[vector<16xi32>], vector<16xf32>,
      %add3A_653 = arith.constant 8736 : i32
      %add3A_654 = vector.broadcast %add3A_653 : i32 to vector<16xi32>
      %add3A_655 = arith.addi %broadcast_in_dim3A_650, %add3A_654 : vector<16xi32>
      %add3A_656 = arith.constant 7 : i32
      %add3A_657 = arith.addi %mul3A_158, %add3A_656 : i32
      %broadcast_in_dim3A_658 = vector.broadcast %add3A_657 : i32 to vector<16xi32>
      %bitcast_convert_type3A_659 = tpu.bitcast %broadcast_in_dim3A_658 : vector<16xi32> -> vector<16xf32>
      tpu.vector_store_idx %arg15[%add3A_655], %bitcast_convert_type3A_659 : memref<26208xf32, #tpu.memory_space<vmem>>[vector<16xi32>], vector<16xf32>,
      %reduce_max3A_660 = arith.constant true
      %reduce_max3A_661 = vector.broadcast %reduce_max3A_660 : i1 to vector<16xi1>
      %reduce_max3A_662 = tpu.scan <max>, %scan3A_412#8 masked %reduce_max3A_661 : vector<16xf32>, vector<16xi1> -> vector<16xf32>
      %reduce_max3A_663 = vector.extract %reduce_max3A_662[15] : f32 from vector<16xf32>
      %mul3A_664 = arith.constant 16 : i32
      %mul3A_665 = vector.broadcast %mul3A_664 : i32 to vector<16xi32>
      %mul3A_666 = arith.muli %scan3A_412#18, %mul3A_665 : vector<16xi32>
      %add3A_667 = arith.addi %mul3A_666, %iota3A : vector<16xi32>
      %eq3A_668 = vector.broadcast %reduce_max3A_663 : f32 to vector<16xf32>
      %eq3A_669 = arith.cmpf oeq, %scan3A_412#8, %eq3A_668 : vector<16xf32>
      %jit3A_670 = arith.constant 134217727 : i32
      %broadcast_in_dim3A_671 = vector.broadcast %jit3A_670 : i32 to vector<16xi32>
      %select_n3A_672 = arith.select %eq3A_669, %add3A_667, %broadcast_in_dim3A_671 : vector<16xi1>, vector<16xi32>
      %reduce_min3A_673 = arith.constant true
      %reduce_min3A_674 = vector.broadcast %reduce_min3A_673 : i1 to vector<16xi1>
      %reduce_min3A_675 = arith.constant -2147483648 : i32
      %reduce_min3A_676 = vector.broadcast %reduce_min3A_675 : i32 to vector<16xi32>
      %reduce_min3A_677 = arith.xori %select_n3A_672, %reduce_min3A_676 : vector<16xi32>
      %reduce_min3A_678 = tpu.scan <min>, %reduce_min3A_677 masked %reduce_min3A_674 : vector<16xi32>, vector<16xi1> -> vector<16xi32>
      %reduce_min3A_679 = arith.xori %reduce_min3A_678, %reduce_min3A_676 : vector<16xi32>
      %reduce_min3A_680 = vector.extract %reduce_min3A_679[15] : i32 from vector<16xi32>
      %broadcast_in_dim3A_681 = vector.broadcast %reduce_min3A_680 : i32 to vector<16xi32>
      %broadcast_in_dim3A_682 = arith.constant 2.000000e+00 : f32
      %broadcast_in_dim3A_683 = vector.broadcast %broadcast_in_dim3A_682 : f32 to vector<16xf32>
      tpu.vector_store_idx %arg15[%broadcast_in_dim3A_681], %broadcast_in_dim3A_683 : memref<26208xf32, #tpu.memory_space<vmem>>[vector<16xi32>], vector<16xf32>,
      %add3A_684 = arith.constant 8736 : i32
      %add3A_685 = vector.broadcast %add3A_684 : i32 to vector<16xi32>
      %add3A_686 = arith.addi %broadcast_in_dim3A_681, %add3A_685 : vector<16xi32>
      %add3A_687 = arith.constant 8 : i32
      %add3A_688 = arith.addi %mul3A_158, %add3A_687 : i32
      %broadcast_in_dim3A_689 = vector.broadcast %add3A_688 : i32 to vector<16xi32>
      %bitcast_convert_type3A_690 = tpu.bitcast %broadcast_in_dim3A_689 : vector<16xi32> -> vector<16xf32>
      tpu.vector_store_idx %arg15[%add3A_686], %bitcast_convert_type3A_690 : memref<26208xf32, #tpu.memory_space<vmem>>[vector<16xi32>], vector<16xf32>,
      %reduce_max3A_691 = arith.constant true
      %reduce_max3A_692 = vector.broadcast %reduce_max3A_691 : i1 to vector<16xi1>
      %reduce_max3A_693 = tpu.scan <max>, %scan3A_412#9 masked %reduce_max3A_692 : vector<16xf32>, vector<16xi1> -> vector<16xf32>
      %reduce_max3A_694 = vector.extract %reduce_max3A_693[15] : f32 from vector<16xf32>
      %mul3A_695 = arith.constant 16 : i32
      %mul3A_696 = vector.broadcast %mul3A_695 : i32 to vector<16xi32>
      %mul3A_697 = arith.muli %scan3A_412#19, %mul3A_696 : vector<16xi32>
      %add3A_698 = arith.addi %mul3A_697, %iota3A : vector<16xi32>
      %eq3A_699 = vector.broadcast %reduce_max3A_694 : f32 to vector<16xf32>
      %eq3A_700 = arith.cmpf oeq, %scan3A_412#9, %eq3A_699 : vector<16xf32>
      %jit3A_701 = arith.constant 134217727 : i32
      %broadcast_in_dim3A_702 = vector.broadcast %jit3A_701 : i32 to vector<16xi32>
      %select_n3A_703 = arith.select %eq3A_700, %add3A_698, %broadcast_in_dim3A_702 : vector<16xi1>, vector<16xi32>
      %reduce_min3A_704 = arith.constant true
      %reduce_min3A_705 = vector.broadcast %reduce_min3A_704 : i1 to vector<16xi1>
      %reduce_min3A_706 = arith.constant -2147483648 : i32
      %reduce_min3A_707 = vector.broadcast %reduce_min3A_706 : i32 to vector<16xi32>
      %reduce_min3A_708 = arith.xori %select_n3A_703, %reduce_min3A_707 : vector<16xi32>
      %reduce_min3A_709 = tpu.scan <min>, %reduce_min3A_708 masked %reduce_min3A_705 : vector<16xi32>, vector<16xi1> -> vector<16xi32>
      %reduce_min3A_710 = arith.xori %reduce_min3A_709, %reduce_min3A_707 : vector<16xi32>
      %reduce_min3A_711 = vector.extract %reduce_min3A_710[15] : i32 from vector<16xi32>
      %broadcast_in_dim3A_712 = vector.broadcast %reduce_min3A_711 : i32 to vector<16xi32>
      %broadcast_in_dim3A_713 = arith.constant 2.000000e+00 : f32
      %broadcast_in_dim3A_714 = vector.broadcast %broadcast_in_dim3A_713 : f32 to vector<16xf32>
      tpu.vector_store_idx %arg15[%broadcast_in_dim3A_712], %broadcast_in_dim3A_714 : memref<26208xf32, #tpu.memory_space<vmem>>[vector<16xi32>], vector<16xf32>,
      %add3A_715 = arith.constant 8736 : i32
      %add3A_716 = vector.broadcast %add3A_715 : i32 to vector<16xi32>
      %add3A_717 = arith.addi %broadcast_in_dim3A_712, %add3A_716 : vector<16xi32>
      %add3A_718 = arith.constant 9 : i32
      %add3A_719 = arith.addi %mul3A_158, %add3A_718 : i32
      %broadcast_in_dim3A_720 = vector.broadcast %add3A_719 : i32 to vector<16xi32>
      %bitcast_convert_type3A_721 = tpu.bitcast %broadcast_in_dim3A_720 : vector<16xi32> -> vector<16xf32>
      tpu.vector_store_idx %arg15[%add3A_717], %bitcast_convert_type3A_721 : memref<26208xf32, #tpu.memory_space<vmem>>[vector<16xi32>], vector<16xf32>,
      %scan3A_722 = arith.constant 0 : i32
      scf.yield %scan3A_722 : i32
    }
    %scan3A_21 = arith.constant 5 : i32
    %dma_start3A = arith.constant 0 : i32
    %dma_start3A_22 = arith.constant 0 : i32
    %dma_start3A_23 = tpu.memref_slice %arg5[%add3A, %dma_start3A, %dma_start3A_22] : memref<32x8732x21xf32, #tpu.memory_space<hbm>> -> memref<1x112x21xf32, #tpu.memory_space<hbm>>
    %dma_start3A_24 = tpu.memref_squeeze %dma_start3A_23 : memref<1x112x21xf32, #tpu.memory_space<hbm>> -> memref<112x21xf32, #tpu.memory_space<hbm>>
    %dma_start3A_25 = arith.constant 0 : i32
    %dma_start3A_26 = arith.constant 0 : i32
    %dma_start3A_27 = tpu.memref_slice %arg5[%add3A, %dma_start3A_25, %dma_start3A_26] : memref<32x8732x21xf32, #tpu.memory_space<hbm>> -> memref<1x112x21xf32, #tpu.memory_space<hbm>>
    %dma_start3A_28 = tpu.memref_squeeze %dma_start3A_27 : memref<1x112x21xf32, #tpu.memory_space<hbm>> -> memref<112x21xf32, #tpu.memory_space<hbm>>
    tpu.enqueue_dma source(%dma_start3A_28 : memref<112x21xf32, #tpu.memory_space<hbm>>) target(%arg16 : memref<112x21xf32, #tpu.memory_space<vmem>>) target_semaphore(%arg20 : memref<!tpu.dma_semaphore, #tpu.memory_space<semaphore_mem>>)
    %dma_start3A_29 = arith.constant 0 : i32
    %dma_start3A_30 = arith.constant 0 : i32
    %dma_start3A_31 = tpu.memref_slice %arg3[%add3A, %dma_start3A_29, %dma_start3A_30] : memref<32x78x448xf32, #tpu.memory_space<hbm>> -> memref<1x1x448xf32, #tpu.memory_space<hbm>>
    %dma_start3A_32 = tpu.memref_squeeze %dma_start3A_31 : memref<1x1x448xf32, #tpu.memory_space<hbm>> -> memref<448xf32, #tpu.memory_space<hbm>>
    %dma_start3A_33 = arith.constant 0 : i32
    %dma_start3A_34 = tpu.memref_slice %arg3[%add3A, %dma_start3A_29, %dma_start3A_33] : memref<32x78x448xf32, #tpu.memory_space<hbm>> -> memref<1x1x448xf32, #tpu.memory_space<hbm>>
    %dma_start3A_35 = tpu.memref_squeeze %dma_start3A_34 : memref<1x1x448xf32, #tpu.memory_space<hbm>> -> memref<448xf32, #tpu.memory_space<hbm>>
    tpu.enqueue_dma source(%dma_start3A_35 : memref<448xf32, #tpu.memory_space<hbm>>) target(%arg13 : memref<448xf32, #tpu.memory_space<vmem>>) target_semaphore(%arg23 : memref<!tpu.dma_semaphore, #tpu.memory_space<semaphore_mem>>)
    %dma_start3A_36 = arith.constant 0 : i32
    %dma_start3A_37 = arith.constant 0 : i32
    %dma_start3A_38 = tpu.memref_slice %arg6[%add3A, %dma_start3A_36, %dma_start3A_37] : memref<32x112x21xf32, #tpu.memory_space<hbm>> -> memref<1x112x21xf32, #tpu.memory_space<hbm>>
    %dma_start3A_39 = tpu.memref_squeeze %dma_start3A_38 : memref<1x112x21xf32, #tpu.memory_space<hbm>> -> memref<112x21xf32, #tpu.memory_space<hbm>>
    %dma_start3A_40 = arith.constant 0 : i32
    %dma_start3A_41 = arith.constant 0 : i32
    %dma_start3A_42 = tpu.memref_slice %arg6[%add3A, %dma_start3A_40, %dma_start3A_41] : memref<32x112x21xf32, #tpu.memory_space<hbm>> -> memref<1x112x21xf32, #tpu.memory_space<hbm>>
    %dma_start3A_43 = tpu.memref_squeeze %dma_start3A_42 : memref<1x112x21xf32, #tpu.memory_space<hbm>> -> memref<112x21xf32, #tpu.memory_space<hbm>>
    tpu.enqueue_dma source(%dma_start3A_43 : memref<112x21xf32, #tpu.memory_space<hbm>>) target(%arg18 : memref<112x21xf32, #tpu.memory_space<vmem>>) target_semaphore(%arg22 : memref<!tpu.dma_semaphore, #tpu.memory_space<semaphore_mem>>)
    %scan3A_44 = arith.constant 0 : i32
    %scan3A_45 = arith.constant 38 : i32
    %scan3A_46 = arith.addi %scan3A_44, %scan3A_45 : i32
    %scan3A_47 = arith.constant 1 : i32
    %scan3A_48:3 = scf.for %scan3A_155 = %scan3A_44 to %scan3A_46 step %scan3A_47 iter_args(%scan3A_156 = %broadcast_in_dim3A_6, %scan3A_157 = %broadcast_in_dim3A_8, %scan3A_158 = %broadcast_in_dim3A_6) -> (vector<16xf32>, vector<16xi32>, vector<16xf32>)  : i32 {
      %mul3A_159 = arith.constant 2 : i32
      %mul3A_160 = arith.muli %scan3A_155, %mul3A_159 : i32
      %add3A_161 = arith.constant 1 : i32
      %add3A_162 = arith.addi %mul3A_160, %add3A_161 : i32
      %mul3A_163 = arith.constant 112 : i32
      %mul3A_164 = arith.muli %add3A_162, %mul3A_163 : i32
      %dma_start3A_165 = arith.constant 0 : i32
      %dma_start3A_166 = tpu.memref_slice %arg5[%add3A, %mul3A_164, %dma_start3A_165] : memref<32x8732x21xf32, #tpu.memory_space<hbm>> -> memref<1x112x21xf32, #tpu.memory_space<hbm>>
      %dma_start3A_167 = tpu.memref_squeeze %dma_start3A_166 : memref<1x112x21xf32, #tpu.memory_space<hbm>> -> memref<112x21xf32, #tpu.memory_space<hbm>>
      %dma_start3A_168 = arith.constant 0 : i32
      %dma_start3A_169 = tpu.memref_slice %arg5[%add3A, %mul3A_164, %dma_start3A_168] : memref<32x8732x21xf32, #tpu.memory_space<hbm>> -> memref<1x112x21xf32, #tpu.memory_space<hbm>>
      %dma_start3A_170 = tpu.memref_squeeze %dma_start3A_169 : memref<1x112x21xf32, #tpu.memory_space<hbm>> -> memref<112x21xf32, #tpu.memory_space<hbm>>
      tpu.enqueue_dma source(%dma_start3A_170 : memref<112x21xf32, #tpu.memory_space<hbm>>) target(%arg17 : memref<112x21xf32, #tpu.memory_space<vmem>>) target_semaphore(%arg21 : memref<!tpu.dma_semaphore, #tpu.memory_space<semaphore_mem>>)
      %add3A_171 = arith.constant 1 : i32
      %add3A_172 = arith.addi %mul3A_160, %add3A_171 : i32
      %dma_start3A_173 = arith.constant 0 : i32
      %dma_start3A_174 = tpu.memref_slice %arg3[%add3A, %add3A_172, %dma_start3A_173] : memref<32x78x448xf32, #tpu.memory_space<hbm>> -> memref<1x1x448xf32, #tpu.memory_space<hbm>>
      %dma_start3A_175 = tpu.memref_squeeze %dma_start3A_174 : memref<1x1x448xf32, #tpu.memory_space<hbm>> -> memref<448xf32, #tpu.memory_space<hbm>>
      %dma_start3A_176 = arith.constant 0 : i32
      %dma_start3A_177 = tpu.memref_slice %arg3[%add3A, %add3A_172, %dma_start3A_176] : memref<32x78x448xf32, #tpu.memory_space<hbm>> -> memref<1x1x448xf32, #tpu.memory_space<hbm>>
      %dma_start3A_178 = tpu.memref_squeeze %dma_start3A_177 : memref<1x1x448xf32, #tpu.memory_space<hbm>> -> memref<448xf32, #tpu.memory_space<hbm>>
      tpu.enqueue_dma source(%dma_start3A_178 : memref<448xf32, #tpu.memory_space<hbm>>) target(%arg14 : memref<448xf32, #tpu.memory_space<vmem>>) target_semaphore(%arg24 : memref<!tpu.dma_semaphore, #tpu.memory_space<semaphore_mem>>)
      %mul3A_179 = arith.constant 112 : i32
      %mul3A_180 = arith.muli %mul3A_160, %mul3A_179 : i32
      %dma_wait3A_181 = arith.constant 0 : i32
      %dma_wait3A_182 = tpu.memref_slice %arg5[%add3A, %mul3A_180, %dma_wait3A_181] : memref<32x8732x21xf32, #tpu.memory_space<hbm>> -> memref<1x112x21xf32, #tpu.memory_space<hbm>>
      %dma_wait3A_183 = tpu.memref_squeeze %dma_wait3A_182 : memref<1x112x21xf32, #tpu.memory_space<hbm>> -> memref<112x21xf32, #tpu.memory_space<hbm>>
      %dma_wait3A_184 = arith.constant 0 : i32
      %dma_wait3A_185 = tpu.memref_slice %arg5[%add3A, %mul3A_180, %dma_wait3A_184] : memref<32x8732x21xf32, #tpu.memory_space<hbm>> -> memref<1x112x21xf32, #tpu.memory_space<hbm>>
      %dma_wait3A_186 = tpu.memref_squeeze %dma_wait3A_185 : memref<1x112x21xf32, #tpu.memory_space<hbm>> -> memref<112x21xf32, #tpu.memory_space<hbm>>
      tpu.wait_dma2 semaphore(%arg20 : memref<!tpu.dma_semaphore, #tpu.memory_space<semaphore_mem>>) src(%dma_wait3A_186 : memref<112x21xf32, #tpu.memory_space<hbm>>) dst(%arg16 : memref<112x21xf32, #tpu.memory_space<vmem>>)
      %dma_wait3A_187 = arith.constant 0 : i32
      %dma_wait3A_188 = tpu.memref_slice %arg3[%add3A, %mul3A_160, %dma_wait3A_187] : memref<32x78x448xf32, #tpu.memory_space<hbm>> -> memref<1x1x448xf32, #tpu.memory_space<hbm>>
      %dma_wait3A_189 = tpu.memref_squeeze %dma_wait3A_188 : memref<1x1x448xf32, #tpu.memory_space<hbm>> -> memref<448xf32, #tpu.memory_space<hbm>>
      %dma_wait3A_190 = arith.constant 0 : i32
      %dma_wait3A_191 = tpu.memref_slice %arg3[%add3A, %mul3A_160, %dma_wait3A_190] : memref<32x78x448xf32, #tpu.memory_space<hbm>> -> memref<1x1x448xf32, #tpu.memory_space<hbm>>
      %dma_wait3A_192 = tpu.memref_squeeze %dma_wait3A_191 : memref<1x1x448xf32, #tpu.memory_space<hbm>> -> memref<448xf32, #tpu.memory_space<hbm>>
      tpu.wait_dma2 semaphore(%arg23 : memref<!tpu.dma_semaphore, #tpu.memory_space<semaphore_mem>>) src(%dma_wait3A_192 : memref<448xf32, #tpu.memory_space<hbm>>) dst(%arg13 : memref<448xf32, #tpu.memory_space<vmem>>)
      %scan3A_193 = arith.constant 0 : i32
      %scan3A_194 = arith.constant 7 : i32
      %scan3A_195 = arith.addi %scan3A_193, %scan3A_194 : i32
      %scan3A_196 = arith.constant 1 : i32
      %scan3A_197:3 = scf.for %scan3A_224 = %scan3A_193 to %scan3A_195 step %scan3A_196 iter_args(%scan3A_225 = %scan3A_156, %scan3A_226 = %scan3A_157, %scan3A_227 = %scan3A_158) -> (vector<16xf32>, vector<16xi32>, vector<16xf32>)  : i32 {
        %mul3A_228 = arith.constant 112 : i32
        %mul3A_229 = arith.muli %mul3A_160, %mul3A_228 : i32
        %mul3A_230 = arith.constant 16 : i32
        %mul3A_231 = arith.muli %scan3A_224, %mul3A_230 : i32
        %add3A_232 = arith.addi %mul3A_229, %mul3A_231 : i32
        %add3A_233 = arith.constant 8736 : i32
        %add3A_234 = arith.addi %add3A_233, %add3A_232 : i32
        %get3A = arith.index_cast %add3A_234 : i32 to index
        %get3A_235 = tpu.vector_load %arg15[%get3A] {strides = array<i32>} : memref<26208xf32, #tpu.memory_space<vmem>>, vector<16xf32>,
        %bitcast_convert_type3A_236 = tpu.bitcast %get3A_235 : vector<16xf32> -> vector<16xi32>
        %get3A_237 = arith.index_cast %add3A_232 : i32 to index
        %get3A_238 = tpu.vector_load %arg15[%get3A_237] {strides = array<i32>} : memref<26208xf32, #tpu.memory_space<vmem>>, vector<16xf32>,
        %lt3A = arith.constant 5.000000e-01 : f32
        %lt3A_239 = vector.broadcast %lt3A : f32 to vector<16xf32>
        %lt3A_240 = arith.cmpf olt, %get3A_238, %lt3A_239 : vector<16xf32>
        %not3A = arith.constant dense<true> : vector<16xi1>
        %not3A_241 = arith.xori %lt3A_240, %not3A : vector<16xi1>
        %mul3A_242 = arith.constant 8 : i32
        %mul3A_243 = vector.broadcast %mul3A_242 : i32 to vector<16xi32>
        %mul3A_244 = arith.muli %bitcast_convert_type3A_236, %mul3A_243 : vector<16xi32>
        %gather3A = tpu.vector_load_idx %arg8[%mul3A_244] : memref<416xf32, #tpu.memory_space<vmem>>[vector<16xi32>], vector<16xf32>,
        %add3A_245 = arith.constant 1 : i32
        %add3A_246 = vector.broadcast %add3A_245 : i32 to vector<16xi32>
        %add3A_247 = arith.addi %mul3A_244, %add3A_246 : vector<16xi32>
        %gather3A_248 = tpu.vector_load_idx %arg8[%add3A_247] : memref<416xf32, #tpu.memory_space<vmem>>[vector<16xi32>], vector<16xf32>,
        %add3A_249 = arith.constant 2 : i32
        %add3A_250 = vector.broadcast %add3A_249 : i32 to vector<16xi32>
        %add3A_251 = arith.addi %mul3A_244, %add3A_250 : vector<16xi32>
        %gather3A_252 = tpu.vector_load_idx %arg8[%add3A_251] : memref<416xf32, #tpu.memory_space<vmem>>[vector<16xi32>], vector<16xf32>,
        %add3A_253 = arith.constant 3 : i32
        %add3A_254 = vector.broadcast %add3A_253 : i32 to vector<16xi32>
        %add3A_255 = arith.addi %mul3A_244, %add3A_254 : vector<16xi32>
        %gather3A_256 = tpu.vector_load_idx %arg8[%add3A_255] : memref<416xf32, #tpu.memory_space<vmem>>[vector<16xi32>], vector<16xf32>,
        %add3A_257 = arith.constant 4 : i32
        %add3A_258 = vector.broadcast %add3A_257 : i32 to vector<16xi32>
        %add3A_259 = arith.addi %mul3A_244, %add3A_258 : vector<16xi32>
        %gather3A_260 = tpu.vector_load_idx %arg8[%add3A_259] : memref<416xf32, #tpu.memory_space<vmem>>[vector<16xi32>], vector<16xf32>,
        %get3A_261 = arith.index_cast %add3A_232 : i32 to index
        %get3A_262 = tpu.vector_load %arg9[%get3A_261] {strides = array<i32>} : memref<8736xf32, #tpu.memory_space<vmem>>, vector<16xf32>,
        %get3A_263 = arith.index_cast %add3A_232 : i32 to index
        %get3A_264 = tpu.vector_load %arg10[%get3A_263] {strides = array<i32>} : memref<8736xf32, #tpu.memory_space<vmem>>, vector<16xf32>,
        %get3A_265 = arith.index_cast %add3A_232 : i32 to index
        %get3A_266 = tpu.vector_load %arg11[%get3A_265] {strides = array<i32>} : memref<8736xf32, #tpu.memory_space<vmem>>, vector<16xf32>,
        %get3A_267 = arith.index_cast %add3A_232 : i32 to index
        %get3A_268 = tpu.vector_load %arg12[%get3A_267] {strides = array<i32>} : memref<8736xf32, #tpu.memory_space<vmem>>, vector<16xf32>,
        %add3A_269 = arith.addf %gather3A, %gather3A_252 : vector<16xf32>
        %mul3A_270 = arith.constant 5.000000e-01 : f32
        %mul3A_271 = vector.broadcast %mul3A_270 : f32 to vector<16xf32>
        %mul3A_272 = arith.mulf %add3A_269, %mul3A_271 : vector<16xf32>
        %sub3A_273 = arith.subf %mul3A_272, %get3A_262 : vector<16xf32>
        %mul3A_274 = arith.constant 1.000000e-01 : f32
        %mul3A_275 = vector.broadcast %mul3A_274 : f32 to vector<16xf32>
        %mul3A_276 = arith.mulf %mul3A_275, %get3A_266 : vector<16xf32>
        %div3A = arith.divf %sub3A_273, %mul3A_276 : vector<16xf32>
        %add3A_277 = arith.addf %gather3A_248, %gather3A_256 : vector<16xf32>
        %mul3A_278 = arith.constant 5.000000e-01 : f32
        %mul3A_279 = vector.broadcast %mul3A_278 : f32 to vector<16xf32>
        %mul3A_280 = arith.mulf %add3A_277, %mul3A_279 : vector<16xf32>
        %sub3A_281 = arith.subf %mul3A_280, %get3A_264 : vector<16xf32>
        %mul3A_282 = arith.constant 1.000000e-01 : f32
        %mul3A_283 = vector.broadcast %mul3A_282 : f32 to vector<16xf32>
        %mul3A_284 = arith.mulf %mul3A_283, %get3A_268 : vector<16xf32>
        %div3A_285 = arith.divf %sub3A_281, %mul3A_284 : vector<16xf32>
        %sub3A_286 = arith.subf %gather3A_252, %gather3A : vector<16xf32>
        %div3A_287 = arith.divf %sub3A_286, %get3A_266 : vector<16xf32>
        %bitcast_convert_type3A_288 = tpu.bitcast %div3A_287 : vector<16xf32> -> vector<16xi32>
        %shift_right_logical3A = arith.constant 23 : i32
        %shift_right_logical3A_289 = vector.broadcast %shift_right_logical3A : i32 to vector<16xi32>
        %shift_right_logical3A_290 = arith.shrui %bitcast_convert_type3A_288, %shift_right_logical3A_289 : vector<16xi32>
        %sub3A_291 = arith.constant 127 : i32
        %sub3A_292 = vector.broadcast %sub3A_291 : i32 to vector<16xi32>
        %sub3A_293 = arith.subi %shift_right_logical3A_290, %sub3A_292 : vector<16xi32>
        %and3A = arith.constant 8388607 : i32
        %and3A_294 = vector.broadcast %and3A : i32 to vector<16xi32>
        %and3A_295 = arith.andi %bitcast_convert_type3A_288, %and3A_294 : vector<16xi32>
        %or3A = arith.constant 1065353216 : i32
        %or3A_296 = vector.broadcast %or3A : i32 to vector<16xi32>
        %or3A_297 = arith.ori %and3A_295, %or3A_296 : vector<16xi32>
        %bitcast_convert_type3A_298 = tpu.bitcast %or3A_297 : vector<16xi32> -> vector<16xf32>
        %gt3A = arith.constant 1.41421354 : f32
        %gt3A_299 = vector.broadcast %gt3A : f32 to vector<16xf32>
        %gt3A_300 = arith.cmpf ogt, %bitcast_convert_type3A_298, %gt3A_299 : vector<16xf32>
        %mul3A_301 = arith.constant 5.000000e-01 : f32
        %mul3A_302 = vector.broadcast %mul3A_301 : f32 to vector<16xf32>
        %mul3A_303 = arith.mulf %bitcast_convert_type3A_298, %mul3A_302 : vector<16xf32>
        %select_n3A_304 = arith.select %gt3A_300, %mul3A_303, %bitcast_convert_type3A_298 : vector<16xi1>, vector<16xf32>
        %jit3A_305 = arith.constant 1 : i32
        %jit3A_306 = arith.constant 0 : i32
        %broadcast_in_dim3A_307 = vector.broadcast %jit3A_305 : i32 to vector<16xi32>
        %broadcast_in_dim3A_308 = vector.broadcast %jit3A_306 : i32 to vector<16xi32>
        %select_n3A_309 = arith.select %gt3A_300, %broadcast_in_dim3A_307, %broadcast_in_dim3A_308 : vector<16xi1>, vector<16xi32>
        %add3A_310 = arith.addi %sub3A_293, %select_n3A_309 : vector<16xi32>
        %sub3A_311 = arith.constant 1.000000e+00 : f32
        %sub3A_312 = vector.broadcast %sub3A_311 : f32 to vector<16xf32>
        %sub3A_313 = arith.subf %select_n3A_304, %sub3A_312 : vector<16xf32>
        %add3A_314 = arith.constant 1.000000e+00 : f32
        %add3A_315 = vector.broadcast %add3A_314 : f32 to vector<16xf32>
        %add3A_316 = arith.addf %select_n3A_304, %add3A_315 : vector<16xf32>
        %div3A_317 = arith.divf %sub3A_313, %add3A_316 : vector<16xf32>
        %mul3A_318 = arith.mulf %div3A_317, %div3A_317 : vector<16xf32>
        %mul3A_319 = arith.constant 2.000000e+00 : f32
        %mul3A_320 = vector.broadcast %mul3A_319 : f32 to vector<16xf32>
        %mul3A_321 = arith.mulf %mul3A_320, %div3A_317 : vector<16xf32>
        %div3A_322 = arith.constant 9.000000e+00 : f32
        %div3A_323 = vector.broadcast %div3A_322 : f32 to vector<16xf32>
        %div3A_324 = arith.divf %mul3A_318, %div3A_323 : vector<16xf32>
        %add3A_325 = arith.constant 0.142857149 : f32
        %add3A_326 = vector.broadcast %add3A_325 : f32 to vector<16xf32>
        %add3A_327 = arith.addf %add3A_326, %div3A_324 : vector<16xf32>
        %mul3A_328 = arith.mulf %mul3A_318, %add3A_327 : vector<16xf32>
        %add3A_329 = arith.constant 2.000000e-01 : f32
        %add3A_330 = vector.broadcast %add3A_329 : f32 to vector<16xf32>
        %add3A_331 = arith.addf %add3A_330, %mul3A_328 : vector<16xf32>
        %mul3A_332 = arith.mulf %mul3A_318, %add3A_331 : vector<16xf32>
        %add3A_333 = arith.constant 0.333333343 : f32
        %add3A_334 = vector.broadcast %add3A_333 : f32 to vector<16xf32>
        %add3A_335 = arith.addf %add3A_334, %mul3A_332 : vector<16xf32>
        %mul3A_336 = arith.mulf %mul3A_318, %add3A_335 : vector<16xf32>
        %add3A_337 = arith.constant 1.000000e+00 : f32
        %add3A_338 = vector.broadcast %add3A_337 : f32 to vector<16xf32>
        %add3A_339 = arith.addf %add3A_338, %mul3A_336 : vector<16xf32>
        %mul3A_340 = arith.mulf %mul3A_321, %add3A_339 : vector<16xf32>
        %convert_element_type3A_341 = arith.sitofp %add3A_310 : vector<16xi32> to vector<16xf32>
        %mul3A_342 = arith.constant 0.693147182 : f32
        %mul3A_343 = vector.broadcast %mul3A_342 : f32 to vector<16xf32>
        %mul3A_344 = arith.mulf %convert_element_type3A_341, %mul3A_343 : vector<16xf32>
        %add3A_345 = arith.addf %mul3A_340, %mul3A_344 : vector<16xf32>
        %div3A_346 = arith.constant 2.000000e-01 : f32
        %div3A_347 = vector.broadcast %div3A_346 : f32 to vector<16xf32>
        %div3A_348 = arith.divf %add3A_345, %div3A_347 : vector<16xf32>
        %sub3A_349 = arith.subf %gather3A_256, %gather3A_248 : vector<16xf32>
        %div3A_350 = arith.divf %sub3A_349, %get3A_268 : vector<16xf32>
        %bitcast_convert_type3A_351 = tpu.bitcast %div3A_350 : vector<16xf32> -> vector<16xi32>
        %shift_right_logical3A_352 = arith.constant 23 : i32
        %shift_right_logical3A_353 = vector.broadcast %shift_right_logical3A_352 : i32 to vector<16xi32>
        %shift_right_logical3A_354 = arith.shrui %bitcast_convert_type3A_351, %shift_right_logical3A_353 : vector<16xi32>
        %sub3A_355 = arith.constant 127 : i32
        %sub3A_356 = vector.broadcast %sub3A_355 : i32 to vector<16xi32>
        %sub3A_357 = arith.subi %shift_right_logical3A_354, %sub3A_356 : vector<16xi32>
        %and3A_358 = arith.constant 8388607 : i32
        %and3A_359 = vector.broadcast %and3A_358 : i32 to vector<16xi32>
        %and3A_360 = arith.andi %bitcast_convert_type3A_351, %and3A_359 : vector<16xi32>
        %or3A_361 = arith.constant 1065353216 : i32
        %or3A_362 = vector.broadcast %or3A_361 : i32 to vector<16xi32>
        %or3A_363 = arith.ori %and3A_360, %or3A_362 : vector<16xi32>
        %bitcast_convert_type3A_364 = tpu.bitcast %or3A_363 : vector<16xi32> -> vector<16xf32>
        %gt3A_365 = arith.constant 1.41421354 : f32
        %gt3A_366 = vector.broadcast %gt3A_365 : f32 to vector<16xf32>
        %gt3A_367 = arith.cmpf ogt, %bitcast_convert_type3A_364, %gt3A_366 : vector<16xf32>
        %mul3A_368 = arith.constant 5.000000e-01 : f32
        %mul3A_369 = vector.broadcast %mul3A_368 : f32 to vector<16xf32>
        %mul3A_370 = arith.mulf %bitcast_convert_type3A_364, %mul3A_369 : vector<16xf32>
        %select_n3A_371 = arith.select %gt3A_367, %mul3A_370, %bitcast_convert_type3A_364 : vector<16xi1>, vector<16xf32>
        %jit3A_372 = arith.constant 1 : i32
        %jit3A_373 = arith.constant 0 : i32
        %broadcast_in_dim3A_374 = vector.broadcast %jit3A_372 : i32 to vector<16xi32>
        %broadcast_in_dim3A_375 = vector.broadcast %jit3A_373 : i32 to vector<16xi32>
        %select_n3A_376 = arith.select %gt3A_367, %broadcast_in_dim3A_374, %broadcast_in_dim3A_375 : vector<16xi1>, vector<16xi32>
        %add3A_377 = arith.addi %sub3A_357, %select_n3A_376 : vector<16xi32>
        %sub3A_378 = arith.constant 1.000000e+00 : f32
        %sub3A_379 = vector.broadcast %sub3A_378 : f32 to vector<16xf32>
        %sub3A_380 = arith.subf %select_n3A_371, %sub3A_379 : vector<16xf32>
        %add3A_381 = arith.constant 1.000000e+00 : f32
        %add3A_382 = vector.broadcast %add3A_381 : f32 to vector<16xf32>
        %add3A_383 = arith.addf %select_n3A_371, %add3A_382 : vector<16xf32>
        %div3A_384 = arith.divf %sub3A_380, %add3A_383 : vector<16xf32>
        %mul3A_385 = arith.mulf %div3A_384, %div3A_384 : vector<16xf32>
        %mul3A_386 = arith.constant 2.000000e+00 : f32
        %mul3A_387 = vector.broadcast %mul3A_386 : f32 to vector<16xf32>
        %mul3A_388 = arith.mulf %mul3A_387, %div3A_384 : vector<16xf32>
        %div3A_389 = arith.constant 9.000000e+00 : f32
        %div3A_390 = vector.broadcast %div3A_389 : f32 to vector<16xf32>
        %div3A_391 = arith.divf %mul3A_385, %div3A_390 : vector<16xf32>
        %add3A_392 = arith.constant 0.142857149 : f32
        %add3A_393 = vector.broadcast %add3A_392 : f32 to vector<16xf32>
        %add3A_394 = arith.addf %add3A_393, %div3A_391 : vector<16xf32>
        %mul3A_395 = arith.mulf %mul3A_385, %add3A_394 : vector<16xf32>
        %add3A_396 = arith.constant 2.000000e-01 : f32
        %add3A_397 = vector.broadcast %add3A_396 : f32 to vector<16xf32>
        %add3A_398 = arith.addf %add3A_397, %mul3A_395 : vector<16xf32>
        %mul3A_399 = arith.mulf %mul3A_385, %add3A_398 : vector<16xf32>
        %add3A_400 = arith.constant 0.333333343 : f32
        %add3A_401 = vector.broadcast %add3A_400 : f32 to vector<16xf32>
        %add3A_402 = arith.addf %add3A_401, %mul3A_399 : vector<16xf32>
        %mul3A_403 = arith.mulf %mul3A_385, %add3A_402 : vector<16xf32>
        %add3A_404 = arith.constant 1.000000e+00 : f32
        %add3A_405 = vector.broadcast %add3A_404 : f32 to vector<16xf32>
        %add3A_406 = arith.addf %add3A_405, %mul3A_403 : vector<16xf32>
        %mul3A_407 = arith.mulf %mul3A_388, %add3A_406 : vector<16xf32>
        %convert_element_type3A_408 = arith.sitofp %add3A_377 : vector<16xi32> to vector<16xf32>
        %mul3A_409 = arith.constant 0.693147182 : f32
        %mul3A_410 = vector.broadcast %mul3A_409 : f32 to vector<16xf32>
        %mul3A_411 = arith.mulf %convert_element_type3A_408, %mul3A_410 : vector<16xf32>
        %add3A_412 = arith.addf %mul3A_407, %mul3A_411 : vector<16xf32>
        %div3A_413 = arith.constant 2.000000e-01 : f32
        %div3A_414 = vector.broadcast %div3A_413 : f32 to vector<16xf32>
        %div3A_415 = arith.divf %add3A_412, %div3A_414 : vector<16xf32>
        %mul3A_416 = arith.constant 16 : i32
        %mul3A_417 = arith.muli %scan3A_224, %mul3A_416 : i32
        %add3A_418 = vector.broadcast %mul3A_417 : i32 to vector<16xi32>
        %add3A_419 = arith.addi %iota3A, %add3A_418 : vector<16xi32>
        %mul3A_420 = arith.constant 4 : i32
        %mul3A_421 = vector.broadcast %mul3A_420 : i32 to vector<16xi32>
        %mul3A_422 = arith.muli %add3A_419, %mul3A_421 : vector<16xi32>
        %gather3A_423 = tpu.vector_load_idx %arg13[%mul3A_422] : memref<448xf32, #tpu.memory_space<vmem>>[vector<16xi32>], vector<16xf32>,
        %sub3A_424 = arith.subf %gather3A_423, %div3A : vector<16xf32>
        %abs3A = math.absf %sub3A_424 : vector<16xf32>
        %lt3A_425 = arith.constant 1.000000e+00 : f32
        %lt3A_426 = vector.broadcast %lt3A_425 : f32 to vector<16xf32>
        %lt3A_427 = arith.cmpf olt, %abs3A, %lt3A_426 : vector<16xf32>
        %mul3A_428 = arith.constant 5.000000e-01 : f32
        %mul3A_429 = vector.broadcast %mul3A_428 : f32 to vector<16xf32>
        %mul3A_430 = arith.mulf %mul3A_429, %sub3A_424 : vector<16xf32>
        %mul3A_431 = arith.mulf %mul3A_430, %sub3A_424 : vector<16xf32>
        %sub3A_432 = arith.constant 5.000000e-01 : f32
        %sub3A_433 = vector.broadcast %sub3A_432 : f32 to vector<16xf32>
        %sub3A_434 = arith.subf %abs3A, %sub3A_433 : vector<16xf32>
        %select_n3A_435 = arith.select %lt3A_427, %mul3A_431, %sub3A_434 : vector<16xi1>, vector<16xf32>
        %add3A_436 = arith.constant 1 : i32
        %add3A_437 = vector.broadcast %add3A_436 : i32 to vector<16xi32>
        %add3A_438 = arith.addi %mul3A_422, %add3A_437 : vector<16xi32>
        %gather3A_439 = tpu.vector_load_idx %arg13[%add3A_438] : memref<448xf32, #tpu.memory_space<vmem>>[vector<16xi32>], vector<16xf32>,
        %sub3A_440 = arith.subf %gather3A_439, %div3A_285 : vector<16xf32>
        %abs3A_441 = math.absf %sub3A_440 : vector<16xf32>
        %lt3A_442 = arith.constant 1.000000e+00 : f32
        %lt3A_443 = vector.broadcast %lt3A_442 : f32 to vector<16xf32>
        %lt3A_444 = arith.cmpf olt, %abs3A_441, %lt3A_443 : vector<16xf32>
        %mul3A_445 = arith.constant 5.000000e-01 : f32
        %mul3A_446 = vector.broadcast %mul3A_445 : f32 to vector<16xf32>
        %mul3A_447 = arith.mulf %mul3A_446, %sub3A_440 : vector<16xf32>
        %mul3A_448 = arith.mulf %mul3A_447, %sub3A_440 : vector<16xf32>
        %sub3A_449 = arith.constant 5.000000e-01 : f32
        %sub3A_450 = vector.broadcast %sub3A_449 : f32 to vector<16xf32>
        %sub3A_451 = arith.subf %abs3A_441, %sub3A_450 : vector<16xf32>
        %select_n3A_452 = arith.select %lt3A_444, %mul3A_448, %sub3A_451 : vector<16xi1>, vector<16xf32>
        %add3A_453 = arith.addf %select_n3A_435, %select_n3A_452 : vector<16xf32>
        %add3A_454 = arith.constant 2 : i32
        %add3A_455 = vector.broadcast %add3A_454 : i32 to vector<16xi32>
        %add3A_456 = arith.addi %mul3A_422, %add3A_455 : vector<16xi32>
        %gather3A_457 = tpu.vector_load_idx %arg13[%add3A_456] : memref<448xf32, #tpu.memory_space<vmem>>[vector<16xi32>], vector<16xf32>,
        %sub3A_458 = arith.subf %gather3A_457, %div3A_348 : vector<16xf32>
        %abs3A_459 = math.absf %sub3A_458 : vector<16xf32>
        %lt3A_460 = arith.constant 1.000000e+00 : f32
        %lt3A_461 = vector.broadcast %lt3A_460 : f32 to vector<16xf32>
        %lt3A_462 = arith.cmpf olt, %abs3A_459, %lt3A_461 : vector<16xf32>
        %mul3A_463 = arith.constant 5.000000e-01 : f32
        %mul3A_464 = vector.broadcast %mul3A_463 : f32 to vector<16xf32>
        %mul3A_465 = arith.mulf %mul3A_464, %sub3A_458 : vector<16xf32>
        %mul3A_466 = arith.mulf %mul3A_465, %sub3A_458 : vector<16xf32>
        %sub3A_467 = arith.constant 5.000000e-01 : f32
        %sub3A_468 = vector.broadcast %sub3A_467 : f32 to vector<16xf32>
        %sub3A_469 = arith.subf %abs3A_459, %sub3A_468 : vector<16xf32>
        %select_n3A_470 = arith.select %lt3A_462, %mul3A_466, %sub3A_469 : vector<16xi1>, vector<16xf32>
        %add3A_471 = arith.addf %add3A_453, %select_n3A_470 : vector<16xf32>
        %add3A_472 = arith.constant 3 : i32
        %add3A_473 = vector.broadcast %add3A_472 : i32 to vector<16xi32>
        %add3A_474 = arith.addi %mul3A_422, %add3A_473 : vector<16xi32>
        %gather3A_475 = tpu.vector_load_idx %arg13[%add3A_474] : memref<448xf32, #tpu.memory_space<vmem>>[vector<16xi32>], vector<16xf32>,
        %sub3A_476 = arith.subf %gather3A_475, %div3A_415 : vector<16xf32>
        %abs3A_477 = math.absf %sub3A_476 : vector<16xf32>
        %lt3A_478 = arith.constant 1.000000e+00 : f32
        %lt3A_479 = vector.broadcast %lt3A_478 : f32 to vector<16xf32>
        %lt3A_480 = arith.cmpf olt, %abs3A_477, %lt3A_479 : vector<16xf32>
        %mul3A_481 = arith.constant 5.000000e-01 : f32
        %mul3A_482 = vector.broadcast %mul3A_481 : f32 to vector<16xf32>
        %mul3A_483 = arith.mulf %mul3A_482, %sub3A_476 : vector<16xf32>
        %mul3A_484 = arith.mulf %mul3A_483, %sub3A_476 : vector<16xf32>
        %sub3A_485 = arith.constant 5.000000e-01 : f32
        %sub3A_486 = vector.broadcast %sub3A_485 : f32 to vector<16xf32>
        %sub3A_487 = arith.subf %abs3A_477, %sub3A_486 : vector<16xf32>
        %select_n3A_488 = arith.select %lt3A_480, %mul3A_484, %sub3A_487 : vector<16xi1>, vector<16xf32>
        %add3A_489 = arith.addf %add3A_471, %select_n3A_488 : vector<16xf32>
        %jit3A_490 = arith.constant 0.000000e+00 : f32
        %broadcast_in_dim3A_491 = vector.broadcast %jit3A_490 : f32 to vector<16xf32>
        %select_n3A_492 = arith.select %not3A_241, %add3A_489, %broadcast_in_dim3A_491 : vector<16xi1>, vector<16xf32>
        %add3A_493 = arith.addf %scan3A_225, %select_n3A_492 : vector<16xf32>
        %jit3A_494 = arith.constant 1 : i32
        %jit3A_495 = arith.constant 0 : i32
        %broadcast_in_dim3A_496 = vector.broadcast %jit3A_494 : i32 to vector<16xi32>
        %broadcast_in_dim3A_497 = vector.broadcast %jit3A_495 : i32 to vector<16xi32>
        %select_n3A_498 = arith.select %not3A_241, %broadcast_in_dim3A_496, %broadcast_in_dim3A_497 : vector<16xi1>, vector<16xi32>
        %add3A_499 = arith.addi %scan3A_226, %select_n3A_498 : vector<16xi32>
        %mul3A_500 = arith.constant 16 : i32
        %mul3A_501 = arith.muli %scan3A_224, %mul3A_500 : i32
        %add3A_502 = vector.broadcast %mul3A_501 : i32 to vector<16xi32>
        %add3A_503 = arith.addi %iota3A, %add3A_502 : vector<16xi32>
        %broadcast_in_dim3A_504 = arith.constant 0 : i32
        %broadcast_in_dim3A_505 = vector.broadcast %broadcast_in_dim3A_504 : i32 to vector<16xi32>
        %gather3A_506 = tpu.vector_load_idx %arg16[%add3A_503, %broadcast_in_dim3A_505] : memref<112x21xf32, #tpu.memory_space<vmem>>[vector<16xi32>, vector<16xi32>], vector<16xf32>,
        %broadcast_in_dim3A_507 = arith.constant 1 : i32
        %broadcast_in_dim3A_508 = vector.broadcast %broadcast_in_dim3A_507 : i32 to vector<16xi32>
        %gather3A_509 = tpu.vector_load_idx %arg16[%add3A_503, %broadcast_in_dim3A_508] : memref<112x21xf32, #tpu.memory_space<vmem>>[vector<16xi32>, vector<16xi32>], vector<16xf32>,
        %broadcast_in_dim3A_510 = arith.constant 2 : i32
        %broadcast_in_dim3A_511 = vector.broadcast %broadcast_in_dim3A_510 : i32 to vector<16xi32>
        %gather3A_512 = tpu.vector_load_idx %arg16[%add3A_503, %broadcast_in_dim3A_511] : memref<112x21xf32, #tpu.memory_space<vmem>>[vector<16xi32>, vector<16xi32>], vector<16xf32>,
        %broadcast_in_dim3A_513 = arith.constant 3 : i32
        %broadcast_in_dim3A_514 = vector.broadcast %broadcast_in_dim3A_513 : i32 to vector<16xi32>
        %gather3A_515 = tpu.vector_load_idx %arg16[%add3A_503, %broadcast_in_dim3A_514] : memref<112x21xf32, #tpu.memory_space<vmem>>[vector<16xi32>, vector<16xi32>], vector<16xf32>,
        %broadcast_in_dim3A_516 = arith.constant 4 : i32
        %broadcast_in_dim3A_517 = vector.broadcast %broadcast_in_dim3A_516 : i32 to vector<16xi32>
        %gather3A_518 = tpu.vector_load_idx %arg16[%add3A_503, %broadcast_in_dim3A_517] : memref<112x21xf32, #tpu.memory_space<vmem>>[vector<16xi32>, vector<16xi32>], vector<16xf32>,
        %broadcast_in_dim3A_519 = arith.constant 5 : i32
        %broadcast_in_dim3A_520 = vector.broadcast %broadcast_in_dim3A_519 : i32 to vector<16xi32>
        %gather3A_521 = tpu.vector_load_idx %arg16[%add3A_503, %broadcast_in_dim3A_520] : memref<112x21xf32, #tpu.memory_space<vmem>>[vector<16xi32>, vector<16xi32>], vector<16xf32>,
        %broadcast_in_dim3A_522 = arith.constant 6 : i32
        %broadcast_in_dim3A_523 = vector.broadcast %broadcast_in_dim3A_522 : i32 to vector<16xi32>
        %gather3A_524 = tpu.vector_load_idx %arg16[%add3A_503, %broadcast_in_dim3A_523] : memref<112x21xf32, #tpu.memory_space<vmem>>[vector<16xi32>, vector<16xi32>], vector<16xf32>,
        %broadcast_in_dim3A_525 = arith.constant 7 : i32
        %broadcast_in_dim3A_526 = vector.broadcast %broadcast_in_dim3A_525 : i32 to vector<16xi32>
        %gather3A_527 = tpu.vector_load_idx %arg16[%add3A_503, %broadcast_in_dim3A_526] : memref<112x21xf32, #tpu.memory_space<vmem>>[vector<16xi32>, vector<16xi32>], vector<16xf32>,
        %broadcast_in_dim3A_528 = arith.constant 8 : i32
        %broadcast_in_dim3A_529 = vector.broadcast %broadcast_in_dim3A_528 : i32 to vector<16xi32>
        %gather3A_530 = tpu.vector_load_idx %arg16[%add3A_503, %broadcast_in_dim3A_529] : memref<112x21xf32, #tpu.memory_space<vmem>>[vector<16xi32>, vector<16xi32>], vector<16xf32>,
        %broadcast_in_dim3A_531 = arith.constant 9 : i32
        %broadcast_in_dim3A_532 = vector.broadcast %broadcast_in_dim3A_531 : i32 to vector<16xi32>
        %gather3A_533 = tpu.vector_load_idx %arg16[%add3A_503, %broadcast_in_dim3A_532] : memref<112x21xf32, #tpu.memory_space<vmem>>[vector<16xi32>, vector<16xi32>], vector<16xf32>,
        %broadcast_in_dim3A_534 = arith.constant 10 : i32
        %broadcast_in_dim3A_535 = vector.broadcast %broadcast_in_dim3A_534 : i32 to vector<16xi32>
        %gather3A_536 = tpu.vector_load_idx %arg16[%add3A_503, %broadcast_in_dim3A_535] : memref<112x21xf32, #tpu.memory_space<vmem>>[vector<16xi32>, vector<16xi32>], vector<16xf32>,
        %broadcast_in_dim3A_537 = arith.constant 11 : i32
        %broadcast_in_dim3A_538 = vector.broadcast %broadcast_in_dim3A_537 : i32 to vector<16xi32>
        %gather3A_539 = tpu.vector_load_idx %arg16[%add3A_503, %broadcast_in_dim3A_538] : memref<112x21xf32, #tpu.memory_space<vmem>>[vector<16xi32>, vector<16xi32>], vector<16xf32>,
        %broadcast_in_dim3A_540 = arith.constant 12 : i32
        %broadcast_in_dim3A_541 = vector.broadcast %broadcast_in_dim3A_540 : i32 to vector<16xi32>
        %gather3A_542 = tpu.vector_load_idx %arg16[%add3A_503, %broadcast_in_dim3A_541] : memref<112x21xf32, #tpu.memory_space<vmem>>[vector<16xi32>, vector<16xi32>], vector<16xf32>,
        %broadcast_in_dim3A_543 = arith.constant 13 : i32
        %broadcast_in_dim3A_544 = vector.broadcast %broadcast_in_dim3A_543 : i32 to vector<16xi32>
        %gather3A_545 = tpu.vector_load_idx %arg16[%add3A_503, %broadcast_in_dim3A_544] : memref<112x21xf32, #tpu.memory_space<vmem>>[vector<16xi32>, vector<16xi32>], vector<16xf32>,
        %broadcast_in_dim3A_546 = arith.constant 14 : i32
        %broadcast_in_dim3A_547 = vector.broadcast %broadcast_in_dim3A_546 : i32 to vector<16xi32>
        %gather3A_548 = tpu.vector_load_idx %arg16[%add3A_503, %broadcast_in_dim3A_547] : memref<112x21xf32, #tpu.memory_space<vmem>>[vector<16xi32>, vector<16xi32>], vector<16xf32>,
        %broadcast_in_dim3A_549 = arith.constant 15 : i32
        %broadcast_in_dim3A_550 = vector.broadcast %broadcast_in_dim3A_549 : i32 to vector<16xi32>
        %gather3A_551 = tpu.vector_load_idx %arg16[%add3A_503, %broadcast_in_dim3A_550] : memref<112x21xf32, #tpu.memory_space<vmem>>[vector<16xi32>, vector<16xi32>], vector<16xf32>,
        %broadcast_in_dim3A_552 = arith.constant 16 : i32
        %broadcast_in_dim3A_553 = vector.broadcast %broadcast_in_dim3A_552 : i32 to vector<16xi32>
        %gather3A_554 = tpu.vector_load_idx %arg16[%add3A_503, %broadcast_in_dim3A_553] : memref<112x21xf32, #tpu.memory_space<vmem>>[vector<16xi32>, vector<16xi32>], vector<16xf32>,
        %broadcast_in_dim3A_555 = arith.constant 17 : i32
        %broadcast_in_dim3A_556 = vector.broadcast %broadcast_in_dim3A_555 : i32 to vector<16xi32>
        %gather3A_557 = tpu.vector_load_idx %arg16[%add3A_503, %broadcast_in_dim3A_556] : memref<112x21xf32, #tpu.memory_space<vmem>>[vector<16xi32>, vector<16xi32>], vector<16xf32>,
        %broadcast_in_dim3A_558 = arith.constant 18 : i32
        %broadcast_in_dim3A_559 = vector.broadcast %broadcast_in_dim3A_558 : i32 to vector<16xi32>
        %gather3A_560 = tpu.vector_load_idx %arg16[%add3A_503, %broadcast_in_dim3A_559] : memref<112x21xf32, #tpu.memory_space<vmem>>[vector<16xi32>, vector<16xi32>], vector<16xf32>,
        %broadcast_in_dim3A_561 = arith.constant 19 : i32
        %broadcast_in_dim3A_562 = vector.broadcast %broadcast_in_dim3A_561 : i32 to vector<16xi32>
        %gather3A_563 = tpu.vector_load_idx %arg16[%add3A_503, %broadcast_in_dim3A_562] : memref<112x21xf32, #tpu.memory_space<vmem>>[vector<16xi32>, vector<16xi32>], vector<16xf32>,
        %broadcast_in_dim3A_564 = arith.constant 20 : i32
        %broadcast_in_dim3A_565 = vector.broadcast %broadcast_in_dim3A_564 : i32 to vector<16xi32>
        %gather3A_566 = tpu.vector_load_idx %arg16[%add3A_503, %broadcast_in_dim3A_565] : memref<112x21xf32, #tpu.memory_space<vmem>>[vector<16xi32>, vector<16xi32>], vector<16xf32>,
        %max3A = arith.maximumf %gather3A_506, %gather3A_509 : vector<16xf32>
        %max3A_567 = arith.maximumf %gather3A_512, %gather3A_515 : vector<16xf32>
        %max3A_568 = arith.maximumf %gather3A_518, %gather3A_521 : vector<16xf32>
        %max3A_569 = arith.maximumf %gather3A_524, %gather3A_527 : vector<16xf32>
        %max3A_570 = arith.maximumf %gather3A_530, %gather3A_533 : vector<16xf32>
        %max3A_571 = arith.maximumf %gather3A_536, %gather3A_539 : vector<16xf32>
        %max3A_572 = arith.maximumf %gather3A_542, %gather3A_545 : vector<16xf32>
        %max3A_573 = arith.maximumf %gather3A_548, %gather3A_551 : vector<16xf32>
        %max3A_574 = arith.maximumf %gather3A_554, %gather3A_557 : vector<16xf32>
        %max3A_575 = arith.maximumf %gather3A_560, %gather3A_563 : vector<16xf32>
        %max3A_576 = arith.maximumf %max3A, %max3A_567 : vector<16xf32>
        %max3A_577 = arith.maximumf %max3A_568, %max3A_569 : vector<16xf32>
        %max3A_578 = arith.maximumf %max3A_570, %max3A_571 : vector<16xf32>
        %max3A_579 = arith.maximumf %max3A_572, %max3A_573 : vector<16xf32>
        %max3A_580 = arith.maximumf %max3A_574, %max3A_575 : vector<16xf32>
        %max3A_581 = arith.maximumf %max3A_576, %max3A_577 : vector<16xf32>
        %max3A_582 = arith.maximumf %max3A_578, %max3A_579 : vector<16xf32>
        %max3A_583 = arith.maximumf %max3A_580, %gather3A_566 : vector<16xf32>
        %max3A_584 = arith.maximumf %max3A_581, %max3A_582 : vector<16xf32>
        %max3A_585 = arith.maximumf %max3A_584, %max3A_583 : vector<16xf32>
        %sub3A_586 = arith.subf %gather3A_506, %max3A_585 : vector<16xf32>
        %exp3A = math.exp %sub3A_586 : vector<16xf32>
        %sub3A_587 = arith.subf %gather3A_509, %max3A_585 : vector<16xf32>
        %exp3A_588 = math.exp %sub3A_587 : vector<16xf32>
        %sub3A_589 = arith.subf %gather3A_512, %max3A_585 : vector<16xf32>
        %exp3A_590 = math.exp %sub3A_589 : vector<16xf32>
        %sub3A_591 = arith.subf %gather3A_515, %max3A_585 : vector<16xf32>
        %exp3A_592 = math.exp %sub3A_591 : vector<16xf32>
        %sub3A_593 = arith.subf %gather3A_518, %max3A_585 : vector<16xf32>
        %exp3A_594 = math.exp %sub3A_593 : vector<16xf32>
        %sub3A_595 = arith.subf %gather3A_521, %max3A_585 : vector<16xf32>
        %exp3A_596 = math.exp %sub3A_595 : vector<16xf32>
        %sub3A_597 = arith.subf %gather3A_524, %max3A_585 : vector<16xf32>
        %exp3A_598 = math.exp %sub3A_597 : vector<16xf32>
        %sub3A_599 = arith.subf %gather3A_527, %max3A_585 : vector<16xf32>
        %exp3A_600 = math.exp %sub3A_599 : vector<16xf32>
        %sub3A_601 = arith.subf %gather3A_530, %max3A_585 : vector<16xf32>
        %exp3A_602 = math.exp %sub3A_601 : vector<16xf32>
        %sub3A_603 = arith.subf %gather3A_533, %max3A_585 : vector<16xf32>
        %exp3A_604 = math.exp %sub3A_603 : vector<16xf32>
        %sub3A_605 = arith.subf %gather3A_536, %max3A_585 : vector<16xf32>
        %exp3A_606 = math.exp %sub3A_605 : vector<16xf32>
        %sub3A_607 = arith.subf %gather3A_539, %max3A_585 : vector<16xf32>
        %exp3A_608 = math.exp %sub3A_607 : vector<16xf32>
        %sub3A_609 = arith.subf %gather3A_542, %max3A_585 : vector<16xf32>
        %exp3A_610 = math.exp %sub3A_609 : vector<16xf32>
        %sub3A_611 = arith.subf %gather3A_545, %max3A_585 : vector<16xf32>
        %exp3A_612 = math.exp %sub3A_611 : vector<16xf32>
        %sub3A_613 = arith.subf %gather3A_548, %max3A_585 : vector<16xf32>
        %exp3A_614 = math.exp %sub3A_613 : vector<16xf32>
        %sub3A_615 = arith.subf %gather3A_551, %max3A_585 : vector<16xf32>
        %exp3A_616 = math.exp %sub3A_615 : vector<16xf32>
        %sub3A_617 = arith.subf %gather3A_554, %max3A_585 : vector<16xf32>
        %exp3A_618 = math.exp %sub3A_617 : vector<16xf32>
        %sub3A_619 = arith.subf %gather3A_557, %max3A_585 : vector<16xf32>
        %exp3A_620 = math.exp %sub3A_619 : vector<16xf32>
        %sub3A_621 = arith.subf %gather3A_560, %max3A_585 : vector<16xf32>
        %exp3A_622 = math.exp %sub3A_621 : vector<16xf32>
        %sub3A_623 = arith.subf %gather3A_563, %max3A_585 : vector<16xf32>
        %exp3A_624 = math.exp %sub3A_623 : vector<16xf32>
        %sub3A_625 = arith.subf %gather3A_566, %max3A_585 : vector<16xf32>
        %exp3A_626 = math.exp %sub3A_625 : vector<16xf32>
        %add3A_627 = arith.addf %exp3A, %exp3A_588 : vector<16xf32>
        %add3A_628 = arith.addf %exp3A_590, %exp3A_592 : vector<16xf32>
        %add3A_629 = arith.addf %exp3A_594, %exp3A_596 : vector<16xf32>
        %add3A_630 = arith.addf %exp3A_598, %exp3A_600 : vector<16xf32>
        %add3A_631 = arith.addf %exp3A_602, %exp3A_604 : vector<16xf32>
        %add3A_632 = arith.addf %exp3A_606, %exp3A_608 : vector<16xf32>
        %add3A_633 = arith.addf %exp3A_610, %exp3A_612 : vector<16xf32>
        %add3A_634 = arith.addf %exp3A_614, %exp3A_616 : vector<16xf32>
        %add3A_635 = arith.addf %exp3A_618, %exp3A_620 : vector<16xf32>
        %add3A_636 = arith.addf %exp3A_622, %exp3A_624 : vector<16xf32>
        %add3A_637 = arith.addf %add3A_627, %add3A_628 : vector<16xf32>
        %add3A_638 = arith.addf %add3A_629, %add3A_630 : vector<16xf32>
        %add3A_639 = arith.addf %add3A_631, %add3A_632 : vector<16xf32>
        %add3A_640 = arith.addf %add3A_633, %add3A_634 : vector<16xf32>
        %add3A_641 = arith.addf %add3A_635, %add3A_636 : vector<16xf32>
        %add3A_642 = arith.addf %add3A_637, %add3A_638 : vector<16xf32>
        %add3A_643 = arith.addf %add3A_639, %add3A_640 : vector<16xf32>
        %add3A_644 = arith.addf %add3A_641, %exp3A_626 : vector<16xf32>
        %add3A_645 = arith.addf %add3A_642, %add3A_643 : vector<16xf32>
        %add3A_646 = arith.addf %add3A_645, %add3A_644 : vector<16xf32>
        %bitcast_convert_type3A_647 = tpu.bitcast %add3A_646 : vector<16xf32> -> vector<16xi32>
        %shift_right_logical3A_648 = arith.constant 23 : i32
        %shift_right_logical3A_649 = vector.broadcast %shift_right_logical3A_648 : i32 to vector<16xi32>
        %shift_right_logical3A_650 = arith.shrui %bitcast_convert_type3A_647, %shift_right_logical3A_649 : vector<16xi32>
        %sub3A_651 = arith.constant 127 : i32
        %sub3A_652 = vector.broadcast %sub3A_651 : i32 to vector<16xi32>
        %sub3A_653 = arith.subi %shift_right_logical3A_650, %sub3A_652 : vector<16xi32>
        %and3A_654 = arith.constant 8388607 : i32
        %and3A_655 = vector.broadcast %and3A_654 : i32 to vector<16xi32>
        %and3A_656 = arith.andi %bitcast_convert_type3A_647, %and3A_655 : vector<16xi32>
        %or3A_657 = arith.constant 1065353216 : i32
        %or3A_658 = vector.broadcast %or3A_657 : i32 to vector<16xi32>
        %or3A_659 = arith.ori %and3A_656, %or3A_658 : vector<16xi32>
        %bitcast_convert_type3A_660 = tpu.bitcast %or3A_659 : vector<16xi32> -> vector<16xf32>
        %gt3A_661 = arith.constant 1.41421354 : f32
        %gt3A_662 = vector.broadcast %gt3A_661 : f32 to vector<16xf32>
        %gt3A_663 = arith.cmpf ogt, %bitcast_convert_type3A_660, %gt3A_662 : vector<16xf32>
        %mul3A_664 = arith.constant 5.000000e-01 : f32
        %mul3A_665 = vector.broadcast %mul3A_664 : f32 to vector<16xf32>
        %mul3A_666 = arith.mulf %bitcast_convert_type3A_660, %mul3A_665 : vector<16xf32>
        %select_n3A_667 = arith.select %gt3A_663, %mul3A_666, %bitcast_convert_type3A_660 : vector<16xi1>, vector<16xf32>
        %jit3A_668 = arith.constant 1 : i32
        %jit3A_669 = arith.constant 0 : i32
        %broadcast_in_dim3A_670 = vector.broadcast %jit3A_668 : i32 to vector<16xi32>
        %broadcast_in_dim3A_671 = vector.broadcast %jit3A_669 : i32 to vector<16xi32>
        %select_n3A_672 = arith.select %gt3A_663, %broadcast_in_dim3A_670, %broadcast_in_dim3A_671 : vector<16xi1>, vector<16xi32>
        %add3A_673 = arith.addi %sub3A_653, %select_n3A_672 : vector<16xi32>
        %sub3A_674 = arith.constant 1.000000e+00 : f32
        %sub3A_675 = vector.broadcast %sub3A_674 : f32 to vector<16xf32>
        %sub3A_676 = arith.subf %select_n3A_667, %sub3A_675 : vector<16xf32>
        %add3A_677 = arith.constant 1.000000e+00 : f32
        %add3A_678 = vector.broadcast %add3A_677 : f32 to vector<16xf32>
        %add3A_679 = arith.addf %select_n3A_667, %add3A_678 : vector<16xf32>
        %div3A_680 = arith.divf %sub3A_676, %add3A_679 : vector<16xf32>
        %mul3A_681 = arith.mulf %div3A_680, %div3A_680 : vector<16xf32>
        %mul3A_682 = arith.constant 2.000000e+00 : f32
        %mul3A_683 = vector.broadcast %mul3A_682 : f32 to vector<16xf32>
        %mul3A_684 = arith.mulf %mul3A_683, %div3A_680 : vector<16xf32>
        %div3A_685 = arith.constant 9.000000e+00 : f32
        %div3A_686 = vector.broadcast %div3A_685 : f32 to vector<16xf32>
        %div3A_687 = arith.divf %mul3A_681, %div3A_686 : vector<16xf32>
        %add3A_688 = arith.constant 0.142857149 : f32
        %add3A_689 = vector.broadcast %add3A_688 : f32 to vector<16xf32>
        %add3A_690 = arith.addf %add3A_689, %div3A_687 : vector<16xf32>
        %mul3A_691 = arith.mulf %mul3A_681, %add3A_690 : vector<16xf32>
        %add3A_692 = arith.constant 2.000000e-01 : f32
        %add3A_693 = vector.broadcast %add3A_692 : f32 to vector<16xf32>
        %add3A_694 = arith.addf %add3A_693, %mul3A_691 : vector<16xf32>
        %mul3A_695 = arith.mulf %mul3A_681, %add3A_694 : vector<16xf32>
        %add3A_696 = arith.constant 0.333333343 : f32
        %add3A_697 = vector.broadcast %add3A_696 : f32 to vector<16xf32>
        %add3A_698 = arith.addf %add3A_697, %mul3A_695 : vector<16xf32>
        %mul3A_699 = arith.mulf %mul3A_681, %add3A_698 : vector<16xf32>
        %add3A_700 = arith.constant 1.000000e+00 : f32
        %add3A_701 = vector.broadcast %add3A_700 : f32 to vector<16xf32>
        %add3A_702 = arith.addf %add3A_701, %mul3A_699 : vector<16xf32>
        %mul3A_703 = arith.mulf %mul3A_684, %add3A_702 : vector<16xf32>
        %convert_element_type3A_704 = arith.sitofp %add3A_673 : vector<16xi32> to vector<16xf32>
        %mul3A_705 = arith.constant 0.693147182 : f32
        %mul3A_706 = vector.broadcast %mul3A_705 : f32 to vector<16xf32>
        %mul3A_707 = arith.mulf %convert_element_type3A_704, %mul3A_706 : vector<16xf32>
        %add3A_708 = arith.addf %mul3A_703, %mul3A_707 : vector<16xf32>
        %add3A_709 = arith.addf %add3A_708, %max3A_585 : vector<16xf32>
        %add3A_710 = arith.constant 1.000000e+00 : f32
        %add3A_711 = vector.broadcast %add3A_710 : f32 to vector<16xf32>
        %add3A_712 = arith.addf %gather3A_260, %add3A_711 : vector<16xf32>
        %convert_element_type3A_713 = arith.fptosi %add3A_712 : vector<16xf32> to vector<16xi32>
        %jit3A_714 = arith.constant 0 : i32
        %broadcast_in_dim3A_715 = vector.broadcast %jit3A_714 : i32 to vector<16xi32>
        %select_n3A_716 = arith.select %not3A_241, %convert_element_type3A_713, %broadcast_in_dim3A_715 : vector<16xi1>, vector<16xi32>
        %gather3A_717 = tpu.vector_load_idx %arg16[%add3A_503, %select_n3A_716] : memref<112x21xf32, #tpu.memory_space<vmem>>[vector<16xi32>, vector<16xi32>], vector<16xf32>,
        %sub3A_718 = arith.subf %add3A_709, %gather3A_717 : vector<16xf32>
        %add3A_719 = vector.broadcast %add3A_232 : i32 to vector<16xi32>
        %add3A_720 = arith.addi %add3A_719, %iota3A : vector<16xi32>
        %lt3A_721 = arith.constant 8732 : i32
        %lt3A_722 = vector.broadcast %lt3A_721 : i32 to vector<16xi32>
        %lt3A_723 = arith.cmpi slt, %add3A_720, %lt3A_722 : vector<16xi32>
        %not3A_724 = arith.constant dense<true> : vector<16xi1>
        %not3A_725 = arith.xori %lt3A_723, %not3A_724 : vector<16xi1>
        %or3A_726 = arith.ori %not3A_241, %not3A_725 : vector<16xi1>
        %max3A_727 = arith.constant 0.000000e+00 : f32
        %max3A_728 = vector.broadcast %max3A_727 : f32 to vector<16xf32>
        %max3A_729 = arith.maximumf %sub3A_718, %max3A_728 : vector<16xf32>
        %jit3A_730 = arith.constant 0.000000e+00 : f32
        %broadcast_in_dim3A_731 = vector.broadcast %jit3A_730 : f32 to vector<16xf32>
        %select_n3A_732 = arith.select %or3A_726, %broadcast_in_dim3A_731, %max3A_729 : vector<16xi1>, vector<16xf32>
        %add3A_733 = arith.constant 17472 : i32
        %add3A_734 = arith.addi %add3A_733, %add3A_232 : i32
        %swap3A_735 = arith.index_cast %add3A_734 : i32 to index
        %swap3A_736 = tpu.vector_load %arg15[%swap3A_735] {strides = array<i32>} : memref<26208xf32, #tpu.memory_space<vmem>>, vector<16xf32>,
        tpu.vector_store %arg15[%swap3A_735], %select_n3A_732 {strides = array<i32>} : memref<26208xf32, #tpu.memory_space<vmem>>, vector<16xf32>,
        %jit3A_737 = arith.constant 0.000000e+00 : f32
        %broadcast_in_dim3A_738 = vector.broadcast %jit3A_737 : f32 to vector<16xf32>
        %select_n3A_739 = arith.select %not3A_241, %sub3A_718, %broadcast_in_dim3A_738 : vector<16xi1>, vector<16xf32>
        %add3A_740 = arith.addf %scan3A_227, %select_n3A_739 : vector<16xf32>
        scf.yield %add3A_493, %add3A_499, %add3A_740 : vector<16xf32>, vector<16xi32>, vector<16xf32>
      }
      %scan3A_198 = arith.constant 7 : i32
      %add3A_199 = arith.constant 2 : i32
      %add3A_200 = arith.addi %mul3A_160, %add3A_199 : i32
      %le3A = arith.constant 76 : i32
      %le3A_201 = arith.cmpi sle, %add3A_200, %le3A : i32
      %convert_element_type3A_202 = arith.extui %le3A_201 : i1 to i32
      %cond3A = arith.constant 0 : i32
      %cond3A_203 = arith.cmpi ne, %convert_element_type3A_202, %cond3A : i32
      scf.if %cond3A_203 {
        %add3A_224 = arith.constant 2 : i32
        %add3A_225 = arith.addi %mul3A_160, %add3A_224 : i32
        %mul3A_226 = arith.constant 112 : i32
        %mul3A_227 = arith.muli %add3A_225, %mul3A_226 : i32
        %dma_start3A_228 = arith.constant 0 : i32
        %dma_start3A_229 = tpu.memref_slice %arg5[%add3A, %mul3A_227, %dma_start3A_228] : memref<32x8732x21xf32, #tpu.memory_space<hbm>> -> memref<1x112x21xf32, #tpu.memory_space<hbm>>
        %dma_start3A_230 = tpu.memref_squeeze %dma_start3A_229 : memref<1x112x21xf32, #tpu.memory_space<hbm>> -> memref<112x21xf32, #tpu.memory_space<hbm>>
        %dma_start3A_231 = arith.constant 0 : i32
        %dma_start3A_232 = tpu.memref_slice %arg5[%add3A, %mul3A_227, %dma_start3A_231] : memref<32x8732x21xf32, #tpu.memory_space<hbm>> -> memref<1x112x21xf32, #tpu.memory_space<hbm>>
        %dma_start3A_233 = tpu.memref_squeeze %dma_start3A_232 : memref<1x112x21xf32, #tpu.memory_space<hbm>> -> memref<112x21xf32, #tpu.memory_space<hbm>>
        tpu.enqueue_dma source(%dma_start3A_233 : memref<112x21xf32, #tpu.memory_space<hbm>>) target(%arg16 : memref<112x21xf32, #tpu.memory_space<vmem>>) target_semaphore(%arg20 : memref<!tpu.dma_semaphore, #tpu.memory_space<semaphore_mem>>)
        %add3A_234 = arith.constant 2 : i32
        %add3A_235 = arith.addi %mul3A_160, %add3A_234 : i32
        %dma_start3A_236 = arith.constant 0 : i32
        %dma_start3A_237 = tpu.memref_slice %arg3[%add3A, %add3A_235, %dma_start3A_236] : memref<32x78x448xf32, #tpu.memory_space<hbm>> -> memref<1x1x448xf32, #tpu.memory_space<hbm>>
        %dma_start3A_238 = tpu.memref_squeeze %dma_start3A_237 : memref<1x1x448xf32, #tpu.memory_space<hbm>> -> memref<448xf32, #tpu.memory_space<hbm>>
        %dma_start3A_239 = arith.constant 0 : i32
        %dma_start3A_240 = tpu.memref_slice %arg3[%add3A, %add3A_235, %dma_start3A_239] : memref<32x78x448xf32, #tpu.memory_space<hbm>> -> memref<1x1x448xf32, #tpu.memory_space<hbm>>
        %dma_start3A_241 = tpu.memref_squeeze %dma_start3A_240 : memref<1x1x448xf32, #tpu.memory_space<hbm>> -> memref<448xf32, #tpu.memory_space<hbm>>
        tpu.enqueue_dma source(%dma_start3A_241 : memref<448xf32, #tpu.memory_space<hbm>>) target(%arg13 : memref<448xf32, #tpu.memory_space<vmem>>) target_semaphore(%arg23 : memref<!tpu.dma_semaphore, #tpu.memory_space<semaphore_mem>>)
      } else {
      }
      %dma_wait3A_204 = arith.constant 0 : i32
      %dma_wait3A_205 = tpu.memref_slice %arg5[%add3A, %mul3A_164, %dma_wait3A_204] : memref<32x8732x21xf32, #tpu.memory_space<hbm>> -> memref<1x112x21xf32, #tpu.memory_space<hbm>>
      %dma_wait3A_206 = tpu.memref_squeeze %dma_wait3A_205 : memref<1x112x21xf32, #tpu.memory_space<hbm>> -> memref<112x21xf32, #tpu.memory_space<hbm>>
      %dma_wait3A_207 = arith.constant 0 : i32
      %dma_wait3A_208 = tpu.memref_slice %arg5[%add3A, %mul3A_164, %dma_wait3A_207] : memref<32x8732x21xf32, #tpu.memory_space<hbm>> -> memref<1x112x21xf32, #tpu.memory_space<hbm>>
      %dma_wait3A_209 = tpu.memref_squeeze %dma_wait3A_208 : memref<1x112x21xf32, #tpu.memory_space<hbm>> -> memref<112x21xf32, #tpu.memory_space<hbm>>
      tpu.wait_dma2 semaphore(%arg21 : memref<!tpu.dma_semaphore, #tpu.memory_space<semaphore_mem>>) src(%dma_wait3A_209 : memref<112x21xf32, #tpu.memory_space<hbm>>) dst(%arg17 : memref<112x21xf32, #tpu.memory_space<vmem>>)
      %dma_wait3A_210 = arith.constant 0 : i32
      %dma_wait3A_211 = tpu.memref_slice %arg3[%add3A, %add3A_172, %dma_wait3A_210] : memref<32x78x448xf32, #tpu.memory_space<hbm>> -> memref<1x1x448xf32, #tpu.memory_space<hbm>>
      %dma_wait3A_212 = tpu.memref_squeeze %dma_wait3A_211 : memref<1x1x448xf32, #tpu.memory_space<hbm>> -> memref<448xf32, #tpu.memory_space<hbm>>
      %dma_wait3A_213 = arith.constant 0 : i32
      %dma_wait3A_214 = tpu.memref_slice %arg3[%add3A, %add3A_172, %dma_wait3A_213] : memref<32x78x448xf32, #tpu.memory_space<hbm>> -> memref<1x1x448xf32, #tpu.memory_space<hbm>>
      %dma_wait3A_215 = tpu.memref_squeeze %dma_wait3A_214 : memref<1x1x448xf32, #tpu.memory_space<hbm>> -> memref<448xf32, #tpu.memory_space<hbm>>
      tpu.wait_dma2 semaphore(%arg24 : memref<!tpu.dma_semaphore, #tpu.memory_space<semaphore_mem>>) src(%dma_wait3A_215 : memref<448xf32, #tpu.memory_space<hbm>>) dst(%arg14 : memref<448xf32, #tpu.memory_space<vmem>>)
      %add3A_216 = arith.constant 1 : i32
      %add3A_217 = arith.addi %mul3A_160, %add3A_216 : i32
      %scan3A_218 = arith.constant 0 : i32
      %scan3A_219 = arith.constant 7 : i32
      %scan3A_220 = arith.addi %scan3A_218, %scan3A_219 : i32
      %scan3A_221 = arith.constant 1 : i32
      %scan3A_222:3 = scf.for %scan3A_224 = %scan3A_218 to %scan3A_220 step %scan3A_221 iter_args(%scan3A_225 = %scan3A_197#0, %scan3A_226 = %scan3A_197#1, %scan3A_227 = %scan3A_197#2) -> (vector<16xf32>, vector<16xi32>, vector<16xf32>)  : i32 {
        %mul3A_228 = arith.constant 112 : i32
        %mul3A_229 = arith.muli %add3A_217, %mul3A_228 : i32
        %mul3A_230 = arith.constant 16 : i32
        %mul3A_231 = arith.muli %scan3A_224, %mul3A_230 : i32
        %add3A_232 = arith.addi %mul3A_229, %mul3A_231 : i32
        %add3A_233 = arith.constant 8736 : i32
        %add3A_234 = arith.addi %add3A_233, %add3A_232 : i32
        %get3A = arith.index_cast %add3A_234 : i32 to index
        %get3A_235 = tpu.vector_load %arg15[%get3A] {strides = array<i32>} : memref<26208xf32, #tpu.memory_space<vmem>>, vector<16xf32>,
        %bitcast_convert_type3A_236 = tpu.bitcast %get3A_235 : vector<16xf32> -> vector<16xi32>
        %get3A_237 = arith.index_cast %add3A_232 : i32 to index
        %get3A_238 = tpu.vector_load %arg15[%get3A_237] {strides = array<i32>} : memref<26208xf32, #tpu.memory_space<vmem>>, vector<16xf32>,
        %lt3A = arith.constant 5.000000e-01 : f32
        %lt3A_239 = vector.broadcast %lt3A : f32 to vector<16xf32>
        %lt3A_240 = arith.cmpf olt, %get3A_238, %lt3A_239 : vector<16xf32>
        %not3A = arith.constant dense<true> : vector<16xi1>
        %not3A_241 = arith.xori %lt3A_240, %not3A : vector<16xi1>
        %mul3A_242 = arith.constant 8 : i32
        %mul3A_243 = vector.broadcast %mul3A_242 : i32 to vector<16xi32>
        %mul3A_244 = arith.muli %bitcast_convert_type3A_236, %mul3A_243 : vector<16xi32>
        %gather3A = tpu.vector_load_idx %arg8[%mul3A_244] : memref<416xf32, #tpu.memory_space<vmem>>[vector<16xi32>], vector<16xf32>,
        %add3A_245 = arith.constant 1 : i32
        %add3A_246 = vector.broadcast %add3A_245 : i32 to vector<16xi32>
        %add3A_247 = arith.addi %mul3A_244, %add3A_246 : vector<16xi32>
        %gather3A_248 = tpu.vector_load_idx %arg8[%add3A_247] : memref<416xf32, #tpu.memory_space<vmem>>[vector<16xi32>], vector<16xf32>,
        %add3A_249 = arith.constant 2 : i32
        %add3A_250 = vector.broadcast %add3A_249 : i32 to vector<16xi32>
        %add3A_251 = arith.addi %mul3A_244, %add3A_250 : vector<16xi32>
        %gather3A_252 = tpu.vector_load_idx %arg8[%add3A_251] : memref<416xf32, #tpu.memory_space<vmem>>[vector<16xi32>], vector<16xf32>,
        %add3A_253 = arith.constant 3 : i32
        %add3A_254 = vector.broadcast %add3A_253 : i32 to vector<16xi32>
        %add3A_255 = arith.addi %mul3A_244, %add3A_254 : vector<16xi32>
        %gather3A_256 = tpu.vector_load_idx %arg8[%add3A_255] : memref<416xf32, #tpu.memory_space<vmem>>[vector<16xi32>], vector<16xf32>,
        %add3A_257 = arith.constant 4 : i32
        %add3A_258 = vector.broadcast %add3A_257 : i32 to vector<16xi32>
        %add3A_259 = arith.addi %mul3A_244, %add3A_258 : vector<16xi32>
        %gather3A_260 = tpu.vector_load_idx %arg8[%add3A_259] : memref<416xf32, #tpu.memory_space<vmem>>[vector<16xi32>], vector<16xf32>,
        %get3A_261 = arith.index_cast %add3A_232 : i32 to index
        %get3A_262 = tpu.vector_load %arg9[%get3A_261] {strides = array<i32>} : memref<8736xf32, #tpu.memory_space<vmem>>, vector<16xf32>,
        %get3A_263 = arith.index_cast %add3A_232 : i32 to index
        %get3A_264 = tpu.vector_load %arg10[%get3A_263] {strides = array<i32>} : memref<8736xf32, #tpu.memory_space<vmem>>, vector<16xf32>,
        %get3A_265 = arith.index_cast %add3A_232 : i32 to index
        %get3A_266 = tpu.vector_load %arg11[%get3A_265] {strides = array<i32>} : memref<8736xf32, #tpu.memory_space<vmem>>, vector<16xf32>,
        %get3A_267 = arith.index_cast %add3A_232 : i32 to index
        %get3A_268 = tpu.vector_load %arg12[%get3A_267] {strides = array<i32>} : memref<8736xf32, #tpu.memory_space<vmem>>, vector<16xf32>,
        %add3A_269 = arith.addf %gather3A, %gather3A_252 : vector<16xf32>
        %mul3A_270 = arith.constant 5.000000e-01 : f32
        %mul3A_271 = vector.broadcast %mul3A_270 : f32 to vector<16xf32>
        %mul3A_272 = arith.mulf %add3A_269, %mul3A_271 : vector<16xf32>
        %sub3A_273 = arith.subf %mul3A_272, %get3A_262 : vector<16xf32>
        %mul3A_274 = arith.constant 1.000000e-01 : f32
        %mul3A_275 = vector.broadcast %mul3A_274 : f32 to vector<16xf32>
        %mul3A_276 = arith.mulf %mul3A_275, %get3A_266 : vector<16xf32>
        %div3A = arith.divf %sub3A_273, %mul3A_276 : vector<16xf32>
        %add3A_277 = arith.addf %gather3A_248, %gather3A_256 : vector<16xf32>
        %mul3A_278 = arith.constant 5.000000e-01 : f32
        %mul3A_279 = vector.broadcast %mul3A_278 : f32 to vector<16xf32>
        %mul3A_280 = arith.mulf %add3A_277, %mul3A_279 : vector<16xf32>
        %sub3A_281 = arith.subf %mul3A_280, %get3A_264 : vector<16xf32>
        %mul3A_282 = arith.constant 1.000000e-01 : f32
        %mul3A_283 = vector.broadcast %mul3A_282 : f32 to vector<16xf32>
        %mul3A_284 = arith.mulf %mul3A_283, %get3A_268 : vector<16xf32>
        %div3A_285 = arith.divf %sub3A_281, %mul3A_284 : vector<16xf32>
        %sub3A_286 = arith.subf %gather3A_252, %gather3A : vector<16xf32>
        %div3A_287 = arith.divf %sub3A_286, %get3A_266 : vector<16xf32>
        %bitcast_convert_type3A_288 = tpu.bitcast %div3A_287 : vector<16xf32> -> vector<16xi32>
        %shift_right_logical3A = arith.constant 23 : i32
        %shift_right_logical3A_289 = vector.broadcast %shift_right_logical3A : i32 to vector<16xi32>
        %shift_right_logical3A_290 = arith.shrui %bitcast_convert_type3A_288, %shift_right_logical3A_289 : vector<16xi32>
        %sub3A_291 = arith.constant 127 : i32
        %sub3A_292 = vector.broadcast %sub3A_291 : i32 to vector<16xi32>
        %sub3A_293 = arith.subi %shift_right_logical3A_290, %sub3A_292 : vector<16xi32>
        %and3A = arith.constant 8388607 : i32
        %and3A_294 = vector.broadcast %and3A : i32 to vector<16xi32>
        %and3A_295 = arith.andi %bitcast_convert_type3A_288, %and3A_294 : vector<16xi32>
        %or3A = arith.constant 1065353216 : i32
        %or3A_296 = vector.broadcast %or3A : i32 to vector<16xi32>
        %or3A_297 = arith.ori %and3A_295, %or3A_296 : vector<16xi32>
        %bitcast_convert_type3A_298 = tpu.bitcast %or3A_297 : vector<16xi32> -> vector<16xf32>
        %gt3A = arith.constant 1.41421354 : f32
        %gt3A_299 = vector.broadcast %gt3A : f32 to vector<16xf32>
        %gt3A_300 = arith.cmpf ogt, %bitcast_convert_type3A_298, %gt3A_299 : vector<16xf32>
        %mul3A_301 = arith.constant 5.000000e-01 : f32
        %mul3A_302 = vector.broadcast %mul3A_301 : f32 to vector<16xf32>
        %mul3A_303 = arith.mulf %bitcast_convert_type3A_298, %mul3A_302 : vector<16xf32>
        %select_n3A_304 = arith.select %gt3A_300, %mul3A_303, %bitcast_convert_type3A_298 : vector<16xi1>, vector<16xf32>
        %jit3A_305 = arith.constant 1 : i32
        %jit3A_306 = arith.constant 0 : i32
        %broadcast_in_dim3A_307 = vector.broadcast %jit3A_305 : i32 to vector<16xi32>
        %broadcast_in_dim3A_308 = vector.broadcast %jit3A_306 : i32 to vector<16xi32>
        %select_n3A_309 = arith.select %gt3A_300, %broadcast_in_dim3A_307, %broadcast_in_dim3A_308 : vector<16xi1>, vector<16xi32>
        %add3A_310 = arith.addi %sub3A_293, %select_n3A_309 : vector<16xi32>
        %sub3A_311 = arith.constant 1.000000e+00 : f32
        %sub3A_312 = vector.broadcast %sub3A_311 : f32 to vector<16xf32>
        %sub3A_313 = arith.subf %select_n3A_304, %sub3A_312 : vector<16xf32>
        %add3A_314 = arith.constant 1.000000e+00 : f32
        %add3A_315 = vector.broadcast %add3A_314 : f32 to vector<16xf32>
        %add3A_316 = arith.addf %select_n3A_304, %add3A_315 : vector<16xf32>
        %div3A_317 = arith.divf %sub3A_313, %add3A_316 : vector<16xf32>
        %mul3A_318 = arith.mulf %div3A_317, %div3A_317 : vector<16xf32>
        %mul3A_319 = arith.constant 2.000000e+00 : f32
        %mul3A_320 = vector.broadcast %mul3A_319 : f32 to vector<16xf32>
        %mul3A_321 = arith.mulf %mul3A_320, %div3A_317 : vector<16xf32>
        %div3A_322 = arith.constant 9.000000e+00 : f32
        %div3A_323 = vector.broadcast %div3A_322 : f32 to vector<16xf32>
        %div3A_324 = arith.divf %mul3A_318, %div3A_323 : vector<16xf32>
        %add3A_325 = arith.constant 0.142857149 : f32
        %add3A_326 = vector.broadcast %add3A_325 : f32 to vector<16xf32>
        %add3A_327 = arith.addf %add3A_326, %div3A_324 : vector<16xf32>
        %mul3A_328 = arith.mulf %mul3A_318, %add3A_327 : vector<16xf32>
        %add3A_329 = arith.constant 2.000000e-01 : f32
        %add3A_330 = vector.broadcast %add3A_329 : f32 to vector<16xf32>
        %add3A_331 = arith.addf %add3A_330, %mul3A_328 : vector<16xf32>
        %mul3A_332 = arith.mulf %mul3A_318, %add3A_331 : vector<16xf32>
        %add3A_333 = arith.constant 0.333333343 : f32
        %add3A_334 = vector.broadcast %add3A_333 : f32 to vector<16xf32>
        %add3A_335 = arith.addf %add3A_334, %mul3A_332 : vector<16xf32>
        %mul3A_336 = arith.mulf %mul3A_318, %add3A_335 : vector<16xf32>
        %add3A_337 = arith.constant 1.000000e+00 : f32
        %add3A_338 = vector.broadcast %add3A_337 : f32 to vector<16xf32>
        %add3A_339 = arith.addf %add3A_338, %mul3A_336 : vector<16xf32>
        %mul3A_340 = arith.mulf %mul3A_321, %add3A_339 : vector<16xf32>
        %convert_element_type3A_341 = arith.sitofp %add3A_310 : vector<16xi32> to vector<16xf32>
        %mul3A_342 = arith.constant 0.693147182 : f32
        %mul3A_343 = vector.broadcast %mul3A_342 : f32 to vector<16xf32>
        %mul3A_344 = arith.mulf %convert_element_type3A_341, %mul3A_343 : vector<16xf32>
        %add3A_345 = arith.addf %mul3A_340, %mul3A_344 : vector<16xf32>
        %div3A_346 = arith.constant 2.000000e-01 : f32
        %div3A_347 = vector.broadcast %div3A_346 : f32 to vector<16xf32>
        %div3A_348 = arith.divf %add3A_345, %div3A_347 : vector<16xf32>
        %sub3A_349 = arith.subf %gather3A_256, %gather3A_248 : vector<16xf32>
        %div3A_350 = arith.divf %sub3A_349, %get3A_268 : vector<16xf32>
        %bitcast_convert_type3A_351 = tpu.bitcast %div3A_350 : vector<16xf32> -> vector<16xi32>
        %shift_right_logical3A_352 = arith.constant 23 : i32
        %shift_right_logical3A_353 = vector.broadcast %shift_right_logical3A_352 : i32 to vector<16xi32>
        %shift_right_logical3A_354 = arith.shrui %bitcast_convert_type3A_351, %shift_right_logical3A_353 : vector<16xi32>
        %sub3A_355 = arith.constant 127 : i32
        %sub3A_356 = vector.broadcast %sub3A_355 : i32 to vector<16xi32>
        %sub3A_357 = arith.subi %shift_right_logical3A_354, %sub3A_356 : vector<16xi32>
        %and3A_358 = arith.constant 8388607 : i32
        %and3A_359 = vector.broadcast %and3A_358 : i32 to vector<16xi32>
        %and3A_360 = arith.andi %bitcast_convert_type3A_351, %and3A_359 : vector<16xi32>
        %or3A_361 = arith.constant 1065353216 : i32
        %or3A_362 = vector.broadcast %or3A_361 : i32 to vector<16xi32>
        %or3A_363 = arith.ori %and3A_360, %or3A_362 : vector<16xi32>
        %bitcast_convert_type3A_364 = tpu.bitcast %or3A_363 : vector<16xi32> -> vector<16xf32>
        %gt3A_365 = arith.constant 1.41421354 : f32
        %gt3A_366 = vector.broadcast %gt3A_365 : f32 to vector<16xf32>
        %gt3A_367 = arith.cmpf ogt, %bitcast_convert_type3A_364, %gt3A_366 : vector<16xf32>
        %mul3A_368 = arith.constant 5.000000e-01 : f32
        %mul3A_369 = vector.broadcast %mul3A_368 : f32 to vector<16xf32>
        %mul3A_370 = arith.mulf %bitcast_convert_type3A_364, %mul3A_369 : vector<16xf32>
        %select_n3A_371 = arith.select %gt3A_367, %mul3A_370, %bitcast_convert_type3A_364 : vector<16xi1>, vector<16xf32>
        %jit3A_372 = arith.constant 1 : i32
        %jit3A_373 = arith.constant 0 : i32
        %broadcast_in_dim3A_374 = vector.broadcast %jit3A_372 : i32 to vector<16xi32>
        %broadcast_in_dim3A_375 = vector.broadcast %jit3A_373 : i32 to vector<16xi32>
        %select_n3A_376 = arith.select %gt3A_367, %broadcast_in_dim3A_374, %broadcast_in_dim3A_375 : vector<16xi1>, vector<16xi32>
        %add3A_377 = arith.addi %sub3A_357, %select_n3A_376 : vector<16xi32>
        %sub3A_378 = arith.constant 1.000000e+00 : f32
        %sub3A_379 = vector.broadcast %sub3A_378 : f32 to vector<16xf32>
        %sub3A_380 = arith.subf %select_n3A_371, %sub3A_379 : vector<16xf32>
        %add3A_381 = arith.constant 1.000000e+00 : f32
        %add3A_382 = vector.broadcast %add3A_381 : f32 to vector<16xf32>
        %add3A_383 = arith.addf %select_n3A_371, %add3A_382 : vector<16xf32>
        %div3A_384 = arith.divf %sub3A_380, %add3A_383 : vector<16xf32>
        %mul3A_385 = arith.mulf %div3A_384, %div3A_384 : vector<16xf32>
        %mul3A_386 = arith.constant 2.000000e+00 : f32
        %mul3A_387 = vector.broadcast %mul3A_386 : f32 to vector<16xf32>
        %mul3A_388 = arith.mulf %mul3A_387, %div3A_384 : vector<16xf32>
        %div3A_389 = arith.constant 9.000000e+00 : f32
        %div3A_390 = vector.broadcast %div3A_389 : f32 to vector<16xf32>
        %div3A_391 = arith.divf %mul3A_385, %div3A_390 : vector<16xf32>
        %add3A_392 = arith.constant 0.142857149 : f32
        %add3A_393 = vector.broadcast %add3A_392 : f32 to vector<16xf32>
        %add3A_394 = arith.addf %add3A_393, %div3A_391 : vector<16xf32>
        %mul3A_395 = arith.mulf %mul3A_385, %add3A_394 : vector<16xf32>
        %add3A_396 = arith.constant 2.000000e-01 : f32
        %add3A_397 = vector.broadcast %add3A_396 : f32 to vector<16xf32>
        %add3A_398 = arith.addf %add3A_397, %mul3A_395 : vector<16xf32>
        %mul3A_399 = arith.mulf %mul3A_385, %add3A_398 : vector<16xf32>
        %add3A_400 = arith.constant 0.333333343 : f32
        %add3A_401 = vector.broadcast %add3A_400 : f32 to vector<16xf32>
        %add3A_402 = arith.addf %add3A_401, %mul3A_399 : vector<16xf32>
        %mul3A_403 = arith.mulf %mul3A_385, %add3A_402 : vector<16xf32>
        %add3A_404 = arith.constant 1.000000e+00 : f32
        %add3A_405 = vector.broadcast %add3A_404 : f32 to vector<16xf32>
        %add3A_406 = arith.addf %add3A_405, %mul3A_403 : vector<16xf32>
        %mul3A_407 = arith.mulf %mul3A_388, %add3A_406 : vector<16xf32>
        %convert_element_type3A_408 = arith.sitofp %add3A_377 : vector<16xi32> to vector<16xf32>
        %mul3A_409 = arith.constant 0.693147182 : f32
        %mul3A_410 = vector.broadcast %mul3A_409 : f32 to vector<16xf32>
        %mul3A_411 = arith.mulf %convert_element_type3A_408, %mul3A_410 : vector<16xf32>
        %add3A_412 = arith.addf %mul3A_407, %mul3A_411 : vector<16xf32>
        %div3A_413 = arith.constant 2.000000e-01 : f32
        %div3A_414 = vector.broadcast %div3A_413 : f32 to vector<16xf32>
        %div3A_415 = arith.divf %add3A_412, %div3A_414 : vector<16xf32>
        %mul3A_416 = arith.constant 16 : i32
        %mul3A_417 = arith.muli %scan3A_224, %mul3A_416 : i32
        %add3A_418 = vector.broadcast %mul3A_417 : i32 to vector<16xi32>
        %add3A_419 = arith.addi %iota3A, %add3A_418 : vector<16xi32>
        %mul3A_420 = arith.constant 4 : i32
        %mul3A_421 = vector.broadcast %mul3A_420 : i32 to vector<16xi32>
        %mul3A_422 = arith.muli %add3A_419, %mul3A_421 : vector<16xi32>
        %gather3A_423 = tpu.vector_load_idx %arg14[%mul3A_422] : memref<448xf32, #tpu.memory_space<vmem>>[vector<16xi32>], vector<16xf32>,
        %sub3A_424 = arith.subf %gather3A_423, %div3A : vector<16xf32>
        %abs3A = math.absf %sub3A_424 : vector<16xf32>
        %lt3A_425 = arith.constant 1.000000e+00 : f32
        %lt3A_426 = vector.broadcast %lt3A_425 : f32 to vector<16xf32>
        %lt3A_427 = arith.cmpf olt, %abs3A, %lt3A_426 : vector<16xf32>
        %mul3A_428 = arith.constant 5.000000e-01 : f32
        %mul3A_429 = vector.broadcast %mul3A_428 : f32 to vector<16xf32>
        %mul3A_430 = arith.mulf %mul3A_429, %sub3A_424 : vector<16xf32>
        %mul3A_431 = arith.mulf %mul3A_430, %sub3A_424 : vector<16xf32>
        %sub3A_432 = arith.constant 5.000000e-01 : f32
        %sub3A_433 = vector.broadcast %sub3A_432 : f32 to vector<16xf32>
        %sub3A_434 = arith.subf %abs3A, %sub3A_433 : vector<16xf32>
        %select_n3A_435 = arith.select %lt3A_427, %mul3A_431, %sub3A_434 : vector<16xi1>, vector<16xf32>
        %add3A_436 = arith.constant 1 : i32
        %add3A_437 = vector.broadcast %add3A_436 : i32 to vector<16xi32>
        %add3A_438 = arith.addi %mul3A_422, %add3A_437 : vector<16xi32>
        %gather3A_439 = tpu.vector_load_idx %arg14[%add3A_438] : memref<448xf32, #tpu.memory_space<vmem>>[vector<16xi32>], vector<16xf32>,
        %sub3A_440 = arith.subf %gather3A_439, %div3A_285 : vector<16xf32>
        %abs3A_441 = math.absf %sub3A_440 : vector<16xf32>
        %lt3A_442 = arith.constant 1.000000e+00 : f32
        %lt3A_443 = vector.broadcast %lt3A_442 : f32 to vector<16xf32>
        %lt3A_444 = arith.cmpf olt, %abs3A_441, %lt3A_443 : vector<16xf32>
        %mul3A_445 = arith.constant 5.000000e-01 : f32
        %mul3A_446 = vector.broadcast %mul3A_445 : f32 to vector<16xf32>
        %mul3A_447 = arith.mulf %mul3A_446, %sub3A_440 : vector<16xf32>
        %mul3A_448 = arith.mulf %mul3A_447, %sub3A_440 : vector<16xf32>
        %sub3A_449 = arith.constant 5.000000e-01 : f32
        %sub3A_450 = vector.broadcast %sub3A_449 : f32 to vector<16xf32>
        %sub3A_451 = arith.subf %abs3A_441, %sub3A_450 : vector<16xf32>
        %select_n3A_452 = arith.select %lt3A_444, %mul3A_448, %sub3A_451 : vector<16xi1>, vector<16xf32>
        %add3A_453 = arith.addf %select_n3A_435, %select_n3A_452 : vector<16xf32>
        %add3A_454 = arith.constant 2 : i32
        %add3A_455 = vector.broadcast %add3A_454 : i32 to vector<16xi32>
        %add3A_456 = arith.addi %mul3A_422, %add3A_455 : vector<16xi32>
        %gather3A_457 = tpu.vector_load_idx %arg14[%add3A_456] : memref<448xf32, #tpu.memory_space<vmem>>[vector<16xi32>], vector<16xf32>,
        %sub3A_458 = arith.subf %gather3A_457, %div3A_348 : vector<16xf32>
        %abs3A_459 = math.absf %sub3A_458 : vector<16xf32>
        %lt3A_460 = arith.constant 1.000000e+00 : f32
        %lt3A_461 = vector.broadcast %lt3A_460 : f32 to vector<16xf32>
        %lt3A_462 = arith.cmpf olt, %abs3A_459, %lt3A_461 : vector<16xf32>
        %mul3A_463 = arith.constant 5.000000e-01 : f32
        %mul3A_464 = vector.broadcast %mul3A_463 : f32 to vector<16xf32>
        %mul3A_465 = arith.mulf %mul3A_464, %sub3A_458 : vector<16xf32>
        %mul3A_466 = arith.mulf %mul3A_465, %sub3A_458 : vector<16xf32>
        %sub3A_467 = arith.constant 5.000000e-01 : f32
        %sub3A_468 = vector.broadcast %sub3A_467 : f32 to vector<16xf32>
        %sub3A_469 = arith.subf %abs3A_459, %sub3A_468 : vector<16xf32>
        %select_n3A_470 = arith.select %lt3A_462, %mul3A_466, %sub3A_469 : vector<16xi1>, vector<16xf32>
        %add3A_471 = arith.addf %add3A_453, %select_n3A_470 : vector<16xf32>
        %add3A_472 = arith.constant 3 : i32
        %add3A_473 = vector.broadcast %add3A_472 : i32 to vector<16xi32>
        %add3A_474 = arith.addi %mul3A_422, %add3A_473 : vector<16xi32>
        %gather3A_475 = tpu.vector_load_idx %arg14[%add3A_474] : memref<448xf32, #tpu.memory_space<vmem>>[vector<16xi32>], vector<16xf32>,
        %sub3A_476 = arith.subf %gather3A_475, %div3A_415 : vector<16xf32>
        %abs3A_477 = math.absf %sub3A_476 : vector<16xf32>
        %lt3A_478 = arith.constant 1.000000e+00 : f32
        %lt3A_479 = vector.broadcast %lt3A_478 : f32 to vector<16xf32>
        %lt3A_480 = arith.cmpf olt, %abs3A_477, %lt3A_479 : vector<16xf32>
        %mul3A_481 = arith.constant 5.000000e-01 : f32
        %mul3A_482 = vector.broadcast %mul3A_481 : f32 to vector<16xf32>
        %mul3A_483 = arith.mulf %mul3A_482, %sub3A_476 : vector<16xf32>
        %mul3A_484 = arith.mulf %mul3A_483, %sub3A_476 : vector<16xf32>
        %sub3A_485 = arith.constant 5.000000e-01 : f32
        %sub3A_486 = vector.broadcast %sub3A_485 : f32 to vector<16xf32>
        %sub3A_487 = arith.subf %abs3A_477, %sub3A_486 : vector<16xf32>
        %select_n3A_488 = arith.select %lt3A_480, %mul3A_484, %sub3A_487 : vector<16xi1>, vector<16xf32>
        %add3A_489 = arith.addf %add3A_471, %select_n3A_488 : vector<16xf32>
        %jit3A_490 = arith.constant 0.000000e+00 : f32
        %broadcast_in_dim3A_491 = vector.broadcast %jit3A_490 : f32 to vector<16xf32>
        %select_n3A_492 = arith.select %not3A_241, %add3A_489, %broadcast_in_dim3A_491 : vector<16xi1>, vector<16xf32>
        %add3A_493 = arith.addf %scan3A_225, %select_n3A_492 : vector<16xf32>
        %jit3A_494 = arith.constant 1 : i32
        %jit3A_495 = arith.constant 0 : i32
        %broadcast_in_dim3A_496 = vector.broadcast %jit3A_494 : i32 to vector<16xi32>
        %broadcast_in_dim3A_497 = vector.broadcast %jit3A_495 : i32 to vector<16xi32>
        %select_n3A_498 = arith.select %not3A_241, %broadcast_in_dim3A_496, %broadcast_in_dim3A_497 : vector<16xi1>, vector<16xi32>
        %add3A_499 = arith.addi %scan3A_226, %select_n3A_498 : vector<16xi32>
        %mul3A_500 = arith.constant 16 : i32
        %mul3A_501 = arith.muli %scan3A_224, %mul3A_500 : i32
        %add3A_502 = vector.broadcast %mul3A_501 : i32 to vector<16xi32>
        %add3A_503 = arith.addi %iota3A, %add3A_502 : vector<16xi32>
        %broadcast_in_dim3A_504 = arith.constant 0 : i32
        %broadcast_in_dim3A_505 = vector.broadcast %broadcast_in_dim3A_504 : i32 to vector<16xi32>
        %gather3A_506 = tpu.vector_load_idx %arg17[%add3A_503, %broadcast_in_dim3A_505] : memref<112x21xf32, #tpu.memory_space<vmem>>[vector<16xi32>, vector<16xi32>], vector<16xf32>,
        %broadcast_in_dim3A_507 = arith.constant 1 : i32
        %broadcast_in_dim3A_508 = vector.broadcast %broadcast_in_dim3A_507 : i32 to vector<16xi32>
        %gather3A_509 = tpu.vector_load_idx %arg17[%add3A_503, %broadcast_in_dim3A_508] : memref<112x21xf32, #tpu.memory_space<vmem>>[vector<16xi32>, vector<16xi32>], vector<16xf32>,
        %broadcast_in_dim3A_510 = arith.constant 2 : i32
        %broadcast_in_dim3A_511 = vector.broadcast %broadcast_in_dim3A_510 : i32 to vector<16xi32>
        %gather3A_512 = tpu.vector_load_idx %arg17[%add3A_503, %broadcast_in_dim3A_511] : memref<112x21xf32, #tpu.memory_space<vmem>>[vector<16xi32>, vector<16xi32>], vector<16xf32>,
        %broadcast_in_dim3A_513 = arith.constant 3 : i32
        %broadcast_in_dim3A_514 = vector.broadcast %broadcast_in_dim3A_513 : i32 to vector<16xi32>
        %gather3A_515 = tpu.vector_load_idx %arg17[%add3A_503, %broadcast_in_dim3A_514] : memref<112x21xf32, #tpu.memory_space<vmem>>[vector<16xi32>, vector<16xi32>], vector<16xf32>,
        %broadcast_in_dim3A_516 = arith.constant 4 : i32
        %broadcast_in_dim3A_517 = vector.broadcast %broadcast_in_dim3A_516 : i32 to vector<16xi32>
        %gather3A_518 = tpu.vector_load_idx %arg17[%add3A_503, %broadcast_in_dim3A_517] : memref<112x21xf32, #tpu.memory_space<vmem>>[vector<16xi32>, vector<16xi32>], vector<16xf32>,
        %broadcast_in_dim3A_519 = arith.constant 5 : i32
        %broadcast_in_dim3A_520 = vector.broadcast %broadcast_in_dim3A_519 : i32 to vector<16xi32>
        %gather3A_521 = tpu.vector_load_idx %arg17[%add3A_503, %broadcast_in_dim3A_520] : memref<112x21xf32, #tpu.memory_space<vmem>>[vector<16xi32>, vector<16xi32>], vector<16xf32>,
        %broadcast_in_dim3A_522 = arith.constant 6 : i32
        %broadcast_in_dim3A_523 = vector.broadcast %broadcast_in_dim3A_522 : i32 to vector<16xi32>
        %gather3A_524 = tpu.vector_load_idx %arg17[%add3A_503, %broadcast_in_dim3A_523] : memref<112x21xf32, #tpu.memory_space<vmem>>[vector<16xi32>, vector<16xi32>], vector<16xf32>,
        %broadcast_in_dim3A_525 = arith.constant 7 : i32
        %broadcast_in_dim3A_526 = vector.broadcast %broadcast_in_dim3A_525 : i32 to vector<16xi32>
        %gather3A_527 = tpu.vector_load_idx %arg17[%add3A_503, %broadcast_in_dim3A_526] : memref<112x21xf32, #tpu.memory_space<vmem>>[vector<16xi32>, vector<16xi32>], vector<16xf32>,
        %broadcast_in_dim3A_528 = arith.constant 8 : i32
        %broadcast_in_dim3A_529 = vector.broadcast %broadcast_in_dim3A_528 : i32 to vector<16xi32>
        %gather3A_530 = tpu.vector_load_idx %arg17[%add3A_503, %broadcast_in_dim3A_529] : memref<112x21xf32, #tpu.memory_space<vmem>>[vector<16xi32>, vector<16xi32>], vector<16xf32>,
        %broadcast_in_dim3A_531 = arith.constant 9 : i32
        %broadcast_in_dim3A_532 = vector.broadcast %broadcast_in_dim3A_531 : i32 to vector<16xi32>
        %gather3A_533 = tpu.vector_load_idx %arg17[%add3A_503, %broadcast_in_dim3A_532] : memref<112x21xf32, #tpu.memory_space<vmem>>[vector<16xi32>, vector<16xi32>], vector<16xf32>,
        %broadcast_in_dim3A_534 = arith.constant 10 : i32
        %broadcast_in_dim3A_535 = vector.broadcast %broadcast_in_dim3A_534 : i32 to vector<16xi32>
        %gather3A_536 = tpu.vector_load_idx %arg17[%add3A_503, %broadcast_in_dim3A_535] : memref<112x21xf32, #tpu.memory_space<vmem>>[vector<16xi32>, vector<16xi32>], vector<16xf32>,
        %broadcast_in_dim3A_537 = arith.constant 11 : i32
        %broadcast_in_dim3A_538 = vector.broadcast %broadcast_in_dim3A_537 : i32 to vector<16xi32>
        %gather3A_539 = tpu.vector_load_idx %arg17[%add3A_503, %broadcast_in_dim3A_538] : memref<112x21xf32, #tpu.memory_space<vmem>>[vector<16xi32>, vector<16xi32>], vector<16xf32>,
        %broadcast_in_dim3A_540 = arith.constant 12 : i32
        %broadcast_in_dim3A_541 = vector.broadcast %broadcast_in_dim3A_540 : i32 to vector<16xi32>
        %gather3A_542 = tpu.vector_load_idx %arg17[%add3A_503, %broadcast_in_dim3A_541] : memref<112x21xf32, #tpu.memory_space<vmem>>[vector<16xi32>, vector<16xi32>], vector<16xf32>,
        %broadcast_in_dim3A_543 = arith.constant 13 : i32
        %broadcast_in_dim3A_544 = vector.broadcast %broadcast_in_dim3A_543 : i32 to vector<16xi32>
        %gather3A_545 = tpu.vector_load_idx %arg17[%add3A_503, %broadcast_in_dim3A_544] : memref<112x21xf32, #tpu.memory_space<vmem>>[vector<16xi32>, vector<16xi32>], vector<16xf32>,
        %broadcast_in_dim3A_546 = arith.constant 14 : i32
        %broadcast_in_dim3A_547 = vector.broadcast %broadcast_in_dim3A_546 : i32 to vector<16xi32>
        %gather3A_548 = tpu.vector_load_idx %arg17[%add3A_503, %broadcast_in_dim3A_547] : memref<112x21xf32, #tpu.memory_space<vmem>>[vector<16xi32>, vector<16xi32>], vector<16xf32>,
        %broadcast_in_dim3A_549 = arith.constant 15 : i32
        %broadcast_in_dim3A_550 = vector.broadcast %broadcast_in_dim3A_549 : i32 to vector<16xi32>
        %gather3A_551 = tpu.vector_load_idx %arg17[%add3A_503, %broadcast_in_dim3A_550] : memref<112x21xf32, #tpu.memory_space<vmem>>[vector<16xi32>, vector<16xi32>], vector<16xf32>,
        %broadcast_in_dim3A_552 = arith.constant 16 : i32
        %broadcast_in_dim3A_553 = vector.broadcast %broadcast_in_dim3A_552 : i32 to vector<16xi32>
        %gather3A_554 = tpu.vector_load_idx %arg17[%add3A_503, %broadcast_in_dim3A_553] : memref<112x21xf32, #tpu.memory_space<vmem>>[vector<16xi32>, vector<16xi32>], vector<16xf32>,
        %broadcast_in_dim3A_555 = arith.constant 17 : i32
        %broadcast_in_dim3A_556 = vector.broadcast %broadcast_in_dim3A_555 : i32 to vector<16xi32>
        %gather3A_557 = tpu.vector_load_idx %arg17[%add3A_503, %broadcast_in_dim3A_556] : memref<112x21xf32, #tpu.memory_space<vmem>>[vector<16xi32>, vector<16xi32>], vector<16xf32>,
        %broadcast_in_dim3A_558 = arith.constant 18 : i32
        %broadcast_in_dim3A_559 = vector.broadcast %broadcast_in_dim3A_558 : i32 to vector<16xi32>
        %gather3A_560 = tpu.vector_load_idx %arg17[%add3A_503, %broadcast_in_dim3A_559] : memref<112x21xf32, #tpu.memory_space<vmem>>[vector<16xi32>, vector<16xi32>], vector<16xf32>,
        %broadcast_in_dim3A_561 = arith.constant 19 : i32
        %broadcast_in_dim3A_562 = vector.broadcast %broadcast_in_dim3A_561 : i32 to vector<16xi32>
        %gather3A_563 = tpu.vector_load_idx %arg17[%add3A_503, %broadcast_in_dim3A_562] : memref<112x21xf32, #tpu.memory_space<vmem>>[vector<16xi32>, vector<16xi32>], vector<16xf32>,
        %broadcast_in_dim3A_564 = arith.constant 20 : i32
        %broadcast_in_dim3A_565 = vector.broadcast %broadcast_in_dim3A_564 : i32 to vector<16xi32>
        %gather3A_566 = tpu.vector_load_idx %arg17[%add3A_503, %broadcast_in_dim3A_565] : memref<112x21xf32, #tpu.memory_space<vmem>>[vector<16xi32>, vector<16xi32>], vector<16xf32>,
        %max3A = arith.maximumf %gather3A_506, %gather3A_509 : vector<16xf32>
        %max3A_567 = arith.maximumf %gather3A_512, %gather3A_515 : vector<16xf32>
        %max3A_568 = arith.maximumf %gather3A_518, %gather3A_521 : vector<16xf32>
        %max3A_569 = arith.maximumf %gather3A_524, %gather3A_527 : vector<16xf32>
        %max3A_570 = arith.maximumf %gather3A_530, %gather3A_533 : vector<16xf32>
        %max3A_571 = arith.maximumf %gather3A_536, %gather3A_539 : vector<16xf32>
        %max3A_572 = arith.maximumf %gather3A_542, %gather3A_545 : vector<16xf32>
        %max3A_573 = arith.maximumf %gather3A_548, %gather3A_551 : vector<16xf32>
        %max3A_574 = arith.maximumf %gather3A_554, %gather3A_557 : vector<16xf32>
        %max3A_575 = arith.maximumf %gather3A_560, %gather3A_563 : vector<16xf32>
        %max3A_576 = arith.maximumf %max3A, %max3A_567 : vector<16xf32>
        %max3A_577 = arith.maximumf %max3A_568, %max3A_569 : vector<16xf32>
        %max3A_578 = arith.maximumf %max3A_570, %max3A_571 : vector<16xf32>
        %max3A_579 = arith.maximumf %max3A_572, %max3A_573 : vector<16xf32>
        %max3A_580 = arith.maximumf %max3A_574, %max3A_575 : vector<16xf32>
        %max3A_581 = arith.maximumf %max3A_576, %max3A_577 : vector<16xf32>
        %max3A_582 = arith.maximumf %max3A_578, %max3A_579 : vector<16xf32>
        %max3A_583 = arith.maximumf %max3A_580, %gather3A_566 : vector<16xf32>
        %max3A_584 = arith.maximumf %max3A_581, %max3A_582 : vector<16xf32>
        %max3A_585 = arith.maximumf %max3A_584, %max3A_583 : vector<16xf32>
        %sub3A_586 = arith.subf %gather3A_506, %max3A_585 : vector<16xf32>
        %exp3A = math.exp %sub3A_586 : vector<16xf32>
        %sub3A_587 = arith.subf %gather3A_509, %max3A_585 : vector<16xf32>
        %exp3A_588 = math.exp %sub3A_587 : vector<16xf32>
        %sub3A_589 = arith.subf %gather3A_512, %max3A_585 : vector<16xf32>
        %exp3A_590 = math.exp %sub3A_589 : vector<16xf32>
        %sub3A_591 = arith.subf %gather3A_515, %max3A_585 : vector<16xf32>
        %exp3A_592 = math.exp %sub3A_591 : vector<16xf32>
        %sub3A_593 = arith.subf %gather3A_518, %max3A_585 : vector<16xf32>
        %exp3A_594 = math.exp %sub3A_593 : vector<16xf32>
        %sub3A_595 = arith.subf %gather3A_521, %max3A_585 : vector<16xf32>
        %exp3A_596 = math.exp %sub3A_595 : vector<16xf32>
        %sub3A_597 = arith.subf %gather3A_524, %max3A_585 : vector<16xf32>
        %exp3A_598 = math.exp %sub3A_597 : vector<16xf32>
        %sub3A_599 = arith.subf %gather3A_527, %max3A_585 : vector<16xf32>
        %exp3A_600 = math.exp %sub3A_599 : vector<16xf32>
        %sub3A_601 = arith.subf %gather3A_530, %max3A_585 : vector<16xf32>
        %exp3A_602 = math.exp %sub3A_601 : vector<16xf32>
        %sub3A_603 = arith.subf %gather3A_533, %max3A_585 : vector<16xf32>
        %exp3A_604 = math.exp %sub3A_603 : vector<16xf32>
        %sub3A_605 = arith.subf %gather3A_536, %max3A_585 : vector<16xf32>
        %exp3A_606 = math.exp %sub3A_605 : vector<16xf32>
        %sub3A_607 = arith.subf %gather3A_539, %max3A_585 : vector<16xf32>
        %exp3A_608 = math.exp %sub3A_607 : vector<16xf32>
        %sub3A_609 = arith.subf %gather3A_542, %max3A_585 : vector<16xf32>
        %exp3A_610 = math.exp %sub3A_609 : vector<16xf32>
        %sub3A_611 = arith.subf %gather3A_545, %max3A_585 : vector<16xf32>
        %exp3A_612 = math.exp %sub3A_611 : vector<16xf32>
        %sub3A_613 = arith.subf %gather3A_548, %max3A_585 : vector<16xf32>
        %exp3A_614 = math.exp %sub3A_613 : vector<16xf32>
        %sub3A_615 = arith.subf %gather3A_551, %max3A_585 : vector<16xf32>
        %exp3A_616 = math.exp %sub3A_615 : vector<16xf32>
        %sub3A_617 = arith.subf %gather3A_554, %max3A_585 : vector<16xf32>
        %exp3A_618 = math.exp %sub3A_617 : vector<16xf32>
        %sub3A_619 = arith.subf %gather3A_557, %max3A_585 : vector<16xf32>
        %exp3A_620 = math.exp %sub3A_619 : vector<16xf32>
        %sub3A_621 = arith.subf %gather3A_560, %max3A_585 : vector<16xf32>
        %exp3A_622 = math.exp %sub3A_621 : vector<16xf32>
        %sub3A_623 = arith.subf %gather3A_563, %max3A_585 : vector<16xf32>
        %exp3A_624 = math.exp %sub3A_623 : vector<16xf32>
        %sub3A_625 = arith.subf %gather3A_566, %max3A_585 : vector<16xf32>
        %exp3A_626 = math.exp %sub3A_625 : vector<16xf32>
        %add3A_627 = arith.addf %exp3A, %exp3A_588 : vector<16xf32>
        %add3A_628 = arith.addf %exp3A_590, %exp3A_592 : vector<16xf32>
        %add3A_629 = arith.addf %exp3A_594, %exp3A_596 : vector<16xf32>
        %add3A_630 = arith.addf %exp3A_598, %exp3A_600 : vector<16xf32>
        %add3A_631 = arith.addf %exp3A_602, %exp3A_604 : vector<16xf32>
        %add3A_632 = arith.addf %exp3A_606, %exp3A_608 : vector<16xf32>
        %add3A_633 = arith.addf %exp3A_610, %exp3A_612 : vector<16xf32>
        %add3A_634 = arith.addf %exp3A_614, %exp3A_616 : vector<16xf32>
        %add3A_635 = arith.addf %exp3A_618, %exp3A_620 : vector<16xf32>
        %add3A_636 = arith.addf %exp3A_622, %exp3A_624 : vector<16xf32>
        %add3A_637 = arith.addf %add3A_627, %add3A_628 : vector<16xf32>
        %add3A_638 = arith.addf %add3A_629, %add3A_630 : vector<16xf32>
        %add3A_639 = arith.addf %add3A_631, %add3A_632 : vector<16xf32>
        %add3A_640 = arith.addf %add3A_633, %add3A_634 : vector<16xf32>
        %add3A_641 = arith.addf %add3A_635, %add3A_636 : vector<16xf32>
        %add3A_642 = arith.addf %add3A_637, %add3A_638 : vector<16xf32>
        %add3A_643 = arith.addf %add3A_639, %add3A_640 : vector<16xf32>
        %add3A_644 = arith.addf %add3A_641, %exp3A_626 : vector<16xf32>
        %add3A_645 = arith.addf %add3A_642, %add3A_643 : vector<16xf32>
        %add3A_646 = arith.addf %add3A_645, %add3A_644 : vector<16xf32>
        %bitcast_convert_type3A_647 = tpu.bitcast %add3A_646 : vector<16xf32> -> vector<16xi32>
        %shift_right_logical3A_648 = arith.constant 23 : i32
        %shift_right_logical3A_649 = vector.broadcast %shift_right_logical3A_648 : i32 to vector<16xi32>
        %shift_right_logical3A_650 = arith.shrui %bitcast_convert_type3A_647, %shift_right_logical3A_649 : vector<16xi32>
        %sub3A_651 = arith.constant 127 : i32
        %sub3A_652 = vector.broadcast %sub3A_651 : i32 to vector<16xi32>
        %sub3A_653 = arith.subi %shift_right_logical3A_650, %sub3A_652 : vector<16xi32>
        %and3A_654 = arith.constant 8388607 : i32
        %and3A_655 = vector.broadcast %and3A_654 : i32 to vector<16xi32>
        %and3A_656 = arith.andi %bitcast_convert_type3A_647, %and3A_655 : vector<16xi32>
        %or3A_657 = arith.constant 1065353216 : i32
        %or3A_658 = vector.broadcast %or3A_657 : i32 to vector<16xi32>
        %or3A_659 = arith.ori %and3A_656, %or3A_658 : vector<16xi32>
        %bitcast_convert_type3A_660 = tpu.bitcast %or3A_659 : vector<16xi32> -> vector<16xf32>
        %gt3A_661 = arith.constant 1.41421354 : f32
        %gt3A_662 = vector.broadcast %gt3A_661 : f32 to vector<16xf32>
        %gt3A_663 = arith.cmpf ogt, %bitcast_convert_type3A_660, %gt3A_662 : vector<16xf32>
        %mul3A_664 = arith.constant 5.000000e-01 : f32
        %mul3A_665 = vector.broadcast %mul3A_664 : f32 to vector<16xf32>
        %mul3A_666 = arith.mulf %bitcast_convert_type3A_660, %mul3A_665 : vector<16xf32>
        %select_n3A_667 = arith.select %gt3A_663, %mul3A_666, %bitcast_convert_type3A_660 : vector<16xi1>, vector<16xf32>
        %jit3A_668 = arith.constant 1 : i32
        %jit3A_669 = arith.constant 0 : i32
        %broadcast_in_dim3A_670 = vector.broadcast %jit3A_668 : i32 to vector<16xi32>
        %broadcast_in_dim3A_671 = vector.broadcast %jit3A_669 : i32 to vector<16xi32>
        %select_n3A_672 = arith.select %gt3A_663, %broadcast_in_dim3A_670, %broadcast_in_dim3A_671 : vector<16xi1>, vector<16xi32>
        %add3A_673 = arith.addi %sub3A_653, %select_n3A_672 : vector<16xi32>
        %sub3A_674 = arith.constant 1.000000e+00 : f32
        %sub3A_675 = vector.broadcast %sub3A_674 : f32 to vector<16xf32>
        %sub3A_676 = arith.subf %select_n3A_667, %sub3A_675 : vector<16xf32>
        %add3A_677 = arith.constant 1.000000e+00 : f32
        %add3A_678 = vector.broadcast %add3A_677 : f32 to vector<16xf32>
        %add3A_679 = arith.addf %select_n3A_667, %add3A_678 : vector<16xf32>
        %div3A_680 = arith.divf %sub3A_676, %add3A_679 : vector<16xf32>
        %mul3A_681 = arith.mulf %div3A_680, %div3A_680 : vector<16xf32>
        %mul3A_682 = arith.constant 2.000000e+00 : f32
        %mul3A_683 = vector.broadcast %mul3A_682 : f32 to vector<16xf32>
        %mul3A_684 = arith.mulf %mul3A_683, %div3A_680 : vector<16xf32>
        %div3A_685 = arith.constant 9.000000e+00 : f32
        %div3A_686 = vector.broadcast %div3A_685 : f32 to vector<16xf32>
        %div3A_687 = arith.divf %mul3A_681, %div3A_686 : vector<16xf32>
        %add3A_688 = arith.constant 0.142857149 : f32
        %add3A_689 = vector.broadcast %add3A_688 : f32 to vector<16xf32>
        %add3A_690 = arith.addf %add3A_689, %div3A_687 : vector<16xf32>
        %mul3A_691 = arith.mulf %mul3A_681, %add3A_690 : vector<16xf32>
        %add3A_692 = arith.constant 2.000000e-01 : f32
        %add3A_693 = vector.broadcast %add3A_692 : f32 to vector<16xf32>
        %add3A_694 = arith.addf %add3A_693, %mul3A_691 : vector<16xf32>
        %mul3A_695 = arith.mulf %mul3A_681, %add3A_694 : vector<16xf32>
        %add3A_696 = arith.constant 0.333333343 : f32
        %add3A_697 = vector.broadcast %add3A_696 : f32 to vector<16xf32>
        %add3A_698 = arith.addf %add3A_697, %mul3A_695 : vector<16xf32>
        %mul3A_699 = arith.mulf %mul3A_681, %add3A_698 : vector<16xf32>
        %add3A_700 = arith.constant 1.000000e+00 : f32
        %add3A_701 = vector.broadcast %add3A_700 : f32 to vector<16xf32>
        %add3A_702 = arith.addf %add3A_701, %mul3A_699 : vector<16xf32>
        %mul3A_703 = arith.mulf %mul3A_684, %add3A_702 : vector<16xf32>
        %convert_element_type3A_704 = arith.sitofp %add3A_673 : vector<16xi32> to vector<16xf32>
        %mul3A_705 = arith.constant 0.693147182 : f32
        %mul3A_706 = vector.broadcast %mul3A_705 : f32 to vector<16xf32>
        %mul3A_707 = arith.mulf %convert_element_type3A_704, %mul3A_706 : vector<16xf32>
        %add3A_708 = arith.addf %mul3A_703, %mul3A_707 : vector<16xf32>
        %add3A_709 = arith.addf %add3A_708, %max3A_585 : vector<16xf32>
        %add3A_710 = arith.constant 1.000000e+00 : f32
        %add3A_711 = vector.broadcast %add3A_710 : f32 to vector<16xf32>
        %add3A_712 = arith.addf %gather3A_260, %add3A_711 : vector<16xf32>
        %convert_element_type3A_713 = arith.fptosi %add3A_712 : vector<16xf32> to vector<16xi32>
        %jit3A_714 = arith.constant 0 : i32
        %broadcast_in_dim3A_715 = vector.broadcast %jit3A_714 : i32 to vector<16xi32>
        %select_n3A_716 = arith.select %not3A_241, %convert_element_type3A_713, %broadcast_in_dim3A_715 : vector<16xi1>, vector<16xi32>
        %gather3A_717 = tpu.vector_load_idx %arg17[%add3A_503, %select_n3A_716] : memref<112x21xf32, #tpu.memory_space<vmem>>[vector<16xi32>, vector<16xi32>], vector<16xf32>,
        %sub3A_718 = arith.subf %add3A_709, %gather3A_717 : vector<16xf32>
        %add3A_719 = vector.broadcast %add3A_232 : i32 to vector<16xi32>
        %add3A_720 = arith.addi %add3A_719, %iota3A : vector<16xi32>
        %lt3A_721 = arith.constant 8732 : i32
        %lt3A_722 = vector.broadcast %lt3A_721 : i32 to vector<16xi32>
        %lt3A_723 = arith.cmpi slt, %add3A_720, %lt3A_722 : vector<16xi32>
        %not3A_724 = arith.constant dense<true> : vector<16xi1>
        %not3A_725 = arith.xori %lt3A_723, %not3A_724 : vector<16xi1>
        %or3A_726 = arith.ori %not3A_241, %not3A_725 : vector<16xi1>
        %max3A_727 = arith.constant 0.000000e+00 : f32
        %max3A_728 = vector.broadcast %max3A_727 : f32 to vector<16xf32>
        %max3A_729 = arith.maximumf %sub3A_718, %max3A_728 : vector<16xf32>
        %jit3A_730 = arith.constant 0.000000e+00 : f32
        %broadcast_in_dim3A_731 = vector.broadcast %jit3A_730 : f32 to vector<16xf32>
        %select_n3A_732 = arith.select %or3A_726, %broadcast_in_dim3A_731, %max3A_729 : vector<16xi1>, vector<16xf32>
        %add3A_733 = arith.constant 17472 : i32
        %add3A_734 = arith.addi %add3A_733, %add3A_232 : i32
        %swap3A_735 = arith.index_cast %add3A_734 : i32 to index
        %swap3A_736 = tpu.vector_load %arg15[%swap3A_735] {strides = array<i32>} : memref<26208xf32, #tpu.memory_space<vmem>>, vector<16xf32>,
        tpu.vector_store %arg15[%swap3A_735], %select_n3A_732 {strides = array<i32>} : memref<26208xf32, #tpu.memory_space<vmem>>, vector<16xf32>,
        %jit3A_737 = arith.constant 0.000000e+00 : f32
        %broadcast_in_dim3A_738 = vector.broadcast %jit3A_737 : f32 to vector<16xf32>
        %select_n3A_739 = arith.select %not3A_241, %sub3A_718, %broadcast_in_dim3A_738 : vector<16xi1>, vector<16xf32>
        %add3A_740 = arith.addf %scan3A_227, %select_n3A_739 : vector<16xf32>
        scf.yield %add3A_493, %add3A_499, %add3A_740 : vector<16xf32>, vector<16xi32>, vector<16xf32>
      }
      %scan3A_223 = arith.constant 7 : i32
      scf.yield %scan3A_222#0, %scan3A_222#1, %scan3A_222#2 : vector<16xf32>, vector<16xi32>, vector<16xf32>
    }
    %scan3A_49 = arith.constant 38 : i32
    %dma_wait3A = arith.constant 8512 : i32
    %dma_wait3A_50 = arith.constant 0 : i32
    %dma_wait3A_51 = tpu.memref_slice %arg5[%add3A, %dma_wait3A, %dma_wait3A_50] : memref<32x8732x21xf32, #tpu.memory_space<hbm>> -> memref<1x112x21xf32, #tpu.memory_space<hbm>>
    %dma_wait3A_52 = tpu.memref_squeeze %dma_wait3A_51 : memref<1x112x21xf32, #tpu.memory_space<hbm>> -> memref<112x21xf32, #tpu.memory_space<hbm>>
    %dma_wait3A_53 = arith.constant 8512 : i32
    %dma_wait3A_54 = arith.constant 0 : i32
    %dma_wait3A_55 = tpu.memref_slice %arg5[%add3A, %dma_wait3A_53, %dma_wait3A_54] : memref<32x8732x21xf32, #tpu.memory_space<hbm>> -> memref<1x112x21xf32, #tpu.memory_space<hbm>>
    %dma_wait3A_56 = tpu.memref_squeeze %dma_wait3A_55 : memref<1x112x21xf32, #tpu.memory_space<hbm>> -> memref<112x21xf32, #tpu.memory_space<hbm>>
    tpu.wait_dma2 semaphore(%arg20 : memref<!tpu.dma_semaphore, #tpu.memory_space<semaphore_mem>>) src(%dma_wait3A_56 : memref<112x21xf32, #tpu.memory_space<hbm>>) dst(%arg16 : memref<112x21xf32, #tpu.memory_space<vmem>>)
    %dma_wait3A_57 = arith.constant 76 : i32
    %dma_wait3A_58 = arith.constant 0 : i32
    %dma_wait3A_59 = tpu.memref_slice %arg3[%add3A, %dma_wait3A_57, %dma_wait3A_58] : memref<32x78x448xf32, #tpu.memory_space<hbm>> -> memref<1x1x448xf32, #tpu.memory_space<hbm>>
    %dma_wait3A_60 = tpu.memref_squeeze %dma_wait3A_59 : memref<1x1x448xf32, #tpu.memory_space<hbm>> -> memref<448xf32, #tpu.memory_space<hbm>>
    %dma_wait3A_61 = arith.constant 0 : i32
    %dma_wait3A_62 = tpu.memref_slice %arg3[%add3A, %dma_wait3A_57, %dma_wait3A_61] : memref<32x78x448xf32, #tpu.memory_space<hbm>> -> memref<1x1x448xf32, #tpu.memory_space<hbm>>
    %dma_wait3A_63 = tpu.memref_squeeze %dma_wait3A_62 : memref<1x1x448xf32, #tpu.memory_space<hbm>> -> memref<448xf32, #tpu.memory_space<hbm>>
    tpu.wait_dma2 semaphore(%arg23 : memref<!tpu.dma_semaphore, #tpu.memory_space<semaphore_mem>>) src(%dma_wait3A_63 : memref<448xf32, #tpu.memory_space<hbm>>) dst(%arg13 : memref<448xf32, #tpu.memory_space<vmem>>)
    %scan3A_64 = arith.constant 0 : i32
    %scan3A_65 = arith.constant 7 : i32
    %scan3A_66 = arith.addi %scan3A_64, %scan3A_65 : i32
    %scan3A_67 = arith.constant 1 : i32
    %scan3A_68:3 = scf.for %scan3A_155 = %scan3A_64 to %scan3A_66 step %scan3A_67 iter_args(%scan3A_156 = %scan3A_48#0, %scan3A_157 = %scan3A_48#1, %scan3A_158 = %scan3A_48#2) -> (vector<16xf32>, vector<16xi32>, vector<16xf32>)  : i32 {
      %mul3A_159 = arith.constant 16 : i32
      %mul3A_160 = arith.muli %scan3A_155, %mul3A_159 : i32
      %add3A_161 = arith.constant 8512 : i32
      %add3A_162 = arith.addi %add3A_161, %mul3A_160 : i32
      %add3A_163 = arith.constant 8736 : i32
      %add3A_164 = arith.addi %add3A_163, %add3A_162 : i32
      %get3A = arith.index_cast %add3A_164 : i32 to index
      %get3A_165 = tpu.vector_load %arg15[%get3A] {strides = array<i32>} : memref<26208xf32, #tpu.memory_space<vmem>>, vector<16xf32>,
      %bitcast_convert_type3A_166 = tpu.bitcast %get3A_165 : vector<16xf32> -> vector<16xi32>
      %get3A_167 = arith.index_cast %add3A_162 : i32 to index
      %get3A_168 = tpu.vector_load %arg15[%get3A_167] {strides = array<i32>} : memref<26208xf32, #tpu.memory_space<vmem>>, vector<16xf32>,
      %lt3A = arith.constant 5.000000e-01 : f32
      %lt3A_169 = vector.broadcast %lt3A : f32 to vector<16xf32>
      %lt3A_170 = arith.cmpf olt, %get3A_168, %lt3A_169 : vector<16xf32>
      %not3A = arith.constant dense<true> : vector<16xi1>
      %not3A_171 = arith.xori %lt3A_170, %not3A : vector<16xi1>
      %mul3A_172 = arith.constant 8 : i32
      %mul3A_173 = vector.broadcast %mul3A_172 : i32 to vector<16xi32>
      %mul3A_174 = arith.muli %bitcast_convert_type3A_166, %mul3A_173 : vector<16xi32>
      %gather3A = tpu.vector_load_idx %arg8[%mul3A_174] : memref<416xf32, #tpu.memory_space<vmem>>[vector<16xi32>], vector<16xf32>,
      %add3A_175 = arith.constant 1 : i32
      %add3A_176 = vector.broadcast %add3A_175 : i32 to vector<16xi32>
      %add3A_177 = arith.addi %mul3A_174, %add3A_176 : vector<16xi32>
      %gather3A_178 = tpu.vector_load_idx %arg8[%add3A_177] : memref<416xf32, #tpu.memory_space<vmem>>[vector<16xi32>], vector<16xf32>,
      %add3A_179 = arith.constant 2 : i32
      %add3A_180 = vector.broadcast %add3A_179 : i32 to vector<16xi32>
      %add3A_181 = arith.addi %mul3A_174, %add3A_180 : vector<16xi32>
      %gather3A_182 = tpu.vector_load_idx %arg8[%add3A_181] : memref<416xf32, #tpu.memory_space<vmem>>[vector<16xi32>], vector<16xf32>,
      %add3A_183 = arith.constant 3 : i32
      %add3A_184 = vector.broadcast %add3A_183 : i32 to vector<16xi32>
      %add3A_185 = arith.addi %mul3A_174, %add3A_184 : vector<16xi32>
      %gather3A_186 = tpu.vector_load_idx %arg8[%add3A_185] : memref<416xf32, #tpu.memory_space<vmem>>[vector<16xi32>], vector<16xf32>,
      %add3A_187 = arith.constant 4 : i32
      %add3A_188 = vector.broadcast %add3A_187 : i32 to vector<16xi32>
      %add3A_189 = arith.addi %mul3A_174, %add3A_188 : vector<16xi32>
      %gather3A_190 = tpu.vector_load_idx %arg8[%add3A_189] : memref<416xf32, #tpu.memory_space<vmem>>[vector<16xi32>], vector<16xf32>,
      %get3A_191 = arith.index_cast %add3A_162 : i32 to index
      %get3A_192 = tpu.vector_load %arg9[%get3A_191] {strides = array<i32>} : memref<8736xf32, #tpu.memory_space<vmem>>, vector<16xf32>,
      %get3A_193 = arith.index_cast %add3A_162 : i32 to index
      %get3A_194 = tpu.vector_load %arg10[%get3A_193] {strides = array<i32>} : memref<8736xf32, #tpu.memory_space<vmem>>, vector<16xf32>,
      %get3A_195 = arith.index_cast %add3A_162 : i32 to index
      %get3A_196 = tpu.vector_load %arg11[%get3A_195] {strides = array<i32>} : memref<8736xf32, #tpu.memory_space<vmem>>, vector<16xf32>,
      %get3A_197 = arith.index_cast %add3A_162 : i32 to index
      %get3A_198 = tpu.vector_load %arg12[%get3A_197] {strides = array<i32>} : memref<8736xf32, #tpu.memory_space<vmem>>, vector<16xf32>,
      %add3A_199 = arith.addf %gather3A, %gather3A_182 : vector<16xf32>
      %mul3A_200 = arith.constant 5.000000e-01 : f32
      %mul3A_201 = vector.broadcast %mul3A_200 : f32 to vector<16xf32>
      %mul3A_202 = arith.mulf %add3A_199, %mul3A_201 : vector<16xf32>
      %sub3A_203 = arith.subf %mul3A_202, %get3A_192 : vector<16xf32>
      %mul3A_204 = arith.constant 1.000000e-01 : f32
      %mul3A_205 = vector.broadcast %mul3A_204 : f32 to vector<16xf32>
      %mul3A_206 = arith.mulf %mul3A_205, %get3A_196 : vector<16xf32>
      %div3A = arith.divf %sub3A_203, %mul3A_206 : vector<16xf32>
      %add3A_207 = arith.addf %gather3A_178, %gather3A_186 : vector<16xf32>
      %mul3A_208 = arith.constant 5.000000e-01 : f32
      %mul3A_209 = vector.broadcast %mul3A_208 : f32 to vector<16xf32>
      %mul3A_210 = arith.mulf %add3A_207, %mul3A_209 : vector<16xf32>
      %sub3A_211 = arith.subf %mul3A_210, %get3A_194 : vector<16xf32>
      %mul3A_212 = arith.constant 1.000000e-01 : f32
      %mul3A_213 = vector.broadcast %mul3A_212 : f32 to vector<16xf32>
      %mul3A_214 = arith.mulf %mul3A_213, %get3A_198 : vector<16xf32>
      %div3A_215 = arith.divf %sub3A_211, %mul3A_214 : vector<16xf32>
      %sub3A_216 = arith.subf %gather3A_182, %gather3A : vector<16xf32>
      %div3A_217 = arith.divf %sub3A_216, %get3A_196 : vector<16xf32>
      %bitcast_convert_type3A_218 = tpu.bitcast %div3A_217 : vector<16xf32> -> vector<16xi32>
      %shift_right_logical3A = arith.constant 23 : i32
      %shift_right_logical3A_219 = vector.broadcast %shift_right_logical3A : i32 to vector<16xi32>
      %shift_right_logical3A_220 = arith.shrui %bitcast_convert_type3A_218, %shift_right_logical3A_219 : vector<16xi32>
      %sub3A_221 = arith.constant 127 : i32
      %sub3A_222 = vector.broadcast %sub3A_221 : i32 to vector<16xi32>
      %sub3A_223 = arith.subi %shift_right_logical3A_220, %sub3A_222 : vector<16xi32>
      %and3A = arith.constant 8388607 : i32
      %and3A_224 = vector.broadcast %and3A : i32 to vector<16xi32>
      %and3A_225 = arith.andi %bitcast_convert_type3A_218, %and3A_224 : vector<16xi32>
      %or3A = arith.constant 1065353216 : i32
      %or3A_226 = vector.broadcast %or3A : i32 to vector<16xi32>
      %or3A_227 = arith.ori %and3A_225, %or3A_226 : vector<16xi32>
      %bitcast_convert_type3A_228 = tpu.bitcast %or3A_227 : vector<16xi32> -> vector<16xf32>
      %gt3A = arith.constant 1.41421354 : f32
      %gt3A_229 = vector.broadcast %gt3A : f32 to vector<16xf32>
      %gt3A_230 = arith.cmpf ogt, %bitcast_convert_type3A_228, %gt3A_229 : vector<16xf32>
      %mul3A_231 = arith.constant 5.000000e-01 : f32
      %mul3A_232 = vector.broadcast %mul3A_231 : f32 to vector<16xf32>
      %mul3A_233 = arith.mulf %bitcast_convert_type3A_228, %mul3A_232 : vector<16xf32>
      %select_n3A_234 = arith.select %gt3A_230, %mul3A_233, %bitcast_convert_type3A_228 : vector<16xi1>, vector<16xf32>
      %jit3A_235 = arith.constant 1 : i32
      %jit3A_236 = arith.constant 0 : i32
      %broadcast_in_dim3A_237 = vector.broadcast %jit3A_235 : i32 to vector<16xi32>
      %broadcast_in_dim3A_238 = vector.broadcast %jit3A_236 : i32 to vector<16xi32>
      %select_n3A_239 = arith.select %gt3A_230, %broadcast_in_dim3A_237, %broadcast_in_dim3A_238 : vector<16xi1>, vector<16xi32>
      %add3A_240 = arith.addi %sub3A_223, %select_n3A_239 : vector<16xi32>
      %sub3A_241 = arith.constant 1.000000e+00 : f32
      %sub3A_242 = vector.broadcast %sub3A_241 : f32 to vector<16xf32>
      %sub3A_243 = arith.subf %select_n3A_234, %sub3A_242 : vector<16xf32>
      %add3A_244 = arith.constant 1.000000e+00 : f32
      %add3A_245 = vector.broadcast %add3A_244 : f32 to vector<16xf32>
      %add3A_246 = arith.addf %select_n3A_234, %add3A_245 : vector<16xf32>
      %div3A_247 = arith.divf %sub3A_243, %add3A_246 : vector<16xf32>
      %mul3A_248 = arith.mulf %div3A_247, %div3A_247 : vector<16xf32>
      %mul3A_249 = arith.constant 2.000000e+00 : f32
      %mul3A_250 = vector.broadcast %mul3A_249 : f32 to vector<16xf32>
      %mul3A_251 = arith.mulf %mul3A_250, %div3A_247 : vector<16xf32>
      %div3A_252 = arith.constant 9.000000e+00 : f32
      %div3A_253 = vector.broadcast %div3A_252 : f32 to vector<16xf32>
      %div3A_254 = arith.divf %mul3A_248, %div3A_253 : vector<16xf32>
      %add3A_255 = arith.constant 0.142857149 : f32
      %add3A_256 = vector.broadcast %add3A_255 : f32 to vector<16xf32>
      %add3A_257 = arith.addf %add3A_256, %div3A_254 : vector<16xf32>
      %mul3A_258 = arith.mulf %mul3A_248, %add3A_257 : vector<16xf32>
      %add3A_259 = arith.constant 2.000000e-01 : f32
      %add3A_260 = vector.broadcast %add3A_259 : f32 to vector<16xf32>
      %add3A_261 = arith.addf %add3A_260, %mul3A_258 : vector<16xf32>
      %mul3A_262 = arith.mulf %mul3A_248, %add3A_261 : vector<16xf32>
      %add3A_263 = arith.constant 0.333333343 : f32
      %add3A_264 = vector.broadcast %add3A_263 : f32 to vector<16xf32>
      %add3A_265 = arith.addf %add3A_264, %mul3A_262 : vector<16xf32>
      %mul3A_266 = arith.mulf %mul3A_248, %add3A_265 : vector<16xf32>
      %add3A_267 = arith.constant 1.000000e+00 : f32
      %add3A_268 = vector.broadcast %add3A_267 : f32 to vector<16xf32>
      %add3A_269 = arith.addf %add3A_268, %mul3A_266 : vector<16xf32>
      %mul3A_270 = arith.mulf %mul3A_251, %add3A_269 : vector<16xf32>
      %convert_element_type3A_271 = arith.sitofp %add3A_240 : vector<16xi32> to vector<16xf32>
      %mul3A_272 = arith.constant 0.693147182 : f32
      %mul3A_273 = vector.broadcast %mul3A_272 : f32 to vector<16xf32>
      %mul3A_274 = arith.mulf %convert_element_type3A_271, %mul3A_273 : vector<16xf32>
      %add3A_275 = arith.addf %mul3A_270, %mul3A_274 : vector<16xf32>
      %div3A_276 = arith.constant 2.000000e-01 : f32
      %div3A_277 = vector.broadcast %div3A_276 : f32 to vector<16xf32>
      %div3A_278 = arith.divf %add3A_275, %div3A_277 : vector<16xf32>
      %sub3A_279 = arith.subf %gather3A_186, %gather3A_178 : vector<16xf32>
      %div3A_280 = arith.divf %sub3A_279, %get3A_198 : vector<16xf32>
      %bitcast_convert_type3A_281 = tpu.bitcast %div3A_280 : vector<16xf32> -> vector<16xi32>
      %shift_right_logical3A_282 = arith.constant 23 : i32
      %shift_right_logical3A_283 = vector.broadcast %shift_right_logical3A_282 : i32 to vector<16xi32>
      %shift_right_logical3A_284 = arith.shrui %bitcast_convert_type3A_281, %shift_right_logical3A_283 : vector<16xi32>
      %sub3A_285 = arith.constant 127 : i32
      %sub3A_286 = vector.broadcast %sub3A_285 : i32 to vector<16xi32>
      %sub3A_287 = arith.subi %shift_right_logical3A_284, %sub3A_286 : vector<16xi32>
      %and3A_288 = arith.constant 8388607 : i32
      %and3A_289 = vector.broadcast %and3A_288 : i32 to vector<16xi32>
      %and3A_290 = arith.andi %bitcast_convert_type3A_281, %and3A_289 : vector<16xi32>
      %or3A_291 = arith.constant 1065353216 : i32
      %or3A_292 = vector.broadcast %or3A_291 : i32 to vector<16xi32>
      %or3A_293 = arith.ori %and3A_290, %or3A_292 : vector<16xi32>
      %bitcast_convert_type3A_294 = tpu.bitcast %or3A_293 : vector<16xi32> -> vector<16xf32>
      %gt3A_295 = arith.constant 1.41421354 : f32
      %gt3A_296 = vector.broadcast %gt3A_295 : f32 to vector<16xf32>
      %gt3A_297 = arith.cmpf ogt, %bitcast_convert_type3A_294, %gt3A_296 : vector<16xf32>
      %mul3A_298 = arith.constant 5.000000e-01 : f32
      %mul3A_299 = vector.broadcast %mul3A_298 : f32 to vector<16xf32>
      %mul3A_300 = arith.mulf %bitcast_convert_type3A_294, %mul3A_299 : vector<16xf32>
      %select_n3A_301 = arith.select %gt3A_297, %mul3A_300, %bitcast_convert_type3A_294 : vector<16xi1>, vector<16xf32>
      %jit3A_302 = arith.constant 1 : i32
      %jit3A_303 = arith.constant 0 : i32
      %broadcast_in_dim3A_304 = vector.broadcast %jit3A_302 : i32 to vector<16xi32>
      %broadcast_in_dim3A_305 = vector.broadcast %jit3A_303 : i32 to vector<16xi32>
      %select_n3A_306 = arith.select %gt3A_297, %broadcast_in_dim3A_304, %broadcast_in_dim3A_305 : vector<16xi1>, vector<16xi32>
      %add3A_307 = arith.addi %sub3A_287, %select_n3A_306 : vector<16xi32>
      %sub3A_308 = arith.constant 1.000000e+00 : f32
      %sub3A_309 = vector.broadcast %sub3A_308 : f32 to vector<16xf32>
      %sub3A_310 = arith.subf %select_n3A_301, %sub3A_309 : vector<16xf32>
      %add3A_311 = arith.constant 1.000000e+00 : f32
      %add3A_312 = vector.broadcast %add3A_311 : f32 to vector<16xf32>
      %add3A_313 = arith.addf %select_n3A_301, %add3A_312 : vector<16xf32>
      %div3A_314 = arith.divf %sub3A_310, %add3A_313 : vector<16xf32>
      %mul3A_315 = arith.mulf %div3A_314, %div3A_314 : vector<16xf32>
      %mul3A_316 = arith.constant 2.000000e+00 : f32
      %mul3A_317 = vector.broadcast %mul3A_316 : f32 to vector<16xf32>
      %mul3A_318 = arith.mulf %mul3A_317, %div3A_314 : vector<16xf32>
      %div3A_319 = arith.constant 9.000000e+00 : f32
      %div3A_320 = vector.broadcast %div3A_319 : f32 to vector<16xf32>
      %div3A_321 = arith.divf %mul3A_315, %div3A_320 : vector<16xf32>
      %add3A_322 = arith.constant 0.142857149 : f32
      %add3A_323 = vector.broadcast %add3A_322 : f32 to vector<16xf32>
      %add3A_324 = arith.addf %add3A_323, %div3A_321 : vector<16xf32>
      %mul3A_325 = arith.mulf %mul3A_315, %add3A_324 : vector<16xf32>
      %add3A_326 = arith.constant 2.000000e-01 : f32
      %add3A_327 = vector.broadcast %add3A_326 : f32 to vector<16xf32>
      %add3A_328 = arith.addf %add3A_327, %mul3A_325 : vector<16xf32>
      %mul3A_329 = arith.mulf %mul3A_315, %add3A_328 : vector<16xf32>
      %add3A_330 = arith.constant 0.333333343 : f32
      %add3A_331 = vector.broadcast %add3A_330 : f32 to vector<16xf32>
      %add3A_332 = arith.addf %add3A_331, %mul3A_329 : vector<16xf32>
      %mul3A_333 = arith.mulf %mul3A_315, %add3A_332 : vector<16xf32>
      %add3A_334 = arith.constant 1.000000e+00 : f32
      %add3A_335 = vector.broadcast %add3A_334 : f32 to vector<16xf32>
      %add3A_336 = arith.addf %add3A_335, %mul3A_333 : vector<16xf32>
      %mul3A_337 = arith.mulf %mul3A_318, %add3A_336 : vector<16xf32>
      %convert_element_type3A_338 = arith.sitofp %add3A_307 : vector<16xi32> to vector<16xf32>
      %mul3A_339 = arith.constant 0.693147182 : f32
      %mul3A_340 = vector.broadcast %mul3A_339 : f32 to vector<16xf32>
      %mul3A_341 = arith.mulf %convert_element_type3A_338, %mul3A_340 : vector<16xf32>
      %add3A_342 = arith.addf %mul3A_337, %mul3A_341 : vector<16xf32>
      %div3A_343 = arith.constant 2.000000e-01 : f32
      %div3A_344 = vector.broadcast %div3A_343 : f32 to vector<16xf32>
      %div3A_345 = arith.divf %add3A_342, %div3A_344 : vector<16xf32>
      %mul3A_346 = arith.constant 16 : i32
      %mul3A_347 = arith.muli %scan3A_155, %mul3A_346 : i32
      %add3A_348 = vector.broadcast %mul3A_347 : i32 to vector<16xi32>
      %add3A_349 = arith.addi %iota3A, %add3A_348 : vector<16xi32>
      %mul3A_350 = arith.constant 4 : i32
      %mul3A_351 = vector.broadcast %mul3A_350 : i32 to vector<16xi32>
      %mul3A_352 = arith.muli %add3A_349, %mul3A_351 : vector<16xi32>
      %gather3A_353 = tpu.vector_load_idx %arg13[%mul3A_352] : memref<448xf32, #tpu.memory_space<vmem>>[vector<16xi32>], vector<16xf32>,
      %sub3A_354 = arith.subf %gather3A_353, %div3A : vector<16xf32>
      %abs3A = math.absf %sub3A_354 : vector<16xf32>
      %lt3A_355 = arith.constant 1.000000e+00 : f32
      %lt3A_356 = vector.broadcast %lt3A_355 : f32 to vector<16xf32>
      %lt3A_357 = arith.cmpf olt, %abs3A, %lt3A_356 : vector<16xf32>
      %mul3A_358 = arith.constant 5.000000e-01 : f32
      %mul3A_359 = vector.broadcast %mul3A_358 : f32 to vector<16xf32>
      %mul3A_360 = arith.mulf %mul3A_359, %sub3A_354 : vector<16xf32>
      %mul3A_361 = arith.mulf %mul3A_360, %sub3A_354 : vector<16xf32>
      %sub3A_362 = arith.constant 5.000000e-01 : f32
      %sub3A_363 = vector.broadcast %sub3A_362 : f32 to vector<16xf32>
      %sub3A_364 = arith.subf %abs3A, %sub3A_363 : vector<16xf32>
      %select_n3A_365 = arith.select %lt3A_357, %mul3A_361, %sub3A_364 : vector<16xi1>, vector<16xf32>
      %add3A_366 = arith.constant 1 : i32
      %add3A_367 = vector.broadcast %add3A_366 : i32 to vector<16xi32>
      %add3A_368 = arith.addi %mul3A_352, %add3A_367 : vector<16xi32>
      %gather3A_369 = tpu.vector_load_idx %arg13[%add3A_368] : memref<448xf32, #tpu.memory_space<vmem>>[vector<16xi32>], vector<16xf32>,
      %sub3A_370 = arith.subf %gather3A_369, %div3A_215 : vector<16xf32>
      %abs3A_371 = math.absf %sub3A_370 : vector<16xf32>
      %lt3A_372 = arith.constant 1.000000e+00 : f32
      %lt3A_373 = vector.broadcast %lt3A_372 : f32 to vector<16xf32>
      %lt3A_374 = arith.cmpf olt, %abs3A_371, %lt3A_373 : vector<16xf32>
      %mul3A_375 = arith.constant 5.000000e-01 : f32
      %mul3A_376 = vector.broadcast %mul3A_375 : f32 to vector<16xf32>
      %mul3A_377 = arith.mulf %mul3A_376, %sub3A_370 : vector<16xf32>
      %mul3A_378 = arith.mulf %mul3A_377, %sub3A_370 : vector<16xf32>
      %sub3A_379 = arith.constant 5.000000e-01 : f32
      %sub3A_380 = vector.broadcast %sub3A_379 : f32 to vector<16xf32>
      %sub3A_381 = arith.subf %abs3A_371, %sub3A_380 : vector<16xf32>
      %select_n3A_382 = arith.select %lt3A_374, %mul3A_378, %sub3A_381 : vector<16xi1>, vector<16xf32>
      %add3A_383 = arith.addf %select_n3A_365, %select_n3A_382 : vector<16xf32>
      %add3A_384 = arith.constant 2 : i32
      %add3A_385 = vector.broadcast %add3A_384 : i32 to vector<16xi32>
      %add3A_386 = arith.addi %mul3A_352, %add3A_385 : vector<16xi32>
      %gather3A_387 = tpu.vector_load_idx %arg13[%add3A_386] : memref<448xf32, #tpu.memory_space<vmem>>[vector<16xi32>], vector<16xf32>,
      %sub3A_388 = arith.subf %gather3A_387, %div3A_278 : vector<16xf32>
      %abs3A_389 = math.absf %sub3A_388 : vector<16xf32>
      %lt3A_390 = arith.constant 1.000000e+00 : f32
      %lt3A_391 = vector.broadcast %lt3A_390 : f32 to vector<16xf32>
      %lt3A_392 = arith.cmpf olt, %abs3A_389, %lt3A_391 : vector<16xf32>
      %mul3A_393 = arith.constant 5.000000e-01 : f32
      %mul3A_394 = vector.broadcast %mul3A_393 : f32 to vector<16xf32>
      %mul3A_395 = arith.mulf %mul3A_394, %sub3A_388 : vector<16xf32>
      %mul3A_396 = arith.mulf %mul3A_395, %sub3A_388 : vector<16xf32>
      %sub3A_397 = arith.constant 5.000000e-01 : f32
      %sub3A_398 = vector.broadcast %sub3A_397 : f32 to vector<16xf32>
      %sub3A_399 = arith.subf %abs3A_389, %sub3A_398 : vector<16xf32>
      %select_n3A_400 = arith.select %lt3A_392, %mul3A_396, %sub3A_399 : vector<16xi1>, vector<16xf32>
      %add3A_401 = arith.addf %add3A_383, %select_n3A_400 : vector<16xf32>
      %add3A_402 = arith.constant 3 : i32
      %add3A_403 = vector.broadcast %add3A_402 : i32 to vector<16xi32>
      %add3A_404 = arith.addi %mul3A_352, %add3A_403 : vector<16xi32>
      %gather3A_405 = tpu.vector_load_idx %arg13[%add3A_404] : memref<448xf32, #tpu.memory_space<vmem>>[vector<16xi32>], vector<16xf32>,
      %sub3A_406 = arith.subf %gather3A_405, %div3A_345 : vector<16xf32>
      %abs3A_407 = math.absf %sub3A_406 : vector<16xf32>
      %lt3A_408 = arith.constant 1.000000e+00 : f32
      %lt3A_409 = vector.broadcast %lt3A_408 : f32 to vector<16xf32>
      %lt3A_410 = arith.cmpf olt, %abs3A_407, %lt3A_409 : vector<16xf32>
      %mul3A_411 = arith.constant 5.000000e-01 : f32
      %mul3A_412 = vector.broadcast %mul3A_411 : f32 to vector<16xf32>
      %mul3A_413 = arith.mulf %mul3A_412, %sub3A_406 : vector<16xf32>
      %mul3A_414 = arith.mulf %mul3A_413, %sub3A_406 : vector<16xf32>
      %sub3A_415 = arith.constant 5.000000e-01 : f32
      %sub3A_416 = vector.broadcast %sub3A_415 : f32 to vector<16xf32>
      %sub3A_417 = arith.subf %abs3A_407, %sub3A_416 : vector<16xf32>
      %select_n3A_418 = arith.select %lt3A_410, %mul3A_414, %sub3A_417 : vector<16xi1>, vector<16xf32>
      %add3A_419 = arith.addf %add3A_401, %select_n3A_418 : vector<16xf32>
      %jit3A_420 = arith.constant 0.000000e+00 : f32
      %broadcast_in_dim3A_421 = vector.broadcast %jit3A_420 : f32 to vector<16xf32>
      %select_n3A_422 = arith.select %not3A_171, %add3A_419, %broadcast_in_dim3A_421 : vector<16xi1>, vector<16xf32>
      %add3A_423 = arith.addf %scan3A_156, %select_n3A_422 : vector<16xf32>
      %jit3A_424 = arith.constant 1 : i32
      %jit3A_425 = arith.constant 0 : i32
      %broadcast_in_dim3A_426 = vector.broadcast %jit3A_424 : i32 to vector<16xi32>
      %broadcast_in_dim3A_427 = vector.broadcast %jit3A_425 : i32 to vector<16xi32>
      %select_n3A_428 = arith.select %not3A_171, %broadcast_in_dim3A_426, %broadcast_in_dim3A_427 : vector<16xi1>, vector<16xi32>
      %add3A_429 = arith.addi %scan3A_157, %select_n3A_428 : vector<16xi32>
      %mul3A_430 = arith.constant 16 : i32
      %mul3A_431 = arith.muli %scan3A_155, %mul3A_430 : i32
      %add3A_432 = vector.broadcast %mul3A_431 : i32 to vector<16xi32>
      %add3A_433 = arith.addi %iota3A, %add3A_432 : vector<16xi32>
      %broadcast_in_dim3A_434 = arith.constant 0 : i32
      %broadcast_in_dim3A_435 = vector.broadcast %broadcast_in_dim3A_434 : i32 to vector<16xi32>
      %gather3A_436 = tpu.vector_load_idx %arg16[%add3A_433, %broadcast_in_dim3A_435] : memref<112x21xf32, #tpu.memory_space<vmem>>[vector<16xi32>, vector<16xi32>], vector<16xf32>,
      %broadcast_in_dim3A_437 = arith.constant 1 : i32
      %broadcast_in_dim3A_438 = vector.broadcast %broadcast_in_dim3A_437 : i32 to vector<16xi32>
      %gather3A_439 = tpu.vector_load_idx %arg16[%add3A_433, %broadcast_in_dim3A_438] : memref<112x21xf32, #tpu.memory_space<vmem>>[vector<16xi32>, vector<16xi32>], vector<16xf32>,
      %broadcast_in_dim3A_440 = arith.constant 2 : i32
      %broadcast_in_dim3A_441 = vector.broadcast %broadcast_in_dim3A_440 : i32 to vector<16xi32>
      %gather3A_442 = tpu.vector_load_idx %arg16[%add3A_433, %broadcast_in_dim3A_441] : memref<112x21xf32, #tpu.memory_space<vmem>>[vector<16xi32>, vector<16xi32>], vector<16xf32>,
      %broadcast_in_dim3A_443 = arith.constant 3 : i32
      %broadcast_in_dim3A_444 = vector.broadcast %broadcast_in_dim3A_443 : i32 to vector<16xi32>
      %gather3A_445 = tpu.vector_load_idx %arg16[%add3A_433, %broadcast_in_dim3A_444] : memref<112x21xf32, #tpu.memory_space<vmem>>[vector<16xi32>, vector<16xi32>], vector<16xf32>,
      %broadcast_in_dim3A_446 = arith.constant 4 : i32
      %broadcast_in_dim3A_447 = vector.broadcast %broadcast_in_dim3A_446 : i32 to vector<16xi32>
      %gather3A_448 = tpu.vector_load_idx %arg16[%add3A_433, %broadcast_in_dim3A_447] : memref<112x21xf32, #tpu.memory_space<vmem>>[vector<16xi32>, vector<16xi32>], vector<16xf32>,
      %broadcast_in_dim3A_449 = arith.constant 5 : i32
      %broadcast_in_dim3A_450 = vector.broadcast %broadcast_in_dim3A_449 : i32 to vector<16xi32>
      %gather3A_451 = tpu.vector_load_idx %arg16[%add3A_433, %broadcast_in_dim3A_450] : memref<112x21xf32, #tpu.memory_space<vmem>>[vector<16xi32>, vector<16xi32>], vector<16xf32>,
      %broadcast_in_dim3A_452 = arith.constant 6 : i32
      %broadcast_in_dim3A_453 = vector.broadcast %broadcast_in_dim3A_452 : i32 to vector<16xi32>
      %gather3A_454 = tpu.vector_load_idx %arg16[%add3A_433, %broadcast_in_dim3A_453] : memref<112x21xf32, #tpu.memory_space<vmem>>[vector<16xi32>, vector<16xi32>], vector<16xf32>,
      %broadcast_in_dim3A_455 = arith.constant 7 : i32
      %broadcast_in_dim3A_456 = vector.broadcast %broadcast_in_dim3A_455 : i32 to vector<16xi32>
      %gather3A_457 = tpu.vector_load_idx %arg16[%add3A_433, %broadcast_in_dim3A_456] : memref<112x21xf32, #tpu.memory_space<vmem>>[vector<16xi32>, vector<16xi32>], vector<16xf32>,
      %broadcast_in_dim3A_458 = arith.constant 8 : i32
      %broadcast_in_dim3A_459 = vector.broadcast %broadcast_in_dim3A_458 : i32 to vector<16xi32>
      %gather3A_460 = tpu.vector_load_idx %arg16[%add3A_433, %broadcast_in_dim3A_459] : memref<112x21xf32, #tpu.memory_space<vmem>>[vector<16xi32>, vector<16xi32>], vector<16xf32>,
      %broadcast_in_dim3A_461 = arith.constant 9 : i32
      %broadcast_in_dim3A_462 = vector.broadcast %broadcast_in_dim3A_461 : i32 to vector<16xi32>
      %gather3A_463 = tpu.vector_load_idx %arg16[%add3A_433, %broadcast_in_dim3A_462] : memref<112x21xf32, #tpu.memory_space<vmem>>[vector<16xi32>, vector<16xi32>], vector<16xf32>,
      %broadcast_in_dim3A_464 = arith.constant 10 : i32
      %broadcast_in_dim3A_465 = vector.broadcast %broadcast_in_dim3A_464 : i32 to vector<16xi32>
      %gather3A_466 = tpu.vector_load_idx %arg16[%add3A_433, %broadcast_in_dim3A_465] : memref<112x21xf32, #tpu.memory_space<vmem>>[vector<16xi32>, vector<16xi32>], vector<16xf32>,
      %broadcast_in_dim3A_467 = arith.constant 11 : i32
      %broadcast_in_dim3A_468 = vector.broadcast %broadcast_in_dim3A_467 : i32 to vector<16xi32>
      %gather3A_469 = tpu.vector_load_idx %arg16[%add3A_433, %broadcast_in_dim3A_468] : memref<112x21xf32, #tpu.memory_space<vmem>>[vector<16xi32>, vector<16xi32>], vector<16xf32>,
      %broadcast_in_dim3A_470 = arith.constant 12 : i32
      %broadcast_in_dim3A_471 = vector.broadcast %broadcast_in_dim3A_470 : i32 to vector<16xi32>
      %gather3A_472 = tpu.vector_load_idx %arg16[%add3A_433, %broadcast_in_dim3A_471] : memref<112x21xf32, #tpu.memory_space<vmem>>[vector<16xi32>, vector<16xi32>], vector<16xf32>,
      %broadcast_in_dim3A_473 = arith.constant 13 : i32
      %broadcast_in_dim3A_474 = vector.broadcast %broadcast_in_dim3A_473 : i32 to vector<16xi32>
      %gather3A_475 = tpu.vector_load_idx %arg16[%add3A_433, %broadcast_in_dim3A_474] : memref<112x21xf32, #tpu.memory_space<vmem>>[vector<16xi32>, vector<16xi32>], vector<16xf32>,
      %broadcast_in_dim3A_476 = arith.constant 14 : i32
      %broadcast_in_dim3A_477 = vector.broadcast %broadcast_in_dim3A_476 : i32 to vector<16xi32>
      %gather3A_478 = tpu.vector_load_idx %arg16[%add3A_433, %broadcast_in_dim3A_477] : memref<112x21xf32, #tpu.memory_space<vmem>>[vector<16xi32>, vector<16xi32>], vector<16xf32>,
      %broadcast_in_dim3A_479 = arith.constant 15 : i32
      %broadcast_in_dim3A_480 = vector.broadcast %broadcast_in_dim3A_479 : i32 to vector<16xi32>
      %gather3A_481 = tpu.vector_load_idx %arg16[%add3A_433, %broadcast_in_dim3A_480] : memref<112x21xf32, #tpu.memory_space<vmem>>[vector<16xi32>, vector<16xi32>], vector<16xf32>,
      %broadcast_in_dim3A_482 = arith.constant 16 : i32
      %broadcast_in_dim3A_483 = vector.broadcast %broadcast_in_dim3A_482 : i32 to vector<16xi32>
      %gather3A_484 = tpu.vector_load_idx %arg16[%add3A_433, %broadcast_in_dim3A_483] : memref<112x21xf32, #tpu.memory_space<vmem>>[vector<16xi32>, vector<16xi32>], vector<16xf32>,
      %broadcast_in_dim3A_485 = arith.constant 17 : i32
      %broadcast_in_dim3A_486 = vector.broadcast %broadcast_in_dim3A_485 : i32 to vector<16xi32>
      %gather3A_487 = tpu.vector_load_idx %arg16[%add3A_433, %broadcast_in_dim3A_486] : memref<112x21xf32, #tpu.memory_space<vmem>>[vector<16xi32>, vector<16xi32>], vector<16xf32>,
      %broadcast_in_dim3A_488 = arith.constant 18 : i32
      %broadcast_in_dim3A_489 = vector.broadcast %broadcast_in_dim3A_488 : i32 to vector<16xi32>
      %gather3A_490 = tpu.vector_load_idx %arg16[%add3A_433, %broadcast_in_dim3A_489] : memref<112x21xf32, #tpu.memory_space<vmem>>[vector<16xi32>, vector<16xi32>], vector<16xf32>,
      %broadcast_in_dim3A_491 = arith.constant 19 : i32
      %broadcast_in_dim3A_492 = vector.broadcast %broadcast_in_dim3A_491 : i32 to vector<16xi32>
      %gather3A_493 = tpu.vector_load_idx %arg16[%add3A_433, %broadcast_in_dim3A_492] : memref<112x21xf32, #tpu.memory_space<vmem>>[vector<16xi32>, vector<16xi32>], vector<16xf32>,
      %broadcast_in_dim3A_494 = arith.constant 20 : i32
      %broadcast_in_dim3A_495 = vector.broadcast %broadcast_in_dim3A_494 : i32 to vector<16xi32>
      %gather3A_496 = tpu.vector_load_idx %arg16[%add3A_433, %broadcast_in_dim3A_495] : memref<112x21xf32, #tpu.memory_space<vmem>>[vector<16xi32>, vector<16xi32>], vector<16xf32>,
      %max3A = arith.maximumf %gather3A_436, %gather3A_439 : vector<16xf32>
      %max3A_497 = arith.maximumf %gather3A_442, %gather3A_445 : vector<16xf32>
      %max3A_498 = arith.maximumf %gather3A_448, %gather3A_451 : vector<16xf32>
      %max3A_499 = arith.maximumf %gather3A_454, %gather3A_457 : vector<16xf32>
      %max3A_500 = arith.maximumf %gather3A_460, %gather3A_463 : vector<16xf32>
      %max3A_501 = arith.maximumf %gather3A_466, %gather3A_469 : vector<16xf32>
      %max3A_502 = arith.maximumf %gather3A_472, %gather3A_475 : vector<16xf32>
      %max3A_503 = arith.maximumf %gather3A_478, %gather3A_481 : vector<16xf32>
      %max3A_504 = arith.maximumf %gather3A_484, %gather3A_487 : vector<16xf32>
      %max3A_505 = arith.maximumf %gather3A_490, %gather3A_493 : vector<16xf32>
      %max3A_506 = arith.maximumf %max3A, %max3A_497 : vector<16xf32>
      %max3A_507 = arith.maximumf %max3A_498, %max3A_499 : vector<16xf32>
      %max3A_508 = arith.maximumf %max3A_500, %max3A_501 : vector<16xf32>
      %max3A_509 = arith.maximumf %max3A_502, %max3A_503 : vector<16xf32>
      %max3A_510 = arith.maximumf %max3A_504, %max3A_505 : vector<16xf32>
      %max3A_511 = arith.maximumf %max3A_506, %max3A_507 : vector<16xf32>
      %max3A_512 = arith.maximumf %max3A_508, %max3A_509 : vector<16xf32>
      %max3A_513 = arith.maximumf %max3A_510, %gather3A_496 : vector<16xf32>
      %max3A_514 = arith.maximumf %max3A_511, %max3A_512 : vector<16xf32>
      %max3A_515 = arith.maximumf %max3A_514, %max3A_513 : vector<16xf32>
      %sub3A_516 = arith.subf %gather3A_436, %max3A_515 : vector<16xf32>
      %exp3A = math.exp %sub3A_516 : vector<16xf32>
      %sub3A_517 = arith.subf %gather3A_439, %max3A_515 : vector<16xf32>
      %exp3A_518 = math.exp %sub3A_517 : vector<16xf32>
      %sub3A_519 = arith.subf %gather3A_442, %max3A_515 : vector<16xf32>
      %exp3A_520 = math.exp %sub3A_519 : vector<16xf32>
      %sub3A_521 = arith.subf %gather3A_445, %max3A_515 : vector<16xf32>
      %exp3A_522 = math.exp %sub3A_521 : vector<16xf32>
      %sub3A_523 = arith.subf %gather3A_448, %max3A_515 : vector<16xf32>
      %exp3A_524 = math.exp %sub3A_523 : vector<16xf32>
      %sub3A_525 = arith.subf %gather3A_451, %max3A_515 : vector<16xf32>
      %exp3A_526 = math.exp %sub3A_525 : vector<16xf32>
      %sub3A_527 = arith.subf %gather3A_454, %max3A_515 : vector<16xf32>
      %exp3A_528 = math.exp %sub3A_527 : vector<16xf32>
      %sub3A_529 = arith.subf %gather3A_457, %max3A_515 : vector<16xf32>
      %exp3A_530 = math.exp %sub3A_529 : vector<16xf32>
      %sub3A_531 = arith.subf %gather3A_460, %max3A_515 : vector<16xf32>
      %exp3A_532 = math.exp %sub3A_531 : vector<16xf32>
      %sub3A_533 = arith.subf %gather3A_463, %max3A_515 : vector<16xf32>
      %exp3A_534 = math.exp %sub3A_533 : vector<16xf32>
      %sub3A_535 = arith.subf %gather3A_466, %max3A_515 : vector<16xf32>
      %exp3A_536 = math.exp %sub3A_535 : vector<16xf32>
      %sub3A_537 = arith.subf %gather3A_469, %max3A_515 : vector<16xf32>
      %exp3A_538 = math.exp %sub3A_537 : vector<16xf32>
      %sub3A_539 = arith.subf %gather3A_472, %max3A_515 : vector<16xf32>
      %exp3A_540 = math.exp %sub3A_539 : vector<16xf32>
      %sub3A_541 = arith.subf %gather3A_475, %max3A_515 : vector<16xf32>
      %exp3A_542 = math.exp %sub3A_541 : vector<16xf32>
      %sub3A_543 = arith.subf %gather3A_478, %max3A_515 : vector<16xf32>
      %exp3A_544 = math.exp %sub3A_543 : vector<16xf32>
      %sub3A_545 = arith.subf %gather3A_481, %max3A_515 : vector<16xf32>
      %exp3A_546 = math.exp %sub3A_545 : vector<16xf32>
      %sub3A_547 = arith.subf %gather3A_484, %max3A_515 : vector<16xf32>
      %exp3A_548 = math.exp %sub3A_547 : vector<16xf32>
      %sub3A_549 = arith.subf %gather3A_487, %max3A_515 : vector<16xf32>
      %exp3A_550 = math.exp %sub3A_549 : vector<16xf32>
      %sub3A_551 = arith.subf %gather3A_490, %max3A_515 : vector<16xf32>
      %exp3A_552 = math.exp %sub3A_551 : vector<16xf32>
      %sub3A_553 = arith.subf %gather3A_493, %max3A_515 : vector<16xf32>
      %exp3A_554 = math.exp %sub3A_553 : vector<16xf32>
      %sub3A_555 = arith.subf %gather3A_496, %max3A_515 : vector<16xf32>
      %exp3A_556 = math.exp %sub3A_555 : vector<16xf32>
      %add3A_557 = arith.addf %exp3A, %exp3A_518 : vector<16xf32>
      %add3A_558 = arith.addf %exp3A_520, %exp3A_522 : vector<16xf32>
      %add3A_559 = arith.addf %exp3A_524, %exp3A_526 : vector<16xf32>
      %add3A_560 = arith.addf %exp3A_528, %exp3A_530 : vector<16xf32>
      %add3A_561 = arith.addf %exp3A_532, %exp3A_534 : vector<16xf32>
      %add3A_562 = arith.addf %exp3A_536, %exp3A_538 : vector<16xf32>
      %add3A_563 = arith.addf %exp3A_540, %exp3A_542 : vector<16xf32>
      %add3A_564 = arith.addf %exp3A_544, %exp3A_546 : vector<16xf32>
      %add3A_565 = arith.addf %exp3A_548, %exp3A_550 : vector<16xf32>
      %add3A_566 = arith.addf %exp3A_552, %exp3A_554 : vector<16xf32>
      %add3A_567 = arith.addf %add3A_557, %add3A_558 : vector<16xf32>
      %add3A_568 = arith.addf %add3A_559, %add3A_560 : vector<16xf32>
      %add3A_569 = arith.addf %add3A_561, %add3A_562 : vector<16xf32>
      %add3A_570 = arith.addf %add3A_563, %add3A_564 : vector<16xf32>
      %add3A_571 = arith.addf %add3A_565, %add3A_566 : vector<16xf32>
      %add3A_572 = arith.addf %add3A_567, %add3A_568 : vector<16xf32>
      %add3A_573 = arith.addf %add3A_569, %add3A_570 : vector<16xf32>
      %add3A_574 = arith.addf %add3A_571, %exp3A_556 : vector<16xf32>
      %add3A_575 = arith.addf %add3A_572, %add3A_573 : vector<16xf32>
      %add3A_576 = arith.addf %add3A_575, %add3A_574 : vector<16xf32>
      %bitcast_convert_type3A_577 = tpu.bitcast %add3A_576 : vector<16xf32> -> vector<16xi32>
      %shift_right_logical3A_578 = arith.constant 23 : i32
      %shift_right_logical3A_579 = vector.broadcast %shift_right_logical3A_578 : i32 to vector<16xi32>
      %shift_right_logical3A_580 = arith.shrui %bitcast_convert_type3A_577, %shift_right_logical3A_579 : vector<16xi32>
      %sub3A_581 = arith.constant 127 : i32
      %sub3A_582 = vector.broadcast %sub3A_581 : i32 to vector<16xi32>
      %sub3A_583 = arith.subi %shift_right_logical3A_580, %sub3A_582 : vector<16xi32>
      %and3A_584 = arith.constant 8388607 : i32
      %and3A_585 = vector.broadcast %and3A_584 : i32 to vector<16xi32>
      %and3A_586 = arith.andi %bitcast_convert_type3A_577, %and3A_585 : vector<16xi32>
      %or3A_587 = arith.constant 1065353216 : i32
      %or3A_588 = vector.broadcast %or3A_587 : i32 to vector<16xi32>
      %or3A_589 = arith.ori %and3A_586, %or3A_588 : vector<16xi32>
      %bitcast_convert_type3A_590 = tpu.bitcast %or3A_589 : vector<16xi32> -> vector<16xf32>
      %gt3A_591 = arith.constant 1.41421354 : f32
      %gt3A_592 = vector.broadcast %gt3A_591 : f32 to vector<16xf32>
      %gt3A_593 = arith.cmpf ogt, %bitcast_convert_type3A_590, %gt3A_592 : vector<16xf32>
      %mul3A_594 = arith.constant 5.000000e-01 : f32
      %mul3A_595 = vector.broadcast %mul3A_594 : f32 to vector<16xf32>
      %mul3A_596 = arith.mulf %bitcast_convert_type3A_590, %mul3A_595 : vector<16xf32>
      %select_n3A_597 = arith.select %gt3A_593, %mul3A_596, %bitcast_convert_type3A_590 : vector<16xi1>, vector<16xf32>
      %jit3A_598 = arith.constant 1 : i32
      %jit3A_599 = arith.constant 0 : i32
      %broadcast_in_dim3A_600 = vector.broadcast %jit3A_598 : i32 to vector<16xi32>
      %broadcast_in_dim3A_601 = vector.broadcast %jit3A_599 : i32 to vector<16xi32>
      %select_n3A_602 = arith.select %gt3A_593, %broadcast_in_dim3A_600, %broadcast_in_dim3A_601 : vector<16xi1>, vector<16xi32>
      %add3A_603 = arith.addi %sub3A_583, %select_n3A_602 : vector<16xi32>
      %sub3A_604 = arith.constant 1.000000e+00 : f32
      %sub3A_605 = vector.broadcast %sub3A_604 : f32 to vector<16xf32>
      %sub3A_606 = arith.subf %select_n3A_597, %sub3A_605 : vector<16xf32>
      %add3A_607 = arith.constant 1.000000e+00 : f32
      %add3A_608 = vector.broadcast %add3A_607 : f32 to vector<16xf32>
      %add3A_609 = arith.addf %select_n3A_597, %add3A_608 : vector<16xf32>
      %div3A_610 = arith.divf %sub3A_606, %add3A_609 : vector<16xf32>
      %mul3A_611 = arith.mulf %div3A_610, %div3A_610 : vector<16xf32>
      %mul3A_612 = arith.constant 2.000000e+00 : f32
      %mul3A_613 = vector.broadcast %mul3A_612 : f32 to vector<16xf32>
      %mul3A_614 = arith.mulf %mul3A_613, %div3A_610 : vector<16xf32>
      %div3A_615 = arith.constant 9.000000e+00 : f32
      %div3A_616 = vector.broadcast %div3A_615 : f32 to vector<16xf32>
      %div3A_617 = arith.divf %mul3A_611, %div3A_616 : vector<16xf32>
      %add3A_618 = arith.constant 0.142857149 : f32
      %add3A_619 = vector.broadcast %add3A_618 : f32 to vector<16xf32>
      %add3A_620 = arith.addf %add3A_619, %div3A_617 : vector<16xf32>
      %mul3A_621 = arith.mulf %mul3A_611, %add3A_620 : vector<16xf32>
      %add3A_622 = arith.constant 2.000000e-01 : f32
      %add3A_623 = vector.broadcast %add3A_622 : f32 to vector<16xf32>
      %add3A_624 = arith.addf %add3A_623, %mul3A_621 : vector<16xf32>
      %mul3A_625 = arith.mulf %mul3A_611, %add3A_624 : vector<16xf32>
      %add3A_626 = arith.constant 0.333333343 : f32
      %add3A_627 = vector.broadcast %add3A_626 : f32 to vector<16xf32>
      %add3A_628 = arith.addf %add3A_627, %mul3A_625 : vector<16xf32>
      %mul3A_629 = arith.mulf %mul3A_611, %add3A_628 : vector<16xf32>
      %add3A_630 = arith.constant 1.000000e+00 : f32
      %add3A_631 = vector.broadcast %add3A_630 : f32 to vector<16xf32>
      %add3A_632 = arith.addf %add3A_631, %mul3A_629 : vector<16xf32>
      %mul3A_633 = arith.mulf %mul3A_614, %add3A_632 : vector<16xf32>
      %convert_element_type3A_634 = arith.sitofp %add3A_603 : vector<16xi32> to vector<16xf32>
      %mul3A_635 = arith.constant 0.693147182 : f32
      %mul3A_636 = vector.broadcast %mul3A_635 : f32 to vector<16xf32>
      %mul3A_637 = arith.mulf %convert_element_type3A_634, %mul3A_636 : vector<16xf32>
      %add3A_638 = arith.addf %mul3A_633, %mul3A_637 : vector<16xf32>
      %add3A_639 = arith.addf %add3A_638, %max3A_515 : vector<16xf32>
      %add3A_640 = arith.constant 1.000000e+00 : f32
      %add3A_641 = vector.broadcast %add3A_640 : f32 to vector<16xf32>
      %add3A_642 = arith.addf %gather3A_190, %add3A_641 : vector<16xf32>
      %convert_element_type3A_643 = arith.fptosi %add3A_642 : vector<16xf32> to vector<16xi32>
      %jit3A_644 = arith.constant 0 : i32
      %broadcast_in_dim3A_645 = vector.broadcast %jit3A_644 : i32 to vector<16xi32>
      %select_n3A_646 = arith.select %not3A_171, %convert_element_type3A_643, %broadcast_in_dim3A_645 : vector<16xi1>, vector<16xi32>
      %gather3A_647 = tpu.vector_load_idx %arg16[%add3A_433, %select_n3A_646] : memref<112x21xf32, #tpu.memory_space<vmem>>[vector<16xi32>, vector<16xi32>], vector<16xf32>,
      %sub3A_648 = arith.subf %add3A_639, %gather3A_647 : vector<16xf32>
      %add3A_649 = vector.broadcast %add3A_162 : i32 to vector<16xi32>
      %add3A_650 = arith.addi %add3A_649, %iota3A : vector<16xi32>
      %lt3A_651 = arith.constant 8732 : i32
      %lt3A_652 = vector.broadcast %lt3A_651 : i32 to vector<16xi32>
      %lt3A_653 = arith.cmpi slt, %add3A_650, %lt3A_652 : vector<16xi32>
      %not3A_654 = arith.constant dense<true> : vector<16xi1>
      %not3A_655 = arith.xori %lt3A_653, %not3A_654 : vector<16xi1>
      %or3A_656 = arith.ori %not3A_171, %not3A_655 : vector<16xi1>
      %max3A_657 = arith.constant 0.000000e+00 : f32
      %max3A_658 = vector.broadcast %max3A_657 : f32 to vector<16xf32>
      %max3A_659 = arith.maximumf %sub3A_648, %max3A_658 : vector<16xf32>
      %jit3A_660 = arith.constant 0.000000e+00 : f32
      %broadcast_in_dim3A_661 = vector.broadcast %jit3A_660 : f32 to vector<16xf32>
      %select_n3A_662 = arith.select %or3A_656, %broadcast_in_dim3A_661, %max3A_659 : vector<16xi1>, vector<16xf32>
      %add3A_663 = arith.constant 17472 : i32
      %add3A_664 = arith.addi %add3A_663, %add3A_162 : i32
      %swap3A_665 = arith.index_cast %add3A_664 : i32 to index
      %swap3A_666 = tpu.vector_load %arg15[%swap3A_665] {strides = array<i32>} : memref<26208xf32, #tpu.memory_space<vmem>>, vector<16xf32>,
      tpu.vector_store %arg15[%swap3A_665], %select_n3A_662 {strides = array<i32>} : memref<26208xf32, #tpu.memory_space<vmem>>, vector<16xf32>,
      %jit3A_667 = arith.constant 0.000000e+00 : f32
      %broadcast_in_dim3A_668 = vector.broadcast %jit3A_667 : f32 to vector<16xf32>
      %select_n3A_669 = arith.select %not3A_171, %sub3A_648, %broadcast_in_dim3A_668 : vector<16xi1>, vector<16xf32>
      %add3A_670 = arith.addf %scan3A_158, %select_n3A_669 : vector<16xf32>
      scf.yield %add3A_423, %add3A_429, %add3A_670 : vector<16xf32>, vector<16xi32>, vector<16xf32>
    }
    %scan3A_69 = arith.constant 7 : i32
    %dma_start3A_70 = arith.constant 77 : i32
    %dma_start3A_71 = arith.constant 0 : i32
    %dma_start3A_72 = tpu.memref_slice %arg3[%add3A, %dma_start3A_70, %dma_start3A_71] : memref<32x78x448xf32, #tpu.memory_space<hbm>> -> memref<1x1x448xf32, #tpu.memory_space<hbm>>
    %dma_start3A_73 = tpu.memref_squeeze %dma_start3A_72 : memref<1x1x448xf32, #tpu.memory_space<hbm>> -> memref<448xf32, #tpu.memory_space<hbm>>
    %dma_start3A_74 = arith.constant 0 : i32
    %dma_start3A_75 = tpu.memref_slice %arg3[%add3A, %dma_start3A_70, %dma_start3A_74] : memref<32x78x448xf32, #tpu.memory_space<hbm>> -> memref<1x1x448xf32, #tpu.memory_space<hbm>>
    %dma_start3A_76 = tpu.memref_squeeze %dma_start3A_75 : memref<1x1x448xf32, #tpu.memory_space<hbm>> -> memref<448xf32, #tpu.memory_space<hbm>>
    tpu.enqueue_dma source(%dma_start3A_76 : memref<448xf32, #tpu.memory_space<hbm>>) target(%arg14 : memref<448xf32, #tpu.memory_space<vmem>>) target_semaphore(%arg24 : memref<!tpu.dma_semaphore, #tpu.memory_space<semaphore_mem>>)
    %dma_wait3A_77 = arith.constant 77 : i32
    %dma_wait3A_78 = arith.constant 0 : i32
    %dma_wait3A_79 = tpu.memref_slice %arg3[%add3A, %dma_wait3A_77, %dma_wait3A_78] : memref<32x78x448xf32, #tpu.memory_space<hbm>> -> memref<1x1x448xf32, #tpu.memory_space<hbm>>
    %dma_wait3A_80 = tpu.memref_squeeze %dma_wait3A_79 : memref<1x1x448xf32, #tpu.memory_space<hbm>> -> memref<448xf32, #tpu.memory_space<hbm>>
    %dma_wait3A_81 = arith.constant 0 : i32
    %dma_wait3A_82 = tpu.memref_slice %arg3[%add3A, %dma_wait3A_77, %dma_wait3A_81] : memref<32x78x448xf32, #tpu.memory_space<hbm>> -> memref<1x1x448xf32, #tpu.memory_space<hbm>>
    %dma_wait3A_83 = tpu.memref_squeeze %dma_wait3A_82 : memref<1x1x448xf32, #tpu.memory_space<hbm>> -> memref<448xf32, #tpu.memory_space<hbm>>
    tpu.wait_dma2 semaphore(%arg24 : memref<!tpu.dma_semaphore, #tpu.memory_space<semaphore_mem>>) src(%dma_wait3A_83 : memref<448xf32, #tpu.memory_space<hbm>>) dst(%arg14 : memref<448xf32, #tpu.memory_space<vmem>>)
    %dma_wait3A_84 = arith.constant 0 : i32
    %dma_wait3A_85 = arith.constant 0 : i32
    %dma_wait3A_86 = tpu.memref_slice %arg6[%add3A, %dma_wait3A_84, %dma_wait3A_85] : memref<32x112x21xf32, #tpu.memory_space<hbm>> -> memref<1x112x21xf32, #tpu.memory_space<hbm>>
    %dma_wait3A_87 = tpu.memref_squeeze %dma_wait3A_86 : memref<1x112x21xf32, #tpu.memory_space<hbm>> -> memref<112x21xf32, #tpu.memory_space<hbm>>
    %dma_wait3A_88 = arith.constant 0 : i32
    %dma_wait3A_89 = arith.constant 0 : i32
    %dma_wait3A_90 = tpu.memref_slice %arg6[%add3A, %dma_wait3A_88, %dma_wait3A_89] : memref<32x112x21xf32, #tpu.memory_space<hbm>> -> memref<1x112x21xf32, #tpu.memory_space<hbm>>
    %dma_wait3A_91 = tpu.memref_squeeze %dma_wait3A_90 : memref<1x112x21xf32, #tpu.memory_space<hbm>> -> memref<112x21xf32, #tpu.memory_space<hbm>>
    tpu.wait_dma2 semaphore(%arg22 : memref<!tpu.dma_semaphore, #tpu.memory_space<semaphore_mem>>) src(%dma_wait3A_91 : memref<112x21xf32, #tpu.memory_space<hbm>>) dst(%arg18 : memref<112x21xf32, #tpu.memory_space<vmem>>)
    %scan3A_92 = arith.constant 0 : i32
    %scan3A_93 = arith.constant 7 : i32
    %scan3A_94 = arith.addi %scan3A_92, %scan3A_93 : i32
    %scan3A_95 = arith.constant 1 : i32
    %scan3A_96:3 = scf.for %scan3A_155 = %scan3A_92 to %scan3A_94 step %scan3A_95 iter_args(%scan3A_156 = %scan3A_68#0, %scan3A_157 = %scan3A_68#1, %scan3A_158 = %scan3A_68#2) -> (vector<16xf32>, vector<16xi32>, vector<16xf32>)  : i32 {
      %mul3A_159 = arith.constant 16 : i32
      %mul3A_160 = arith.muli %scan3A_155, %mul3A_159 : i32
      %add3A_161 = arith.constant 8624 : i32
      %add3A_162 = arith.addi %add3A_161, %mul3A_160 : i32
      %add3A_163 = arith.constant 8736 : i32
      %add3A_164 = arith.addi %add3A_163, %add3A_162 : i32
      %get3A = arith.index_cast %add3A_164 : i32 to index
      %get3A_165 = tpu.vector_load %arg15[%get3A] {strides = array<i32>} : memref<26208xf32, #tpu.memory_space<vmem>>, vector<16xf32>,
      %bitcast_convert_type3A_166 = tpu.bitcast %get3A_165 : vector<16xf32> -> vector<16xi32>
      %get3A_167 = arith.index_cast %add3A_162 : i32 to index
      %get3A_168 = tpu.vector_load %arg15[%get3A_167] {strides = array<i32>} : memref<26208xf32, #tpu.memory_space<vmem>>, vector<16xf32>,
      %lt3A = arith.constant 5.000000e-01 : f32
      %lt3A_169 = vector.broadcast %lt3A : f32 to vector<16xf32>
      %lt3A_170 = arith.cmpf olt, %get3A_168, %lt3A_169 : vector<16xf32>
      %not3A = arith.constant dense<true> : vector<16xi1>
      %not3A_171 = arith.xori %lt3A_170, %not3A : vector<16xi1>
      %mul3A_172 = arith.constant 8 : i32
      %mul3A_173 = vector.broadcast %mul3A_172 : i32 to vector<16xi32>
      %mul3A_174 = arith.muli %bitcast_convert_type3A_166, %mul3A_173 : vector<16xi32>
      %gather3A = tpu.vector_load_idx %arg8[%mul3A_174] : memref<416xf32, #tpu.memory_space<vmem>>[vector<16xi32>], vector<16xf32>,
      %add3A_175 = arith.constant 1 : i32
      %add3A_176 = vector.broadcast %add3A_175 : i32 to vector<16xi32>
      %add3A_177 = arith.addi %mul3A_174, %add3A_176 : vector<16xi32>
      %gather3A_178 = tpu.vector_load_idx %arg8[%add3A_177] : memref<416xf32, #tpu.memory_space<vmem>>[vector<16xi32>], vector<16xf32>,
      %add3A_179 = arith.constant 2 : i32
      %add3A_180 = vector.broadcast %add3A_179 : i32 to vector<16xi32>
      %add3A_181 = arith.addi %mul3A_174, %add3A_180 : vector<16xi32>
      %gather3A_182 = tpu.vector_load_idx %arg8[%add3A_181] : memref<416xf32, #tpu.memory_space<vmem>>[vector<16xi32>], vector<16xf32>,
      %add3A_183 = arith.constant 3 : i32
      %add3A_184 = vector.broadcast %add3A_183 : i32 to vector<16xi32>
      %add3A_185 = arith.addi %mul3A_174, %add3A_184 : vector<16xi32>
      %gather3A_186 = tpu.vector_load_idx %arg8[%add3A_185] : memref<416xf32, #tpu.memory_space<vmem>>[vector<16xi32>], vector<16xf32>,
      %add3A_187 = arith.constant 4 : i32
      %add3A_188 = vector.broadcast %add3A_187 : i32 to vector<16xi32>
      %add3A_189 = arith.addi %mul3A_174, %add3A_188 : vector<16xi32>
      %gather3A_190 = tpu.vector_load_idx %arg8[%add3A_189] : memref<416xf32, #tpu.memory_space<vmem>>[vector<16xi32>], vector<16xf32>,
      %get3A_191 = arith.index_cast %add3A_162 : i32 to index
      %get3A_192 = tpu.vector_load %arg9[%get3A_191] {strides = array<i32>} : memref<8736xf32, #tpu.memory_space<vmem>>, vector<16xf32>,
      %get3A_193 = arith.index_cast %add3A_162 : i32 to index
      %get3A_194 = tpu.vector_load %arg10[%get3A_193] {strides = array<i32>} : memref<8736xf32, #tpu.memory_space<vmem>>, vector<16xf32>,
      %get3A_195 = arith.index_cast %add3A_162 : i32 to index
      %get3A_196 = tpu.vector_load %arg11[%get3A_195] {strides = array<i32>} : memref<8736xf32, #tpu.memory_space<vmem>>, vector<16xf32>,
      %get3A_197 = arith.index_cast %add3A_162 : i32 to index
      %get3A_198 = tpu.vector_load %arg12[%get3A_197] {strides = array<i32>} : memref<8736xf32, #tpu.memory_space<vmem>>, vector<16xf32>,
      %add3A_199 = arith.addf %gather3A, %gather3A_182 : vector<16xf32>
      %mul3A_200 = arith.constant 5.000000e-01 : f32
      %mul3A_201 = vector.broadcast %mul3A_200 : f32 to vector<16xf32>
      %mul3A_202 = arith.mulf %add3A_199, %mul3A_201 : vector<16xf32>
      %sub3A_203 = arith.subf %mul3A_202, %get3A_192 : vector<16xf32>
      %mul3A_204 = arith.constant 1.000000e-01 : f32
      %mul3A_205 = vector.broadcast %mul3A_204 : f32 to vector<16xf32>
      %mul3A_206 = arith.mulf %mul3A_205, %get3A_196 : vector<16xf32>
      %div3A = arith.divf %sub3A_203, %mul3A_206 : vector<16xf32>
      %add3A_207 = arith.addf %gather3A_178, %gather3A_186 : vector<16xf32>
      %mul3A_208 = arith.constant 5.000000e-01 : f32
      %mul3A_209 = vector.broadcast %mul3A_208 : f32 to vector<16xf32>
      %mul3A_210 = arith.mulf %add3A_207, %mul3A_209 : vector<16xf32>
      %sub3A_211 = arith.subf %mul3A_210, %get3A_194 : vector<16xf32>
      %mul3A_212 = arith.constant 1.000000e-01 : f32
      %mul3A_213 = vector.broadcast %mul3A_212 : f32 to vector<16xf32>
      %mul3A_214 = arith.mulf %mul3A_213, %get3A_198 : vector<16xf32>
      %div3A_215 = arith.divf %sub3A_211, %mul3A_214 : vector<16xf32>
      %sub3A_216 = arith.subf %gather3A_182, %gather3A : vector<16xf32>
      %div3A_217 = arith.divf %sub3A_216, %get3A_196 : vector<16xf32>
      %bitcast_convert_type3A_218 = tpu.bitcast %div3A_217 : vector<16xf32> -> vector<16xi32>
      %shift_right_logical3A = arith.constant 23 : i32
      %shift_right_logical3A_219 = vector.broadcast %shift_right_logical3A : i32 to vector<16xi32>
      %shift_right_logical3A_220 = arith.shrui %bitcast_convert_type3A_218, %shift_right_logical3A_219 : vector<16xi32>
      %sub3A_221 = arith.constant 127 : i32
      %sub3A_222 = vector.broadcast %sub3A_221 : i32 to vector<16xi32>
      %sub3A_223 = arith.subi %shift_right_logical3A_220, %sub3A_222 : vector<16xi32>
      %and3A = arith.constant 8388607 : i32
      %and3A_224 = vector.broadcast %and3A : i32 to vector<16xi32>
      %and3A_225 = arith.andi %bitcast_convert_type3A_218, %and3A_224 : vector<16xi32>
      %or3A = arith.constant 1065353216 : i32
      %or3A_226 = vector.broadcast %or3A : i32 to vector<16xi32>
      %or3A_227 = arith.ori %and3A_225, %or3A_226 : vector<16xi32>
      %bitcast_convert_type3A_228 = tpu.bitcast %or3A_227 : vector<16xi32> -> vector<16xf32>
      %gt3A = arith.constant 1.41421354 : f32
      %gt3A_229 = vector.broadcast %gt3A : f32 to vector<16xf32>
      %gt3A_230 = arith.cmpf ogt, %bitcast_convert_type3A_228, %gt3A_229 : vector<16xf32>
      %mul3A_231 = arith.constant 5.000000e-01 : f32
      %mul3A_232 = vector.broadcast %mul3A_231 : f32 to vector<16xf32>
      %mul3A_233 = arith.mulf %bitcast_convert_type3A_228, %mul3A_232 : vector<16xf32>
      %select_n3A_234 = arith.select %gt3A_230, %mul3A_233, %bitcast_convert_type3A_228 : vector<16xi1>, vector<16xf32>
      %jit3A_235 = arith.constant 1 : i32
      %jit3A_236 = arith.constant 0 : i32
      %broadcast_in_dim3A_237 = vector.broadcast %jit3A_235 : i32 to vector<16xi32>
      %broadcast_in_dim3A_238 = vector.broadcast %jit3A_236 : i32 to vector<16xi32>
      %select_n3A_239 = arith.select %gt3A_230, %broadcast_in_dim3A_237, %broadcast_in_dim3A_238 : vector<16xi1>, vector<16xi32>
      %add3A_240 = arith.addi %sub3A_223, %select_n3A_239 : vector<16xi32>
      %sub3A_241 = arith.constant 1.000000e+00 : f32
      %sub3A_242 = vector.broadcast %sub3A_241 : f32 to vector<16xf32>
      %sub3A_243 = arith.subf %select_n3A_234, %sub3A_242 : vector<16xf32>
      %add3A_244 = arith.constant 1.000000e+00 : f32
      %add3A_245 = vector.broadcast %add3A_244 : f32 to vector<16xf32>
      %add3A_246 = arith.addf %select_n3A_234, %add3A_245 : vector<16xf32>
      %div3A_247 = arith.divf %sub3A_243, %add3A_246 : vector<16xf32>
      %mul3A_248 = arith.mulf %div3A_247, %div3A_247 : vector<16xf32>
      %mul3A_249 = arith.constant 2.000000e+00 : f32
      %mul3A_250 = vector.broadcast %mul3A_249 : f32 to vector<16xf32>
      %mul3A_251 = arith.mulf %mul3A_250, %div3A_247 : vector<16xf32>
      %div3A_252 = arith.constant 9.000000e+00 : f32
      %div3A_253 = vector.broadcast %div3A_252 : f32 to vector<16xf32>
      %div3A_254 = arith.divf %mul3A_248, %div3A_253 : vector<16xf32>
      %add3A_255 = arith.constant 0.142857149 : f32
      %add3A_256 = vector.broadcast %add3A_255 : f32 to vector<16xf32>
      %add3A_257 = arith.addf %add3A_256, %div3A_254 : vector<16xf32>
      %mul3A_258 = arith.mulf %mul3A_248, %add3A_257 : vector<16xf32>
      %add3A_259 = arith.constant 2.000000e-01 : f32
      %add3A_260 = vector.broadcast %add3A_259 : f32 to vector<16xf32>
      %add3A_261 = arith.addf %add3A_260, %mul3A_258 : vector<16xf32>
      %mul3A_262 = arith.mulf %mul3A_248, %add3A_261 : vector<16xf32>
      %add3A_263 = arith.constant 0.333333343 : f32
      %add3A_264 = vector.broadcast %add3A_263 : f32 to vector<16xf32>
      %add3A_265 = arith.addf %add3A_264, %mul3A_262 : vector<16xf32>
      %mul3A_266 = arith.mulf %mul3A_248, %add3A_265 : vector<16xf32>
      %add3A_267 = arith.constant 1.000000e+00 : f32
      %add3A_268 = vector.broadcast %add3A_267 : f32 to vector<16xf32>
      %add3A_269 = arith.addf %add3A_268, %mul3A_266 : vector<16xf32>
      %mul3A_270 = arith.mulf %mul3A_251, %add3A_269 : vector<16xf32>
      %convert_element_type3A_271 = arith.sitofp %add3A_240 : vector<16xi32> to vector<16xf32>
      %mul3A_272 = arith.constant 0.693147182 : f32
      %mul3A_273 = vector.broadcast %mul3A_272 : f32 to vector<16xf32>
      %mul3A_274 = arith.mulf %convert_element_type3A_271, %mul3A_273 : vector<16xf32>
      %add3A_275 = arith.addf %mul3A_270, %mul3A_274 : vector<16xf32>
      %div3A_276 = arith.constant 2.000000e-01 : f32
      %div3A_277 = vector.broadcast %div3A_276 : f32 to vector<16xf32>
      %div3A_278 = arith.divf %add3A_275, %div3A_277 : vector<16xf32>
      %sub3A_279 = arith.subf %gather3A_186, %gather3A_178 : vector<16xf32>
      %div3A_280 = arith.divf %sub3A_279, %get3A_198 : vector<16xf32>
      %bitcast_convert_type3A_281 = tpu.bitcast %div3A_280 : vector<16xf32> -> vector<16xi32>
      %shift_right_logical3A_282 = arith.constant 23 : i32
      %shift_right_logical3A_283 = vector.broadcast %shift_right_logical3A_282 : i32 to vector<16xi32>
      %shift_right_logical3A_284 = arith.shrui %bitcast_convert_type3A_281, %shift_right_logical3A_283 : vector<16xi32>
      %sub3A_285 = arith.constant 127 : i32
      %sub3A_286 = vector.broadcast %sub3A_285 : i32 to vector<16xi32>
      %sub3A_287 = arith.subi %shift_right_logical3A_284, %sub3A_286 : vector<16xi32>
      %and3A_288 = arith.constant 8388607 : i32
      %and3A_289 = vector.broadcast %and3A_288 : i32 to vector<16xi32>
      %and3A_290 = arith.andi %bitcast_convert_type3A_281, %and3A_289 : vector<16xi32>
      %or3A_291 = arith.constant 1065353216 : i32
      %or3A_292 = vector.broadcast %or3A_291 : i32 to vector<16xi32>
      %or3A_293 = arith.ori %and3A_290, %or3A_292 : vector<16xi32>
      %bitcast_convert_type3A_294 = tpu.bitcast %or3A_293 : vector<16xi32> -> vector<16xf32>
      %gt3A_295 = arith.constant 1.41421354 : f32
      %gt3A_296 = vector.broadcast %gt3A_295 : f32 to vector<16xf32>
      %gt3A_297 = arith.cmpf ogt, %bitcast_convert_type3A_294, %gt3A_296 : vector<16xf32>
      %mul3A_298 = arith.constant 5.000000e-01 : f32
      %mul3A_299 = vector.broadcast %mul3A_298 : f32 to vector<16xf32>
      %mul3A_300 = arith.mulf %bitcast_convert_type3A_294, %mul3A_299 : vector<16xf32>
      %select_n3A_301 = arith.select %gt3A_297, %mul3A_300, %bitcast_convert_type3A_294 : vector<16xi1>, vector<16xf32>
      %jit3A_302 = arith.constant 1 : i32
      %jit3A_303 = arith.constant 0 : i32
      %broadcast_in_dim3A_304 = vector.broadcast %jit3A_302 : i32 to vector<16xi32>
      %broadcast_in_dim3A_305 = vector.broadcast %jit3A_303 : i32 to vector<16xi32>
      %select_n3A_306 = arith.select %gt3A_297, %broadcast_in_dim3A_304, %broadcast_in_dim3A_305 : vector<16xi1>, vector<16xi32>
      %add3A_307 = arith.addi %sub3A_287, %select_n3A_306 : vector<16xi32>
      %sub3A_308 = arith.constant 1.000000e+00 : f32
      %sub3A_309 = vector.broadcast %sub3A_308 : f32 to vector<16xf32>
      %sub3A_310 = arith.subf %select_n3A_301, %sub3A_309 : vector<16xf32>
      %add3A_311 = arith.constant 1.000000e+00 : f32
      %add3A_312 = vector.broadcast %add3A_311 : f32 to vector<16xf32>
      %add3A_313 = arith.addf %select_n3A_301, %add3A_312 : vector<16xf32>
      %div3A_314 = arith.divf %sub3A_310, %add3A_313 : vector<16xf32>
      %mul3A_315 = arith.mulf %div3A_314, %div3A_314 : vector<16xf32>
      %mul3A_316 = arith.constant 2.000000e+00 : f32
      %mul3A_317 = vector.broadcast %mul3A_316 : f32 to vector<16xf32>
      %mul3A_318 = arith.mulf %mul3A_317, %div3A_314 : vector<16xf32>
      %div3A_319 = arith.constant 9.000000e+00 : f32
      %div3A_320 = vector.broadcast %div3A_319 : f32 to vector<16xf32>
      %div3A_321 = arith.divf %mul3A_315, %div3A_320 : vector<16xf32>
      %add3A_322 = arith.constant 0.142857149 : f32
      %add3A_323 = vector.broadcast %add3A_322 : f32 to vector<16xf32>
      %add3A_324 = arith.addf %add3A_323, %div3A_321 : vector<16xf32>
      %mul3A_325 = arith.mulf %mul3A_315, %add3A_324 : vector<16xf32>
      %add3A_326 = arith.constant 2.000000e-01 : f32
      %add3A_327 = vector.broadcast %add3A_326 : f32 to vector<16xf32>
      %add3A_328 = arith.addf %add3A_327, %mul3A_325 : vector<16xf32>
      %mul3A_329 = arith.mulf %mul3A_315, %add3A_328 : vector<16xf32>
      %add3A_330 = arith.constant 0.333333343 : f32
      %add3A_331 = vector.broadcast %add3A_330 : f32 to vector<16xf32>
      %add3A_332 = arith.addf %add3A_331, %mul3A_329 : vector<16xf32>
      %mul3A_333 = arith.mulf %mul3A_315, %add3A_332 : vector<16xf32>
      %add3A_334 = arith.constant 1.000000e+00 : f32
      %add3A_335 = vector.broadcast %add3A_334 : f32 to vector<16xf32>
      %add3A_336 = arith.addf %add3A_335, %mul3A_333 : vector<16xf32>
      %mul3A_337 = arith.mulf %mul3A_318, %add3A_336 : vector<16xf32>
      %convert_element_type3A_338 = arith.sitofp %add3A_307 : vector<16xi32> to vector<16xf32>
      %mul3A_339 = arith.constant 0.693147182 : f32
      %mul3A_340 = vector.broadcast %mul3A_339 : f32 to vector<16xf32>
      %mul3A_341 = arith.mulf %convert_element_type3A_338, %mul3A_340 : vector<16xf32>
      %add3A_342 = arith.addf %mul3A_337, %mul3A_341 : vector<16xf32>
      %div3A_343 = arith.constant 2.000000e-01 : f32
      %div3A_344 = vector.broadcast %div3A_343 : f32 to vector<16xf32>
      %div3A_345 = arith.divf %add3A_342, %div3A_344 : vector<16xf32>
      %mul3A_346 = arith.constant 16 : i32
      %mul3A_347 = arith.muli %scan3A_155, %mul3A_346 : i32
      %add3A_348 = vector.broadcast %mul3A_347 : i32 to vector<16xi32>
      %add3A_349 = arith.addi %iota3A, %add3A_348 : vector<16xi32>
      %mul3A_350 = arith.constant 4 : i32
      %mul3A_351 = vector.broadcast %mul3A_350 : i32 to vector<16xi32>
      %mul3A_352 = arith.muli %add3A_349, %mul3A_351 : vector<16xi32>
      %gather3A_353 = tpu.vector_load_idx %arg14[%mul3A_352] : memref<448xf32, #tpu.memory_space<vmem>>[vector<16xi32>], vector<16xf32>,
      %sub3A_354 = arith.subf %gather3A_353, %div3A : vector<16xf32>
      %abs3A = math.absf %sub3A_354 : vector<16xf32>
      %lt3A_355 = arith.constant 1.000000e+00 : f32
      %lt3A_356 = vector.broadcast %lt3A_355 : f32 to vector<16xf32>
      %lt3A_357 = arith.cmpf olt, %abs3A, %lt3A_356 : vector<16xf32>
      %mul3A_358 = arith.constant 5.000000e-01 : f32
      %mul3A_359 = vector.broadcast %mul3A_358 : f32 to vector<16xf32>
      %mul3A_360 = arith.mulf %mul3A_359, %sub3A_354 : vector<16xf32>
      %mul3A_361 = arith.mulf %mul3A_360, %sub3A_354 : vector<16xf32>
      %sub3A_362 = arith.constant 5.000000e-01 : f32
      %sub3A_363 = vector.broadcast %sub3A_362 : f32 to vector<16xf32>
      %sub3A_364 = arith.subf %abs3A, %sub3A_363 : vector<16xf32>
      %select_n3A_365 = arith.select %lt3A_357, %mul3A_361, %sub3A_364 : vector<16xi1>, vector<16xf32>
      %add3A_366 = arith.constant 1 : i32
      %add3A_367 = vector.broadcast %add3A_366 : i32 to vector<16xi32>
      %add3A_368 = arith.addi %mul3A_352, %add3A_367 : vector<16xi32>
      %gather3A_369 = tpu.vector_load_idx %arg14[%add3A_368] : memref<448xf32, #tpu.memory_space<vmem>>[vector<16xi32>], vector<16xf32>,
      %sub3A_370 = arith.subf %gather3A_369, %div3A_215 : vector<16xf32>
      %abs3A_371 = math.absf %sub3A_370 : vector<16xf32>
      %lt3A_372 = arith.constant 1.000000e+00 : f32
      %lt3A_373 = vector.broadcast %lt3A_372 : f32 to vector<16xf32>
      %lt3A_374 = arith.cmpf olt, %abs3A_371, %lt3A_373 : vector<16xf32>
      %mul3A_375 = arith.constant 5.000000e-01 : f32
      %mul3A_376 = vector.broadcast %mul3A_375 : f32 to vector<16xf32>
      %mul3A_377 = arith.mulf %mul3A_376, %sub3A_370 : vector<16xf32>
      %mul3A_378 = arith.mulf %mul3A_377, %sub3A_370 : vector<16xf32>
      %sub3A_379 = arith.constant 5.000000e-01 : f32
      %sub3A_380 = vector.broadcast %sub3A_379 : f32 to vector<16xf32>
      %sub3A_381 = arith.subf %abs3A_371, %sub3A_380 : vector<16xf32>
      %select_n3A_382 = arith.select %lt3A_374, %mul3A_378, %sub3A_381 : vector<16xi1>, vector<16xf32>
      %add3A_383 = arith.addf %select_n3A_365, %select_n3A_382 : vector<16xf32>
      %add3A_384 = arith.constant 2 : i32
      %add3A_385 = vector.broadcast %add3A_384 : i32 to vector<16xi32>
      %add3A_386 = arith.addi %mul3A_352, %add3A_385 : vector<16xi32>
      %gather3A_387 = tpu.vector_load_idx %arg14[%add3A_386] : memref<448xf32, #tpu.memory_space<vmem>>[vector<16xi32>], vector<16xf32>,
      %sub3A_388 = arith.subf %gather3A_387, %div3A_278 : vector<16xf32>
      %abs3A_389 = math.absf %sub3A_388 : vector<16xf32>
      %lt3A_390 = arith.constant 1.000000e+00 : f32
      %lt3A_391 = vector.broadcast %lt3A_390 : f32 to vector<16xf32>
      %lt3A_392 = arith.cmpf olt, %abs3A_389, %lt3A_391 : vector<16xf32>
      %mul3A_393 = arith.constant 5.000000e-01 : f32
      %mul3A_394 = vector.broadcast %mul3A_393 : f32 to vector<16xf32>
      %mul3A_395 = arith.mulf %mul3A_394, %sub3A_388 : vector<16xf32>
      %mul3A_396 = arith.mulf %mul3A_395, %sub3A_388 : vector<16xf32>
      %sub3A_397 = arith.constant 5.000000e-01 : f32
      %sub3A_398 = vector.broadcast %sub3A_397 : f32 to vector<16xf32>
      %sub3A_399 = arith.subf %abs3A_389, %sub3A_398 : vector<16xf32>
      %select_n3A_400 = arith.select %lt3A_392, %mul3A_396, %sub3A_399 : vector<16xi1>, vector<16xf32>
      %add3A_401 = arith.addf %add3A_383, %select_n3A_400 : vector<16xf32>
      %add3A_402 = arith.constant 3 : i32
      %add3A_403 = vector.broadcast %add3A_402 : i32 to vector<16xi32>
      %add3A_404 = arith.addi %mul3A_352, %add3A_403 : vector<16xi32>
      %gather3A_405 = tpu.vector_load_idx %arg14[%add3A_404] : memref<448xf32, #tpu.memory_space<vmem>>[vector<16xi32>], vector<16xf32>,
      %sub3A_406 = arith.subf %gather3A_405, %div3A_345 : vector<16xf32>
      %abs3A_407 = math.absf %sub3A_406 : vector<16xf32>
      %lt3A_408 = arith.constant 1.000000e+00 : f32
      %lt3A_409 = vector.broadcast %lt3A_408 : f32 to vector<16xf32>
      %lt3A_410 = arith.cmpf olt, %abs3A_407, %lt3A_409 : vector<16xf32>
      %mul3A_411 = arith.constant 5.000000e-01 : f32
      %mul3A_412 = vector.broadcast %mul3A_411 : f32 to vector<16xf32>
      %mul3A_413 = arith.mulf %mul3A_412, %sub3A_406 : vector<16xf32>
      %mul3A_414 = arith.mulf %mul3A_413, %sub3A_406 : vector<16xf32>
      %sub3A_415 = arith.constant 5.000000e-01 : f32
      %sub3A_416 = vector.broadcast %sub3A_415 : f32 to vector<16xf32>
      %sub3A_417 = arith.subf %abs3A_407, %sub3A_416 : vector<16xf32>
      %select_n3A_418 = arith.select %lt3A_410, %mul3A_414, %sub3A_417 : vector<16xi1>, vector<16xf32>
      %add3A_419 = arith.addf %add3A_401, %select_n3A_418 : vector<16xf32>
      %jit3A_420 = arith.constant 0.000000e+00 : f32
      %broadcast_in_dim3A_421 = vector.broadcast %jit3A_420 : f32 to vector<16xf32>
      %select_n3A_422 = arith.select %not3A_171, %add3A_419, %broadcast_in_dim3A_421 : vector<16xi1>, vector<16xf32>
      %add3A_423 = arith.addf %scan3A_156, %select_n3A_422 : vector<16xf32>
      %jit3A_424 = arith.constant 1 : i32
      %jit3A_425 = arith.constant 0 : i32
      %broadcast_in_dim3A_426 = vector.broadcast %jit3A_424 : i32 to vector<16xi32>
      %broadcast_in_dim3A_427 = vector.broadcast %jit3A_425 : i32 to vector<16xi32>
      %select_n3A_428 = arith.select %not3A_171, %broadcast_in_dim3A_426, %broadcast_in_dim3A_427 : vector<16xi1>, vector<16xi32>
      %add3A_429 = arith.addi %scan3A_157, %select_n3A_428 : vector<16xi32>
      %mul3A_430 = arith.constant 16 : i32
      %mul3A_431 = arith.muli %scan3A_155, %mul3A_430 : i32
      %add3A_432 = vector.broadcast %mul3A_431 : i32 to vector<16xi32>
      %add3A_433 = arith.addi %iota3A, %add3A_432 : vector<16xi32>
      %broadcast_in_dim3A_434 = arith.constant 0 : i32
      %broadcast_in_dim3A_435 = vector.broadcast %broadcast_in_dim3A_434 : i32 to vector<16xi32>
      %gather3A_436 = tpu.vector_load_idx %arg18[%add3A_433, %broadcast_in_dim3A_435] : memref<112x21xf32, #tpu.memory_space<vmem>>[vector<16xi32>, vector<16xi32>], vector<16xf32>,
      %broadcast_in_dim3A_437 = arith.constant 1 : i32
      %broadcast_in_dim3A_438 = vector.broadcast %broadcast_in_dim3A_437 : i32 to vector<16xi32>
      %gather3A_439 = tpu.vector_load_idx %arg18[%add3A_433, %broadcast_in_dim3A_438] : memref<112x21xf32, #tpu.memory_space<vmem>>[vector<16xi32>, vector<16xi32>], vector<16xf32>,
      %broadcast_in_dim3A_440 = arith.constant 2 : i32
      %broadcast_in_dim3A_441 = vector.broadcast %broadcast_in_dim3A_440 : i32 to vector<16xi32>
      %gather3A_442 = tpu.vector_load_idx %arg18[%add3A_433, %broadcast_in_dim3A_441] : memref<112x21xf32, #tpu.memory_space<vmem>>[vector<16xi32>, vector<16xi32>], vector<16xf32>,
      %broadcast_in_dim3A_443 = arith.constant 3 : i32
      %broadcast_in_dim3A_444 = vector.broadcast %broadcast_in_dim3A_443 : i32 to vector<16xi32>
      %gather3A_445 = tpu.vector_load_idx %arg18[%add3A_433, %broadcast_in_dim3A_444] : memref<112x21xf32, #tpu.memory_space<vmem>>[vector<16xi32>, vector<16xi32>], vector<16xf32>,
      %broadcast_in_dim3A_446 = arith.constant 4 : i32
      %broadcast_in_dim3A_447 = vector.broadcast %broadcast_in_dim3A_446 : i32 to vector<16xi32>
      %gather3A_448 = tpu.vector_load_idx %arg18[%add3A_433, %broadcast_in_dim3A_447] : memref<112x21xf32, #tpu.memory_space<vmem>>[vector<16xi32>, vector<16xi32>], vector<16xf32>,
      %broadcast_in_dim3A_449 = arith.constant 5 : i32
      %broadcast_in_dim3A_450 = vector.broadcast %broadcast_in_dim3A_449 : i32 to vector<16xi32>
      %gather3A_451 = tpu.vector_load_idx %arg18[%add3A_433, %broadcast_in_dim3A_450] : memref<112x21xf32, #tpu.memory_space<vmem>>[vector<16xi32>, vector<16xi32>], vector<16xf32>,
      %broadcast_in_dim3A_452 = arith.constant 6 : i32
      %broadcast_in_dim3A_453 = vector.broadcast %broadcast_in_dim3A_452 : i32 to vector<16xi32>
      %gather3A_454 = tpu.vector_load_idx %arg18[%add3A_433, %broadcast_in_dim3A_453] : memref<112x21xf32, #tpu.memory_space<vmem>>[vector<16xi32>, vector<16xi32>], vector<16xf32>,
      %broadcast_in_dim3A_455 = arith.constant 7 : i32
      %broadcast_in_dim3A_456 = vector.broadcast %broadcast_in_dim3A_455 : i32 to vector<16xi32>
      %gather3A_457 = tpu.vector_load_idx %arg18[%add3A_433, %broadcast_in_dim3A_456] : memref<112x21xf32, #tpu.memory_space<vmem>>[vector<16xi32>, vector<16xi32>], vector<16xf32>,
      %broadcast_in_dim3A_458 = arith.constant 8 : i32
      %broadcast_in_dim3A_459 = vector.broadcast %broadcast_in_dim3A_458 : i32 to vector<16xi32>
      %gather3A_460 = tpu.vector_load_idx %arg18[%add3A_433, %broadcast_in_dim3A_459] : memref<112x21xf32, #tpu.memory_space<vmem>>[vector<16xi32>, vector<16xi32>], vector<16xf32>,
      %broadcast_in_dim3A_461 = arith.constant 9 : i32
      %broadcast_in_dim3A_462 = vector.broadcast %broadcast_in_dim3A_461 : i32 to vector<16xi32>
      %gather3A_463 = tpu.vector_load_idx %arg18[%add3A_433, %broadcast_in_dim3A_462] : memref<112x21xf32, #tpu.memory_space<vmem>>[vector<16xi32>, vector<16xi32>], vector<16xf32>,
      %broadcast_in_dim3A_464 = arith.constant 10 : i32
      %broadcast_in_dim3A_465 = vector.broadcast %broadcast_in_dim3A_464 : i32 to vector<16xi32>
      %gather3A_466 = tpu.vector_load_idx %arg18[%add3A_433, %broadcast_in_dim3A_465] : memref<112x21xf32, #tpu.memory_space<vmem>>[vector<16xi32>, vector<16xi32>], vector<16xf32>,
      %broadcast_in_dim3A_467 = arith.constant 11 : i32
      %broadcast_in_dim3A_468 = vector.broadcast %broadcast_in_dim3A_467 : i32 to vector<16xi32>
      %gather3A_469 = tpu.vector_load_idx %arg18[%add3A_433, %broadcast_in_dim3A_468] : memref<112x21xf32, #tpu.memory_space<vmem>>[vector<16xi32>, vector<16xi32>], vector<16xf32>,
      %broadcast_in_dim3A_470 = arith.constant 12 : i32
      %broadcast_in_dim3A_471 = vector.broadcast %broadcast_in_dim3A_470 : i32 to vector<16xi32>
      %gather3A_472 = tpu.vector_load_idx %arg18[%add3A_433, %broadcast_in_dim3A_471] : memref<112x21xf32, #tpu.memory_space<vmem>>[vector<16xi32>, vector<16xi32>], vector<16xf32>,
      %broadcast_in_dim3A_473 = arith.constant 13 : i32
      %broadcast_in_dim3A_474 = vector.broadcast %broadcast_in_dim3A_473 : i32 to vector<16xi32>
      %gather3A_475 = tpu.vector_load_idx %arg18[%add3A_433, %broadcast_in_dim3A_474] : memref<112x21xf32, #tpu.memory_space<vmem>>[vector<16xi32>, vector<16xi32>], vector<16xf32>,
      %broadcast_in_dim3A_476 = arith.constant 14 : i32
      %broadcast_in_dim3A_477 = vector.broadcast %broadcast_in_dim3A_476 : i32 to vector<16xi32>
      %gather3A_478 = tpu.vector_load_idx %arg18[%add3A_433, %broadcast_in_dim3A_477] : memref<112x21xf32, #tpu.memory_space<vmem>>[vector<16xi32>, vector<16xi32>], vector<16xf32>,
      %broadcast_in_dim3A_479 = arith.constant 15 : i32
      %broadcast_in_dim3A_480 = vector.broadcast %broadcast_in_dim3A_479 : i32 to vector<16xi32>
      %gather3A_481 = tpu.vector_load_idx %arg18[%add3A_433, %broadcast_in_dim3A_480] : memref<112x21xf32, #tpu.memory_space<vmem>>[vector<16xi32>, vector<16xi32>], vector<16xf32>,
      %broadcast_in_dim3A_482 = arith.constant 16 : i32
      %broadcast_in_dim3A_483 = vector.broadcast %broadcast_in_dim3A_482 : i32 to vector<16xi32>
      %gather3A_484 = tpu.vector_load_idx %arg18[%add3A_433, %broadcast_in_dim3A_483] : memref<112x21xf32, #tpu.memory_space<vmem>>[vector<16xi32>, vector<16xi32>], vector<16xf32>,
      %broadcast_in_dim3A_485 = arith.constant 17 : i32
      %broadcast_in_dim3A_486 = vector.broadcast %broadcast_in_dim3A_485 : i32 to vector<16xi32>
      %gather3A_487 = tpu.vector_load_idx %arg18[%add3A_433, %broadcast_in_dim3A_486] : memref<112x21xf32, #tpu.memory_space<vmem>>[vector<16xi32>, vector<16xi32>], vector<16xf32>,
      %broadcast_in_dim3A_488 = arith.constant 18 : i32
      %broadcast_in_dim3A_489 = vector.broadcast %broadcast_in_dim3A_488 : i32 to vector<16xi32>
      %gather3A_490 = tpu.vector_load_idx %arg18[%add3A_433, %broadcast_in_dim3A_489] : memref<112x21xf32, #tpu.memory_space<vmem>>[vector<16xi32>, vector<16xi32>], vector<16xf32>,
      %broadcast_in_dim3A_491 = arith.constant 19 : i32
      %broadcast_in_dim3A_492 = vector.broadcast %broadcast_in_dim3A_491 : i32 to vector<16xi32>
      %gather3A_493 = tpu.vector_load_idx %arg18[%add3A_433, %broadcast_in_dim3A_492] : memref<112x21xf32, #tpu.memory_space<vmem>>[vector<16xi32>, vector<16xi32>], vector<16xf32>,
      %broadcast_in_dim3A_494 = arith.constant 20 : i32
      %broadcast_in_dim3A_495 = vector.broadcast %broadcast_in_dim3A_494 : i32 to vector<16xi32>
      %gather3A_496 = tpu.vector_load_idx %arg18[%add3A_433, %broadcast_in_dim3A_495] : memref<112x21xf32, #tpu.memory_space<vmem>>[vector<16xi32>, vector<16xi32>], vector<16xf32>,
      %max3A = arith.maximumf %gather3A_436, %gather3A_439 : vector<16xf32>
      %max3A_497 = arith.maximumf %gather3A_442, %gather3A_445 : vector<16xf32>
      %max3A_498 = arith.maximumf %gather3A_448, %gather3A_451 : vector<16xf32>
      %max3A_499 = arith.maximumf %gather3A_454, %gather3A_457 : vector<16xf32>
      %max3A_500 = arith.maximumf %gather3A_460, %gather3A_463 : vector<16xf32>
      %max3A_501 = arith.maximumf %gather3A_466, %gather3A_469 : vector<16xf32>
      %max3A_502 = arith.maximumf %gather3A_472, %gather3A_475 : vector<16xf32>
      %max3A_503 = arith.maximumf %gather3A_478, %gather3A_481 : vector<16xf32>
      %max3A_504 = arith.maximumf %gather3A_484, %gather3A_487 : vector<16xf32>
      %max3A_505 = arith.maximumf %gather3A_490, %gather3A_493 : vector<16xf32>
      %max3A_506 = arith.maximumf %max3A, %max3A_497 : vector<16xf32>
      %max3A_507 = arith.maximumf %max3A_498, %max3A_499 : vector<16xf32>
      %max3A_508 = arith.maximumf %max3A_500, %max3A_501 : vector<16xf32>
      %max3A_509 = arith.maximumf %max3A_502, %max3A_503 : vector<16xf32>
      %max3A_510 = arith.maximumf %max3A_504, %max3A_505 : vector<16xf32>
      %max3A_511 = arith.maximumf %max3A_506, %max3A_507 : vector<16xf32>
      %max3A_512 = arith.maximumf %max3A_508, %max3A_509 : vector<16xf32>
      %max3A_513 = arith.maximumf %max3A_510, %gather3A_496 : vector<16xf32>
      %max3A_514 = arith.maximumf %max3A_511, %max3A_512 : vector<16xf32>
      %max3A_515 = arith.maximumf %max3A_514, %max3A_513 : vector<16xf32>
      %sub3A_516 = arith.subf %gather3A_436, %max3A_515 : vector<16xf32>
      %exp3A = math.exp %sub3A_516 : vector<16xf32>
      %sub3A_517 = arith.subf %gather3A_439, %max3A_515 : vector<16xf32>
      %exp3A_518 = math.exp %sub3A_517 : vector<16xf32>
      %sub3A_519 = arith.subf %gather3A_442, %max3A_515 : vector<16xf32>
      %exp3A_520 = math.exp %sub3A_519 : vector<16xf32>
      %sub3A_521 = arith.subf %gather3A_445, %max3A_515 : vector<16xf32>
      %exp3A_522 = math.exp %sub3A_521 : vector<16xf32>
      %sub3A_523 = arith.subf %gather3A_448, %max3A_515 : vector<16xf32>
      %exp3A_524 = math.exp %sub3A_523 : vector<16xf32>
      %sub3A_525 = arith.subf %gather3A_451, %max3A_515 : vector<16xf32>
      %exp3A_526 = math.exp %sub3A_525 : vector<16xf32>
      %sub3A_527 = arith.subf %gather3A_454, %max3A_515 : vector<16xf32>
      %exp3A_528 = math.exp %sub3A_527 : vector<16xf32>
      %sub3A_529 = arith.subf %gather3A_457, %max3A_515 : vector<16xf32>
      %exp3A_530 = math.exp %sub3A_529 : vector<16xf32>
      %sub3A_531 = arith.subf %gather3A_460, %max3A_515 : vector<16xf32>
      %exp3A_532 = math.exp %sub3A_531 : vector<16xf32>
      %sub3A_533 = arith.subf %gather3A_463, %max3A_515 : vector<16xf32>
      %exp3A_534 = math.exp %sub3A_533 : vector<16xf32>
      %sub3A_535 = arith.subf %gather3A_466, %max3A_515 : vector<16xf32>
      %exp3A_536 = math.exp %sub3A_535 : vector<16xf32>
      %sub3A_537 = arith.subf %gather3A_469, %max3A_515 : vector<16xf32>
      %exp3A_538 = math.exp %sub3A_537 : vector<16xf32>
      %sub3A_539 = arith.subf %gather3A_472, %max3A_515 : vector<16xf32>
      %exp3A_540 = math.exp %sub3A_539 : vector<16xf32>
      %sub3A_541 = arith.subf %gather3A_475, %max3A_515 : vector<16xf32>
      %exp3A_542 = math.exp %sub3A_541 : vector<16xf32>
      %sub3A_543 = arith.subf %gather3A_478, %max3A_515 : vector<16xf32>
      %exp3A_544 = math.exp %sub3A_543 : vector<16xf32>
      %sub3A_545 = arith.subf %gather3A_481, %max3A_515 : vector<16xf32>
      %exp3A_546 = math.exp %sub3A_545 : vector<16xf32>
      %sub3A_547 = arith.subf %gather3A_484, %max3A_515 : vector<16xf32>
      %exp3A_548 = math.exp %sub3A_547 : vector<16xf32>
      %sub3A_549 = arith.subf %gather3A_487, %max3A_515 : vector<16xf32>
      %exp3A_550 = math.exp %sub3A_549 : vector<16xf32>
      %sub3A_551 = arith.subf %gather3A_490, %max3A_515 : vector<16xf32>
      %exp3A_552 = math.exp %sub3A_551 : vector<16xf32>
      %sub3A_553 = arith.subf %gather3A_493, %max3A_515 : vector<16xf32>
      %exp3A_554 = math.exp %sub3A_553 : vector<16xf32>
      %sub3A_555 = arith.subf %gather3A_496, %max3A_515 : vector<16xf32>
      %exp3A_556 = math.exp %sub3A_555 : vector<16xf32>
      %add3A_557 = arith.addf %exp3A, %exp3A_518 : vector<16xf32>
      %add3A_558 = arith.addf %exp3A_520, %exp3A_522 : vector<16xf32>
      %add3A_559 = arith.addf %exp3A_524, %exp3A_526 : vector<16xf32>
      %add3A_560 = arith.addf %exp3A_528, %exp3A_530 : vector<16xf32>
      %add3A_561 = arith.addf %exp3A_532, %exp3A_534 : vector<16xf32>
      %add3A_562 = arith.addf %exp3A_536, %exp3A_538 : vector<16xf32>
      %add3A_563 = arith.addf %exp3A_540, %exp3A_542 : vector<16xf32>
      %add3A_564 = arith.addf %exp3A_544, %exp3A_546 : vector<16xf32>
      %add3A_565 = arith.addf %exp3A_548, %exp3A_550 : vector<16xf32>
      %add3A_566 = arith.addf %exp3A_552, %exp3A_554 : vector<16xf32>
      %add3A_567 = arith.addf %add3A_557, %add3A_558 : vector<16xf32>
      %add3A_568 = arith.addf %add3A_559, %add3A_560 : vector<16xf32>
      %add3A_569 = arith.addf %add3A_561, %add3A_562 : vector<16xf32>
      %add3A_570 = arith.addf %add3A_563, %add3A_564 : vector<16xf32>
      %add3A_571 = arith.addf %add3A_565, %add3A_566 : vector<16xf32>
      %add3A_572 = arith.addf %add3A_567, %add3A_568 : vector<16xf32>
      %add3A_573 = arith.addf %add3A_569, %add3A_570 : vector<16xf32>
      %add3A_574 = arith.addf %add3A_571, %exp3A_556 : vector<16xf32>
      %add3A_575 = arith.addf %add3A_572, %add3A_573 : vector<16xf32>
      %add3A_576 = arith.addf %add3A_575, %add3A_574 : vector<16xf32>
      %bitcast_convert_type3A_577 = tpu.bitcast %add3A_576 : vector<16xf32> -> vector<16xi32>
      %shift_right_logical3A_578 = arith.constant 23 : i32
      %shift_right_logical3A_579 = vector.broadcast %shift_right_logical3A_578 : i32 to vector<16xi32>
      %shift_right_logical3A_580 = arith.shrui %bitcast_convert_type3A_577, %shift_right_logical3A_579 : vector<16xi32>
      %sub3A_581 = arith.constant 127 : i32
      %sub3A_582 = vector.broadcast %sub3A_581 : i32 to vector<16xi32>
      %sub3A_583 = arith.subi %shift_right_logical3A_580, %sub3A_582 : vector<16xi32>
      %and3A_584 = arith.constant 8388607 : i32
      %and3A_585 = vector.broadcast %and3A_584 : i32 to vector<16xi32>
      %and3A_586 = arith.andi %bitcast_convert_type3A_577, %and3A_585 : vector<16xi32>
      %or3A_587 = arith.constant 1065353216 : i32
      %or3A_588 = vector.broadcast %or3A_587 : i32 to vector<16xi32>
      %or3A_589 = arith.ori %and3A_586, %or3A_588 : vector<16xi32>
      %bitcast_convert_type3A_590 = tpu.bitcast %or3A_589 : vector<16xi32> -> vector<16xf32>
      %gt3A_591 = arith.constant 1.41421354 : f32
      %gt3A_592 = vector.broadcast %gt3A_591 : f32 to vector<16xf32>
      %gt3A_593 = arith.cmpf ogt, %bitcast_convert_type3A_590, %gt3A_592 : vector<16xf32>
      %mul3A_594 = arith.constant 5.000000e-01 : f32
      %mul3A_595 = vector.broadcast %mul3A_594 : f32 to vector<16xf32>
      %mul3A_596 = arith.mulf %bitcast_convert_type3A_590, %mul3A_595 : vector<16xf32>
      %select_n3A_597 = arith.select %gt3A_593, %mul3A_596, %bitcast_convert_type3A_590 : vector<16xi1>, vector<16xf32>
      %jit3A_598 = arith.constant 1 : i32
      %jit3A_599 = arith.constant 0 : i32
      %broadcast_in_dim3A_600 = vector.broadcast %jit3A_598 : i32 to vector<16xi32>
      %broadcast_in_dim3A_601 = vector.broadcast %jit3A_599 : i32 to vector<16xi32>
      %select_n3A_602 = arith.select %gt3A_593, %broadcast_in_dim3A_600, %broadcast_in_dim3A_601 : vector<16xi1>, vector<16xi32>
      %add3A_603 = arith.addi %sub3A_583, %select_n3A_602 : vector<16xi32>
      %sub3A_604 = arith.constant 1.000000e+00 : f32
      %sub3A_605 = vector.broadcast %sub3A_604 : f32 to vector<16xf32>
      %sub3A_606 = arith.subf %select_n3A_597, %sub3A_605 : vector<16xf32>
      %add3A_607 = arith.constant 1.000000e+00 : f32
      %add3A_608 = vector.broadcast %add3A_607 : f32 to vector<16xf32>
      %add3A_609 = arith.addf %select_n3A_597, %add3A_608 : vector<16xf32>
      %div3A_610 = arith.divf %sub3A_606, %add3A_609 : vector<16xf32>
      %mul3A_611 = arith.mulf %div3A_610, %div3A_610 : vector<16xf32>
      %mul3A_612 = arith.constant 2.000000e+00 : f32
      %mul3A_613 = vector.broadcast %mul3A_612 : f32 to vector<16xf32>
      %mul3A_614 = arith.mulf %mul3A_613, %div3A_610 : vector<16xf32>
      %div3A_615 = arith.constant 9.000000e+00 : f32
      %div3A_616 = vector.broadcast %div3A_615 : f32 to vector<16xf32>
      %div3A_617 = arith.divf %mul3A_611, %div3A_616 : vector<16xf32>
      %add3A_618 = arith.constant 0.142857149 : f32
      %add3A_619 = vector.broadcast %add3A_618 : f32 to vector<16xf32>
      %add3A_620 = arith.addf %add3A_619, %div3A_617 : vector<16xf32>
      %mul3A_621 = arith.mulf %mul3A_611, %add3A_620 : vector<16xf32>
      %add3A_622 = arith.constant 2.000000e-01 : f32
      %add3A_623 = vector.broadcast %add3A_622 : f32 to vector<16xf32>
      %add3A_624 = arith.addf %add3A_623, %mul3A_621 : vector<16xf32>
      %mul3A_625 = arith.mulf %mul3A_611, %add3A_624 : vector<16xf32>
      %add3A_626 = arith.constant 0.333333343 : f32
      %add3A_627 = vector.broadcast %add3A_626 : f32 to vector<16xf32>
      %add3A_628 = arith.addf %add3A_627, %mul3A_625 : vector<16xf32>
      %mul3A_629 = arith.mulf %mul3A_611, %add3A_628 : vector<16xf32>
      %add3A_630 = arith.constant 1.000000e+00 : f32
      %add3A_631 = vector.broadcast %add3A_630 : f32 to vector<16xf32>
      %add3A_632 = arith.addf %add3A_631, %mul3A_629 : vector<16xf32>
      %mul3A_633 = arith.mulf %mul3A_614, %add3A_632 : vector<16xf32>
      %convert_element_type3A_634 = arith.sitofp %add3A_603 : vector<16xi32> to vector<16xf32>
      %mul3A_635 = arith.constant 0.693147182 : f32
      %mul3A_636 = vector.broadcast %mul3A_635 : f32 to vector<16xf32>
      %mul3A_637 = arith.mulf %convert_element_type3A_634, %mul3A_636 : vector<16xf32>
      %add3A_638 = arith.addf %mul3A_633, %mul3A_637 : vector<16xf32>
      %add3A_639 = arith.addf %add3A_638, %max3A_515 : vector<16xf32>
      %add3A_640 = arith.constant 1.000000e+00 : f32
      %add3A_641 = vector.broadcast %add3A_640 : f32 to vector<16xf32>
      %add3A_642 = arith.addf %gather3A_190, %add3A_641 : vector<16xf32>
      %convert_element_type3A_643 = arith.fptosi %add3A_642 : vector<16xf32> to vector<16xi32>
      %jit3A_644 = arith.constant 0 : i32
      %broadcast_in_dim3A_645 = vector.broadcast %jit3A_644 : i32 to vector<16xi32>
      %select_n3A_646 = arith.select %not3A_171, %convert_element_type3A_643, %broadcast_in_dim3A_645 : vector<16xi1>, vector<16xi32>
      %gather3A_647 = tpu.vector_load_idx %arg18[%add3A_433, %select_n3A_646] : memref<112x21xf32, #tpu.memory_space<vmem>>[vector<16xi32>, vector<16xi32>], vector<16xf32>,
      %sub3A_648 = arith.subf %add3A_639, %gather3A_647 : vector<16xf32>
      %add3A_649 = vector.broadcast %add3A_162 : i32 to vector<16xi32>
      %add3A_650 = arith.addi %add3A_649, %iota3A : vector<16xi32>
      %lt3A_651 = arith.constant 8732 : i32
      %lt3A_652 = vector.broadcast %lt3A_651 : i32 to vector<16xi32>
      %lt3A_653 = arith.cmpi slt, %add3A_650, %lt3A_652 : vector<16xi32>
      %not3A_654 = arith.constant dense<true> : vector<16xi1>
      %not3A_655 = arith.xori %lt3A_653, %not3A_654 : vector<16xi1>
      %or3A_656 = arith.ori %not3A_171, %not3A_655 : vector<16xi1>
      %max3A_657 = arith.constant 0.000000e+00 : f32
      %max3A_658 = vector.broadcast %max3A_657 : f32 to vector<16xf32>
      %max3A_659 = arith.maximumf %sub3A_648, %max3A_658 : vector<16xf32>
      %jit3A_660 = arith.constant 0.000000e+00 : f32
      %broadcast_in_dim3A_661 = vector.broadcast %jit3A_660 : f32 to vector<16xf32>
      %select_n3A_662 = arith.select %or3A_656, %broadcast_in_dim3A_661, %max3A_659 : vector<16xi1>, vector<16xf32>
      %add3A_663 = arith.constant 17472 : i32
      %add3A_664 = arith.addi %add3A_663, %add3A_162 : i32
      %swap3A_665 = arith.index_cast %add3A_664 : i32 to index
      %swap3A_666 = tpu.vector_load %arg15[%swap3A_665] {strides = array<i32>} : memref<26208xf32, #tpu.memory_space<vmem>>, vector<16xf32>,
      tpu.vector_store %arg15[%swap3A_665], %select_n3A_662 {strides = array<i32>} : memref<26208xf32, #tpu.memory_space<vmem>>, vector<16xf32>,
      %jit3A_667 = arith.constant 0.000000e+00 : f32
      %broadcast_in_dim3A_668 = vector.broadcast %jit3A_667 : f32 to vector<16xf32>
      %select_n3A_669 = arith.select %not3A_171, %sub3A_648, %broadcast_in_dim3A_668 : vector<16xi1>, vector<16xf32>
      %add3A_670 = arith.addf %scan3A_158, %select_n3A_669 : vector<16xf32>
      scf.yield %add3A_423, %add3A_429, %add3A_670 : vector<16xf32>, vector<16xi32>, vector<16xf32>
    }
    %scan3A_97 = arith.constant 7 : i32
    %reduce_sum3A = arith.constant true
    %reduce_sum3A_98 = vector.broadcast %reduce_sum3A : i1 to vector<16xi1>
    %reduce_sum3A_99 = tpu.scan <sum>, %scan3A_96#0 masked %reduce_sum3A_98 : vector<16xf32>, vector<16xi1> -> vector<16xf32>
    %reduce_sum3A_100 = vector.extract %reduce_sum3A_99[15] : f32 from vector<16xf32>
    %reduce_sum3A_101 = arith.constant true
    %reduce_sum3A_102 = vector.broadcast %reduce_sum3A_101 : i1 to vector<16xi1>
    %reduce_sum3A_103 = tpu.scan <sum>, %scan3A_96#1 masked %reduce_sum3A_102 : vector<16xi32>, vector<16xi1> -> vector<16xi32>
    %reduce_sum3A_104 = vector.extract %reduce_sum3A_103[15] : i32 from vector<16xi32>
    %reduce_sum3A_105 = arith.constant true
    %reduce_sum3A_106 = vector.broadcast %reduce_sum3A_105 : i1 to vector<16xi1>
    %reduce_sum3A_107 = tpu.scan <sum>, %scan3A_96#2 masked %reduce_sum3A_106 : vector<16xf32>, vector<16xi1> -> vector<16xf32>
    %reduce_sum3A_108 = vector.extract %reduce_sum3A_107[15] : f32 from vector<16xf32>
    %mul3A_109 = arith.constant 3 : i32
    %mul3A_110 = arith.muli %mul3A_109, %reduce_sum3A_104 : i32
    %min3A = arith.constant 8731 : i32
    %min3A_111 = arith.minsi %mul3A_110, %min3A : i32
    %scan3A_112 = arith.constant 0 : i32
    %scan3A_113 = arith.constant 0 : i32
    %scan3A_114 = arith.constant 31 : i32
    %scan3A_115 = arith.addi %scan3A_113, %scan3A_114 : i32
    %scan3A_116 = arith.constant 1 : i32
    %scan3A_117 = scf.for %scan3A_155 = %scan3A_113 to %scan3A_115 step %scan3A_116 iter_args(%scan3A_156 = %scan3A_112) -> (i32)  : i32 {
      %sub3A_157 = arith.constant 30 : i32
      %sub3A_158 = arith.subi %sub3A_157, %scan3A_155 : i32
      %shift_left3A = arith.constant 1 : i32
      %shift_left3A_159 = arith.shli %shift_left3A, %sub3A_158 : i32
      %or3A = arith.ori %scan3A_156, %shift_left3A_159 : i32
      %broadcast_in_dim3A_160 = vector.broadcast %or3A : i32 to vector<16xi32>
      %scan3A_161 = arith.constant 0 : i32
      %scan3A_162 = arith.constant 26 : i32
      %scan3A_163 = arith.addi %scan3A_161, %scan3A_162 : i32
      %scan3A_164 = arith.constant 1 : i32
      %scan3A_165:3 = scf.for %scan3A_177 = %scan3A_161 to %scan3A_163 step %scan3A_164 iter_args(%scan3A_178 = %broadcast_in_dim3A_8, %scan3A_179 = %broadcast_in_dim3A_8, %scan3A_180 = %broadcast_in_dim3A_8) -> (vector<16xi32>, vector<16xi32>, vector<16xi32>)  : i32 {
        %mul3A_181 = arith.constant 21 : i32
        %mul3A_182 = arith.muli %scan3A_177, %mul3A_181 : i32
        %add3A_183 = arith.constant 0 : i32
        %add3A_184 = arith.addi %mul3A_182, %add3A_183 : i32
        %mul3A_185 = arith.constant 16 : i32
        %mul3A_186 = arith.muli %add3A_184, %mul3A_185 : i32
        %add3A_187 = arith.constant 17472 : i32
        %add3A_188 = arith.addi %add3A_187, %mul3A_186 : i32
        %get3A = arith.index_cast %add3A_188 : i32 to index
        %get3A_189 = tpu.vector_load %arg15[%get3A] {strides = array<i32>} : memref<26208xf32, #tpu.memory_space<vmem>>, vector<16xf32>,
        %bitcast_convert_type3A_190 = tpu.bitcast %get3A_189 : vector<16xf32> -> vector<16xi32>
        %ge3A_191 = arith.cmpi sge, %bitcast_convert_type3A_190, %broadcast_in_dim3A_160 : vector<16xi32>
        %all_reduce_population_count3A = tpu.all_reduce %ge3A_191 {dim = 0 : i64, kind = #tpu.reduction_kind<sum>} : vector<16xi1> -> vector<16xi32>
        %mul3A_192 = arith.constant 21 : i32
        %mul3A_193 = arith.muli %scan3A_177, %mul3A_192 : i32
        %add3A_194 = arith.constant 1 : i32
        %add3A_195 = arith.addi %mul3A_193, %add3A_194 : i32
        %mul3A_196 = arith.constant 16 : i32
        %mul3A_197 = arith.muli %add3A_195, %mul3A_196 : i32
        %add3A_198 = arith.constant 17472 : i32
        %add3A_199 = arith.addi %add3A_198, %mul3A_197 : i32
        %get3A_200 = arith.index_cast %add3A_199 : i32 to index
        %get3A_201 = tpu.vector_load %arg15[%get3A_200] {strides = array<i32>} : memref<26208xf32, #tpu.memory_space<vmem>>, vector<16xf32>,
        %bitcast_convert_type3A_202 = tpu.bitcast %get3A_201 : vector<16xf32> -> vector<16xi32>
        %ge3A_203 = arith.cmpi sge, %bitcast_convert_type3A_202, %broadcast_in_dim3A_160 : vector<16xi32>
        %all_reduce_population_count3A_204 = tpu.all_reduce %ge3A_203 {dim = 0 : i64, kind = #tpu.reduction_kind<sum>} : vector<16xi1> -> vector<16xi32>
        %mul3A_205 = arith.constant 21 : i32
        %mul3A_206 = arith.muli %scan3A_177, %mul3A_205 : i32
        %add3A_207 = arith.constant 2 : i32
        %add3A_208 = arith.addi %mul3A_206, %add3A_207 : i32
        %mul3A_209 = arith.constant 16 : i32
        %mul3A_210 = arith.muli %add3A_208, %mul3A_209 : i32
        %add3A_211 = arith.constant 17472 : i32
        %add3A_212 = arith.addi %add3A_211, %mul3A_210 : i32
        %get3A_213 = arith.index_cast %add3A_212 : i32 to index
        %get3A_214 = tpu.vector_load %arg15[%get3A_213] {strides = array<i32>} : memref<26208xf32, #tpu.memory_space<vmem>>, vector<16xf32>,
        %bitcast_convert_type3A_215 = tpu.bitcast %get3A_214 : vector<16xf32> -> vector<16xi32>
        %ge3A_216 = arith.cmpi sge, %bitcast_convert_type3A_215, %broadcast_in_dim3A_160 : vector<16xi32>
        %all_reduce_population_count3A_217 = tpu.all_reduce %ge3A_216 {dim = 0 : i64, kind = #tpu.reduction_kind<sum>} : vector<16xi1> -> vector<16xi32>
        %mul3A_218 = arith.constant 21 : i32
        %mul3A_219 = arith.muli %scan3A_177, %mul3A_218 : i32
        %add3A_220 = arith.constant 3 : i32
        %add3A_221 = arith.addi %mul3A_219, %add3A_220 : i32
        %mul3A_222 = arith.constant 16 : i32
        %mul3A_223 = arith.muli %add3A_221, %mul3A_222 : i32
        %add3A_224 = arith.constant 17472 : i32
        %add3A_225 = arith.addi %add3A_224, %mul3A_223 : i32
        %get3A_226 = arith.index_cast %add3A_225 : i32 to index
        %get3A_227 = tpu.vector_load %arg15[%get3A_226] {strides = array<i32>} : memref<26208xf32, #tpu.memory_space<vmem>>, vector<16xf32>,
        %bitcast_convert_type3A_228 = tpu.bitcast %get3A_227 : vector<16xf32> -> vector<16xi32>
        %ge3A_229 = arith.cmpi sge, %bitcast_convert_type3A_228, %broadcast_in_dim3A_160 : vector<16xi32>
        %all_reduce_population_count3A_230 = tpu.all_reduce %ge3A_229 {dim = 0 : i64, kind = #tpu.reduction_kind<sum>} : vector<16xi1> -> vector<16xi32>
        %mul3A_231 = arith.constant 21 : i32
        %mul3A_232 = arith.muli %scan3A_177, %mul3A_231 : i32
        %add3A_233 = arith.constant 4 : i32
        %add3A_234 = arith.addi %mul3A_232, %add3A_233 : i32
        %mul3A_235 = arith.constant 16 : i32
        %mul3A_236 = arith.muli %add3A_234, %mul3A_235 : i32
        %add3A_237 = arith.constant 17472 : i32
        %add3A_238 = arith.addi %add3A_237, %mul3A_236 : i32
        %get3A_239 = arith.index_cast %add3A_238 : i32 to index
        %get3A_240 = tpu.vector_load %arg15[%get3A_239] {strides = array<i32>} : memref<26208xf32, #tpu.memory_space<vmem>>, vector<16xf32>,
        %bitcast_convert_type3A_241 = tpu.bitcast %get3A_240 : vector<16xf32> -> vector<16xi32>
        %ge3A_242 = arith.cmpi sge, %bitcast_convert_type3A_241, %broadcast_in_dim3A_160 : vector<16xi32>
        %all_reduce_population_count3A_243 = tpu.all_reduce %ge3A_242 {dim = 0 : i64, kind = #tpu.reduction_kind<sum>} : vector<16xi1> -> vector<16xi32>
        %mul3A_244 = arith.constant 21 : i32
        %mul3A_245 = arith.muli %scan3A_177, %mul3A_244 : i32
        %add3A_246 = arith.constant 5 : i32
        %add3A_247 = arith.addi %mul3A_245, %add3A_246 : i32
        %mul3A_248 = arith.constant 16 : i32
        %mul3A_249 = arith.muli %add3A_247, %mul3A_248 : i32
        %add3A_250 = arith.constant 17472 : i32
        %add3A_251 = arith.addi %add3A_250, %mul3A_249 : i32
        %get3A_252 = arith.index_cast %add3A_251 : i32 to index
        %get3A_253 = tpu.vector_load %arg15[%get3A_252] {strides = array<i32>} : memref<26208xf32, #tpu.memory_space<vmem>>, vector<16xf32>,
        %bitcast_convert_type3A_254 = tpu.bitcast %get3A_253 : vector<16xf32> -> vector<16xi32>
        %ge3A_255 = arith.cmpi sge, %bitcast_convert_type3A_254, %broadcast_in_dim3A_160 : vector<16xi32>
        %all_reduce_population_count3A_256 = tpu.all_reduce %ge3A_255 {dim = 0 : i64, kind = #tpu.reduction_kind<sum>} : vector<16xi1> -> vector<16xi32>
        %mul3A_257 = arith.constant 21 : i32
        %mul3A_258 = arith.muli %scan3A_177, %mul3A_257 : i32
        %add3A_259 = arith.constant 6 : i32
        %add3A_260 = arith.addi %mul3A_258, %add3A_259 : i32
        %mul3A_261 = arith.constant 16 : i32
        %mul3A_262 = arith.muli %add3A_260, %mul3A_261 : i32
        %add3A_263 = arith.constant 17472 : i32
        %add3A_264 = arith.addi %add3A_263, %mul3A_262 : i32
        %get3A_265 = arith.index_cast %add3A_264 : i32 to index
        %get3A_266 = tpu.vector_load %arg15[%get3A_265] {strides = array<i32>} : memref<26208xf32, #tpu.memory_space<vmem>>, vector<16xf32>,
        %bitcast_convert_type3A_267 = tpu.bitcast %get3A_266 : vector<16xf32> -> vector<16xi32>
        %ge3A_268 = arith.cmpi sge, %bitcast_convert_type3A_267, %broadcast_in_dim3A_160 : vector<16xi32>
        %all_reduce_population_count3A_269 = tpu.all_reduce %ge3A_268 {dim = 0 : i64, kind = #tpu.reduction_kind<sum>} : vector<16xi1> -> vector<16xi32>
        %mul3A_270 = arith.constant 21 : i32
        %mul3A_271 = arith.muli %scan3A_177, %mul3A_270 : i32
        %add3A_272 = arith.constant 7 : i32
        %add3A_273 = arith.addi %mul3A_271, %add3A_272 : i32
        %mul3A_274 = arith.constant 16 : i32
        %mul3A_275 = arith.muli %add3A_273, %mul3A_274 : i32
        %add3A_276 = arith.constant 17472 : i32
        %add3A_277 = arith.addi %add3A_276, %mul3A_275 : i32
        %get3A_278 = arith.index_cast %add3A_277 : i32 to index
        %get3A_279 = tpu.vector_load %arg15[%get3A_278] {strides = array<i32>} : memref<26208xf32, #tpu.memory_space<vmem>>, vector<16xf32>,
        %bitcast_convert_type3A_280 = tpu.bitcast %get3A_279 : vector<16xf32> -> vector<16xi32>
        %ge3A_281 = arith.cmpi sge, %bitcast_convert_type3A_280, %broadcast_in_dim3A_160 : vector<16xi32>
        %all_reduce_population_count3A_282 = tpu.all_reduce %ge3A_281 {dim = 0 : i64, kind = #tpu.reduction_kind<sum>} : vector<16xi1> -> vector<16xi32>
        %mul3A_283 = arith.constant 21 : i32
        %mul3A_284 = arith.muli %scan3A_177, %mul3A_283 : i32
        %add3A_285 = arith.constant 8 : i32
        %add3A_286 = arith.addi %mul3A_284, %add3A_285 : i32
        %mul3A_287 = arith.constant 16 : i32
        %mul3A_288 = arith.muli %add3A_286, %mul3A_287 : i32
        %add3A_289 = arith.constant 17472 : i32
        %add3A_290 = arith.addi %add3A_289, %mul3A_288 : i32
        %get3A_291 = arith.index_cast %add3A_290 : i32 to index
        %get3A_292 = tpu.vector_load %arg15[%get3A_291] {strides = array<i32>} : memref<26208xf32, #tpu.memory_space<vmem>>, vector<16xf32>,
        %bitcast_convert_type3A_293 = tpu.bitcast %get3A_292 : vector<16xf32> -> vector<16xi32>
        %ge3A_294 = arith.cmpi sge, %bitcast_convert_type3A_293, %broadcast_in_dim3A_160 : vector<16xi32>
        %all_reduce_population_count3A_295 = tpu.all_reduce %ge3A_294 {dim = 0 : i64, kind = #tpu.reduction_kind<sum>} : vector<16xi1> -> vector<16xi32>
        %mul3A_296 = arith.constant 21 : i32
        %mul3A_297 = arith.muli %scan3A_177, %mul3A_296 : i32
        %add3A_298 = arith.constant 9 : i32
        %add3A_299 = arith.addi %mul3A_297, %add3A_298 : i32
        %mul3A_300 = arith.constant 16 : i32
        %mul3A_301 = arith.muli %add3A_299, %mul3A_300 : i32
        %add3A_302 = arith.constant 17472 : i32
        %add3A_303 = arith.addi %add3A_302, %mul3A_301 : i32
        %get3A_304 = arith.index_cast %add3A_303 : i32 to index
        %get3A_305 = tpu.vector_load %arg15[%get3A_304] {strides = array<i32>} : memref<26208xf32, #tpu.memory_space<vmem>>, vector<16xf32>,
        %bitcast_convert_type3A_306 = tpu.bitcast %get3A_305 : vector<16xf32> -> vector<16xi32>
        %ge3A_307 = arith.cmpi sge, %bitcast_convert_type3A_306, %broadcast_in_dim3A_160 : vector<16xi32>
        %all_reduce_population_count3A_308 = tpu.all_reduce %ge3A_307 {dim = 0 : i64, kind = #tpu.reduction_kind<sum>} : vector<16xi1> -> vector<16xi32>
        %mul3A_309 = arith.constant 21 : i32
        %mul3A_310 = arith.muli %scan3A_177, %mul3A_309 : i32
        %add3A_311 = arith.constant 10 : i32
        %add3A_312 = arith.addi %mul3A_310, %add3A_311 : i32
        %mul3A_313 = arith.constant 16 : i32
        %mul3A_314 = arith.muli %add3A_312, %mul3A_313 : i32
        %add3A_315 = arith.constant 17472 : i32
        %add3A_316 = arith.addi %add3A_315, %mul3A_314 : i32
        %get3A_317 = arith.index_cast %add3A_316 : i32 to index
        %get3A_318 = tpu.vector_load %arg15[%get3A_317] {strides = array<i32>} : memref<26208xf32, #tpu.memory_space<vmem>>, vector<16xf32>,
        %bitcast_convert_type3A_319 = tpu.bitcast %get3A_318 : vector<16xf32> -> vector<16xi32>
        %ge3A_320 = arith.cmpi sge, %bitcast_convert_type3A_319, %broadcast_in_dim3A_160 : vector<16xi32>
        %all_reduce_population_count3A_321 = tpu.all_reduce %ge3A_320 {dim = 0 : i64, kind = #tpu.reduction_kind<sum>} : vector<16xi1> -> vector<16xi32>
        %mul3A_322 = arith.constant 21 : i32
        %mul3A_323 = arith.muli %scan3A_177, %mul3A_322 : i32
        %add3A_324 = arith.constant 11 : i32
        %add3A_325 = arith.addi %mul3A_323, %add3A_324 : i32
        %mul3A_326 = arith.constant 16 : i32
        %mul3A_327 = arith.muli %add3A_325, %mul3A_326 : i32
        %add3A_328 = arith.constant 17472 : i32
        %add3A_329 = arith.addi %add3A_328, %mul3A_327 : i32
        %get3A_330 = arith.index_cast %add3A_329 : i32 to index
        %get3A_331 = tpu.vector_load %arg15[%get3A_330] {strides = array<i32>} : memref<26208xf32, #tpu.memory_space<vmem>>, vector<16xf32>,
        %bitcast_convert_type3A_332 = tpu.bitcast %get3A_331 : vector<16xf32> -> vector<16xi32>
        %ge3A_333 = arith.cmpi sge, %bitcast_convert_type3A_332, %broadcast_in_dim3A_160 : vector<16xi32>
        %all_reduce_population_count3A_334 = tpu.all_reduce %ge3A_333 {dim = 0 : i64, kind = #tpu.reduction_kind<sum>} : vector<16xi1> -> vector<16xi32>
        %mul3A_335 = arith.constant 21 : i32
        %mul3A_336 = arith.muli %scan3A_177, %mul3A_335 : i32
        %add3A_337 = arith.constant 12 : i32
        %add3A_338 = arith.addi %mul3A_336, %add3A_337 : i32
        %mul3A_339 = arith.constant 16 : i32
        %mul3A_340 = arith.muli %add3A_338, %mul3A_339 : i32
        %add3A_341 = arith.constant 17472 : i32
        %add3A_342 = arith.addi %add3A_341, %mul3A_340 : i32
        %get3A_343 = arith.index_cast %add3A_342 : i32 to index
        %get3A_344 = tpu.vector_load %arg15[%get3A_343] {strides = array<i32>} : memref<26208xf32, #tpu.memory_space<vmem>>, vector<16xf32>,
        %bitcast_convert_type3A_345 = tpu.bitcast %get3A_344 : vector<16xf32> -> vector<16xi32>
        %ge3A_346 = arith.cmpi sge, %bitcast_convert_type3A_345, %broadcast_in_dim3A_160 : vector<16xi32>
        %all_reduce_population_count3A_347 = tpu.all_reduce %ge3A_346 {dim = 0 : i64, kind = #tpu.reduction_kind<sum>} : vector<16xi1> -> vector<16xi32>
        %mul3A_348 = arith.constant 21 : i32
        %mul3A_349 = arith.muli %scan3A_177, %mul3A_348 : i32
        %add3A_350 = arith.constant 13 : i32
        %add3A_351 = arith.addi %mul3A_349, %add3A_350 : i32
        %mul3A_352 = arith.constant 16 : i32
        %mul3A_353 = arith.muli %add3A_351, %mul3A_352 : i32
        %add3A_354 = arith.constant 17472 : i32
        %add3A_355 = arith.addi %add3A_354, %mul3A_353 : i32
        %get3A_356 = arith.index_cast %add3A_355 : i32 to index
        %get3A_357 = tpu.vector_load %arg15[%get3A_356] {strides = array<i32>} : memref<26208xf32, #tpu.memory_space<vmem>>, vector<16xf32>,
        %bitcast_convert_type3A_358 = tpu.bitcast %get3A_357 : vector<16xf32> -> vector<16xi32>
        %ge3A_359 = arith.cmpi sge, %bitcast_convert_type3A_358, %broadcast_in_dim3A_160 : vector<16xi32>
        %all_reduce_population_count3A_360 = tpu.all_reduce %ge3A_359 {dim = 0 : i64, kind = #tpu.reduction_kind<sum>} : vector<16xi1> -> vector<16xi32>
        %mul3A_361 = arith.constant 21 : i32
        %mul3A_362 = arith.muli %scan3A_177, %mul3A_361 : i32
        %add3A_363 = arith.constant 14 : i32
        %add3A_364 = arith.addi %mul3A_362, %add3A_363 : i32
        %mul3A_365 = arith.constant 16 : i32
        %mul3A_366 = arith.muli %add3A_364, %mul3A_365 : i32
        %add3A_367 = arith.constant 17472 : i32
        %add3A_368 = arith.addi %add3A_367, %mul3A_366 : i32
        %get3A_369 = arith.index_cast %add3A_368 : i32 to index
        %get3A_370 = tpu.vector_load %arg15[%get3A_369] {strides = array<i32>} : memref<26208xf32, #tpu.memory_space<vmem>>, vector<16xf32>,
        %bitcast_convert_type3A_371 = tpu.bitcast %get3A_370 : vector<16xf32> -> vector<16xi32>
        %ge3A_372 = arith.cmpi sge, %bitcast_convert_type3A_371, %broadcast_in_dim3A_160 : vector<16xi32>
        %all_reduce_population_count3A_373 = tpu.all_reduce %ge3A_372 {dim = 0 : i64, kind = #tpu.reduction_kind<sum>} : vector<16xi1> -> vector<16xi32>
        %mul3A_374 = arith.constant 21 : i32
        %mul3A_375 = arith.muli %scan3A_177, %mul3A_374 : i32
        %add3A_376 = arith.constant 15 : i32
        %add3A_377 = arith.addi %mul3A_375, %add3A_376 : i32
        %mul3A_378 = arith.constant 16 : i32
        %mul3A_379 = arith.muli %add3A_377, %mul3A_378 : i32
        %add3A_380 = arith.constant 17472 : i32
        %add3A_381 = arith.addi %add3A_380, %mul3A_379 : i32
        %get3A_382 = arith.index_cast %add3A_381 : i32 to index
        %get3A_383 = tpu.vector_load %arg15[%get3A_382] {strides = array<i32>} : memref<26208xf32, #tpu.memory_space<vmem>>, vector<16xf32>,
        %bitcast_convert_type3A_384 = tpu.bitcast %get3A_383 : vector<16xf32> -> vector<16xi32>
        %ge3A_385 = arith.cmpi sge, %bitcast_convert_type3A_384, %broadcast_in_dim3A_160 : vector<16xi32>
        %all_reduce_population_count3A_386 = tpu.all_reduce %ge3A_385 {dim = 0 : i64, kind = #tpu.reduction_kind<sum>} : vector<16xi1> -> vector<16xi32>
        %mul3A_387 = arith.constant 21 : i32
        %mul3A_388 = arith.muli %scan3A_177, %mul3A_387 : i32
        %add3A_389 = arith.constant 16 : i32
        %add3A_390 = arith.addi %mul3A_388, %add3A_389 : i32
        %mul3A_391 = arith.constant 16 : i32
        %mul3A_392 = arith.muli %add3A_390, %mul3A_391 : i32
        %add3A_393 = arith.constant 17472 : i32
        %add3A_394 = arith.addi %add3A_393, %mul3A_392 : i32
        %get3A_395 = arith.index_cast %add3A_394 : i32 to index
        %get3A_396 = tpu.vector_load %arg15[%get3A_395] {strides = array<i32>} : memref<26208xf32, #tpu.memory_space<vmem>>, vector<16xf32>,
        %bitcast_convert_type3A_397 = tpu.bitcast %get3A_396 : vector<16xf32> -> vector<16xi32>
        %ge3A_398 = arith.cmpi sge, %bitcast_convert_type3A_397, %broadcast_in_dim3A_160 : vector<16xi32>
        %all_reduce_population_count3A_399 = tpu.all_reduce %ge3A_398 {dim = 0 : i64, kind = #tpu.reduction_kind<sum>} : vector<16xi1> -> vector<16xi32>
        %mul3A_400 = arith.constant 21 : i32
        %mul3A_401 = arith.muli %scan3A_177, %mul3A_400 : i32
        %add3A_402 = arith.constant 17 : i32
        %add3A_403 = arith.addi %mul3A_401, %add3A_402 : i32
        %mul3A_404 = arith.constant 16 : i32
        %mul3A_405 = arith.muli %add3A_403, %mul3A_404 : i32
        %add3A_406 = arith.constant 17472 : i32
        %add3A_407 = arith.addi %add3A_406, %mul3A_405 : i32
        %get3A_408 = arith.index_cast %add3A_407 : i32 to index
        %get3A_409 = tpu.vector_load %arg15[%get3A_408] {strides = array<i32>} : memref<26208xf32, #tpu.memory_space<vmem>>, vector<16xf32>,
        %bitcast_convert_type3A_410 = tpu.bitcast %get3A_409 : vector<16xf32> -> vector<16xi32>
        %ge3A_411 = arith.cmpi sge, %bitcast_convert_type3A_410, %broadcast_in_dim3A_160 : vector<16xi32>
        %all_reduce_population_count3A_412 = tpu.all_reduce %ge3A_411 {dim = 0 : i64, kind = #tpu.reduction_kind<sum>} : vector<16xi1> -> vector<16xi32>
        %mul3A_413 = arith.constant 21 : i32
        %mul3A_414 = arith.muli %scan3A_177, %mul3A_413 : i32
        %add3A_415 = arith.constant 18 : i32
        %add3A_416 = arith.addi %mul3A_414, %add3A_415 : i32
        %mul3A_417 = arith.constant 16 : i32
        %mul3A_418 = arith.muli %add3A_416, %mul3A_417 : i32
        %add3A_419 = arith.constant 17472 : i32
        %add3A_420 = arith.addi %add3A_419, %mul3A_418 : i32
        %get3A_421 = arith.index_cast %add3A_420 : i32 to index
        %get3A_422 = tpu.vector_load %arg15[%get3A_421] {strides = array<i32>} : memref<26208xf32, #tpu.memory_space<vmem>>, vector<16xf32>,
        %bitcast_convert_type3A_423 = tpu.bitcast %get3A_422 : vector<16xf32> -> vector<16xi32>
        %ge3A_424 = arith.cmpi sge, %bitcast_convert_type3A_423, %broadcast_in_dim3A_160 : vector<16xi32>
        %all_reduce_population_count3A_425 = tpu.all_reduce %ge3A_424 {dim = 0 : i64, kind = #tpu.reduction_kind<sum>} : vector<16xi1> -> vector<16xi32>
        %mul3A_426 = arith.constant 21 : i32
        %mul3A_427 = arith.muli %scan3A_177, %mul3A_426 : i32
        %add3A_428 = arith.constant 19 : i32
        %add3A_429 = arith.addi %mul3A_427, %add3A_428 : i32
        %mul3A_430 = arith.constant 16 : i32
        %mul3A_431 = arith.muli %add3A_429, %mul3A_430 : i32
        %add3A_432 = arith.constant 17472 : i32
        %add3A_433 = arith.addi %add3A_432, %mul3A_431 : i32
        %get3A_434 = arith.index_cast %add3A_433 : i32 to index
        %get3A_435 = tpu.vector_load %arg15[%get3A_434] {strides = array<i32>} : memref<26208xf32, #tpu.memory_space<vmem>>, vector<16xf32>,
        %bitcast_convert_type3A_436 = tpu.bitcast %get3A_435 : vector<16xf32> -> vector<16xi32>
        %ge3A_437 = arith.cmpi sge, %bitcast_convert_type3A_436, %broadcast_in_dim3A_160 : vector<16xi32>
        %all_reduce_population_count3A_438 = tpu.all_reduce %ge3A_437 {dim = 0 : i64, kind = #tpu.reduction_kind<sum>} : vector<16xi1> -> vector<16xi32>
        %mul3A_439 = arith.constant 21 : i32
        %mul3A_440 = arith.muli %scan3A_177, %mul3A_439 : i32
        %add3A_441 = arith.constant 20 : i32
        %add3A_442 = arith.addi %mul3A_440, %add3A_441 : i32
        %mul3A_443 = arith.constant 16 : i32
        %mul3A_444 = arith.muli %add3A_442, %mul3A_443 : i32
        %add3A_445 = arith.constant 17472 : i32
        %add3A_446 = arith.addi %add3A_445, %mul3A_444 : i32
        %get3A_447 = arith.index_cast %add3A_446 : i32 to index
        %get3A_448 = tpu.vector_load %arg15[%get3A_447] {strides = array<i32>} : memref<26208xf32, #tpu.memory_space<vmem>>, vector<16xf32>,
        %bitcast_convert_type3A_449 = tpu.bitcast %get3A_448 : vector<16xf32> -> vector<16xi32>
        %ge3A_450 = arith.cmpi sge, %bitcast_convert_type3A_449, %broadcast_in_dim3A_160 : vector<16xi32>
        %all_reduce_population_count3A_451 = tpu.all_reduce %ge3A_450 {dim = 0 : i64, kind = #tpu.reduction_kind<sum>} : vector<16xi1> -> vector<16xi32>
        %add3A_452 = arith.addi %scan3A_178, %all_reduce_population_count3A : vector<16xi32>
        %add3A_453 = arith.addi %scan3A_179, %all_reduce_population_count3A_204 : vector<16xi32>
        %add3A_454 = arith.addi %scan3A_180, %all_reduce_population_count3A_217 : vector<16xi32>
        %add3A_455 = arith.addi %add3A_452, %all_reduce_population_count3A_230 : vector<16xi32>
        %add3A_456 = arith.addi %add3A_453, %all_reduce_population_count3A_243 : vector<16xi32>
        %add3A_457 = arith.addi %add3A_454, %all_reduce_population_count3A_256 : vector<16xi32>
        %add3A_458 = arith.addi %add3A_455, %all_reduce_population_count3A_269 : vector<16xi32>
        %add3A_459 = arith.addi %add3A_456, %all_reduce_population_count3A_282 : vector<16xi32>
        %add3A_460 = arith.addi %add3A_457, %all_reduce_population_count3A_295 : vector<16xi32>
        %add3A_461 = arith.addi %add3A_458, %all_reduce_population_count3A_308 : vector<16xi32>
        %add3A_462 = arith.addi %add3A_459, %all_reduce_population_count3A_321 : vector<16xi32>
        %add3A_463 = arith.addi %add3A_460, %all_reduce_population_count3A_334 : vector<16xi32>
        %add3A_464 = arith.addi %add3A_461, %all_reduce_population_count3A_347 : vector<16xi32>
        %add3A_465 = arith.addi %add3A_462, %all_reduce_population_count3A_360 : vector<16xi32>
        %add3A_466 = arith.addi %add3A_463, %all_reduce_population_count3A_373 : vector<16xi32>
        %add3A_467 = arith.addi %add3A_464, %all_reduce_population_count3A_386 : vector<16xi32>
        %add3A_468 = arith.addi %add3A_465, %all_reduce_population_count3A_399 : vector<16xi32>
        %add3A_469 = arith.addi %add3A_466, %all_reduce_population_count3A_412 : vector<16xi32>
        %add3A_470 = arith.addi %add3A_467, %all_reduce_population_count3A_425 : vector<16xi32>
        %add3A_471 = arith.addi %add3A_468, %all_reduce_population_count3A_438 : vector<16xi32>
        %add3A_472 = arith.addi %add3A_469, %all_reduce_population_count3A_451 : vector<16xi32>
        scf.yield %add3A_470, %add3A_471, %add3A_472 : vector<16xi32>, vector<16xi32>, vector<16xi32>
      }
      %scan3A_166 = arith.constant 26 : i32
      %add3A_167 = arith.addi %scan3A_165#0, %scan3A_165#1 : vector<16xi32>
      %add3A_168 = arith.addi %add3A_167, %scan3A_165#2 : vector<16xi32>
      %slice3A_169 = vector.extract_strided_slice %add3A_168 {offsets = [0], sizes = [1], strides = [1]} : vector<16xi32> to vector<1xi32>
      %squeeze3A_170 = vector.extract %slice3A_169[0] : i32 from vector<1xi32>
      %ge3A = arith.cmpi sge, %squeeze3A_170, %min3A_111 : i32
      %sub3A_171 = arith.constant 30 : i32
      %sub3A_172 = arith.subi %sub3A_171, %scan3A_155 : i32
      %shift_left3A_173 = arith.constant 1 : i32
      %shift_left3A_174 = arith.shli %shift_left3A_173, %sub3A_172 : i32
      %or3A_175 = arith.ori %scan3A_156, %shift_left3A_174 : i32
      %select_n3A_176 = arith.select %ge3A, %or3A_175, %scan3A_156 : i32
      scf.yield %select_n3A_176 : i32
    }
    %scan3A_118 = arith.constant 31 : i32
    %bitcast_convert_type3A = arith.bitcast %scan3A_117 : i32 to f32
    %broadcast_in_dim3A_119 = vector.broadcast %scan3A_117 : i32 to vector<16xi32>
    %scan3A_120 = arith.constant 0 : i32
    %scan3A_121 = arith.constant 26 : i32
    %scan3A_122 = arith.addi %scan3A_120, %scan3A_121 : i32
    %scan3A_123 = arith.constant 1 : i32
    %scan3A_124:2 = scf.for %scan3A_155 = %scan3A_120 to %scan3A_122 step %scan3A_123 iter_args(%scan3A_156 = %broadcast_in_dim3A_8, %scan3A_157 = %broadcast_in_dim3A_6) -> (vector<16xi32>, vector<16xf32>)  : i32 {
      %mul3A_158 = arith.constant 21 : i32
      %mul3A_159 = arith.muli %scan3A_155, %mul3A_158 : i32
      %add3A_160 = arith.constant 0 : i32
      %add3A_161 = arith.addi %mul3A_159, %add3A_160 : i32
      %mul3A_162 = arith.constant 16 : i32
      %mul3A_163 = arith.muli %add3A_161, %mul3A_162 : i32
      %add3A_164 = arith.constant 17472 : i32
      %add3A_165 = arith.addi %add3A_164, %mul3A_163 : i32
      %get3A = arith.index_cast %add3A_165 : i32 to index
      %get3A_166 = tpu.vector_load %arg15[%get3A] {strides = array<i32>} : memref<26208xf32, #tpu.memory_space<vmem>>, vector<16xf32>,
      %bitcast_convert_type3A_167 = tpu.bitcast %get3A_166 : vector<16xf32> -> vector<16xi32>
      %gt3A = arith.cmpi sgt, %bitcast_convert_type3A_167, %broadcast_in_dim3A_119 : vector<16xi32>
      %all_reduce_population_count3A = tpu.all_reduce %gt3A {dim = 0 : i64, kind = #tpu.reduction_kind<sum>} : vector<16xi1> -> vector<16xi32>
      %add3A_168 = arith.addi %scan3A_156, %all_reduce_population_count3A : vector<16xi32>
      %bitcast_convert_type3A_169 = tpu.bitcast %bitcast_convert_type3A_167 : vector<16xi32> -> vector<16xf32>
      %jit3A_170 = arith.constant 0.000000e+00 : f32
      %broadcast_in_dim3A_171 = vector.broadcast %jit3A_170 : f32 to vector<16xf32>
      %select_n3A_172 = arith.select %gt3A, %bitcast_convert_type3A_169, %broadcast_in_dim3A_171 : vector<16xi1>, vector<16xf32>
      %add3A_173 = arith.addf %scan3A_157, %select_n3A_172 : vector<16xf32>
      %mul3A_174 = arith.constant 21 : i32
      %mul3A_175 = arith.muli %scan3A_155, %mul3A_174 : i32
      %add3A_176 = arith.constant 1 : i32
      %add3A_177 = arith.addi %mul3A_175, %add3A_176 : i32
      %mul3A_178 = arith.constant 16 : i32
      %mul3A_179 = arith.muli %add3A_177, %mul3A_178 : i32
      %add3A_180 = arith.constant 17472 : i32
      %add3A_181 = arith.addi %add3A_180, %mul3A_179 : i32
      %get3A_182 = arith.index_cast %add3A_181 : i32 to index
      %get3A_183 = tpu.vector_load %arg15[%get3A_182] {strides = array<i32>} : memref<26208xf32, #tpu.memory_space<vmem>>, vector<16xf32>,
      %bitcast_convert_type3A_184 = tpu.bitcast %get3A_183 : vector<16xf32> -> vector<16xi32>
      %gt3A_185 = arith.cmpi sgt, %bitcast_convert_type3A_184, %broadcast_in_dim3A_119 : vector<16xi32>
      %all_reduce_population_count3A_186 = tpu.all_reduce %gt3A_185 {dim = 0 : i64, kind = #tpu.reduction_kind<sum>} : vector<16xi1> -> vector<16xi32>
      %add3A_187 = arith.addi %add3A_168, %all_reduce_population_count3A_186 : vector<16xi32>
      %bitcast_convert_type3A_188 = tpu.bitcast %bitcast_convert_type3A_184 : vector<16xi32> -> vector<16xf32>
      %jit3A_189 = arith.constant 0.000000e+00 : f32
      %broadcast_in_dim3A_190 = vector.broadcast %jit3A_189 : f32 to vector<16xf32>
      %select_n3A_191 = arith.select %gt3A_185, %bitcast_convert_type3A_188, %broadcast_in_dim3A_190 : vector<16xi1>, vector<16xf32>
      %add3A_192 = arith.addf %add3A_173, %select_n3A_191 : vector<16xf32>
      %mul3A_193 = arith.constant 21 : i32
      %mul3A_194 = arith.muli %scan3A_155, %mul3A_193 : i32
      %add3A_195 = arith.constant 2 : i32
      %add3A_196 = arith.addi %mul3A_194, %add3A_195 : i32
      %mul3A_197 = arith.constant 16 : i32
      %mul3A_198 = arith.muli %add3A_196, %mul3A_197 : i32
      %add3A_199 = arith.constant 17472 : i32
      %add3A_200 = arith.addi %add3A_199, %mul3A_198 : i32
      %get3A_201 = arith.index_cast %add3A_200 : i32 to index
      %get3A_202 = tpu.vector_load %arg15[%get3A_201] {strides = array<i32>} : memref<26208xf32, #tpu.memory_space<vmem>>, vector<16xf32>,
      %bitcast_convert_type3A_203 = tpu.bitcast %get3A_202 : vector<16xf32> -> vector<16xi32>
      %gt3A_204 = arith.cmpi sgt, %bitcast_convert_type3A_203, %broadcast_in_dim3A_119 : vector<16xi32>
      %all_reduce_population_count3A_205 = tpu.all_reduce %gt3A_204 {dim = 0 : i64, kind = #tpu.reduction_kind<sum>} : vector<16xi1> -> vector<16xi32>
      %add3A_206 = arith.addi %add3A_187, %all_reduce_population_count3A_205 : vector<16xi32>
      %bitcast_convert_type3A_207 = tpu.bitcast %bitcast_convert_type3A_203 : vector<16xi32> -> vector<16xf32>
      %jit3A_208 = arith.constant 0.000000e+00 : f32
      %broadcast_in_dim3A_209 = vector.broadcast %jit3A_208 : f32 to vector<16xf32>
      %select_n3A_210 = arith.select %gt3A_204, %bitcast_convert_type3A_207, %broadcast_in_dim3A_209 : vector<16xi1>, vector<16xf32>
      %add3A_211 = arith.addf %add3A_192, %select_n3A_210 : vector<16xf32>
      %mul3A_212 = arith.constant 21 : i32
      %mul3A_213 = arith.muli %scan3A_155, %mul3A_212 : i32
      %add3A_214 = arith.constant 3 : i32
      %add3A_215 = arith.addi %mul3A_213, %add3A_214 : i32
      %mul3A_216 = arith.constant 16 : i32
      %mul3A_217 = arith.muli %add3A_215, %mul3A_216 : i32
      %add3A_218 = arith.constant 17472 : i32
      %add3A_219 = arith.addi %add3A_218, %mul3A_217 : i32
      %get3A_220 = arith.index_cast %add3A_219 : i32 to index
      %get3A_221 = tpu.vector_load %arg15[%get3A_220] {strides = array<i32>} : memref<26208xf32, #tpu.memory_space<vmem>>, vector<16xf32>,
      %bitcast_convert_type3A_222 = tpu.bitcast %get3A_221 : vector<16xf32> -> vector<16xi32>
      %gt3A_223 = arith.cmpi sgt, %bitcast_convert_type3A_222, %broadcast_in_dim3A_119 : vector<16xi32>
      %all_reduce_population_count3A_224 = tpu.all_reduce %gt3A_223 {dim = 0 : i64, kind = #tpu.reduction_kind<sum>} : vector<16xi1> -> vector<16xi32>
      %add3A_225 = arith.addi %add3A_206, %all_reduce_population_count3A_224 : vector<16xi32>
      %bitcast_convert_type3A_226 = tpu.bitcast %bitcast_convert_type3A_222 : vector<16xi32> -> vector<16xf32>
      %jit3A_227 = arith.constant 0.000000e+00 : f32
      %broadcast_in_dim3A_228 = vector.broadcast %jit3A_227 : f32 to vector<16xf32>
      %select_n3A_229 = arith.select %gt3A_223, %bitcast_convert_type3A_226, %broadcast_in_dim3A_228 : vector<16xi1>, vector<16xf32>
      %add3A_230 = arith.addf %add3A_211, %select_n3A_229 : vector<16xf32>
      %mul3A_231 = arith.constant 21 : i32
      %mul3A_232 = arith.muli %scan3A_155, %mul3A_231 : i32
      %add3A_233 = arith.constant 4 : i32
      %add3A_234 = arith.addi %mul3A_232, %add3A_233 : i32
      %mul3A_235 = arith.constant 16 : i32
      %mul3A_236 = arith.muli %add3A_234, %mul3A_235 : i32
      %add3A_237 = arith.constant 17472 : i32
      %add3A_238 = arith.addi %add3A_237, %mul3A_236 : i32
      %get3A_239 = arith.index_cast %add3A_238 : i32 to index
      %get3A_240 = tpu.vector_load %arg15[%get3A_239] {strides = array<i32>} : memref<26208xf32, #tpu.memory_space<vmem>>, vector<16xf32>,
      %bitcast_convert_type3A_241 = tpu.bitcast %get3A_240 : vector<16xf32> -> vector<16xi32>
      %gt3A_242 = arith.cmpi sgt, %bitcast_convert_type3A_241, %broadcast_in_dim3A_119 : vector<16xi32>
      %all_reduce_population_count3A_243 = tpu.all_reduce %gt3A_242 {dim = 0 : i64, kind = #tpu.reduction_kind<sum>} : vector<16xi1> -> vector<16xi32>
      %add3A_244 = arith.addi %add3A_225, %all_reduce_population_count3A_243 : vector<16xi32>
      %bitcast_convert_type3A_245 = tpu.bitcast %bitcast_convert_type3A_241 : vector<16xi32> -> vector<16xf32>
      %jit3A_246 = arith.constant 0.000000e+00 : f32
      %broadcast_in_dim3A_247 = vector.broadcast %jit3A_246 : f32 to vector<16xf32>
      %select_n3A_248 = arith.select %gt3A_242, %bitcast_convert_type3A_245, %broadcast_in_dim3A_247 : vector<16xi1>, vector<16xf32>
      %add3A_249 = arith.addf %add3A_230, %select_n3A_248 : vector<16xf32>
      %mul3A_250 = arith.constant 21 : i32
      %mul3A_251 = arith.muli %scan3A_155, %mul3A_250 : i32
      %add3A_252 = arith.constant 5 : i32
      %add3A_253 = arith.addi %mul3A_251, %add3A_252 : i32
      %mul3A_254 = arith.constant 16 : i32
      %mul3A_255 = arith.muli %add3A_253, %mul3A_254 : i32
      %add3A_256 = arith.constant 17472 : i32
      %add3A_257 = arith.addi %add3A_256, %mul3A_255 : i32
      %get3A_258 = arith.index_cast %add3A_257 : i32 to index
      %get3A_259 = tpu.vector_load %arg15[%get3A_258] {strides = array<i32>} : memref<26208xf32, #tpu.memory_space<vmem>>, vector<16xf32>,
      %bitcast_convert_type3A_260 = tpu.bitcast %get3A_259 : vector<16xf32> -> vector<16xi32>
      %gt3A_261 = arith.cmpi sgt, %bitcast_convert_type3A_260, %broadcast_in_dim3A_119 : vector<16xi32>
      %all_reduce_population_count3A_262 = tpu.all_reduce %gt3A_261 {dim = 0 : i64, kind = #tpu.reduction_kind<sum>} : vector<16xi1> -> vector<16xi32>
      %add3A_263 = arith.addi %add3A_244, %all_reduce_population_count3A_262 : vector<16xi32>
      %bitcast_convert_type3A_264 = tpu.bitcast %bitcast_convert_type3A_260 : vector<16xi32> -> vector<16xf32>
      %jit3A_265 = arith.constant 0.000000e+00 : f32
      %broadcast_in_dim3A_266 = vector.broadcast %jit3A_265 : f32 to vector<16xf32>
      %select_n3A_267 = arith.select %gt3A_261, %bitcast_convert_type3A_264, %broadcast_in_dim3A_266 : vector<16xi1>, vector<16xf32>
      %add3A_268 = arith.addf %add3A_249, %select_n3A_267 : vector<16xf32>
      %mul3A_269 = arith.constant 21 : i32
      %mul3A_270 = arith.muli %scan3A_155, %mul3A_269 : i32
      %add3A_271 = arith.constant 6 : i32
      %add3A_272 = arith.addi %mul3A_270, %add3A_271 : i32
      %mul3A_273 = arith.constant 16 : i32
      %mul3A_274 = arith.muli %add3A_272, %mul3A_273 : i32
      %add3A_275 = arith.constant 17472 : i32
      %add3A_276 = arith.addi %add3A_275, %mul3A_274 : i32
      %get3A_277 = arith.index_cast %add3A_276 : i32 to index
      %get3A_278 = tpu.vector_load %arg15[%get3A_277] {strides = array<i32>} : memref<26208xf32, #tpu.memory_space<vmem>>, vector<16xf32>,
      %bitcast_convert_type3A_279 = tpu.bitcast %get3A_278 : vector<16xf32> -> vector<16xi32>
      %gt3A_280 = arith.cmpi sgt, %bitcast_convert_type3A_279, %broadcast_in_dim3A_119 : vector<16xi32>
      %all_reduce_population_count3A_281 = tpu.all_reduce %gt3A_280 {dim = 0 : i64, kind = #tpu.reduction_kind<sum>} : vector<16xi1> -> vector<16xi32>
      %add3A_282 = arith.addi %add3A_263, %all_reduce_population_count3A_281 : vector<16xi32>
      %bitcast_convert_type3A_283 = tpu.bitcast %bitcast_convert_type3A_279 : vector<16xi32> -> vector<16xf32>
      %jit3A_284 = arith.constant 0.000000e+00 : f32
      %broadcast_in_dim3A_285 = vector.broadcast %jit3A_284 : f32 to vector<16xf32>
      %select_n3A_286 = arith.select %gt3A_280, %bitcast_convert_type3A_283, %broadcast_in_dim3A_285 : vector<16xi1>, vector<16xf32>
      %add3A_287 = arith.addf %add3A_268, %select_n3A_286 : vector<16xf32>
      %mul3A_288 = arith.constant 21 : i32
      %mul3A_289 = arith.muli %scan3A_155, %mul3A_288 : i32
      %add3A_290 = arith.constant 7 : i32
      %add3A_291 = arith.addi %mul3A_289, %add3A_290 : i32
      %mul3A_292 = arith.constant 16 : i32
      %mul3A_293 = arith.muli %add3A_291, %mul3A_292 : i32
      %add3A_294 = arith.constant 17472 : i32
      %add3A_295 = arith.addi %add3A_294, %mul3A_293 : i32
      %get3A_296 = arith.index_cast %add3A_295 : i32 to index
      %get3A_297 = tpu.vector_load %arg15[%get3A_296] {strides = array<i32>} : memref<26208xf32, #tpu.memory_space<vmem>>, vector<16xf32>,
      %bitcast_convert_type3A_298 = tpu.bitcast %get3A_297 : vector<16xf32> -> vector<16xi32>
      %gt3A_299 = arith.cmpi sgt, %bitcast_convert_type3A_298, %broadcast_in_dim3A_119 : vector<16xi32>
      %all_reduce_population_count3A_300 = tpu.all_reduce %gt3A_299 {dim = 0 : i64, kind = #tpu.reduction_kind<sum>} : vector<16xi1> -> vector<16xi32>
      %add3A_301 = arith.addi %add3A_282, %all_reduce_population_count3A_300 : vector<16xi32>
      %bitcast_convert_type3A_302 = tpu.bitcast %bitcast_convert_type3A_298 : vector<16xi32> -> vector<16xf32>
      %jit3A_303 = arith.constant 0.000000e+00 : f32
      %broadcast_in_dim3A_304 = vector.broadcast %jit3A_303 : f32 to vector<16xf32>
      %select_n3A_305 = arith.select %gt3A_299, %bitcast_convert_type3A_302, %broadcast_in_dim3A_304 : vector<16xi1>, vector<16xf32>
      %add3A_306 = arith.addf %add3A_287, %select_n3A_305 : vector<16xf32>
      %mul3A_307 = arith.constant 21 : i32
      %mul3A_308 = arith.muli %scan3A_155, %mul3A_307 : i32
      %add3A_309 = arith.constant 8 : i32
      %add3A_310 = arith.addi %mul3A_308, %add3A_309 : i32
      %mul3A_311 = arith.constant 16 : i32
      %mul3A_312 = arith.muli %add3A_310, %mul3A_311 : i32
      %add3A_313 = arith.constant 17472 : i32
      %add3A_314 = arith.addi %add3A_313, %mul3A_312 : i32
      %get3A_315 = arith.index_cast %add3A_314 : i32 to index
      %get3A_316 = tpu.vector_load %arg15[%get3A_315] {strides = array<i32>} : memref<26208xf32, #tpu.memory_space<vmem>>, vector<16xf32>,
      %bitcast_convert_type3A_317 = tpu.bitcast %get3A_316 : vector<16xf32> -> vector<16xi32>
      %gt3A_318 = arith.cmpi sgt, %bitcast_convert_type3A_317, %broadcast_in_dim3A_119 : vector<16xi32>
      %all_reduce_population_count3A_319 = tpu.all_reduce %gt3A_318 {dim = 0 : i64, kind = #tpu.reduction_kind<sum>} : vector<16xi1> -> vector<16xi32>
      %add3A_320 = arith.addi %add3A_301, %all_reduce_population_count3A_319 : vector<16xi32>
      %bitcast_convert_type3A_321 = tpu.bitcast %bitcast_convert_type3A_317 : vector<16xi32> -> vector<16xf32>
      %jit3A_322 = arith.constant 0.000000e+00 : f32
      %broadcast_in_dim3A_323 = vector.broadcast %jit3A_322 : f32 to vector<16xf32>
      %select_n3A_324 = arith.select %gt3A_318, %bitcast_convert_type3A_321, %broadcast_in_dim3A_323 : vector<16xi1>, vector<16xf32>
      %add3A_325 = arith.addf %add3A_306, %select_n3A_324 : vector<16xf32>
      %mul3A_326 = arith.constant 21 : i32
      %mul3A_327 = arith.muli %scan3A_155, %mul3A_326 : i32
      %add3A_328 = arith.constant 9 : i32
      %add3A_329 = arith.addi %mul3A_327, %add3A_328 : i32
      %mul3A_330 = arith.constant 16 : i32
      %mul3A_331 = arith.muli %add3A_329, %mul3A_330 : i32
      %add3A_332 = arith.constant 17472 : i32
      %add3A_333 = arith.addi %add3A_332, %mul3A_331 : i32
      %get3A_334 = arith.index_cast %add3A_333 : i32 to index
      %get3A_335 = tpu.vector_load %arg15[%get3A_334] {strides = array<i32>} : memref<26208xf32, #tpu.memory_space<vmem>>, vector<16xf32>,
      %bitcast_convert_type3A_336 = tpu.bitcast %get3A_335 : vector<16xf32> -> vector<16xi32>
      %gt3A_337 = arith.cmpi sgt, %bitcast_convert_type3A_336, %broadcast_in_dim3A_119 : vector<16xi32>
      %all_reduce_population_count3A_338 = tpu.all_reduce %gt3A_337 {dim = 0 : i64, kind = #tpu.reduction_kind<sum>} : vector<16xi1> -> vector<16xi32>
      %add3A_339 = arith.addi %add3A_320, %all_reduce_population_count3A_338 : vector<16xi32>
      %bitcast_convert_type3A_340 = tpu.bitcast %bitcast_convert_type3A_336 : vector<16xi32> -> vector<16xf32>
      %jit3A_341 = arith.constant 0.000000e+00 : f32
      %broadcast_in_dim3A_342 = vector.broadcast %jit3A_341 : f32 to vector<16xf32>
      %select_n3A_343 = arith.select %gt3A_337, %bitcast_convert_type3A_340, %broadcast_in_dim3A_342 : vector<16xi1>, vector<16xf32>
      %add3A_344 = arith.addf %add3A_325, %select_n3A_343 : vector<16xf32>
      %mul3A_345 = arith.constant 21 : i32
      %mul3A_346 = arith.muli %scan3A_155, %mul3A_345 : i32
      %add3A_347 = arith.constant 10 : i32
      %add3A_348 = arith.addi %mul3A_346, %add3A_347 : i32
      %mul3A_349 = arith.constant 16 : i32
      %mul3A_350 = arith.muli %add3A_348, %mul3A_349 : i32
      %add3A_351 = arith.constant 17472 : i32
      %add3A_352 = arith.addi %add3A_351, %mul3A_350 : i32
      %get3A_353 = arith.index_cast %add3A_352 : i32 to index
      %get3A_354 = tpu.vector_load %arg15[%get3A_353] {strides = array<i32>} : memref<26208xf32, #tpu.memory_space<vmem>>, vector<16xf32>,
      %bitcast_convert_type3A_355 = tpu.bitcast %get3A_354 : vector<16xf32> -> vector<16xi32>
      %gt3A_356 = arith.cmpi sgt, %bitcast_convert_type3A_355, %broadcast_in_dim3A_119 : vector<16xi32>
      %all_reduce_population_count3A_357 = tpu.all_reduce %gt3A_356 {dim = 0 : i64, kind = #tpu.reduction_kind<sum>} : vector<16xi1> -> vector<16xi32>
      %add3A_358 = arith.addi %add3A_339, %all_reduce_population_count3A_357 : vector<16xi32>
      %bitcast_convert_type3A_359 = tpu.bitcast %bitcast_convert_type3A_355 : vector<16xi32> -> vector<16xf32>
      %jit3A_360 = arith.constant 0.000000e+00 : f32
      %broadcast_in_dim3A_361 = vector.broadcast %jit3A_360 : f32 to vector<16xf32>
      %select_n3A_362 = arith.select %gt3A_356, %bitcast_convert_type3A_359, %broadcast_in_dim3A_361 : vector<16xi1>, vector<16xf32>
      %add3A_363 = arith.addf %add3A_344, %select_n3A_362 : vector<16xf32>
      %mul3A_364 = arith.constant 21 : i32
      %mul3A_365 = arith.muli %scan3A_155, %mul3A_364 : i32
      %add3A_366 = arith.constant 11 : i32
      %add3A_367 = arith.addi %mul3A_365, %add3A_366 : i32
      %mul3A_368 = arith.constant 16 : i32
      %mul3A_369 = arith.muli %add3A_367, %mul3A_368 : i32
      %add3A_370 = arith.constant 17472 : i32
      %add3A_371 = arith.addi %add3A_370, %mul3A_369 : i32
      %get3A_372 = arith.index_cast %add3A_371 : i32 to index
      %get3A_373 = tpu.vector_load %arg15[%get3A_372] {strides = array<i32>} : memref<26208xf32, #tpu.memory_space<vmem>>, vector<16xf32>,
      %bitcast_convert_type3A_374 = tpu.bitcast %get3A_373 : vector<16xf32> -> vector<16xi32>
      %gt3A_375 = arith.cmpi sgt, %bitcast_convert_type3A_374, %broadcast_in_dim3A_119 : vector<16xi32>
      %all_reduce_population_count3A_376 = tpu.all_reduce %gt3A_375 {dim = 0 : i64, kind = #tpu.reduction_kind<sum>} : vector<16xi1> -> vector<16xi32>
      %add3A_377 = arith.addi %add3A_358, %all_reduce_population_count3A_376 : vector<16xi32>
      %bitcast_convert_type3A_378 = tpu.bitcast %bitcast_convert_type3A_374 : vector<16xi32> -> vector<16xf32>
      %jit3A_379 = arith.constant 0.000000e+00 : f32
      %broadcast_in_dim3A_380 = vector.broadcast %jit3A_379 : f32 to vector<16xf32>
      %select_n3A_381 = arith.select %gt3A_375, %bitcast_convert_type3A_378, %broadcast_in_dim3A_380 : vector<16xi1>, vector<16xf32>
      %add3A_382 = arith.addf %add3A_363, %select_n3A_381 : vector<16xf32>
      %mul3A_383 = arith.constant 21 : i32
      %mul3A_384 = arith.muli %scan3A_155, %mul3A_383 : i32
      %add3A_385 = arith.constant 12 : i32
      %add3A_386 = arith.addi %mul3A_384, %add3A_385 : i32
      %mul3A_387 = arith.constant 16 : i32
      %mul3A_388 = arith.muli %add3A_386, %mul3A_387 : i32
      %add3A_389 = arith.constant 17472 : i32
      %add3A_390 = arith.addi %add3A_389, %mul3A_388 : i32
      %get3A_391 = arith.index_cast %add3A_390 : i32 to index
      %get3A_392 = tpu.vector_load %arg15[%get3A_391] {strides = array<i32>} : memref<26208xf32, #tpu.memory_space<vmem>>, vector<16xf32>,
      %bitcast_convert_type3A_393 = tpu.bitcast %get3A_392 : vector<16xf32> -> vector<16xi32>
      %gt3A_394 = arith.cmpi sgt, %bitcast_convert_type3A_393, %broadcast_in_dim3A_119 : vector<16xi32>
      %all_reduce_population_count3A_395 = tpu.all_reduce %gt3A_394 {dim = 0 : i64, kind = #tpu.reduction_kind<sum>} : vector<16xi1> -> vector<16xi32>
      %add3A_396 = arith.addi %add3A_377, %all_reduce_population_count3A_395 : vector<16xi32>
      %bitcast_convert_type3A_397 = tpu.bitcast %bitcast_convert_type3A_393 : vector<16xi32> -> vector<16xf32>
      %jit3A_398 = arith.constant 0.000000e+00 : f32
      %broadcast_in_dim3A_399 = vector.broadcast %jit3A_398 : f32 to vector<16xf32>
      %select_n3A_400 = arith.select %gt3A_394, %bitcast_convert_type3A_397, %broadcast_in_dim3A_399 : vector<16xi1>, vector<16xf32>
      %add3A_401 = arith.addf %add3A_382, %select_n3A_400 : vector<16xf32>
      %mul3A_402 = arith.constant 21 : i32
      %mul3A_403 = arith.muli %scan3A_155, %mul3A_402 : i32
      %add3A_404 = arith.constant 13 : i32
      %add3A_405 = arith.addi %mul3A_403, %add3A_404 : i32
      %mul3A_406 = arith.constant 16 : i32
      %mul3A_407 = arith.muli %add3A_405, %mul3A_406 : i32
      %add3A_408 = arith.constant 17472 : i32
      %add3A_409 = arith.addi %add3A_408, %mul3A_407 : i32
      %get3A_410 = arith.index_cast %add3A_409 : i32 to index
      %get3A_411 = tpu.vector_load %arg15[%get3A_410] {strides = array<i32>} : memref<26208xf32, #tpu.memory_space<vmem>>, vector<16xf32>,
      %bitcast_convert_type3A_412 = tpu.bitcast %get3A_411 : vector<16xf32> -> vector<16xi32>
      %gt3A_413 = arith.cmpi sgt, %bitcast_convert_type3A_412, %broadcast_in_dim3A_119 : vector<16xi32>
      %all_reduce_population_count3A_414 = tpu.all_reduce %gt3A_413 {dim = 0 : i64, kind = #tpu.reduction_kind<sum>} : vector<16xi1> -> vector<16xi32>
      %add3A_415 = arith.addi %add3A_396, %all_reduce_population_count3A_414 : vector<16xi32>
      %bitcast_convert_type3A_416 = tpu.bitcast %bitcast_convert_type3A_412 : vector<16xi32> -> vector<16xf32>
      %jit3A_417 = arith.constant 0.000000e+00 : f32
      %broadcast_in_dim3A_418 = vector.broadcast %jit3A_417 : f32 to vector<16xf32>
      %select_n3A_419 = arith.select %gt3A_413, %bitcast_convert_type3A_416, %broadcast_in_dim3A_418 : vector<16xi1>, vector<16xf32>
      %add3A_420 = arith.addf %add3A_401, %select_n3A_419 : vector<16xf32>
      %mul3A_421 = arith.constant 21 : i32
      %mul3A_422 = arith.muli %scan3A_155, %mul3A_421 : i32
      %add3A_423 = arith.constant 14 : i32
      %add3A_424 = arith.addi %mul3A_422, %add3A_423 : i32
      %mul3A_425 = arith.constant 16 : i32
      %mul3A_426 = arith.muli %add3A_424, %mul3A_425 : i32
      %add3A_427 = arith.constant 17472 : i32
      %add3A_428 = arith.addi %add3A_427, %mul3A_426 : i32
      %get3A_429 = arith.index_cast %add3A_428 : i32 to index
      %get3A_430 = tpu.vector_load %arg15[%get3A_429] {strides = array<i32>} : memref<26208xf32, #tpu.memory_space<vmem>>, vector<16xf32>,
      %bitcast_convert_type3A_431 = tpu.bitcast %get3A_430 : vector<16xf32> -> vector<16xi32>
      %gt3A_432 = arith.cmpi sgt, %bitcast_convert_type3A_431, %broadcast_in_dim3A_119 : vector<16xi32>
      %all_reduce_population_count3A_433 = tpu.all_reduce %gt3A_432 {dim = 0 : i64, kind = #tpu.reduction_kind<sum>} : vector<16xi1> -> vector<16xi32>
      %add3A_434 = arith.addi %add3A_415, %all_reduce_population_count3A_433 : vector<16xi32>
      %bitcast_convert_type3A_435 = tpu.bitcast %bitcast_convert_type3A_431 : vector<16xi32> -> vector<16xf32>
      %jit3A_436 = arith.constant 0.000000e+00 : f32
      %broadcast_in_dim3A_437 = vector.broadcast %jit3A_436 : f32 to vector<16xf32>
      %select_n3A_438 = arith.select %gt3A_432, %bitcast_convert_type3A_435, %broadcast_in_dim3A_437 : vector<16xi1>, vector<16xf32>
      %add3A_439 = arith.addf %add3A_420, %select_n3A_438 : vector<16xf32>
      %mul3A_440 = arith.constant 21 : i32
      %mul3A_441 = arith.muli %scan3A_155, %mul3A_440 : i32
      %add3A_442 = arith.constant 15 : i32
      %add3A_443 = arith.addi %mul3A_441, %add3A_442 : i32
      %mul3A_444 = arith.constant 16 : i32
      %mul3A_445 = arith.muli %add3A_443, %mul3A_444 : i32
      %add3A_446 = arith.constant 17472 : i32
      %add3A_447 = arith.addi %add3A_446, %mul3A_445 : i32
      %get3A_448 = arith.index_cast %add3A_447 : i32 to index
      %get3A_449 = tpu.vector_load %arg15[%get3A_448] {strides = array<i32>} : memref<26208xf32, #tpu.memory_space<vmem>>, vector<16xf32>,
      %bitcast_convert_type3A_450 = tpu.bitcast %get3A_449 : vector<16xf32> -> vector<16xi32>
      %gt3A_451 = arith.cmpi sgt, %bitcast_convert_type3A_450, %broadcast_in_dim3A_119 : vector<16xi32>
      %all_reduce_population_count3A_452 = tpu.all_reduce %gt3A_451 {dim = 0 : i64, kind = #tpu.reduction_kind<sum>} : vector<16xi1> -> vector<16xi32>
      %add3A_453 = arith.addi %add3A_434, %all_reduce_population_count3A_452 : vector<16xi32>
      %bitcast_convert_type3A_454 = tpu.bitcast %bitcast_convert_type3A_450 : vector<16xi32> -> vector<16xf32>
      %jit3A_455 = arith.constant 0.000000e+00 : f32
      %broadcast_in_dim3A_456 = vector.broadcast %jit3A_455 : f32 to vector<16xf32>
      %select_n3A_457 = arith.select %gt3A_451, %bitcast_convert_type3A_454, %broadcast_in_dim3A_456 : vector<16xi1>, vector<16xf32>
      %add3A_458 = arith.addf %add3A_439, %select_n3A_457 : vector<16xf32>
      %mul3A_459 = arith.constant 21 : i32
      %mul3A_460 = arith.muli %scan3A_155, %mul3A_459 : i32
      %add3A_461 = arith.constant 16 : i32
      %add3A_462 = arith.addi %mul3A_460, %add3A_461 : i32
      %mul3A_463 = arith.constant 16 : i32
      %mul3A_464 = arith.muli %add3A_462, %mul3A_463 : i32
      %add3A_465 = arith.constant 17472 : i32
      %add3A_466 = arith.addi %add3A_465, %mul3A_464 : i32
      %get3A_467 = arith.index_cast %add3A_466 : i32 to index
      %get3A_468 = tpu.vector_load %arg15[%get3A_467] {strides = array<i32>} : memref<26208xf32, #tpu.memory_space<vmem>>, vector<16xf32>,
      %bitcast_convert_type3A_469 = tpu.bitcast %get3A_468 : vector<16xf32> -> vector<16xi32>
      %gt3A_470 = arith.cmpi sgt, %bitcast_convert_type3A_469, %broadcast_in_dim3A_119 : vector<16xi32>
      %all_reduce_population_count3A_471 = tpu.all_reduce %gt3A_470 {dim = 0 : i64, kind = #tpu.reduction_kind<sum>} : vector<16xi1> -> vector<16xi32>
      %add3A_472 = arith.addi %add3A_453, %all_reduce_population_count3A_471 : vector<16xi32>
      %bitcast_convert_type3A_473 = tpu.bitcast %bitcast_convert_type3A_469 : vector<16xi32> -> vector<16xf32>
      %jit3A_474 = arith.constant 0.000000e+00 : f32
      %broadcast_in_dim3A_475 = vector.broadcast %jit3A_474 : f32 to vector<16xf32>
      %select_n3A_476 = arith.select %gt3A_470, %bitcast_convert_type3A_473, %broadcast_in_dim3A_475 : vector<16xi1>, vector<16xf32>
      %add3A_477 = arith.addf %add3A_458, %select_n3A_476 : vector<16xf32>
      %mul3A_478 = arith.constant 21 : i32
      %mul3A_479 = arith.muli %scan3A_155, %mul3A_478 : i32
      %add3A_480 = arith.constant 17 : i32
      %add3A_481 = arith.addi %mul3A_479, %add3A_480 : i32
      %mul3A_482 = arith.constant 16 : i32
      %mul3A_483 = arith.muli %add3A_481, %mul3A_482 : i32
      %add3A_484 = arith.constant 17472 : i32
      %add3A_485 = arith.addi %add3A_484, %mul3A_483 : i32
      %get3A_486 = arith.index_cast %add3A_485 : i32 to index
      %get3A_487 = tpu.vector_load %arg15[%get3A_486] {strides = array<i32>} : memref<26208xf32, #tpu.memory_space<vmem>>, vector<16xf32>,
      %bitcast_convert_type3A_488 = tpu.bitcast %get3A_487 : vector<16xf32> -> vector<16xi32>
      %gt3A_489 = arith.cmpi sgt, %bitcast_convert_type3A_488, %broadcast_in_dim3A_119 : vector<16xi32>
      %all_reduce_population_count3A_490 = tpu.all_reduce %gt3A_489 {dim = 0 : i64, kind = #tpu.reduction_kind<sum>} : vector<16xi1> -> vector<16xi32>
      %add3A_491 = arith.addi %add3A_472, %all_reduce_population_count3A_490 : vector<16xi32>
      %bitcast_convert_type3A_492 = tpu.bitcast %bitcast_convert_type3A_488 : vector<16xi32> -> vector<16xf32>
      %jit3A_493 = arith.constant 0.000000e+00 : f32
      %broadcast_in_dim3A_494 = vector.broadcast %jit3A_493 : f32 to vector<16xf32>
      %select_n3A_495 = arith.select %gt3A_489, %bitcast_convert_type3A_492, %broadcast_in_dim3A_494 : vector<16xi1>, vector<16xf32>
      %add3A_496 = arith.addf %add3A_477, %select_n3A_495 : vector<16xf32>
      %mul3A_497 = arith.constant 21 : i32
      %mul3A_498 = arith.muli %scan3A_155, %mul3A_497 : i32
      %add3A_499 = arith.constant 18 : i32
      %add3A_500 = arith.addi %mul3A_498, %add3A_499 : i32
      %mul3A_501 = arith.constant 16 : i32
      %mul3A_502 = arith.muli %add3A_500, %mul3A_501 : i32
      %add3A_503 = arith.constant 17472 : i32
      %add3A_504 = arith.addi %add3A_503, %mul3A_502 : i32
      %get3A_505 = arith.index_cast %add3A_504 : i32 to index
      %get3A_506 = tpu.vector_load %arg15[%get3A_505] {strides = array<i32>} : memref<26208xf32, #tpu.memory_space<vmem>>, vector<16xf32>,
      %bitcast_convert_type3A_507 = tpu.bitcast %get3A_506 : vector<16xf32> -> vector<16xi32>
      %gt3A_508 = arith.cmpi sgt, %bitcast_convert_type3A_507, %broadcast_in_dim3A_119 : vector<16xi32>
      %all_reduce_population_count3A_509 = tpu.all_reduce %gt3A_508 {dim = 0 : i64, kind = #tpu.reduction_kind<sum>} : vector<16xi1> -> vector<16xi32>
      %add3A_510 = arith.addi %add3A_491, %all_reduce_population_count3A_509 : vector<16xi32>
      %bitcast_convert_type3A_511 = tpu.bitcast %bitcast_convert_type3A_507 : vector<16xi32> -> vector<16xf32>
      %jit3A_512 = arith.constant 0.000000e+00 : f32
      %broadcast_in_dim3A_513 = vector.broadcast %jit3A_512 : f32 to vector<16xf32>
      %select_n3A_514 = arith.select %gt3A_508, %bitcast_convert_type3A_511, %broadcast_in_dim3A_513 : vector<16xi1>, vector<16xf32>
      %add3A_515 = arith.addf %add3A_496, %select_n3A_514 : vector<16xf32>
      %mul3A_516 = arith.constant 21 : i32
      %mul3A_517 = arith.muli %scan3A_155, %mul3A_516 : i32
      %add3A_518 = arith.constant 19 : i32
      %add3A_519 = arith.addi %mul3A_517, %add3A_518 : i32
      %mul3A_520 = arith.constant 16 : i32
      %mul3A_521 = arith.muli %add3A_519, %mul3A_520 : i32
      %add3A_522 = arith.constant 17472 : i32
      %add3A_523 = arith.addi %add3A_522, %mul3A_521 : i32
      %get3A_524 = arith.index_cast %add3A_523 : i32 to index
      %get3A_525 = tpu.vector_load %arg15[%get3A_524] {strides = array<i32>} : memref<26208xf32, #tpu.memory_space<vmem>>, vector<16xf32>,
      %bitcast_convert_type3A_526 = tpu.bitcast %get3A_525 : vector<16xf32> -> vector<16xi32>
      %gt3A_527 = arith.cmpi sgt, %bitcast_convert_type3A_526, %broadcast_in_dim3A_119 : vector<16xi32>
      %all_reduce_population_count3A_528 = tpu.all_reduce %gt3A_527 {dim = 0 : i64, kind = #tpu.reduction_kind<sum>} : vector<16xi1> -> vector<16xi32>
      %add3A_529 = arith.addi %add3A_510, %all_reduce_population_count3A_528 : vector<16xi32>
      %bitcast_convert_type3A_530 = tpu.bitcast %bitcast_convert_type3A_526 : vector<16xi32> -> vector<16xf32>
      %jit3A_531 = arith.constant 0.000000e+00 : f32
      %broadcast_in_dim3A_532 = vector.broadcast %jit3A_531 : f32 to vector<16xf32>
      %select_n3A_533 = arith.select %gt3A_527, %bitcast_convert_type3A_530, %broadcast_in_dim3A_532 : vector<16xi1>, vector<16xf32>
      %add3A_534 = arith.addf %add3A_515, %select_n3A_533 : vector<16xf32>
      %mul3A_535 = arith.constant 21 : i32
      %mul3A_536 = arith.muli %scan3A_155, %mul3A_535 : i32
      %add3A_537 = arith.constant 20 : i32
      %add3A_538 = arith.addi %mul3A_536, %add3A_537 : i32
      %mul3A_539 = arith.constant 16 : i32
      %mul3A_540 = arith.muli %add3A_538, %mul3A_539 : i32
      %add3A_541 = arith.constant 17472 : i32
      %add3A_542 = arith.addi %add3A_541, %mul3A_540 : i32
      %get3A_543 = arith.index_cast %add3A_542 : i32 to index
      %get3A_544 = tpu.vector_load %arg15[%get3A_543] {strides = array<i32>} : memref<26208xf32, #tpu.memory_space<vmem>>, vector<16xf32>,
      %bitcast_convert_type3A_545 = tpu.bitcast %get3A_544 : vector<16xf32> -> vector<16xi32>
      %gt3A_546 = arith.cmpi sgt, %bitcast_convert_type3A_545, %broadcast_in_dim3A_119 : vector<16xi32>
      %all_reduce_population_count3A_547 = tpu.all_reduce %gt3A_546 {dim = 0 : i64, kind = #tpu.reduction_kind<sum>} : vector<16xi1> -> vector<16xi32>
      %add3A_548 = arith.addi %add3A_529, %all_reduce_population_count3A_547 : vector<16xi32>
      %bitcast_convert_type3A_549 = tpu.bitcast %bitcast_convert_type3A_545 : vector<16xi32> -> vector<16xf32>
      %jit3A_550 = arith.constant 0.000000e+00 : f32
      %broadcast_in_dim3A_551 = vector.broadcast %jit3A_550 : f32 to vector<16xf32>
      %select_n3A_552 = arith.select %gt3A_546, %bitcast_convert_type3A_549, %broadcast_in_dim3A_551 : vector<16xi1>, vector<16xf32>
      %add3A_553 = arith.addf %add3A_534, %select_n3A_552 : vector<16xf32>
      scf.yield %add3A_548, %add3A_553 : vector<16xi32>, vector<16xf32>
    }
    %scan3A_125 = arith.constant 26 : i32
    %slice3A = vector.extract_strided_slice %scan3A_124#0 {offsets = [0], sizes = [1], strides = [1]} : vector<16xi32> to vector<1xi32>
    %squeeze3A = vector.extract %slice3A[0] : i32 from vector<1xi32>
    %reduce_sum3A_126 = arith.constant true
    %reduce_sum3A_127 = vector.broadcast %reduce_sum3A_126 : i1 to vector<16xi1>
    %reduce_sum3A_128 = tpu.scan <sum>, %scan3A_124#1 masked %reduce_sum3A_127 : vector<16xf32>, vector<16xi1> -> vector<16xf32>
    %reduce_sum3A_129 = vector.extract %reduce_sum3A_128[15] : f32 from vector<16xf32>
    %sub3A = arith.subi %min3A_111, %squeeze3A : i32
    %convert_element_type3A = arith.sitofp %sub3A : i32 to f32
    %mul3A_130 = arith.mulf %convert_element_type3A, %bitcast_convert_type3A : f32
    %add3A_131 = arith.addf %reduce_sum3A_129, %mul3A_130 : f32
    %add3A_132 = arith.addf %reduce_sum3A_108, %add3A_131 : f32
    %eq3A = arith.constant 0 : i32
    %eq3A_133 = vector.broadcast %eq3A : i32 to vector<16xi32>
    %eq3A_134 = arith.cmpi eq, %iota3A, %eq3A_133 : vector<16xi32>
    %jit3A = arith.constant 0.000000e+00 : f32
    %broadcast_in_dim3A_135 = vector.broadcast %reduce_sum3A_100 : f32 to vector<16xf32>
    %broadcast_in_dim3A_136 = vector.broadcast %jit3A : f32 to vector<16xf32>
    %select_n3A = arith.select %eq3A_134, %broadcast_in_dim3A_135, %broadcast_in_dim3A_136 : vector<16xi1>, vector<16xf32>
    %eq3A_137 = arith.constant 1 : i32
    %eq3A_138 = vector.broadcast %eq3A_137 : i32 to vector<16xi32>
    %eq3A_139 = arith.cmpi eq, %iota3A, %eq3A_138 : vector<16xi32>
    %jit3A_140 = arith.constant 0.000000e+00 : f32
    %broadcast_in_dim3A_141 = vector.broadcast %add3A_132 : f32 to vector<16xf32>
    %broadcast_in_dim3A_142 = vector.broadcast %jit3A_140 : f32 to vector<16xf32>
    %select_n3A_143 = arith.select %eq3A_139, %broadcast_in_dim3A_141, %broadcast_in_dim3A_142 : vector<16xi1>, vector<16xf32>
    %add3A_144 = arith.addf %select_n3A, %select_n3A_143 : vector<16xf32>
    %eq3A_145 = arith.constant 2 : i32
    %eq3A_146 = vector.broadcast %eq3A_145 : i32 to vector<16xi32>
    %eq3A_147 = arith.cmpi eq, %iota3A, %eq3A_146 : vector<16xi32>
    %convert_element_type3A_148 = arith.sitofp %reduce_sum3A_104 : i32 to f32
    %jit3A_149 = arith.constant 0.000000e+00 : f32
    %broadcast_in_dim3A_150 = vector.broadcast %convert_element_type3A_148 : f32 to vector<16xf32>
    %broadcast_in_dim3A_151 = vector.broadcast %jit3A_149 : f32 to vector<16xf32>
    %select_n3A_152 = arith.select %eq3A_147, %broadcast_in_dim3A_150, %broadcast_in_dim3A_151 : vector<16xi1>, vector<16xf32>
    %add3A_153 = arith.addf %add3A_144, %select_n3A_152 : vector<16xf32>
    %swap3A = arith.constant 0 : index
    %swap3A_154 = tpu.vector_load %arg19[%swap3A] {strides = array<i32>} : memref<16xf32, #tpu.memory_space<vmem>>, vector<16xf32>,
    tpu.vector_store %arg19[%swap3A], %add3A_153 {strides = array<i32>} : memref<16xf32, #tpu.memory_space<vmem>>, vector<16xf32>,
    "tpu.region"() ({
      %run_scoped3A_155 = tpu.sem_alloc : memref<!tpu.dma_semaphore, #tpu.memory_space<semaphore_mem>>
      %dma_start3A_156 = arith.constant 0 : i32
      %dma_start3A_157 = tpu.memref_slice %arg7[%add3A, %dma_start3A_156] : memref<32x16xf32, #tpu.memory_space<hbm>> -> memref<1x16xf32, #tpu.memory_space<hbm>>
      %dma_start3A_158 = tpu.memref_squeeze %dma_start3A_157 : memref<1x16xf32, #tpu.memory_space<hbm>> -> memref<16xf32, #tpu.memory_space<hbm>>
      %dma_start3A_159 = arith.constant 0 : i32
      %dma_start3A_160 = tpu.memref_slice %arg7[%add3A, %dma_start3A_159] : memref<32x16xf32, #tpu.memory_space<hbm>> -> memref<1x16xf32, #tpu.memory_space<hbm>>
      %dma_start3A_161 = tpu.memref_squeeze %dma_start3A_160 : memref<1x16xf32, #tpu.memory_space<hbm>> -> memref<16xf32, #tpu.memory_space<hbm>>
      tpu.enqueue_dma source(%arg19 : memref<16xf32, #tpu.memory_space<vmem>>) target(%dma_start3A_161 : memref<16xf32, #tpu.memory_space<hbm>>) target_semaphore(%run_scoped3A_155 : memref<!tpu.dma_semaphore, #tpu.memory_space<semaphore_mem>>)
      %dma_wait3A_162 = arith.constant 0 : i32
      %dma_wait3A_163 = tpu.memref_slice %arg7[%add3A, %dma_wait3A_162] : memref<32x16xf32, #tpu.memory_space<hbm>> -> memref<1x16xf32, #tpu.memory_space<hbm>>
      %dma_wait3A_164 = tpu.memref_squeeze %dma_wait3A_163 : memref<1x16xf32, #tpu.memory_space<hbm>> -> memref<16xf32, #tpu.memory_space<hbm>>
      %dma_wait3A_165 = arith.constant 0 : i32
      %dma_wait3A_166 = tpu.memref_slice %arg7[%add3A, %dma_wait3A_165] : memref<32x16xf32, #tpu.memory_space<hbm>> -> memref<1x16xf32, #tpu.memory_space<hbm>>
      %dma_wait3A_167 = tpu.memref_squeeze %dma_wait3A_166 : memref<1x16xf32, #tpu.memory_space<hbm>> -> memref<16xf32, #tpu.memory_space<hbm>>
      tpu.wait_dma2 semaphore(%run_scoped3A_155 : memref<!tpu.dma_semaphore, #tpu.memory_space<semaphore_mem>>) src(%arg19 : memref<16xf32, #tpu.memory_space<vmem>>) dst(%dma_wait3A_167 : memref<16xf32, #tpu.memory_space<hbm>>)
      tpu.yield
    }) : () -> ()
    return
  }
}

module attributes {stable_mosaic.version = 14 : i64} {
  func.func @_combine_kernel(%arg0: memref<32x16xf32, #tpu.memory_space<vmem>>, %arg1: memref<1x1xf32, #tpu.memory_space<smem>>, %arg2: memref<1x1xf32, #tpu.memory_space<smem>>) attributes {dimension_semantics = [], scalar_prefetch = 0 : i64, scratch_operands = 0 : i64, tpu.core_type = #tpu.core_type<tc>} {
    %get3A = arith.constant 0 : index
    %get3A_0 = arith.constant 0 : index
    %get3A_1 = vector.load %arg0[%get3A, %get3A_0] : memref<32x16xf32, #tpu.memory_space<vmem>>, vector<32x16xf32>
    %slice3A = vector.extract_strided_slice %get3A_1 {offsets = [0, 2], sizes = [32, 1], strides = [1, 1]} : vector<32x16xf32> to vector<32x1xf32>
    %squeeze3A = vector.shape_cast %slice3A : vector<32x1xf32> to vector<32xf32>
    %reduce_sum3A = vector.shape_cast %squeeze3A : vector<32xf32> to vector<1x32xf32>
    %reduce_sum3A_2 = arith.constant dense<0.000000e+00> : vector<1xf32>
    %reduce_sum3A_3 = vector.multi_reduction <add>, %reduce_sum3A, %reduce_sum3A_2 [1] : vector<1x32xf32> to vector<1xf32>
    %reduce_sum3A_4 = vector.shape_cast %reduce_sum3A_3 : vector<1xf32> to vector<1x1xf32>
    %reduce_sum3A_5 = vector.extract %reduce_sum3A_4[0, 0] : f32 from vector<1x1xf32>
    %slice3A_6 = vector.extract_strided_slice %get3A_1 {offsets = [0, 0], sizes = [32, 1], strides = [1, 1]} : vector<32x16xf32> to vector<32x1xf32>
    %squeeze3A_7 = vector.shape_cast %slice3A_6 : vector<32x1xf32> to vector<32xf32>
    %reduce_sum3A_8 = vector.shape_cast %squeeze3A_7 : vector<32xf32> to vector<1x32xf32>
    %reduce_sum3A_9 = arith.constant dense<0.000000e+00> : vector<1xf32>
    %reduce_sum3A_10 = vector.multi_reduction <add>, %reduce_sum3A_8, %reduce_sum3A_9 [1] : vector<1x32xf32> to vector<1xf32>
    %reduce_sum3A_11 = vector.shape_cast %reduce_sum3A_10 : vector<1xf32> to vector<1x1xf32>
    %reduce_sum3A_12 = vector.extract %reduce_sum3A_11[0, 0] : f32 from vector<1x1xf32>
    %div3A = arith.divf %reduce_sum3A_12, %reduce_sum3A_5 : f32
    %swap3A = arith.constant 0 : index
    %swap3A_13 = arith.constant 0 : index
    %swap3A_14 = memref.load %arg1[%swap3A, %swap3A_13] : memref<1x1xf32, #tpu.memory_space<smem>>
    memref.store %div3A, %arg1[%swap3A, %swap3A_13] : memref<1x1xf32, #tpu.memory_space<smem>>
    %slice3A_15 = vector.extract_strided_slice %get3A_1 {offsets = [0, 1], sizes = [32, 1], strides = [1, 1]} : vector<32x16xf32> to vector<32x1xf32>
    %squeeze3A_16 = vector.shape_cast %slice3A_15 : vector<32x1xf32> to vector<32xf32>
    %reduce_sum3A_17 = vector.shape_cast %squeeze3A_16 : vector<32xf32> to vector<1x32xf32>
    %reduce_sum3A_18 = arith.constant dense<0.000000e+00> : vector<1xf32>
    %reduce_sum3A_19 = vector.multi_reduction <add>, %reduce_sum3A_17, %reduce_sum3A_18 [1] : vector<1x32xf32> to vector<1xf32>
    %reduce_sum3A_20 = vector.shape_cast %reduce_sum3A_19 : vector<1xf32> to vector<1x1xf32>
    %reduce_sum3A_21 = vector.extract %reduce_sum3A_20[0, 0] : f32 from vector<1x1xf32>
    %div3A_22 = arith.divf %reduce_sum3A_21, %reduce_sum3A_5 : f32
    %swap3A_23 = arith.constant 0 : index
    %swap3A_24 = arith.constant 0 : index
    %swap3A_25 = memref.load %arg2[%swap3A_23, %swap3A_24] : memref<1x1xf32, #tpu.memory_space<smem>>
    memref.store %div3A_22, %arg2[%swap3A_23, %swap3A_24] : memref<1x1xf32, #tpu.memory_space<smem>>
    return
  }
}

</mosaic_0001>

<sc_bundles>
// kernel: kernel.4.cloned.1.call-start
scs
__scs_entry_jumppad:
0x0: {  	(pc) =	sbr.rel $0x88, $3  }
0x1: {  	(tag) =	ssettag $0x0;
	lr =	simm.s32 $0x1  }
0x2: {  	[smem:$0x3F9D] =	sst lr;
	_ =	strace $0xD0000000  }
0x3: {  	_ = 	snop  }
0x4: {  	_ = 	snop  }
0x5: {  	_ = 	snop  }
0x6: {  	_ = 	snop  }
0x7: {  	_ = 	snop  }
__scs_overlays_trampoline_lowered:
0x8: {  	[smem:$0x3FAC] =	sst s0  }
0x9: {  	[smem:$0x3FAD] =	sst s1  }
0xa: {  	[smem:$0x3FAE] =	sst s2  }
0xb: {  	[smem:$0x3FAF] =	sst s3  }
0xc: {  	[smem:$0x3FB0] =	sst s4  }
0xd: {  	[smem:$0x3FB1] =	sst s5  }
0xe: {  	[smem:$0x3FB2] =	sst s6  }
0xf: {  	[smem:$0x3FB3] =	sst s7  }
0x10: {  	[smem:$0x3FB4] =	sst s8  }
0x11: {  	[smem:$0x3FB5] =	sst s9;
	s0 =	simm.s32 @!p0 $0x0  }
0x12: {  	s1 =	sld [smem:$0x3F9B];
	s0 =	simm.s32 @p0 $0x1  }
0x13: {  	[smem:$0x3FB6] =	sst s0;
	s0 =	simm.s32 @!p1 $0x0  }
0x14: {  	s2 =	sld [smem:$0x3F9A];
	s0 =	simm.s32 @p1 $0x1  }
0x15: {  	[smem:$0x3FB7] =	sst s0;
	s0 =	simm.s32 @!p2 $0x0  }
0x16: {  	s3 =	sld [smem:$0x3FDB];
	s0 =	simm.s32 @p2 $0x1  }
0x17: {  	s4 =	simm.s32 $0x1BF5;
	[smem:$0x3FB9] =	sst s0  }
0x18: {  	s0 =	sld [smem:$0x3F9C];
	_ =	swait.ge [sflag:s4], $0x0  }
0x19: {  	s7 =	sld [smem:$0x3F9D]  }
0x1a: {  	s8 =	sadd.s32 $0xFFFFE003, lr  }
0x1b: {  	s9 =	sadd.s32 $0xFFFFFEF7, lr;
	s5 =	simm.s32 $0xFFFFFFFF;
	p2 =	slt.u32 s8, $0xFFFFF086  }
0x1c: {  	p1 =	slt.u32 s9, $0xF7A;
	s5 =	simm.s32 @!p2 $0x0  }
0x1d: {  	s5 =	simm.s32 @p1 $0x1;
	p0 =	seq.s32 s7, s2  }
0x1e: {  	s7 =	smul.u32 @!p0 $0xF7A, s2;
	p2 =	seq.s32 @!p0 s5, $0x0  }
0x1f: {  	s9 =	smul.u32 $0xF7A, s1;
	s8 =	simm.s32 @!p0 $0x1BF5;
	p2 =	por !p2, p0  }
0x20: {  	[sflag:s8] =	ssyncset.s32 @!p0 $0xFFFFF086;
	s6 =	sadd.s32 @!p0 s3, s7;
	s7 =	simm.s32 @!p0 $0x108  }
0x21: {  	s3 =	sadd.s32 s3, s9;
	s6 =	sadd.s32 @!p0 $0x88, s6;
	s7 =	simm.s32 @p2 $0x1082  }
0x22: {  	[simem:s7], [sflag:s8] =	dma.local @!p0 [hbm:s6], $0xF7A  }
0x23: {  	s9 =	sor.u32 $0xD0000000, s2;
	s6 =	simm.s32 $0x108;
	_ =	swait.ge @!p0 [sflag:s8], $0x0  }
0x24: {  	s3 =	sadd.s32 $0x88, s3;
	s6 =	simm.s32 @!p1 $0x1082;
	[sflag:s4] =	ssyncset.s32 $0xFFFFF086  }
0x25: {  	[simem:s6], [sflag:s4] =	dma.local [hbm:s3], $0xF7A  }
0x26: {  	[smem:$0x3F9D] =	sst s1;
	(tag) =	ssettag s2;
	_ =	strace s9  }
0x27: {  	s1 =	sld [smem:$0x3FAD]  }
0x28: {  	s2 =	sld [smem:$0x3FAE]  }
0x29: {  	s4 =	sld [smem:$0x3FB0]  }
0x2a: {  	p0 =	seq.s32 s5, $0x0;
	s5 =	sld [smem:$0x3FB1]  }
0x2b: {  	s6 =	sld [smem:$0x3FB2]  }
0x2c: {  	s7 =	sld [smem:$0x3FB3]  }
0x2d: {  	s3 =	simm.s32 $0x108;
	s8 =	sld [smem:$0x3FB4]  }
0x2e: {  	s3 =	simm.s32 @!p0 $0x1082;
	s9 =	sld [smem:$0x3FB5]  }
0x2f: {  	lr =	sadd.s32 s0, s3;
	s0 =	sld [smem:$0x3FAC]  }
0x30: {  	s3 =	sld [smem:$0x3FAF]  }
0x31: {  	[smem:$0x3FB8] =	sst s10  }
0x32: {  	s10 =	sld [smem:$0x3FB6];
	_ =	sdelay $0x3  }
0x33: {  	p0 =	seq.s32 s10, $0x1;
	s10 =	sld [smem:$0x3FB8];
	_ =	sdelay $0x3  }
0x34: {  	[smem:$0x3FB8] =	sst s10  }
0x35: {  	s10 =	sld [smem:$0x3FB7];
	_ =	sdelay $0x3  }
0x36: {  	p1 =	seq.s32 s10, $0x1;
	s10 =	sld [smem:$0x3FB8];
	_ =	sdelay $0x3  }
0x37: {  	[smem:$0x3FB8] =	sst s10  }
0x38: {  	s10 =	sld [smem:$0x3FB9]  }
0x39: {  	_ = 	snop;
	(pc) =	sbr.ind lr, $3  }
0x3a: {  	_ = 	snop  }
0x3b: {  	_ = 	snop  }
0x3c: {  	p2 =	seq.s32 s10, $0x1;
	s10 =	sld [smem:$0x3FB8]  }
0x3d: {  	_ =	shalt  }
0x3e: {  	_ =	shalt  }
0x3f: {  	_ =	shalt  }
0x40: {  	_ =	shalt  }
0x41: {  	_ =	shalt  }
0x42: {  	_ =	shalt  }
0x43: {  	_ =	shalt  }
0x44: {  	_ =	shalt  }
0x45: {  	_ =	shalt  }
0x46: {  	_ =	shalt  }
0x47: {  	_ =	shalt  }
0x48: {  	_ =	shalt  }
0x49: {  	_ =	shalt  }
0x4a: {  	_ =	shalt  }
0x4b: {  	_ =	shalt  }
0x4c: {  	_ =	shalt  }
0x4d: {  	_ =	shalt  }
0x4e: {  	_ =	shalt  }
0x4f: {  	_ =	shalt  }
0x50: {  	_ =	shalt  }
0x51: {  	_ =	shalt  }
0x52: {  	_ =	shalt  }
0x53: {  	_ =	shalt  }
0x54: {  	_ =	shalt  }
0x55: {  	_ =	shalt  }
0x56: {  	_ =	shalt  }
0x57: {  	_ =	shalt  }
0x58: {  	_ =	shalt  }
0x59: {  	_ =	shalt  }
0x5a: {  	_ =	shalt  }
0x5b: {  	_ =	shalt  }
0x5c: {  	_ =	shalt  }
0x5d: {  	_ =	shalt  }
0x5e: {  	_ =	shalt  }
0x5f: {  	_ =	shalt  }
0x60: {  	_ =	shalt  }
0x61: {  	_ =	shalt  }
0x62: {  	_ =	shalt  }
0x63: {  	_ =	shalt  }
0x64: {  	_ =	shalt  }
0x65: {  	_ =	shalt  }
0x66: {  	_ =	shalt  }
0x67: {  	_ =	shalt  }
0x68: {  	_ =	shalt  }
0x69: {  	_ =	shalt  }
0x6a: {  	_ =	shalt  }
0x6b: {  	_ =	shalt  }
0x6c: {  	_ =	shalt  }
0x6d: {  	_ =	shalt  }
0x6e: {  	_ =	shalt  }
0x6f: {  	_ =	shalt  }
0x70: {  	_ =	shalt  }
0x71: {  	_ =	shalt  }
0x72: {  	_ =	shalt  }
0x73: {  	_ =	shalt  }
0x74: {  	_ =	shalt  }
0x75: {  	_ =	shalt  }
0x76: {  	_ =	shalt  }
0x77: {  	_ =	shalt  }
0x78: {  	_ =	shalt  }
0x79: {  	_ =	shalt  }
0x7a: {  	_ =	shalt  }
0x7b: {  	_ =	shalt  }
0x7c: {  	_ =	shalt  }
0x7d: {  	_ =	shalt  }
0x7e: {  	_ =	shalt  }
0x7f: {  	_ =	shalt  }
0x80: {  	_ =	shalt  }
0x81: {  	_ =	shalt  }
0x82: {  	_ =	shalt  }
0x83: {  	_ =	shalt  }
0x84: {  	_ =	shalt  }
0x85: {  	_ =	shalt  }
0x86: {  	_ =	shalt  }
0x87: {  	_ =	shalt  }
.Lfunc_end0:
.L_simem_size_0:
called_computation_lowered:
.L_overlay_start_0:
0x88: {  	s2 =	sld [smem:$0x3FD9]  }
0x89: {  	s3 =	sld [smem:$0x3FFE];
	_ =	sdelay $0x1  }
0x8a: {  	s1 =	srdreg.scid  }
0x8b: {  	s0 =	sand.u32 $0x1, s1  }
0x8c: {  	s16 =	sshll.u32 s0, $0xA;
	s2 =	sadd.s32 s3, s2  }
0x8d: {  	s2 =	sadd.s32 s2, s16  }
0x8e: {  	[smem:$0x3FC4] =	sst s2  }
0x8f: {  	_ = 	snop  }
0x90: {  	(tm) =	ssettm $0x1  }
0x91: {  	s17 =	sld [smem:$0x3FFB];
	_ =	sdelay $0x3  }
0x92: {  	_ =	strace s17  }
0x93: {  	s2 =	sld [smem:$0x3FFC];
	_ =	sdelay $0x3  }
0x94: {  	_ =	strace s2  }
0x95: {  	s2 =	sld [smem:$0x3FFD];
	_ =	sdelay $0x3  }
0x96: {  	_ =	strace s2  }
0x97: {  	_ =	strace $0x8FFFFFFF  }
0x98: {  	s18 =	sld [smem:$0x3FDB];
	_ =	sdelay $0x1  }
0x99: {  	s19 =	simm.s32 $_scs_section_size  }
0x9a: {  	s4 =	simm.s32 $_size__tile_overlayer_lowered;
	s5 =	simm.s32 $_tile_overlayer_lowered  }
0x9b: {  	s22 =	simm.s32 $0x1BFF;
	s21 =	sshll.u32 s5, $0x1;
	s2 =	sadd.s32 s19, s18  }
0x9c: {  	s6 =	simm.s32 $0x0;
	s20 =	sshll.u32 s4, $0x1;
	s4 =	sadd.s32 s21, s2  }
0x9d: {  	[timem:s6], [sflag:s22] =	dma.local [hbm:s4], s20  }
0x9e: {  	_ =	swait.ge [sflag:s22], s20  }
0x9f: {  	s3 =	ssub.s32 $0x0, s20;
	[sflag:s22] =	ssyncset.done $0x0  }
0xa0: {  	[sflag:s22] =	ssyncadd.s32 s3;
	_ =	sdelay $0x1  }
0xa1: {  	s23 =	simm.s32 $0x1B8B  }
0xa2: {  	_ =	swait.ge [sflag:s23], $0x1  }
0xa3: {  	[sflag:s23] =	ssyncset.done $0x0  }
0xa4: {  	s25 =	simm.s32 $0x1B8E;
	s24 =	sld [smem:$0x3FFE];
	[sflag:s23] =	ssyncadd.s32 $0xFFFFFFFF  }
0xa5: {  	s26 =	simm.s32 $execute0_lowered;
	[smem:$0x3FD2] =	sst s25  }
0xa6: {  	s4 =	sshll.u32 s26, $0x1;
	_ =	strace $0x80000046;
	[dreg:$0x1] =	wrdreg $0xFFFFFFFF  }
0xa7: {  	s28 =	simm.s32 $_size_execute0_lowered;
	s2 =	sadd.s32 s2, s4;
	[dreg:$0x0] =	wrdreg $0x0  }
0xa8: {  	s4 =	sshll.u32 s28, $0x1;
	[dreg:$0x2] =	wrdreg s2  }
0xa9: {  	[dreg:$0x3] =	wrdreg s4  }
0xaa: {  	[dreg:$0x4] =	wrdreg $0xC0  }
0xab: {  	_ =	task [dreg:s6], $0x5FFFF  }
0xac: {  	[dreg:$0x1] =	wrdreg $0xFFFFFFFF  }
0xad: {  	[dreg:$0x0] =	wrdreg $0x60  }
0xae: {  	[dreg:$0x2] =	wrdreg s24  }
0xaf: {  	[dreg:$0x3] =	wrdreg $0x9  }
0xb0: {  	_ =	task.clear_ibuf [dreg:s6], $0x4FFFF;
	_ =	strace $0x90000046  }
0xb1: {  	s29 =	simm.s32 $0x9;
	_ =	strace $0x80000048  }
0xb2: {  	_ =	swait.ge [sflag:s29], $0x1  }
0xb3: {  	[sflag:s29] =	ssyncadd.s32 $0xFFFFFFFF  }
0xb4: {  	_ =	strace $0x90000048  }
0xb5: {  	_ =	sfence  }
0xb6: {  	s30 =	sld [smem:$0x0];
	_ =	sdelay $0x2  }
0xb7: {  	s31 =	sshll.u32 s1, $0xD;
	s1 =	sshrl.u32 s1, $0x2  }
0xb8: {  	s3 =	sand.u32 $0x4000, s31;
	s1 =	sadd.s32 s1, s30  }
0xb9: {  	s0 =	sor.u32 s3, s0;
	s1 =	sshll.u32 s1, $0x11  }
0xba: {  	s0 =	sor.u32 s1, s0  }
0xbb: {  	s0 =	sadd.s32 $0x8F2B, s0  }
0xbc: {  	[sflag:s0] =	ssyncadd.remote.s32 $0x1  }
0xbd: {  	_ =	sfence.sel $0xFFFF  }
0xbe: {  	[dreg:$0x0] =	wrdreg $0xFFFFFFFF;
	(pc) =	sbr.abs _section_cstart, $3  }
0xbf: {  	[dreg:$0x1] =	wrdreg $0xFFFFFFFF  }
0xc0: {  	_ =	task.clear_ibuf [dreg:s6], $0x2FFFF;
	_ =	strace $0x9FFFFFFF  }
0xc1: {  	(tm) =	ssettm $0x7FFFFFFF  }
tec
execute0_lowered:
.L_overlay_start_1:
0x0: {  	(tag) =	ssettag $0x1  }
0x1: {  	s0 =	srdreg.scid  }
0x2: {  	s4 =	stileid.u32;
	s1 =	rddreg [dreg:$0x0];
	s30 =	simm.s32 $0x12E80  }
0x3: {  	s31 =	simm.s32 $0x8E00;
	s0 =	sand.u32 $0x1, s0;
	s2 =	sshll.u32 s4, $0x1  }
0x4: {  	s7 =	sadd.s32 $0x47B400, s1;
	s16 =	sadd.s32 $0x1400, s1;
	s18 =	sadd.s32 $0x29400, s1  }
0x5: {  	s4 =	sshrl.u32 s4, $0x2;
	s22 =	sadd.s32 $0x47B410, s1;
	s23 =	sadd.s32 $0x47B420, s1  }
0x6: {  	s3 =	sor.u32 s0, s2;
	s2 =	simm.s32 $0x0;
	s6 =	sshll.u32 s4, $0xC  }
0x7: {  	s8 =	sshll.u32 s4, $0xA;
	s0 =	ssub.s32 $0x2, s0;
	[smem:$0x7FF] =	sst s2  }
0x8: {  	s15 =	smul.u32 $0x700, s3;
	_ =	strace $0x80000047;
	[dreg:$0x2] =	wrdreg s7  }
0x9: {  	s5 =	sshll.u32 s3, $0x7;
	s19 =	smul.u32 $0x111000, s3;
	[dreg:$0x8] =	wrdreg s22  }
0xa: {  	v0 =	vimm.f32 $9.000000000e+00;
	s11 =	sshrl.u32 s0, $0x1;
	s21 =	smul.u32 $0xA000, s3;
	[dreg:$0x9] =	wrdreg s23  }
0xb: {  	s5 =	sand.u32 $0x380, s5;
	s0 =	ssub.s32 s0, s11;
	[dreg:$0x3] =	wrdreg s16;
	(erf) = vrcp.f32 v0;
	v0 =	vimm.f32 $2.000000030e-01  }
0xc: {  	[dreg:$0x4] =	wrdreg s18;
	s6 =	sor.u32 s6, s5;
	s17 =	sor.u32 s8, s5;
	(erf) = vrcp.f32 v0  }
0xd: {  	s7 =	sadd.s32 s15, s1;
	s24 =	sshrl.u32 s19, $0x3;
	[dreg:$0x5] =	wrdreg s19  }
0xe: {  	s25 =	sshrl.u32 s21, $0x3;
	s0 =	smax.u32 s0, $0x1;
	[dreg:$0x7] =	wrdreg s21  }
0xf: {  	s6 =	sshrl.u32 s6, $0x3;
	s28 =	sadd.s32 $0x46D400, s7;
	[dreg:$0x10] =	wrdreg s0  }
0x10: {  	s26 =	sadd.s32 s16, s25;
	s9 =	sadd.s32 s6, s1;
	[dreg:$0xd] =	wrdreg s28  }
0x11: {  	s6 =	sshrl.u32 s17, $0x3;
	[dreg:$0xc] =	wrdreg s26;
	s20 =	sadd.s32 $0xC00, s9  }
0x12: {  	v1 =	vlaneseq.u32;
	s10 =	sadd.s32 s6, s1;
	s1 =	sadd.s32 $0x47B430, s1;
	[dreg:$0x6] =	wrdreg s20  }
0x13: {  	v1 =	vor.u32 $0x80000000, v1;
	s3 =	simm.s32 $0x0;
	[dreg:$0xa] =	wrdreg s1;
	s1 =	sadd.s32 s18, s24  }
0x14: {  	s23 =	simm.s32 $0x80;
	[tilespmem:$0x1FFD0] =	vst v1;
	s29 =	sadd.s32 $0x47C600, s10;
	[dreg:$0xb] =	wrdreg s1;
	v51 =	vpop (erf)  }
0x15: {  	s25 =	simm.s32 $0x400;
	s1 =	sadd.s32 $0x1250, s26;
	[dreg:$0xf] =	wrdreg s29;
	v52 =	vpop (erf);
	[tilespmem:$0x1FFE0] =	vst v51  }
0x16: {  	v2 =	vimm.f32 $0.0e+00;
	v0 =	vimm.f32 $-1.000000000e+00;
	s26 =	simm.s32 $0xF680;
	[dreg:$0xe] =	wrdreg s1;
	s1 =	simm.s32 $0x6;
	[tilespmem:$0x1FFF0] =	vst v52  }
.LBB2_1:
0x17: {  	[dreg:$0x11] =	wrdreg s3  }
0x18: {  	s0 =	rddreg [dreg:$0x6]  }
0x19: {  	[tilespmem:s2], [sflag:$0x6] =	stream.strided.gather [hbm4b:s0+s23], $0x200, s25, s23, $0x38;
	[tilespmem:$0x19F00] =	vst v63  }
0x1a: {  	_ =	swait.ge [sflag:s1], $0x200  }
0x1b: {  	[sflag:s1] =	ssyncset.done $0x0  }
0x1c: {  	s21 =	simm.s32 $0x200;
	s20 =	rddreg [dreg:$0x2];
	[sflag:s1] =	ssyncadd.s32 $0xFFFFFE00  }
0x1d: {  	[tilespmem:s21], [sflag:$0x6] =	stream.strided.gather [hbm4b:s20+s23], $0x2280, s21, s23, $0x38;
	[tilespmem:$0x19F00] =	vst v63  }
0x1e: {  	_ =	swait.ge [sflag:s1], $0x2280  }
0x1f: {  	[sflag:s1] =	ssyncset.done $0x0  }
0x20: {  	s4 =	simm.s32 $0x2480;
	s22 =	rddreg [dreg:$0x8];
	[sflag:s1] =	ssyncadd.s32 $0xFFFFDD80  }
0x21: {  	[tilespmem:s4], [sflag:$0x6] =	stream.strided.gather [hbm4b:s22+s23], $0x2280, s21, s23, $0x38;
	[tilespmem:$0x19F00] =	vst v63  }
0x22: {  	_ =	swait.ge [sflag:s1], $0x2280  }
0x23: {  	[sflag:s1] =	ssyncset.done $0x0  }
0x24: {  	s25 =	simm.s32 $0x4700;
	s24 =	rddreg [dreg:$0x9];
	[sflag:s1] =	ssyncadd.s32 $0xFFFFDD80  }
0x25: {  	[tilespmem:s25], [sflag:$0x6] =	stream.strided.gather [hbm4b:s24+s23], $0x2280, s21, s23, $0x38;
	[tilespmem:$0x19F00] =	vst v63  }
0x26: {  	_ =	swait.ge [sflag:s1], $0x2280  }
0x27: {  	[sflag:s1] =	ssyncset.done $0x0  }
0x28: {  	s29 =	simm.s32 $0x6980;
	s28 =	rddreg [dreg:$0xa];
	[sflag:s1] =	ssyncadd.s32 $0xFFFFDD80  }
0x29: {  	[tilespmem:s29], [sflag:$0x6] =	stream.strided.gather [hbm4b:s28+s23], $0x2280, s21, s23, $0x38;
	[tilespmem:$0x19F00] =	vst v63  }
0x2a: {  	_ =	swait.ge [sflag:s1], $0x2280  }
0x2b: {  	[sflag:s1] =	ssyncset.done $0x0  }
0x2c: {  	s3 =	simm.s32 $0x40;
	s9 =	simm.s32 $0x0;
	[sflag:s1] =	ssyncadd.s32 $0xFFFFDD80  }
.LBB2_2:
0x2d: {  	p0 =	sne.s32 s3, $0x8840;
	[tilespmem:s9+$0x9000] =	vst v0;
	s7 =	smov.u32 s3;
	s3 =	sadd.s32 $0x40, s3  }
.Ltmp0:
0x2e: {  	[tilespmem:s9+$0xB220] =	vst v2;
	(pc) =	sbr.rel @p0 .LBB2_2-.Ltmp0, $2  }
0x2f: {  	_ =	sdelay $0x2  }
0x30: {  	s9 =	sshra.s32 s7, $0x2  }
0x31: {  	[tilespmem:s9+$0x9000] =	vst v0  }
0x32: {  	s0 =	simm.s32 $0x0;
	[tilespmem:s9+$0xB220] =	vst v2  }
.LBB2_4:
0x33: {  	s9 =	smul.u32 $0x140, s0;
	_ =	sdelay $0x1  }
0x34: {  	s3 =	smul.u32 $0xA, s0;
	s9 =	sshra.s32 s9, $0x2  }
0x35: {  	v0 =	vld [tilespmem:s9+$0x0]  }
0x36: {  	s9 =	sor.u32 $0x1, s3  }
0x37: {  	s10 =	sshll.u32 s9, $0x3  }
0x38: {  	s10 =	sand.u32 $0x3FFFFFF8, s10  }
0x39: {  	v1 =	vld [tilespmem:s10+$0x0]  }
0x3a: {  	s10 =	sadd.s32 $0x2, s3;
	(v2sf) =	vpush v0, $0x0  }
0x3b: {  	s11 =	sshll.u32 s10, $0x3;
	(v2sf) =	vpush v0, $0x1  }
0x3c: {  	s11 =	sand.u32 $0x3FFFFFF0, s11;
	(v2sf) =	vpush v0, $0x2  }
0x3d: {  	v2 =	vld [tilespmem:s11+$0x0];
	(v2sf) =	vpush v0, $0x3  }
0x3e: {  	s11 =	sadd.s32 $0x3, s3;
	(v2sf) =	vpush v1, $0x0  }
0x3f: {  	s12 =	sshll.u32 s11, $0x3;
	(v2sf) =	vpush v1, $0x1  }
0x40: {  	s12 =	sand.u32 $0x3FFFFFF8, s12;
	(v2sf) =	vpush v1, $0x2  }
0x41: {  	v3 =	vld [tilespmem:s12+$0x0];
	(v2sf) =	vpush v1, $0x3  }
0x42: {  	s12 =	sadd.s32 $0x4, s3;
	(v2sf) =	vpush v2, $0x0  }
0x43: {  	s13 =	sshll.u32 s12, $0x3;
	(v2sf) =	vpush v2, $0x1  }
0x44: {  	s13 =	sand.u32 $0x3FFFFFF0, s13;
	(v2sf) =	vpush v2, $0x2  }
0x45: {  	v8 =	vbroadcast v0, $0x2;
	v4 =	vld [tilespmem:s13+$0x0];
	(v2sf) =	vpush v2, $0x3  }
0x46: {  	s13 =	sadd.s32 $0x5, s3;
	(v2sf) =	vpush v3, $0x0  }
0x47: {  	[tilespmem:$0x1FDA0] =	vst v8;
	v8 =	vbroadcast v0, $0x0;
	s14 =	sshll.u32 s13, $0x3;
	(v2sf) =	vpush v3, $0x1  }
0x48: {  	s14 =	sand.u32 $0x3FFFFFF8, s14;
	(v2sf) =	vpush v3, $0x2  }
0x49: {  	[tilespmem:$0x1FDB0] =	vst v8;
	v8 =	vbroadcast v0, $0x3;
	v0 =	vbroadcast v0, $0x1;
	v5 =	vld [tilespmem:s14+$0x0];
	s18 =	spop (v2sf);
	(v2sf) =	vpush v3, $0x3  }
0x4a: {  	s14 =	sadd.s32 $0x6, s3;
	s19 =	spop (v2sf);
	(v2sf) =	vpush v4, $0x0  }
0x4b: {  	[tilespmem:$0x1FDD0] =	vst v0;
	v0 =	vbroadcast v1, $0x2;
	s15 =	sshll.u32 s14, $0x3;
	s20 =	spop (v2sf);
	(v2sf) =	vpush v4, $0x1  }
0x4c: {  	s15 =	sand.u32 $0x3FFFFFF0, s15;
	s21 =	spop (v2sf);
	(v2sf) =	vpush v4, $0x2  }
0x4d: {  	[tilespmem:$0x1FDE0] =	vst v0;
	v0 =	vbroadcast v1, $0x0;
	v6 =	vld [tilespmem:s15+$0x0];
	s22 =	spop (v2sf);
	(v2sf) =	vpush v4, $0x3  }
0x4e: {  	s15 =	sadd.s32 $0x7, s3;
	s24 =	spop (v2sf);
	(v2sf) =	vpush v5, $0x0  }
0x4f: {  	[tilespmem:$0x1FDF0] =	vst v0;
	v0 =	vbroadcast v1, $0x3;
	s16 =	sshll.u32 s15, $0x3;
	s1 =	spop (v2sf);
	(v2sf) =	vpush v5, $0x1  }
0x50: {  	[dreg:$0x12] =	wrdreg s0;
	s16 =	sand.u32 $0x3FFFFFF8, s16;
	s0 =	spop (v2sf);
	(v2sf) =	vpush v5, $0x2  }
0x51: {  	[tilespmem:$0x1FE00] =	vst v0;
	v0 =	vbroadcast v1, $0x1;
	v7 =	vld [tilespmem:s16+$0x0];
	s23 =	spop (v2sf);
	(v2sf) =	vpush v5, $0x3  }
0x52: {  	s16 =	sadd.s32 $0x8, s3;
	s4 =	spop (v2sf);
	(v2sf) =	vpush v6, $0x0  }
0x53: {  	[tilespmem:$0x1FE10] =	vst v0;
	v0 =	vbroadcast v2, $0x2;
	s17 =	sshll.u32 s16, $0x3;
	s5 =	spop (v2sf);
	(v2sf) =	vpush v6, $0x1  }
0x54: {  	s17 =	sand.u32 $0x3FFFFFF0, s17;
	s6 =	spop (v2sf);
	(v2sf) =	vpush v6, $0x2  }
0x55: {  	[tilespmem:$0x1FE20] =	vst v0;
	v0 =	vbroadcast v2, $0x0;
	v10 =	vld [tilespmem:s17+$0x0];
	s8 =	spop (v2sf);
	(v2sf) =	vpush v6, $0x3  }
0x56: {  	s18 =	ssub.f32 s20, s18;
	s17 =	sadd.s32 $0x9, s3;
	s25 =	spop (v2sf);
	(v2sf) =	vpush v7, $0x0  }
0x57: {  	[tilespmem:$0x1FE30] =	vst v0;
	v0 =	vbroadcast v2, $0x3;
	s19 =	ssub.f32 s21, s19;
	s7 =	sshll.u32 s17, $0x3;
	s29 =	spop (v2sf);
	(v2sf) =	vpush v7, $0x1  }
0x58: {  	s7 =	sand.u32 $0x3FFFFFF8, s7;
	(v2sf) =	vpush v7, $0x2;
	s28 =	spop (v2sf)  }
0x59: {  	[tilespmem:$0x1FE40] =	vst v0;
	v0 =	vbroadcast v2, $0x1;
	s18 =	smul.f32 s19, s18;
	v13 =	vld [tilespmem:s7+$0x0];
	s7 =	spop (v2sf);
	(v2sf) =	vpush v7, $0x3  }
0x5a: {  	s1 =	ssub.f32 s1, s22;
	s20 =	spop (v2sf);
	(v2sf) =	vpush v10, $0x0  }
0x5b: {  	v1 =	vmov s3;
	[tilespmem:$0x1FE50] =	vst v0;
	v0 =	vbroadcast v3, $0x2;
	s0 =	ssub.f32 s0, s24;
	s21 =	spop (v2sf);
	(v2sf) =	vpush v10, $0x1  }
0x5c: {  	[tilespmem:$0x1FF30] =	vst v1;
	s5 =	ssub.f32 s5, s23;
	s22 =	spop (v2sf);
	(v2sf) =	vpush v10, $0x2  }
0x5d: {  	v1 =	vmov s9;
	[tilespmem:$0x1FE60] =	vst v0;
	v0 =	vbroadcast v3, $0x0;
	s4 =	ssub.f32 s6, s4;
	s19 =	spop (v2sf);
	(v2sf) =	vpush v10, $0x3  }
0x5e: {  	[tilespmem:$0x1FF40] =	vst v1;
	s0 =	smul.f32 s0, s1;
	s1 =	spop (v2sf);
	(v2sf) =	vpush v13, $0x0  }
0x5f: {  	v1 =	vmov s10;
	[tilespmem:$0x1FE70] =	vst v0;
	v0 =	vbroadcast v3, $0x3;
	s4 =	smul.f32 s4, s5;
	s23 =	spop (v2sf);
	(v2sf) =	vpush v13, $0x1  }
0x60: {  	[tilespmem:$0x1FF50] =	vst v1;
	s8 =	ssub.f32 s29, s8;
	s6 =	spop (v2sf);
	(v2sf) =	vpush v13, $0x2  }
0x61: {  	v1 =	vmov s11;
	[tilespmem:$0x1FE80] =	vst v0;
	v0 =	vbroadcast v3, $0x1;
	s25 =	ssub.f32 s28, s25;
	s24 =	spop (v2sf);
	(v2sf) =	vpush v13, $0x3  }
0x62: {  	v19 =	vimm.f32 $-1.000000000e+00;
	v21 =	vimm.s32 $0x0;
	v30 =	vimm.s32 $0x0;
	[tilespmem:$0x1FF60] =	vst v1;
	s7 =	ssub.f32 s21, s7;
	s28 =	spop (v2sf)  }
0x63: {  	v36 =	vimm.s32 $0x0;
	v1 =	vmov s12;
	[tilespmem:$0x1FE90] =	vst v0;
	v0 =	vbroadcast v4, $0x2;
	s20 =	ssub.f32 s22, s20;
	s5 =	spop (v2sf)  }
0x64: {  	v44 =	vimm.s32 $0x0;
	v52 =	vimm.s32 $0x0;
	v59 =	vimm.s32 $0x0;
	[tilespmem:$0x1FF70] =	vst v1;
	s8 =	smul.f32 s25, s8;
	s25 =	spop (v2sf)  }
0x65: {  	v20 =	vimm.s32 $0x0;
	v1 =	vmov s13;
	[tilespmem:$0x1FEA0] =	vst v0;
	v0 =	vbroadcast v4, $0x0;
	s7 =	smul.f32 s20, s7;
	s21 =	spop (v2sf)  }
0x66: {  	v23 =	vimm.s32 $0x0;
	v35 =	vimm.f32 $-1.000000000e+00;
	v41 =	vimm.f32 $-1.000000000e+00;
	[tilespmem:$0x1FF80] =	vst v1;
	s19 =	ssub.f32 s23, s19;
	s22 =	spop (v2sf)  }
0x67: {  	v49 =	vimm.f32 $-1.000000000e+00;
	v1 =	vmov s14;
	[tilespmem:$0x1FEB0] =	vst v0;
	v0 =	vbroadcast v4, $0x3;
	s1 =	ssub.f32 s6, s1;
	s29 =	spop (v2sf)  }
0x68: {  	v60 =	vimm.f32 $-1.000000000e+00;
	v15 =	vimm.f32 $-1.000000000e+00;
	v22 =	vimm.f32 $-1.000000000e+00;
	[tilespmem:$0x1FF90] =	vst v1;
	s5 =	ssub.f32 s5, s24;
	s6 =	spop (v2sf)  }
0x69: {  	v51 =	vbroadcast v5, $0x1;
	v1 =	vmov s15;
	[tilespmem:$0x1FEC0] =	vst v0;
	v0 =	vbroadcast v4, $0x1;
	s25 =	ssub.f32 s25, s28;
	s20 =	spop (v2sf)  }
0x6a: {  	v24 =	vimm.f32 $-1.000000000e+00;
	v54 =	vbroadcast v6, $0x2;
	v55 =	vbroadcast v6, $0x0;
	[tilespmem:$0x1FFA0] =	vst v1;
	s1 =	smul.f32 s1, s19;
	s19 =	spop (v2sf)  }
0x6b: {  	v57 =	vbroadcast v6, $0x3;
	v58 =	vbroadcast v6, $0x1;
	[tilespmem:$0x1FED0] =	vst v0;
	v0 =	vmov s18;
	s5 =	smul.f32 s25, s5;
	s24 =	spop (v2sf)  }
0x6c: {  	v1 =	vmov s16;
	v62 =	vbroadcast v7, $0x2;
	[tilespmem:$0x1FEE0] =	vst v0;
	v0 =	vbroadcast v5, $0x2;
	s21 =	ssub.f32 s29, s21;
	s28 =	spop (v2sf)  }
0x6d: {  	v25 =	vimm.f32 $-1.000000000e+00;
	v63 =	vbroadcast v7, $0x0;
	[tilespmem:$0x1FFB0] =	vst v1;
	v2 =	vbroadcast v10, $0x0;
	s6 =	ssub.f32 s6, s22;
	s29 =	spop (v2sf)  }
0x6e: {  	v1 =	vmov s17;
	v9 =	vbroadcast v10, $0x3;
	[tilespmem:$0x1FEF0] =	vst v0;
	v0 =	vbroadcast v5, $0x0;
	s20 =	ssub.f32 s24, s20;
	s23 =	spop (v2sf)  }
0x6f: {  	[tilespmem:$0x1FFC0] =	vst v1;
	v1 =	vimm.f32 $-1.000000000e+00;
	v12 =	vbroadcast v13, $0x2;
	v14 =	vbroadcast v13, $0x0;
	s19 =	ssub.f32 s28, s19;
	s24 =	spop (v2sf)  }
0x70: {  	v16 =	vbroadcast v13, $0x3;
	v53 =	vmov s4;
	[tilespmem:$0x1FF00] =	vst v0;
	v0 =	vmov s0;
	s28 =	spop (v2sf);
	s4 =	ssub.f32 s24, s29  }
0x71: {  	v17 =	vbroadcast v13, $0x1;
	v3 =	vimm.s32 $0x0;
	[tilespmem:$0x1FF10] =	vst v0;
	v0 =	vbroadcast v5, $0x3;
	s6 =	smul.f32 s6, s21;
	s0 =	ssub.f32 s28, s23  }
0x72: {  	v56 =	vmov s8;
	v4 =	vbroadcast v7, $0x3;
	v61 =	vmov s7;
	s29 =	smul.f32 s19, s20  }
0x73: {  	v13 =	vimm.s32 $0x0;
	v5 =	vmov s1;
	[tilespmem:$0x1FF20] =	vst v0;
	v0 =	vbroadcast v7, $0x1;
	s0 =	smul.f32 s0, s4  }
0x74: {  	s9 =	simm.s32 $0x2480;
	s10 =	simm.s32 $0x4700;
	s11 =	simm.s32 $0x6980;
	v7 =	vbroadcast v10, $0x2;
	v10 =	vbroadcast v10, $0x1;
	v6 =	vmov s5  }
0x75: {  	[tilespmem:$0x1FDC0] =	vst v8;
	s12 =	simm.s32 $0xB220;
	s13 =	simm.s32 $0x0;
	s3 =	simm.s32 $0x200;
	v8 =	vmov s6;
	v11 =	vmov s29;
	v18 =	vmov s0  }
.LBB2_5:
0x76: {  	v26 =	vld [tilespmem:s10+$0x0]  }
0x77: {  	v27 =	vld [tilespmem:s11+$0x0]  }
0x78: {  	v28 =	vld [tilespmem:s3+$0x0]  }
0x79: {  	v29 =	vld [tilespmem:s9+$0x0]  }
0x7a: {  	v33 =	vld [tilespmem:$0x1FDA0]  }
0x7b: {  	v34 =	vld [tilespmem:$0x1FDB0];
	v26 =	vmul.f32 $5.000000000e-01, v26  }
0x7c: {  	v37 =	vld [tilespmem:$0x1FDC0];
	v27 =	vmul.f32 $5.000000000e-01, v27  }
0x7d: {  	v38 =	vld [tilespmem:$0x1FDD0];
	v31 =	vsub.f32 v28, v26;
	v26 =	vadd.f32 v26, v28  }
0x7e: {  	v39 =	vld [tilespmem:$0x1FDE0];
	v28 =	vsub.f32 v29, v27;
	v27 =	vadd.f32 v27, v29  }
0x7f: {  	v29 =	vsub.f32 v26, v31  }
0x80: {  	v32 =	vsub.f32 v27, v28;
	v33 =	vmin.f32 v33, v26;
	v34 =	vmax.f32 v34, v31  }
0x81: {  	v33 =	vsub.f32 v33, v34  }
0x82: {  	v34 =	vmax.f32 v38, v28;
	v38 =	vld [tilespmem:$0x1FE00];
	v29 =	vmul.f32 v32, v29;
	v32 =	vmin.f32 v37, v27  }
0x83: {  	v32 =	vsub.f32 v32, v34;
	v34 =	vmin.f32 v39, v26;
	v39 =	vld [tilespmem:$0x1FE10];
	_ =	sdelay $0x1  }
0x84: {  	v37 =	vld [tilespmem:$0x1FDF0]  }
0x85: {  	v42 =	vld [tilespmem:$0x1FEE0]  }
0x86: {  	v45 =	vld [tilespmem:$0x1FE20]  }
0x87: {  	v46 =	vld [tilespmem:$0x1FE30];
	v38 =	vmin.f32 v38, v27;
	v39 =	vmax.f32 v39, v28  }
0x88: {  	v47 =	vld [tilespmem:$0x1FE40];
	v40 =	vsub.f32 v38, v39  }
0x89: {  	v43 =	vld [tilespmem:$0x1FF10];
	v33 =	vmax.f32 v33, $0.0e+00;
	v37 =	vmax.f32 v37, v31  }
0x8a: {  	v32 =	vmax.f32 v32, $0.0e+00;
	v34 =	vsub.f32 v34, v37;
	v37 =	vmax.f32 v40, $0.0e+00;
	v40 =	vld [tilespmem:$0x1FE50]  }
0x8b: {  	v32 =	vmul.f32 v32, v33;
	v33 =	vadd.f32 v29, v42;
	v42 =	vld [tilespmem:$0x1FE70]  }
0x8c: {  	v38 =	vmin.f32 v45, v26;
	v39 =	vmax.f32 v46, v31;
	v45 =	vld [tilespmem:$0x1FE90]  }
0x8d: {  	v34 =	vmax.f32 v34, $0.0e+00;
	v38 =	vsub.f32 v38, v39;
	v39 =	vmin.f32 v47, v27;
	v47 =	vld [tilespmem:$0x1FE60]  }
0x8e: {  	v33 =	vsub.f32 v33, v32;
	v34 =	vmul.f32 v37, v34;
	v37 =	vadd.f32 v29, v43;
	v43 =	vld [tilespmem:$0x1FE80]  }
0x8f: {  	v40 =	vmax.f32 v40, v28  }
0x90: {  	(erf) = vrcp.f32 v33;
	v39 =	vsub.f32 v39, v40  }
0x91: {  	v42 =	vmax.f32 v42, v31;
	v48 =	vmax.f32 v38, $0.0e+00;
	v33 =	vsub.f32 v37, v34  }
0x92: {  	v45 =	vmax.f32 v45, v28;
	v40 =	vmin.f32 v47, v26;
	v50 =	vmax.f32 v39, $0.0e+00  }
0x93: {  	v46 =	vld [tilespmem:$0x1FEA0];
	v43 =	vmin.f32 v43, v27;
	v37 =	vmul.f32 v50, v48;
	v48 =	vsub.f32 v40, v42  }
0x94: {  	v47 =	vld [tilespmem:$0x1FEB0];
	v50 =	vsub.f32 v43, v45  }
0x95: {  	v38 =	vmax.f32 v48, $0.0e+00;
	v48 =	vld [tilespmem:$0x1FEC0]  }
0x96: {  	v45 =	vmax.f32 v50, $0.0e+00;
	v50 =	vld [tilespmem:$0x1FED0];
	_ =	sdelay $0x1  }
0x97: {  	v39 =	vadd.f32 v29, v53  }
0x98: {  	(erf) = vrcp.f32 v33;
	v40 =	vmin.f32 v46, v26;
	v46 =	vld [tilespmem:$0x1FF20]  }
0x99: {  	v33 =	vsub.f32 v39, v37;
	v39 =	vadd.f32 v29, v56;
	v43 =	vmin.f32 v48, v27;
	v48 =	vld [tilespmem:$0x1FEF0]  }
0x9a: {  	v42 =	vmax.f32 v47, v31;
	v38 =	vmul.f32 v45, v38;
	v45 =	vmax.f32 v50, v28;
	v50 =	vld [tilespmem:$0x1FF00]  }
0x9b: {  	v40 =	vsub.f32 v40, v42;
	v42 =	vsub.f32 v43, v45  }
0x9c: {  	v47 =	vmax.f32 v51, v28;
	(erf) = vrcp.f32 v33;
	v39 =	vsub.f32 v39, v38  }
0x9d: {  	v46 =	vmin.f32 v46, v27;
	v40 =	vmax.f32 v40, $0.0e+00;
	v42 =	vmax.f32 v42, $0.0e+00  }
0x9e: {  	(erf) = vrcp.f32 v39;
	v40 =	vmul.f32 v42, v40;
	v43 =	vmin.f32 v48, v26  }
0x9f: {  	v45 =	vmax.f32 v50, v31;
	v50 =	vsub.f32 v46, v47;
	v46 =	vadd.f32 v29, v61  }
0xa0: {  	v47 =	vadd.f32 v29, v5;
	v48 =	vsub.f32 v43, v45;
	v43 =	vmin.f32 v54, v26  }
0xa1: {  	v45 =	vmax.f32 v50, $0.0e+00;
	v39 =	vsub.f32 v46, v40;
	v50 =	vmax.f32 v58, v28  }
0xa2: {  	v46 =	vmin.f32 v7, v26;
	v33 =	vmax.f32 v48, $0.0e+00;
	v48 =	vmin.f32 v57, v27  }
0xa3: {  	v33 =	vmul.f32 v45, v33;
	v45 =	vmax.f32 v55, v31;
	(erf) = vrcp.f32 v39  }
0xa4: {  	v48 =	vsub.f32 v48, v50;
	v50 =	vmin.f32 v4, v27;
	v45 =	vsub.f32 v43, v45  }
0xa5: {  	v43 =	vmin.f32 v62, v26;
	v26 =	vmin.f32 v12, v26;
	v42 =	vsub.f32 v47, v33  }
0xa6: {  	v47 =	vmax.f32 v2, v31;
	v39 =	vmax.f32 v45, $0.0e+00;
	v45 =	vmax.f32 v63, v31  }
0xa7: {  	v31 =	vmax.f32 v14, v31;
	(erf) = vrcp.f32 v42;
	v42 =	vmax.f32 v48, $0.0e+00  }
0xa8: {  	v48 =	vmax.f32 v0, v28;
	v43 =	vsub.f32 v43, v45;
	v26 =	vsub.f32 v26, v31  }
0xa9: {  	v45 =	vsub.f32 v50, v48;
	v48 =	vmin.f32 v9, v27;
	v50 =	vmax.f32 v10, v28  }
0xaa: {  	v39 =	vmul.f32 v42, v39;
	v42 =	vsub.f32 v46, v47;
	v27 =	vmin.f32 v16, v27  }
0xab: {  	v28 =	vmax.f32 v17, v28;
	v46 =	vsub.f32 v48, v50;
	v50 =	vadd.f32 v29, v6  }
0xac: {  	v27 =	vsub.f32 v27, v28;
	v31 =	vmax.f32 v43, $0.0e+00;
	v26 =	vmax.f32 v26, $0.0e+00  }
0xad: {  	v48 =	vmax.f32 v45, $0.0e+00;
	v42 =	vmax.f32 v42, $0.0e+00;
	v28 =	vsub.f32 v50, v39  }
0xae: {  	v50 =	vmax.f32 v46, $0.0e+00;
	v31 =	vmul.f32 v48, v31;
	v48 =	vadd.f32 v29, v8  }
0xaf: {  	v27 =	vmax.f32 v27, $0.0e+00;
	v42 =	vmul.f32 v50, v42;
	v50 =	vadd.f32 v29, v11  }
0xb0: {  	v26 =	vmul.f32 v27, v26;
	v27 =	vadd.f32 v29, v18  }
0xb1: {  	v43 =	vsub.f32 v48, v31;
	(erf) = vrcp.f32 v28;
	v28 =	vsub.f32 v50, v42  }
0xb2: {  	v27 =	vsub.f32 v27, v26  }
0xb3: {  	(erf) = vrcp.f32 v43  }
0xb4: {  	(erf) = vrcp.f32 v28  }
0xb5: {  	v28 =	vpop (erf)  }
0xb6: {  	(erf) = vrcp.f32 v27;
	v27 =	vpop (erf)  }
0xb7: {  	v28 =	vmul.f32 v28, v32;
	v29 =	vpop (erf);
	v27 =	vmul.f32 v27, v34  }
0xb8: {  	v48 =	vpop (erf)  }
0xb9: {  	v43 =	vld [tilespmem:$0x1FF30];
	vm2 =	vgt.f32 v28, v25;
	v50 =	vpop (erf);
	vm0 =	vgt.f32 v27, v24;
	vm1 =	vgt.f32 v27, v28  }
0xba: {  	v25 =	vsel vm2, v28, v25;
	v46 =	vpop (erf);
	v24 =	vsel vm0, v27, v24;
	v27 =	vsel vm1, v27, v28;
	v28 =	vld [tilespmem:$0x1FF40]  }
0xbb: {  	v29 =	vmul.f32 v29, v37;
	v47 =	vpop (erf);
	v32 =	vmul.f32 v46, v33;
	v46 =	vld [tilespmem:$0x1FF60]  }
0xbc: {  	v37 =	vmul.f32 v48, v38;
	v48 =	vpop (erf);
	v33 =	vmul.f32 v47, v39;
	v47 =	vld [tilespmem:$0x1FF50]  }
0xbd: {  	v40 =	vmul.f32 v50, v40;
	v50 =	vpop (erf);
	v31 =	vmul.f32 v48, v31;
	v48 =	vld [tilespmem:$0x1FF80]  }
0xbe: {  	v34 =	vmul.f32 v50, v42;
	v50 =	vld [tilespmem:$0x1FF70];
	_ =	sdelay $0x1  }
0xbf: {  	vm3 =	vgt.f32 v37, v29  }
0xc0: {  	v23 =	vsel vm2, s13, v23;
	v45 =	vsel vm3, v37, v29;
	vm10 =	vgt.f32 v32, v40  }
0xc1: {  	vm4 =	vgt.f32 v45, v27;
	v28 =	vsel vm1, v28, v43;
	v39 =	vsel vm3, v46, v47  }
0xc2: {  	vm15 =	vgt.f32 v29, v22;
	v28 =	vsel vm4, v39, v28;
	v39 =	vsel vm10, v48, v50;
	v48 =	vld [tilespmem:$0x1FFA0]  }
0xc3: {  	v20 =	vsel vm0, s13, v20;
	v22 =	vsel vm15, v29, v22;
	v42 =	vpop (erf);
	vm11 =	vgt.f32 v31, v33;
	v50 =	vld [tilespmem:$0x1FF90]  }
0xc4: {  	v26 =	vmul.f32 v42, v26;
	v42 =	vsel vm10, v32, v40;
	v43 =	vsel vm11, v31, v33  }
0xc5: {  	v13 =	vsel vm15, s13, v13;
	vm6 =	vgt.f32 v33, v49;
	vm12 =	vgt.f32 v43, v42  }
0xc6: {  	v38 =	vld [tilespmem:s12+$0xFFFFDDE0];
	v27 =	vsel vm4, v45, v27;
	v49 =	vsel vm6, v33, v49;
	v42 =	vsel vm12, v43, v42  }
0xc7: {  	vm13 =	vgt.f32 v26, v34;
	vm15 =	vgt.f32 v26, v19;
	vm14 =	vgt.f32 v42, v27  }
0xc8: {  	v27 =	vsel vm14, v42, v27;
	v42 =	vsel vm13, v26, v34;
	v43 =	vsel vm11, v48, v50;
	v48 =	vld [tilespmem:$0x1FFC0]  }
0xc9: {  	v44 =	vsel vm6, s13, v44;
	v21 =	vsel vm15, s13, v21;
	vm9 =	vgt.f32 v42, v27;
	v50 =	vld [tilespmem:$0x1FFB0]  }
0xca: {  	v19 =	vsel vm15, v26, v19;
	vm10 =	vgt.f32 v37, v15;
	v27 =	vsel vm9, v42, v27  }
0xcb: {  	v15 =	vsel vm10, v37, v15;
	vm5 =	vgt.f32 v27, v38;
	v39 =	vsel vm12, v43, v39;
	v43 =	vld [tilespmem:s12+$0x0]  }
0xcc: {  	p0 =	sne.s32 s13, $0x221;
	v3 =	vsel vm10, s13, v3;
	vm11 =	vgt.f32 v40, v1;
	v27 =	vsel vm5, v27, v38  }
.Ltmp1:
0xcd: {  	v1 =	vsel vm11, v40, v1;
	vm12 =	vgt.f32 v32, v60;
	v59 =	vsel vm11, s13, v59;
	(pc) =	sbr.rel @p0 .LBB2_5-.Ltmp1, $4  }
0xce: {  	v28 =	vsel vm14, v39, v28;
	v60 =	vsel vm12, v32, v60;
	v39 =	vsel vm13, v48, v50  }
0xcf: {  	v52 =	vsel vm12, s13, v52;
	vm14 =	vgt.f32 v34, v35;
	v28 =	vsel vm9, v39, v28  }
0xd0: {  	s3 =	sadd.s32 $0x10, s3;
	s9 =	sadd.s32 $0x10, s9;
	s10 =	sadd.s32 $0x10, s10;
	[tilespmem:s12+$0xFFFFDDE0] =	vst v27;
	v30 =	vsel vm14, s13, v30;
	vm13 =	vgt.f32 v31, v41;
	v28 =	vsel vm5, v28, v43  }
0xd1: {  	s11 =	sadd.s32 $0x10, s11;
	v35 =	vsel vm14, v34, v35;
	v36 =	vsel vm13, s13, v36;
	v41 =	vsel vm13, v31, v41;
	s13 =	sadd.s32 $0x1, s13;
	[tilespmem:s12+$0x0] =	vst v28;
	s12 =	sadd.s32 $0x10, s12  }
0xd2: {  	(xrf0) =	vmax.scan.msk.f32 $0xffff, v25;
	_ =	sdelay $0x3  }
0xd3: {  	v10 =	vld [tilespmem:$0x1FFD0];
	_ =	sdelay $0x1  }
0xd4: {  	v0, _, _ =	vpop (xrf0)  }
0xd5: {  	v0 =	vbroadcast v0, $0xF  }
0xd6: {  	v2 =	vshll.u32 v23, $0x4  }
0xd7: {  	v8 =	vxor.u32 v10, v2;
	vm0 =	veq.f32 v25, v0  }
0xd8: {  	v0 =	vnsel vm0, $0x87FFFFFF, v8  }
0xd9: {  	(xrf0) =	vmin.scan.msk.u32 $0xffff, v0  }
0xda: {  	(xrf0) =	vmax.scan.msk.f32 $0xffff, v24;
	_ =	sdelay $0x4  }
0xdb: {  	v0, _, _ =	vpop (xrf0)  }
0xdc: {  	v9, _, _ =	vpop (xrf0)  }
0xdd: {  	v2 =	vbroadcast v9, $0xF  }
0xde: {  	v4 =	vshll.u32 v20, $0x4  }
0xdf: {  	v11 =	vxor.u32 v10, v4;
	vm7 =	veq.f32 v24, v2  }
0xe0: {  	v2 =	vnsel vm7, $0x87FFFFFF, v11  }
0xe1: {  	(xrf0) =	vmin.scan.msk.u32 $0xffff, v2  }
0xe2: {  	(xrf0) =	vmax.scan.msk.f32 $0xffff, v22;
	_ =	sdelay $0x4  }
0xe3: {  	v2, _, _ =	vpop (xrf0)  }
0xe4: {  	v12, _, _ =	vpop (xrf0)  }
0xe5: {  	v4 =	vbroadcast v12, $0xF  }
0xe6: {  	v5 =	vshll.u32 v13, $0x4  }
0xe7: {  	v14 =	vxor.u32 v10, v5;
	vm8 =	veq.f32 v22, v4  }
0xe8: {  	v4 =	vnsel vm8, $0x87FFFFFF, v14  }
0xe9: {  	(xrf0) =	vmin.scan.msk.u32 $0xffff, v4  }
0xea: {  	(xrf0) =	vmax.scan.msk.f32 $0xffff, v15;
	_ =	sdelay $0x4  }
0xeb: {  	v4, _, _ =	vpop (xrf0)  }
0xec: {  	v16, _, _ =	vpop (xrf0)  }
0xed: {  	v5 =	vbroadcast v16, $0xF  }
0xee: {  	v3 =	vshll.u32 v3, $0x4  }
0xef: {  	v3 =	vxor.u32 v10, v3;
	vm9 =	veq.f32 v15, v5  }
0xf0: {  	v3 =	vnsel vm9, $0x87FFFFFF, v3  }
0xf1: {  	(xrf0) =	vmin.scan.msk.u32 $0xffff, v3  }
0xf2: {  	(xrf0) =	vmax.scan.msk.f32 $0xffff, v1;
	_ =	sdelay $0x4  }
0xf3: {  	v3, _, _ =	vpop (xrf0)  }
0xf4: {  	v17, _, _ =	vpop (xrf0)  }
0xf5: {  	v5 =	vbroadcast v17, $0xF  }
0xf6: {  	v6 =	vshll.u32 v59, $0x4  }
0xf7: {  	v18 =	vxor.u32 v10, v6;
	vm10 =	veq.f32 v1, v5  }
0xf8: {  	v1 =	vnsel vm10, $0x87FFFFFF, v18  }
0xf9: {  	(xrf0) =	vmin.scan.msk.u32 $0xffff, v1  }
0xfa: {  	(xrf0) =	vmax.scan.msk.f32 $0xffff, v60;
	_ =	sdelay $0x4  }
0xfb: {  	v1, _, _ =	vpop (xrf0)  }
0xfc: {  	v20, _, _ =	vpop (xrf0)  }
0xfd: {  	v5 =	vbroadcast v20, $0xF  }
0xfe: {  	v22 =	vshll.u32 v52, $0x4  }
0xff: {  	v23 =	vxor.u32 v10, v22;
	vm11 =	veq.f32 v60, v5  }
0x100: {  	v5 =	vnsel vm11, $0x87FFFFFF, v23  }
0x101: {  	(xrf0) =	vmin.scan.msk.u32 $0xffff, v5  }
0x102: {  	(xrf0) =	vmax.scan.msk.f32 $0xffff, v49;
	_ =	sdelay $0x4  }
0x103: {  	v5, _, _ =	vpop (xrf0)  }
0x104: {  	v24, _, _ =	vpop (xrf0)  }
0x105: {  	v6 =	vbroadcast v24, $0xF  }
0x106: {  	v7 =	vshll.u32 v44, $0x4  }
0x107: {  	v25 =	vxor.u32 v10, v7;
	vm12 =	veq.f32 v49, v6  }
0x108: {  	v6 =	vnsel vm12, $0x87FFFFFF, v25  }
0x109: {  	(xrf0) =	vmin.scan.msk.u32 $0xffff, v6  }
0x10a: {  	(xrf0) =	vmax.scan.msk.f32 $0xffff, v41;
	_ =	sdelay $0x4  }
0x10b: {  	v6, _, _ =	vpop (xrf0)  }
0x10c: {  	v26, _, _ =	vpop (xrf0)  }
0x10d: {  	v7 =	vbroadcast v26, $0xF  }
0x10e: {  	v8 =	vshll.u32 v36, $0x4  }
0x10f: {  	v27 =	vxor.u32 v10, v8;
	vm13 =	veq.f32 v41, v7  }
0x110: {  	v7 =	vnsel vm13, $0x87FFFFFF, v27  }
0x111: {  	(xrf0) =	vmin.scan.msk.u32 $0xffff, v7  }
0x112: {  	(xrf0) =	vmax.scan.msk.f32 $0xffff, v35;
	_ =	sdelay $0x4  }
0x113: {  	v7, _, _ =	vpop (xrf0)  }
0x114: {  	v28, _, _ =	vpop (xrf0)  }
0x115: {  	v8 =	vbroadcast v28, $0xF  }
0x116: {  	v9 =	vshll.u32 v30, $0x4  }
0x117: {  	v29 =	vxor.u32 v10, v9;
	vm14 =	veq.f32 v35, v8  }
0x118: {  	v8 =	vnsel vm14, $0x87FFFFFF, v29  }
0x119: {  	(xrf0) =	vmin.scan.msk.u32 $0xffff, v8  }
0x11a: {  	(v2sf) =	vpush v0, $0xF;
	(xrf0) =	vmax.scan.msk.f32 $0xffff, v19;
	_ =	sdelay $0x1  }
0x11b: {  	(v2sf) =	vpush v2, $0xF;
	_ =	sdelay $0x1  }
0x11c: {  	(v2sf) =	vpush v4, $0xF  }
0x11d: {  	v30, _, _ =	vpop (xrf0)  }
0x11e: {  	(v2sf) =	vpush v3, $0xF;
	v31, _, _ =	vpop (xrf0)  }
0x11f: {  	v2 =	vbroadcast v31, $0xF  }
0x120: {  	v32 =	vshll.u32 v21, $0x4;
	(v2sf) =	vpush v1, $0xF  }
0x121: {  	v1 =	vxor.u32 v10, v32;
	vm15 =	veq.f32 v19, v2  }
0x122: {  	(v2sf) =	vpush v5, $0xF;
	v1 =	vnsel vm15, $0x87FFFFFF, v1  }
0x123: {  	(xrf0) =	vmin.scan.msk.u32 $0xffff, v1  }
0x124: {  	(v2sf) =	vpush v6, $0xF;
	_ =	sdelay $0x1  }
0x125: {  	(v2sf) =	vpush v7, $0xF  }
0x126: {  	s0 =	spop (v2sf)  }
0x127: {  	v38 =	vld [tilespmem:$0x1FF30];
	s0 =	sxor.u32 $0x80000000, s0;
	(v2sf) =	vpush v30, $0xF  }
0x128: {  	v33 =	vmov s0;
	s18 =	spop (v2sf);
	v1, _, _ =	vpop (xrf0)  }
0x129: {  	v42 =	vld [tilespmem:$0x1FF40];
	v34 =	vadd.s32 $0x2220, v33;
	s0 =	sxor.u32 $0x80000000, s18;
	(v2sf) =	vpush v1, $0xF  }
0x12a: {  	s19 =	spop (v2sf);
	v35 =	vmov s0  }
0x12b: {  	v45 =	vld [tilespmem:$0x1FF50];
	s0 =	sxor.u32 $0x80000000, s19;
	v36 =	vadd.s32 $0x2220, v35  }
0x12c: {  	s1 =	simm.s32 $0x9000;
	v39 =	vimm.f32 $2.000000000e+00;
	s20 =	spop (v2sf);
	v5 =	vbroadcast v38, $0x0;
	v37 =	vmov s0  }
0x12d: {  	v48 =	vld [tilespmem:$0x1FF60];
	[tilespmem:v33+s1+$0x0] =	vst.idx.msk $0xffff, v39;
	s0 =	sxor.u32 $0x80000000, s20;
	v40 =	vadd.s32 $0x2220, v37  }
0x12e: {  	[tilespmem:v34+s1+$0x0] =	vst.idx.msk $0xffff, v5;
	s21 =	spop (v2sf);
	v41 =	vmov s0;
	v2 =	vbroadcast v42, $0x0  }
0x12f: {  	v51 =	vld [tilespmem:$0x1FF70];
	s0 =	sxor.u32 $0x80000000, s21;
	v43 =	vadd.s32 $0x2220, v41;
	[tilespmem:v35+s1+$0x0] =	vst.idx.msk $0xffff, v39  }
0x130: {  	s22 =	spop (v2sf);
	v44 =	vmov s0;
	[tilespmem:v36+s1+$0x0] =	vst.idx.msk $0xffff, v2;
	v2 =	vbroadcast v45, $0x0  }
0x131: {  	v54 =	vld [tilespmem:$0x1FF80];
	s0 =	sxor.u32 $0x80000000, s22;
	v46 =	vadd.s32 $0x2220, v44;
	[tilespmem:v37+s1+$0x0] =	vst.idx.msk $0xffff, v39  }
0x132: {  	v0 =	vbroadcast v48, $0x0;
	s23 =	spop (v2sf);
	v47 =	vmov s0;
	[tilespmem:v40+s1+$0x0] =	vst.idx.msk $0xffff, v2  }
0x133: {  	v56 =	vld [tilespmem:$0x1FF90];
	s0 =	sxor.u32 $0x80000000, s23;
	v49 =	vadd.s32 $0x2220, v47;
	[tilespmem:v41+s1+$0x0] =	vst.idx.msk $0xffff, v39  }
0x134: {  	v50 =	vmov s0;
	s24 =	spop (v2sf);
	[tilespmem:v43+s1+$0x0] =	vst.idx.msk $0xffff, v0;
	v0 =	vbroadcast v51, $0x0  }
0x135: {  	v59 =	vld [tilespmem:$0x1FFA0];
	v52 =	vadd.s32 $0x2220, v50;
	s0 =	sxor.u32 $0x80000000, s24;
	[tilespmem:v44+s1+$0x0] =	vst.idx.msk $0xffff, v39  }
0x136: {  	v53 =	vmov s0;
	[tilespmem:v46+s1+$0x0] =	vst.idx.msk $0xffff, v0;
	v0 =	vbroadcast v54, $0x0;
	s25 =	spop (v2sf)  }
0x137: {  	v62 =	vld [tilespmem:$0x1FFB0];
	v55 =	vadd.s32 $0x2220, v53;
	[tilespmem:v47+s1+$0x0] =	vst.idx.msk $0xffff, v39;
	s0 =	sxor.u32 $0x80000000, s25  }
0x138: {  	[tilespmem:v49+s1+$0x0] =	vst.idx.msk $0xffff, v0;
	v0 =	vbroadcast v56, $0x0;
	v57 =	vmov s0;
	s28 =	spop (v2sf)  }
0x139: {  	v63 =	vld [tilespmem:$0x1FFC0];
	s29 =	rddreg [dreg:$0x12];
	[tilespmem:v50+s1+$0x0] =	vst.idx.msk $0xffff, v39;
	v58 =	vadd.s32 $0x2220, v57;
	s0 =	sxor.u32 $0x80000000, s28  }
0x13a: {  	[tilespmem:v52+s1+$0x0] =	vst.idx.msk $0xffff, v0;
	v0 =	vbroadcast v59, $0x0;
	v60 =	vmov s0;
	s0 =	sadd.s32 $0x1, s29  }
0x13b: {  	[tilespmem:v53+s1+$0x0] =	vst.idx.msk $0xffff, v39;
	v61 =	vadd.s32 $0x2220, v60;
	p0 =	sne.s32 s0, $0x5  }
.Ltmp2:
0x13c: {  	[tilespmem:v55+s1+$0x0] =	vst.idx.msk $0xffff, v0;
	v0 =	vbroadcast v62, $0x0;
	(pc) =	sbr.rel @p0 .LBB2_4-.Ltmp2, $4  }
0x13d: {  	[tilespmem:v57+s1+$0x0] =	vst.idx.msk $0xffff, v39  }
0x13e: {  	[tilespmem:v58+s1+$0x0] =	vst.idx.msk $0xffff, v0;
	v0 =	vbroadcast v63, $0x0  }
0x13f: {  	[tilespmem:v60+s1+$0x0] =	vst.idx.msk $0xffff, v39  }
0x140: {  	[tilespmem:v61+s1+$0x0] =	vst.idx.msk $0xffff, v0  }
0x141: {  	s0 =	rddreg [dreg:$0xb]  }
0x142: {  	s9 =	simm.s32 $0x0;
	s22 =	rddreg [dreg:$0xc]  }
0x143: {  	s23 =	simm.s32 $0x80;
	s25 =	simm.s32 $0x400;
	s28 =	simm.s32 $0x8C00  }
0x144: {  	s24 =	rddreg [dreg:$0xd];
	s29 =	simm.s32 $0x16680;
	s10 =	simm.s32 $0x200  }
0x145: {  	s11 =	simm.s32 $0x2480;
	s12 =	simm.s32 $0x4700;
	s14 =	simm.s32 $0x6980  }
0x146: {  	s15 =	simm.s32 $0x9000;
	s16 =	simm.s32 $0x270;
	s4 =	rddreg [dreg:$0x3]  }
0x147: {  	[tilespmem:s26], [sflag:$0x1] =	stream.linear.gather [hbm4b:s0+s9], $0x3800, $0x38;
	[tilespmem:$0x19F00] =	vst v63  }
0x148: {  	s17 =	simm.s32 $0x24F0;
	s13 =	simm.s32 $0x4770;
	s5 =	rddreg [dreg:$0x4]  }
0x149: {  	[tilespmem:s28], [sflag:$0x4] =	stream.strided.gather [hbm4b:s22+s23], $0x200, s25, s23, $0x38;
	[tilespmem:$0x19F00] =	vst v63  }
0x14a: {  	s21 =	simm.s32 $0x70;
	s7 =	simm.s32 $0x0;
	s6 =	rddreg [dreg:$0x5]  }
0x14b: {  	v10 =	vimm.s32 $0x0;
	v8 =	vimm.f32 $0.0e+00;
	v51 =	vld [tilespmem:$0x1FFE0];
	[tilespmem:s29], [sflag:$0x3] =	stream.linear.gather [hbm4b:s24+s9], $0x3800, $0x38  }
0x14c: {  	v9 =	vimm.f32 $0.0e+00;
	s20 =	simm.s32 $0x0;
	s8 =	rddreg [dreg:$0x7];
	v50 =	vlaneseq.u32;
	v52 =	vld [tilespmem:$0x1FFF0];
	v53 =	vimm.s32 $0x0;
	s24 =	simm.s32 $0x69F0  }
.LBB2_8:
0x14d: {  	s0 =	sshllo.u32 s20, $0x1  }
0x14e: {  	s1 =	smul.u32 $0x3800, s0;
	_ =	sdelay $0x1  }
0x14f: {  	s1 =	sadd.s32 s6, s1  }
0x150: {  	s1 =	sshrl.u32 s1, $0x3  }
0x151: {  	s18 =	sshll.u32 s20, $0xA;
	s1 =	sadd.s32 s5, s1  }
0x152: {  	[tilespmem:s30], [sflag:$0x2] =	stream.linear.gather [hbm4b:s1+s9], $0x3800, $0x38;
	[tilespmem:$0x19F00] =	vst v63  }
0x153: {  	s0 =	sshll.u32 s0, $0x7;
	s1 =	sand.u32 $0xF000, s18  }
0x154: {  	s0 =	sand.u32 $0x380, s0;
	s1 =	sadd.s32 s8, s1  }
0x155: {  	s0 =	sor.u32 s1, s0  }
0x156: {  	s0 =	sshrl.u32 s0, $0x3  }
0x157: {  	s19 =	simm.s32 $0x1;
	s0 =	sadd.s32 s4, s0  }
0x158: {  	[tilespmem:s31], [sflag:$0x5] =	stream.strided.gather [hbm4b:s0+s23], $0x200, s25, s23, $0x38;
	[tilespmem:$0x19F00] =	vst v63  }
0x159: {  	_ =	swait.ge [sflag:s19], $0x3800  }
0x15a: {  	[sflag:s19] =	ssyncset.done $0x0  }
0x15b: {  	s22 =	simm.s32 $0x4;
	v12 =	vmov s15;
	[sflag:s19] =	ssyncadd.s32 $0xFFFFC800  }
0x15c: {  	v15 =	vmov s12;
	_ =	swait.ge [sflag:s22], $0x200  }
0x15d: {  	s3 =	sshll.u32 s20, $0x1;
	v16 =	vmov s14;
	[sflag:s22] =	ssyncset.done $0x0  }
0x15e: {  	v13 =	vmov s10;
	v14 =	vmov s11;
	s18 =	simm.s32 $0x0;
	s19 =	simm.s32 $0x0;
	[sflag:s22] =	ssyncadd.s32 $0xFFFFFE00  }
.LBB2_9:
0x15f: {  	s22 =	sshra.s32 s18, $0x2  }
0x160: {  	v0 =	vld.idx.msk [tilespmem:v12+s22+$0x2220 ss:$0x1], $0xffff  }
0x161: {  	v1 =	vld.idx.msk [tilespmem:v15+s22+$0x0 ss:$0x1], $0xffff  }
0x162: {  	v19 =	vld.idx.msk [tilespmem:v16+s22+$0x0 ss:$0x1], $0xffff;
	_ =	sdelay $0x2  }
0x163: {  	v3 =	vshll.u32 v0, $0x3  }
0x164: {  	v2 =	vmul.f32 $1.000000010e-01, v1;
	v4 =	vor.u32 $0x2, v3  }
0x165: {  	v37 =	vmul.f32 $1.000000010e-01, v19  }
0x166: {  	(erf) = vrcp.f32 v2  }
0x167: {  	(erf) = vrcp.f32 v37  }
0x168: {  	v38 =	vor.u32 $0x1, v3;
	(erf) = vrcp.f32 v1  }
0x169: {  	v39 =	vor.u32 $0x3, v3;
	v18 =	vld.idx.msk [tilespmem:v4+s2+$0x0], $0xffff;
	v4 =	vor.u32 s19, v50  }
0x16a: {  	v11 =	vshll.u32 v4, $0x7  }
0x16b: {  	v7 =	vld.idx.msk [tilespmem:v3+s2+$0x0], $0xffff;
	v20 =	vor.u32 $0x1, v11  }
0x16c: {  	v21 =	vor.u32 $0x2, v11  }
0x16d: {  	v5 =	vld.idx.msk [tilespmem:v38+s2+$0x0], $0xffff;
	v22 =	vor.u32 $0x3, v11  }
0x16e: {  	v6 =	vld.idx.msk [tilespmem:v39+s2+$0x0], $0xffff;
	v23 =	vor.u32 $0x4, v11  }
0x16f: {  	v41 =	vor.u32 $0x5, v11;
	v2 =	vpop (erf);
	v24 =	vld.idx.msk [tilespmem:v11+s26+$0x0], $0xffff  }
0x170: {  	v26 =	vor.u32 $0x6, v11;
	v17 =	vsub.f32 v18, v7;
	v0 =	vpop (erf);
	v25 =	vld.idx.msk [tilespmem:v20+s26+$0x0], $0xffff  }
0x171: {  	v43 =	vor.u32 $0x7, v11;
	v40 =	vpop (erf);
	v27 =	vld.idx.msk [tilespmem:v21+s26+$0x0], $0xffff  }
0x172: {  	v28 =	vor.u32 $0x8, v11;
	v22 =	vld.idx.msk [tilespmem:v22+s26+$0x0], $0xffff;
	v17 =	vmul.f32 v40, v17  }
0x173: {  	v30 =	vor.u32 $0x9, v11;
	v23 =	vld.idx.msk [tilespmem:v23+s26+$0x0], $0xffff  }
0x174: {  	v44 =	vor.u32 $0xA, v11;
	v31 =	vld.idx.msk [tilespmem:v41+s26+$0x0], $0xffff;
	v42 =	vand.u32 $0x7FFFFF, v17  }
0x175: {  	v46 =	vor.u32 $0xC, v11;
	v26 =	vld.idx.msk [tilespmem:v26+s26+$0x0], $0xffff;
	v20 =	vor.u32 $0x3F800000, v42  }
0x176: {  	v34 =	vor.u32 $0xD, v11;
	v33 =	vld.idx.msk [tilespmem:v43+s26+$0x0], $0xffff;
	v29 =	vmul.f32 $5.000000000e-01, v20  }
0x177: {  	v48 =	vor.u32 $0xF, v11;
	v28 =	vld.idx.msk [tilespmem:v28+s26+$0x0], $0xffff;
	vm2 =	vgt.f32 v20, $1.414213540e+00  }
0x178: {  	v49 =	vor.u32 $0x11, v11;
	v30 =	vld.idx.msk [tilespmem:v30+s26+$0x0], $0xffff;
	v20 =	vsel vm2, v29, v20  }
0x179: {  	v37 =	vor.u32 $0x12, v11;
	v35 =	vld.idx.msk [tilespmem:v44+s26+$0x0], $0xffff;
	v32 =	vadd.f32 $1.000000000e+00, v20  }
0x17a: {  	v38 =	vor.u32 $0x13, v11;
	v36 =	vld.idx.msk [tilespmem:v46+s26+$0x0], $0xffff  }
0x17b: {  	v45 =	vor.u32 $0xB, v11;
	v34 =	vld.idx.msk [tilespmem:v34+s26+$0x0], $0xffff;
	(erf) = vrcp.f32 v32  }
0x17c: {  	v47 =	vor.u32 $0xE, v11;
	v39 =	vld.idx.msk [tilespmem:v48+s26+$0x0], $0xffff;
	(erf) = vrcp.f32 v19  }
0x17d: {  	v41 =	vld.idx.msk [tilespmem:v49+s26+$0x0], $0xffff;
	v19 =	vor.u32 $0x10, v11  }
0x17e: {  	v37 =	vld.idx.msk [tilespmem:v37+s26+$0x0], $0xffff  }
0x17f: {  	v38 =	vld.idx.msk [tilespmem:v38+s26+$0x0], $0xffff  }
0x180: {  	v54 =	vor.u32 $0x14, v11;
	v29 =	vld.idx.msk [tilespmem:v45+s26+$0x0], $0xffff  }
0x181: {  	v32 =	vld.idx.msk [tilespmem:v47+s26+$0x0], $0xffff  }
0x182: {  	v40 =	vld.idx.msk [tilespmem:v19+s26+$0x0], $0xffff  }
0x183: {  	v55 =	vmax.f32 v24, v25;
	v43 =	vmax.f32 v27, v22;
	v44 =	vmax.f32 v23, v31  }
0x184: {  	v56 =	vmax.f32 v28, v30;
	v48 =	vmax.f32 v36, v34;
	v19 =	vsub.f32 v6, v5;
	v21 =	vpop (erf)  }
0x185: {  	v46 =	vld.idx.msk [tilespmem:v54+s26+$0x0], $0xffff;
	v59 =	vmax.f32 v37, v38;
	v45 =	vmax.f32 v26, v33;
	v47 =	vmax.f32 v35, v29;
	v42 =	vpop (erf)  }
0x186: {  	v44 =	vmax.f32 v44, v45;
	v1 =	vmax.f32 v56, v47;
	v19 =	vmul.f32 v42, v19  }
0x187: {  	v57 =	vmax.f32 v32, v39;
	v42 =	vmax.f32 v55, v43;
	v58 =	vmax.f32 v40, v41  }
0x188: {  	v43 =	vmax.f32 v48, v57;
	v45 =	vmax.f32 v58, v59;
	v60 =	vand.u32 $0x7FFFFF, v19  }
0x189: {  	v42 =	vmax.f32 v42, v44;
	v1 =	vmax.f32 v1, v43;
	v61 =	vor.u32 $0x3F800000, v60  }
0x18a: {  	v1 =	vmax.f32 v42, v1;
	v63 =	vmax.f32 v45, v46;
	v62 =	vmul.f32 $5.000000000e-01, v61  }
0x18b: {  	v1 =	vmax.f32 v1, v63;
	vm3 =	vgt.f32 v61, $1.414213540e+00  }
0x18c: {  	v24 =	vsub.f32 v24, v1;
	v42 =	vsel vm3, v62, v61  }
0x18d: {  	v25 =	vsub.f32 v25, v1;
	v43 =	vadd.f32 $1.000000000e+00, v42  }
0x18e: {  	v27 =	vsub.f32 v27, v1;
	v24 =	vmul.f32 $1.442695020e+00, v24  }
0x18f: {  	v22 =	vsub.f32 v22, v1;
	v25 =	vmul.f32 $1.442695020e+00, v25;
	(erf) = vrcp.f32 v43  }
0x190: {  	v23 =	vsub.f32 v23, v1;
	v43 =	vmul.f32 $1.442695020e+00, v27;
	(erf) = vpow2.f32 v24  }
0x191: {  	v44 =	vsub.f32 v31, v1;
	v22 =	vmul.f32 $1.442695020e+00, v22;
	(erf) = vpow2.f32 v25  }
0x192: {  	v45 =	vsub.f32 v26, v1;
	v23 =	vmul.f32 $1.442695020e+00, v23;
	(erf) = vpow2.f32 v43  }
0x193: {  	v48 =	vsub.f32 v33, v1;
	v47 =	vmul.f32 $1.442695020e+00, v44;
	(erf) = vpow2.f32 v22  }
0x194: {  	v54 =	vsub.f32 v28, v1;
	v49 =	vmul.f32 $1.442695020e+00, v45;
	(erf) = vpow2.f32 v23  }
0x195: {  	v56 =	vsub.f32 v30, v1;
	v55 =	vmul.f32 $1.442695020e+00, v48;
	(erf) = vpow2.f32 v47  }
0x196: {  	v58 =	vsub.f32 v35, v1;
	v57 =	vmul.f32 $1.442695020e+00, v54;
	(erf) = vpow2.f32 v49  }
0x197: {  	v60 =	vsub.f32 v29, v1;
	v59 =	vmul.f32 $1.442695020e+00, v56;
	(erf) = vpow2.f32 v55  }
0x198: {  	v61 =	vmul.f32 $1.442695020e+00, v58;
	v62 =	vsub.f32 v36, v1;
	v26 =	vpop (erf);
	(erf) = vpow2.f32 v57  }
0x199: {  	v33 =	vsub.f32 v34, v1;
	v63 =	vmul.f32 $1.442695020e+00, v60;
	v27 =	vpop (erf);
	(erf) = vpow2.f32 v59  }
0x19a: {  	v35 =	vsub.f32 v32, v1;
	v34 =	vmul.f32 $1.442695020e+00, v62;
	v28 =	vpop (erf);
	(erf) = vpow2.f32 v61  }
0x19b: {  	v39 =	vsub.f32 v39, v1;
	v36 =	vmul.f32 $1.442695020e+00, v33;
	v29 =	vpop (erf);
	(erf) = vpow2.f32 v63  }
0x19c: {  	v44 =	vsub.f32 v40, v1;
	v43 =	vmul.f32 $1.442695020e+00, v35;
	v30 =	vpop (erf);
	(erf) = vpow2.f32 v34  }
0x19d: {  	v45 =	vmul.f32 $1.442695020e+00, v39;
	v47 =	vsub.f32 v41, v1;
	v31 =	vpop (erf);
	(erf) = vpow2.f32 v36  }
0x19e: {  	v48 =	vmul.f32 $1.442695020e+00, v44;
	v49 =	vsub.f32 v37, v1;
	v32 =	vpop (erf);
	(erf) = vpow2.f32 v43  }
0x19f: {  	v56 =	vsub.f32 v38, v1;
	v55 =	vmul.f32 $1.442695020e+00, v47;
	v54 =	vpop (erf);
	(erf) = vpow2.f32 v45  }
0x1a0: {  	v58 =	vmul.f32 $1.442695020e+00, v49;
	v57 =	vpop (erf);
	(erf) = vpow2.f32 v48  }
0x1a1: {  	v60 =	vmul.f32 $1.442695020e+00, v56;
	v59 =	vpop (erf);
	(erf) = vpow2.f32 v55  }
0x1a2: {  	v61 =	vpop (erf);
	(erf) = vpow2.f32 v58  }
0x1a3: {  	v44 =	vsub.f32 v46, v1;
	v62 =	vpop (erf);
	(erf) = vpow2.f32 v60  }
0x1a4: {  	v63 =	vpop (erf)  }
0x1a5: {  	v36 =	vmul.f32 $1.442695020e+00, v44;
	v43 =	vpop (erf)  }
0x1a6: {  	v20 =	vadd.f32 $-1.000000000e+00, v20;
	v45 =	vpop (erf)  }
0x1a7: {  	v27 =	vadd.f32 v28, v27;
	v29 =	vadd.f32 v30, v29;
	(erf) = vpow2.f32 v36;
	v46 =	vpop (erf)  }
0x1a8: {  	v31 =	vadd.f32 v32, v31;
	v54 =	vadd.f32 v57, v54;
	v47 =	vpop (erf)  }
0x1a9: {  	v27 =	vadd.f32 v29, v27;
	v24 =	vadd.f32 v61, v59;
	v48 =	vpop (erf)  }
0x1aa: {  	v59 =	vadd.f32 v54, v31;
	v22 =	vadd.f32 v63, v62;
	v49 =	vpop (erf)  }
0x1ab: {  	v57 =	vadd.f32 v45, v43;
	v58 =	vadd.f32 v47, v46;
	v55 =	vpop (erf)  }
0x1ac: {  	v22 =	vadd.f32 v22, v24;
	v28 =	vadd.f32 v49, v48;
	v56 =	vpop (erf)  }
0x1ad: {  	v60 =	vadd.f32 v58, v57;
	v23 =	vadd.f32 v56, v55  }
0x1ae: {  	v62 =	vadd.f32 v59, v27  }
0x1af: {  	v20 =	vmul.f32 v21, v20;
	v22 =	vadd.f32 v60, v22;
	v61 =	vadd.f32 v23, v28  }
0x1b0: {  	v31 =	vpop (erf)  }
0x1b1: {  	v63 =	vmul.f32 v20, v20;
	v22 =	vadd.f32 v22, v62;
	v21 =	vadd.f32 v61, v31  }
0x1b2: {  	v33 =	vadd.f32 $-1.000000000e+00, v42  }
0x1b3: {  	v3 =	vor.u32 $0x4, v3;
	v32 =	vmul.f32 v63, v51;
	v21 =	vadd.f32 v22, v21  }
0x1b4: {  	v35 =	vmul.f32 v26, v33  }
0x1b5: {  	v34 =	vadd.f32 $1.428571490e-01, v32;
	v36 =	vand.u32 $0x7FFFFF, v21  }
0x1b6: {  	v26 =	vmul.f32 v35, v35;
	v25 =	vor.u32 $0x3F800000, v36  }
0x1b7: {  	v22 =	vmul.f32 v34, v63;
	v37 =	vmul.f32 $5.000000000e-01, v25  }
0x1b8: {  	v3 =	vld.idx.msk [tilespmem:v3+s2+$0x0], $0xffff;
	v7 =	vadd.f32 v18, v7;
	vm4 =	vgt.f32 v25, $1.414213540e+00  }
0x1b9: {  	v39 =	vmul.f32 v26, v51;
	v18 =	vadd.f32 $2.000000030e-01, v22;
	v25 =	vsel vm4, v37, v25  }
0x1ba: {  	v27 =	vadd.f32 $1.000000000e+00, v25  }
0x1bb: {  	v22 =	vadd.f32 $1.428571490e-01, v39;
	v18 =	vmul.f32 v18, v63  }
0x1bc: {  	v4 =	vshll.u32 v4, $0x2;
	v7 =	vmul.f32 $5.000000000e-01, v7;
	v38 =	vld.idx.msk [tilespmem:v13+s22+$0x0 ss:$0x1], $0xffff;
	(erf) = vrcp.f32 v27  }
0x1bd: {  	v3 =	vadd.f32 $1.000000000e+00, v3;
	v22 =	vmul.f32 v22, v26;
	v18 =	vadd.f32 $3.333333430e-01, v18  }
0x1be: {  	v5 =	vadd.f32 v6, v5;
	v6 =	vshrl.u32 v17, $0x17;
	v17 =	vsel vm2, $0x1, v53  }
0x1bf: {  	v6 =	vadd.s32 v17, v6;
	v22 =	vadd.f32 $2.000000030e-01, v22;
	v18 =	vmul.f32 v18, v63  }
0x1c0: {  	v3 =	vtrunc.f32 v3;
	v6 =	vadd.s32 $0xFFFFFF81, v6;
	v17 =	vadd.f32 v20, v20  }
0x1c1: {  	v7 =	vsub.f32 v7, v38;
	v41 =	vmul.f32 v22, v26;
	v18 =	vadd.f32 $1.000000000e+00, v18  }
0x1c2: {  	v3 =	vcvt.f32.s32 v3;
	v6 =	vcvt.s32.f32 v6  }
0x1c3: {  	v2 =	vmul.f32 v2, v7;
	v7 =	vmul.f32 v18, v17;
	v17 =	vadd.f32 $3.333333430e-01, v41  }
0x1c4: {  	v5 =	vmul.f32 $5.000000000e-01, v5;
	v6 =	vmul.f32 $6.931471820e-01, v6;
	v40 =	vld.idx.msk [tilespmem:v14+s22+$0x0 ss:$0x1], $0xffff;
	v44 =	vadd.f32 $-1.000000000e+00, v25  }
0x1c5: {  	v19 =	vshrl.u32 v19, $0x17;
	v43 =	vsel vm3, $0x1, v53;
	v45 =	vld.idx.msk [tilespmem:v12+s22+$0x0 ss:$0x1], $0xffff;
	v17 =	vmul.f32 v17, v26;
	v46 =	vpop (erf)  }
0x1c6: {  	v42 =	vor.u32 $0x1, v4;
	v19 =	vadd.s32 v43, v19;
	v18 =	vld.idx.msk [tilespmem:v4+s28+$0x0], $0xffff;
	v20 =	vmul.f32 v46, v44  }
0x1c7: {  	v19 =	vadd.s32 $0xFFFFFF81, v19;
	v23 =	vadd.f32 v35, v35;
	v17 =	vadd.f32 $1.000000000e+00, v17  }
0x1c8: {  	v19 =	vcvt.s32.f32 v19;
	v48 =	vmul.f32 v20, v20  }
0x1c9: {  	v47 =	vor.u32 $0x2, v4;
	v6 =	vadd.f32 v7, v6;
	v7 =	vmul.f32 v17, v23  }
0x1ca: {  	vm0 =	vlt.f32 v45, $5.000000000e-01;
	v17 =	vmul.f32 $6.931471820e-01, v19;
	v19 =	vmul.f32 v48, v51  }
0x1cb: {  	v5 =	vsub.f32 v5, v40;
	vm0 =	vmneg vm0;
	v2 =	vsub.f32 v18, v2  }
0x1cc: {  	v3 =	vnsel vm0, $0x0, v3;
	v22 =	vld.idx.msk [tilespmem:v42+s28+$0x0], $0xffff;
	v4 =	vor.u32 $0x3, v4;
	v19 =	vadd.f32 $1.428571490e-01, v19  }
0x1cd: {  	v18 =	vmul.f32 $5.000000000e-01, v2;
	v7 =	vadd.f32 v7, v17;
	v17 =	vand.u32 $0x7FFFFFFF, v2  }
0x1ce: {  	v49 =	vadd.f32 $-5.000000000e-01, v17;
	vm1 =	vlt.f32 v17, $1.000000000e+00;
	v17 =	vmul.f32 v19, v48  }
0x1cf: {  	v0 =	vmul.f32 v0, v5;
	v56 =	vand.u32 $0xFFFFFF80, v3;
	v2 =	vmul.f32 v18, v2;
	v18 =	vld.idx.msk [tilespmem:v47+s28+$0x0], $0xffff  }
0x1d0: {  	v3 =	vand.u32 $0x7F, v3;
	v11 =	vadd.s32 v11, v56;
	v17 =	vadd.f32 $2.000000030e-01, v17  }
0x1d1: {  	v3 =	vor.u32 v3, v11;
	v0 =	vsub.f32 v22, v0;
	v4 =	vld.idx.msk [tilespmem:v4+s28+$0x0], $0xffff  }
0x1d2: {  	v57 =	vsel vm4, $0x1, v53;
	v6 =	vmul.f32 v6, v52;
	v17 =	vmul.f32 v17, v48  }
0x1d3: {  	v54 =	vmul.f32 $5.000000000e-01, v0;
	v7 =	vmul.f32 v7, v52;
	v2 =	vsel vm1, v2, v49  }
0x1d4: {  	v6 =	vsub.f32 v18, v6;
	v19 =	vand.u32 $0x7FFFFFFF, v0;
	v17 =	vadd.f32 $3.333333430e-01, v17  }
0x1d5: {  	v55 =	vadd.f32 $-5.000000000e-01, v19;
	vm12 =	vlt.f32 v19, $1.000000000e+00;
	v19 =	vshrl.u32 v21, $0x17  }
0x1d6: {  	v4 =	vsub.f32 v4, v7;
	v19 =	vadd.s32 v57, v19;
	v5 =	vmul.f32 v17, v48  }
0x1d7: {  	v0 =	vmul.f32 v54, v0;
	v11 =	vmul.f32 $5.000000000e-01, v6;
	v7 =	vadd.s32 $0xFFFFFF81, v19  }
0x1d8: {  	v7 =	vcvt.s32.f32 v7;
	v17 =	vadd.f32 v20, v20;
	v5 =	vadd.f32 $1.000000000e+00, v5  }
0x1d9: {  	v18 =	vand.u32 $0x7FFFFFFF, v6;
	v0 =	vsel vm12, v0, v55;
	v6 =	vmul.f32 v11, v6  }
0x1da: {  	v11 =	vadd.f32 $-5.000000000e-01, v18;
	v7 =	vmul.f32 $6.931471820e-01, v7;
	v5 =	vmul.f32 v5, v17  }
0x1db: {  	v3 =	vld.idx.msk [tilespmem:v3+s26+$0x0], $0xffff;
	vm13 =	vlt.f32 v18, $1.000000000e+00;
	v19 =	vmul.f32 $5.000000000e-01, v4;
	v0 =	vadd.f32 v0, v2  }
0x1dc: {  	v58 =	vsel vm13, v6, v11;
	v6 =	vand.u32 $0x7FFFFFFF, v4;
	v5 =	vadd.f32 v5, v7  }
0x1dd: {  	v60 =	vmul.u32 $0xFFFFFFFF, v50;
	v4 =	vmul.f32 v19, v4;
	v11 =	vadd.f32 $-5.000000000e-01, v6  }
0x1de: {  	s0 =	sadd.s32 s19, s7;
	v0 =	vadd.f32 v58, v0;
	vm14 =	vlt.f32 v6, $1.000000000e+00;
	v1 =	vadd.f32 v5, v1  }
0x1df: {  	p0 =	sne.s32 s18, $0x180;
	v61 =	vmov s0;
	v59 =	vsel vm14, v4, v11  }
.Ltmp3:
0x1e0: {  	v11 =	vadd.s32 $0x221B, v60;
	v0 =	vadd.f32 v59, v0;
	v1 =	vsub.f32 v1, v3;
	(pc) =	sbr.rel @p0 .LBB2_9-.Ltmp3, $4  }
0x1e1: {  	v63 =	vsel vm0, $0x1, v53;
	vm15 =	vgt.u32 v61, v11  }
0x1e2: {  	vm1 =	vmor vm15, vm0;
	v0 =	vnsel vm0, $0x0, v0;
	v62 =	vmax.f32 v1, $0.0e+00  }
0x1e3: {  	v9 =	vadd.f32 v0, v9;
	v1 =	vnsel vm0, $0x0, v1;
	v0 =	vsel vm1, $0x0, v62  }
0x1e4: {  	s18 =	sadd.s32 $0x40, s18;
	s19 =	sadd.s32 $0x10, s19;
	v10 =	vadd.s32 v63, v10;
	v8 =	vadd.f32 v1, v8;
	[tilespmem:v12+s22+$0x4440 ss:$0x1] =	vst.idx.msk $0xffff, v0  }
0x1e5: {  	s0 =	sadd.s32 $0x2, s3  }
0x1e6: {  	s1 =	smul.u32 $0x3800, s0;
	_ =	sdelay $0x1  }
0x1e7: {  	s1 =	sadd.s32 s6, s1  }
0x1e8: {  	s1 =	sshrl.u32 s1, $0x3  }
0x1e9: {  	s3 =	simm.s32 $0x0;
	s18 =	sshll.u32 s0, $0x9;
	s1 =	sadd.s32 s5, s1  }
0x1ea: {  	[tilespmem:s26], [sflag:$0x1] =	stream.linear.gather [hbm4b:s1+s3], $0x3800, $0x38;
	[tilespmem:$0x19F00] =	vst v63  }
0x1eb: {  	s0 =	sshll.u32 s0, $0x7;
	s1 =	sand.u32 $0x1F000, s18  }
0x1ec: {  	s0 =	sand.u32 $0x300, s0;
	s1 =	sadd.s32 s8, s1  }
0x1ed: {  	s0 =	sor.u32 s0, s1  }
0x1ee: {  	s0 =	sshrl.u32 s0, $0x3  }
0x1ef: {  	s19 =	simm.s32 $0x2;
	s0 =	sadd.s32 s4, s0  }
0x1f0: {  	[tilespmem:s28], [sflag:$0x4] =	stream.strided.gather [hbm4b:s0+s23], $0x200, s25, s23, $0x38;
	[tilespmem:$0x19F00] =	vst v63  }
0x1f1: {  	_ =	swait.ge [sflag:s19], $0x3800  }
0x1f2: {  	[sflag:s19] =	ssyncset.done $0x0  }
0x1f3: {  	s22 =	simm.s32 $0x5;
	[sflag:s19] =	ssyncadd.s32 $0xFFFFC800  }
0x1f4: {  	v15 =	vmov s13;
	_ =	swait.ge [sflag:s22], $0x200  }
0x1f5: {  	v16 =	vmov s24;
	[sflag:s22] =	ssyncset.done $0x0  }
0x1f6: {  	v13 =	vmov s16;
	v14 =	vmov s17;
	s18 =	simm.s32 $0x0;
	[sflag:s22] =	ssyncadd.s32 $0xFFFFFE00  }
.LBB2_11:
0x1f7: {  	s19 =	sshra.s32 s18, $0x2  }
0x1f8: {  	v0 =	vld.idx.msk [tilespmem:v12+s19+$0x2290 ss:$0x1], $0xffff  }
0x1f9: {  	v1 =	vld.idx.msk [tilespmem:v15+s19+$0x0 ss:$0x1], $0xffff  }
0x1fa: {  	v20 =	vld.idx.msk [tilespmem:v16+s19+$0x0 ss:$0x1], $0xffff;
	_ =	sdelay $0x2  }
0x1fb: {  	v3 =	vshll.u32 v0, $0x3  }
0x1fc: {  	v2 =	vmul.f32 $1.000000010e-01, v1;
	v4 =	vor.u32 $0x2, v3  }
0x1fd: {  	v35 =	vmul.f32 $1.000000010e-01, v20  }
0x1fe: {  	(erf) = vrcp.f32 v2  }
0x1ff: {  	(erf) = vrcp.f32 v35  }
0x200: {  	v36 =	vor.u32 $0x1, v3;
	(erf) = vrcp.f32 v1  }
0x201: {  	v37 =	vor.u32 $0x3, v3;
	v19 =	vld.idx.msk [tilespmem:v4+s2+$0x0], $0xffff;
	v4 =	vor.u32 s3, v50  }
0x202: {  	v17 =	vshll.u32 v4, $0x7  }
0x203: {  	v7 =	vld.idx.msk [tilespmem:v3+s2+$0x0], $0xffff;
	v21 =	vor.u32 $0x1, v17  }
0x204: {  	v22 =	vor.u32 $0x2, v17  }
0x205: {  	v5 =	vld.idx.msk [tilespmem:v36+s2+$0x0], $0xffff;
	v23 =	vor.u32 $0x3, v17  }
0x206: {  	v6 =	vld.idx.msk [tilespmem:v37+s2+$0x0], $0xffff;
	v24 =	vor.u32 $0x4, v17  }
0x207: {  	v39 =	vor.u32 $0x5, v17;
	v2 =	vpop (erf);
	v25 =	vld.idx.msk [tilespmem:v17+s30+$0x0], $0xffff  }
0x208: {  	v27 =	vor.u32 $0x6, v17;
	v18 =	vsub.f32 v19, v7;
	v0 =	vpop (erf);
	v26 =	vld.idx.msk [tilespmem:v21+s30+$0x0], $0xffff  }
0x209: {  	v41 =	vor.u32 $0x7, v17;
	v38 =	vpop (erf);
	v28 =	vld.idx.msk [tilespmem:v22+s30+$0x0], $0xffff  }
0x20a: {  	v29 =	vor.u32 $0x8, v17;
	v23 =	vld.idx.msk [tilespmem:v23+s30+$0x0], $0xffff;
	v18 =	vmul.f32 v38, v18  }
0x20b: {  	v31 =	vor.u32 $0x9, v17;
	v24 =	vld.idx.msk [tilespmem:v24+s30+$0x0], $0xffff  }
0x20c: {  	v42 =	vor.u32 $0xA, v17;
	v32 =	vld.idx.msk [tilespmem:v39+s30+$0x0], $0xffff;
	v40 =	vand.u32 $0x7FFFFF, v18  }
0x20d: {  	v44 =	vor.u32 $0xC, v17;
	v27 =	vld.idx.msk [tilespmem:v27+s30+$0x0], $0xffff;
	v21 =	vor.u32 $0x3F800000, v40  }
0x20e: {  	v35 =	vor.u32 $0xD, v17;
	v34 =	vld.idx.msk [tilespmem:v41+s30+$0x0], $0xffff;
	v30 =	vmul.f32 $5.000000000e-01, v21  }
0x20f: {  	v47 =	vor.u32 $0x10, v17;
	v29 =	vld.idx.msk [tilespmem:v29+s30+$0x0], $0xffff;
	vm2 =	vgt.f32 v21, $1.414213540e+00  }
0x210: {  	v48 =	vor.u32 $0x11, v17;
	v31 =	vld.idx.msk [tilespmem:v31+s30+$0x0], $0xffff;
	v21 =	vsel vm2, v30, v21  }
0x211: {  	v46 =	vor.u32 $0xF, v17;
	v36 =	vld.idx.msk [tilespmem:v42+s30+$0x0], $0xffff;
	v33 =	vadd.f32 $1.000000000e+00, v21  }
0x212: {  	v37 =	vld.idx.msk [tilespmem:v44+s30+$0x0], $0xffff;
	v39 =	vor.u32 $0x13, v17  }
0x213: {  	v35 =	vld.idx.msk [tilespmem:v35+s30+$0x0], $0xffff;
	v38 =	vor.u32 $0x12, v17;
	(erf) = vrcp.f32 v33  }
0x214: {  	v43 =	vor.u32 $0xB, v17;
	v41 =	vld.idx.msk [tilespmem:v47+s30+$0x0], $0xffff;
	(erf) = vrcp.f32 v20  }
0x215: {  	v45 =	vor.u32 $0xE, v17;
	v42 =	vld.idx.msk [tilespmem:v48+s30+$0x0], $0xffff  }
0x216: {  	v40 =	vld.idx.msk [tilespmem:v46+s30+$0x0], $0xffff  }
0x217: {  	v39 =	vld.idx.msk [tilespmem:v39+s30+$0x0], $0xffff  }
0x218: {  	v49 =	vor.u32 $0x14, v17;
	v38 =	vld.idx.msk [tilespmem:v38+s30+$0x0], $0xffff  }
0x219: {  	v30 =	vld.idx.msk [tilespmem:v43+s30+$0x0], $0xffff  }
0x21a: {  	v33 =	vld.idx.msk [tilespmem:v45+s30+$0x0], $0xffff  }
0x21b: {  	v54 =	vsub.f32 v6, v5;
	v55 =	vmax.f32 v25, v26;
	v44 =	vmax.f32 v28, v23  }
0x21c: {  	v46 =	vmax.f32 v27, v34;
	v56 =	vmax.f32 v29, v31;
	v45 =	vmax.f32 v24, v32;
	v22 =	vpop (erf)  }
0x21d: {  	v47 =	vld.idx.msk [tilespmem:v49+s30+$0x0], $0xffff;
	v49 =	vmax.f32 v37, v35;
	v58 =	vmax.f32 v41, v42;
	v45 =	vmax.f32 v45, v46;
	v43 =	vpop (erf)  }
0x21e: {  	v59 =	vmax.f32 v38, v39;
	v48 =	vmax.f32 v36, v30;
	v20 =	vmul.f32 v43, v54  }
0x21f: {  	v46 =	vmax.f32 v58, v59;
	v1 =	vmax.f32 v56, v48;
	v57 =	vmax.f32 v33, v40  }
0x220: {  	v43 =	vmax.f32 v55, v44;
	v44 =	vmax.f32 v49, v57;
	v60 =	vand.u32 $0x7FFFFF, v20  }
0x221: {  	v43 =	vmax.f32 v43, v45;
	v1 =	vmax.f32 v1, v44;
	v61 =	vor.u32 $0x3F800000, v60  }
0x222: {  	v63 =	vmax.f32 v46, v47;
	v1 =	vmax.f32 v43, v1;
	v62 =	vmul.f32 $5.000000000e-01, v61  }
0x223: {  	v1 =	vmax.f32 v1, v63;
	vm3 =	vgt.f32 v61, $1.414213540e+00  }
0x224: {  	v25 =	vsub.f32 v25, v1;
	v43 =	vsel vm3, v62, v61  }
0x225: {  	v26 =	vsub.f32 v26, v1;
	v44 =	vadd.f32 $1.000000000e+00, v43  }
0x226: {  	v28 =	vsub.f32 v28, v1;
	v25 =	vmul.f32 $1.442695020e+00, v25  }
0x227: {  	v23 =	vsub.f32 v23, v1;
	v26 =	vmul.f32 $1.442695020e+00, v26;
	(erf) = vrcp.f32 v44  }
0x228: {  	v24 =	vsub.f32 v24, v1;
	v28 =	vmul.f32 $1.442695020e+00, v28;
	(erf) = vpow2.f32 v25  }
0x229: {  	v32 =	vsub.f32 v32, v1;
	v23 =	vmul.f32 $1.442695020e+00, v23;
	(erf) = vpow2.f32 v26  }
0x22a: {  	v24 =	vmul.f32 $1.442695020e+00, v24;
	v44 =	vsub.f32 v27, v1;
	(erf) = vpow2.f32 v28  }
0x22b: {  	v46 =	vsub.f32 v34, v1;
	v45 =	vmul.f32 $1.442695020e+00, v32;
	(erf) = vpow2.f32 v23  }
0x22c: {  	v49 =	vsub.f32 v29, v1;
	v48 =	vmul.f32 $1.442695020e+00, v44;
	(erf) = vpow2.f32 v24  }
0x22d: {  	v55 =	vsub.f32 v31, v1;
	v54 =	vmul.f32 $1.442695020e+00, v46;
	(erf) = vpow2.f32 v45  }
0x22e: {  	v57 =	vsub.f32 v36, v1;
	v56 =	vmul.f32 $1.442695020e+00, v49;
	(erf) = vpow2.f32 v48  }
0x22f: {  	v59 =	vsub.f32 v30, v1;
	v58 =	vmul.f32 $1.442695020e+00, v55;
	(erf) = vpow2.f32 v54  }
0x230: {  	v60 =	vmul.f32 $1.442695020e+00, v57;
	v61 =	vsub.f32 v37, v1;
	v27 =	vpop (erf);
	(erf) = vpow2.f32 v56  }
0x231: {  	v63 =	vsub.f32 v35, v1;
	v62 =	vmul.f32 $1.442695020e+00, v59;
	v28 =	vpop (erf);
	(erf) = vpow2.f32 v58  }
0x232: {  	v35 =	vsub.f32 v33, v1;
	v34 =	vmul.f32 $1.442695020e+00, v61;
	v29 =	vpop (erf);
	(erf) = vpow2.f32 v60  }
0x233: {  	v36 =	vmul.f32 $1.442695020e+00, v63;
	v37 =	vsub.f32 v40, v1;
	v30 =	vpop (erf);
	(erf) = vpow2.f32 v62  }
0x234: {  	v40 =	vmul.f32 $1.442695020e+00, v35;
	v44 =	vsub.f32 v41, v1;
	v31 =	vpop (erf);
	(erf) = vpow2.f32 v34  }
0x235: {  	v46 =	vsub.f32 v42, v1;
	v45 =	vmul.f32 $1.442695020e+00, v37;
	v32 =	vpop (erf);
	(erf) = vpow2.f32 v36  }
0x236: {  	v49 =	vsub.f32 v38, v1;
	v48 =	vmul.f32 $1.442695020e+00, v44;
	v33 =	vpop (erf);
	(erf) = vpow2.f32 v40  }
0x237: {  	v55 =	vsub.f32 v39, v1;
	v54 =	vmul.f32 $1.442695020e+00, v46;
	v34 =	vpop (erf);
	(erf) = vpow2.f32 v45  }
0x238: {  	v57 =	vmul.f32 $1.442695020e+00, v49;
	v56 =	vpop (erf);
	(erf) = vpow2.f32 v48  }
0x239: {  	v59 =	vmul.f32 $1.442695020e+00, v55;
	v58 =	vpop (erf);
	(erf) = vpow2.f32 v54  }
0x23a: {  	v60 =	vpop (erf);
	(erf) = vpow2.f32 v57  }
0x23b: {  	v44 =	vsub.f32 v47, v1;
	v61 =	vpop (erf);
	(erf) = vpow2.f32 v59  }
0x23c: {  	v62 =	vpop (erf)  }
0x23d: {  	v37 =	vmul.f32 $1.442695020e+00, v44;
	v63 =	vpop (erf)  }
0x23e: {  	v45 =	vpop (erf)  }
0x23f: {  	v28 =	vadd.f32 v29, v28;
	v30 =	vadd.f32 v31, v30;
	(erf) = vpow2.f32 v37;
	v46 =	vpop (erf)  }
0x240: {  	v32 =	vadd.f32 v33, v32;
	v54 =	vadd.f32 v56, v34;
	v47 =	vpop (erf)  }
0x241: {  	v28 =	vadd.f32 v30, v28;
	v25 =	vadd.f32 v60, v58;
	v48 =	vpop (erf)  }
0x242: {  	v59 =	vadd.f32 v54, v32;
	v23 =	vadd.f32 v62, v61;
	v49 =	vpop (erf)  }
0x243: {  	v57 =	vadd.f32 v45, v63;
	v58 =	vadd.f32 v47, v46;
	v55 =	vpop (erf)  }
0x244: {  	v23 =	vadd.f32 v23, v25;
	v29 =	vadd.f32 v49, v48;
	v56 =	vpop (erf)  }
0x245: {  	v60 =	vadd.f32 v58, v57;
	v24 =	vadd.f32 v56, v55  }
0x246: {  	v21 =	vadd.f32 $-1.000000000e+00, v21;
	v62 =	vadd.f32 v59, v28  }
0x247: {  	v23 =	vadd.f32 v60, v23;
	v61 =	vadd.f32 v24, v29  }
0x248: {  	v3 =	vor.u32 $0x4, v3;
	v28 =	vpop (erf)  }
0x249: {  	v21 =	vmul.f32 v22, v21;
	v23 =	vadd.f32 v23, v62;
	v22 =	vadd.f32 v61, v28;
	_ =	sdelay $0x1  }
0x24a: {  	v63 =	vmul.f32 v21, v21;
	v22 =	vadd.f32 v23, v22;
	_ =	sdelay $0x1  }
0x24b: {  	v30 =	vadd.f32 $-1.000000000e+00, v43;
	v29 =	vmul.f32 v63, v51;
	v33 =	vand.u32 $0x7FFFFF, v22  }
0x24c: {  	v3 =	vld.idx.msk [tilespmem:v3+s2+$0x0], $0xffff;
	v26 =	vor.u32 $0x3F800000, v33  }
0x24d: {  	v32 =	vmul.f32 v27, v30;
	v31 =	vadd.f32 $1.428571490e-01, v29;
	v34 =	vmul.f32 $5.000000000e-01, v26  }
0x24e: {  	v7 =	vadd.f32 v19, v7;
	vm4 =	vgt.f32 v26, $1.414213540e+00  }
0x24f: {  	v27 =	vmul.f32 v32, v32;
	v23 =	vmul.f32 v31, v63;
	v26 =	vsel vm4, v34, v26  }
0x250: {  	v5 =	vadd.f32 v6, v5;
	v28 =	vadd.f32 $1.000000000e+00, v26  }
0x251: {  	v3 =	vadd.f32 $1.000000000e+00, v3;
	v36 =	vmul.f32 v27, v51;
	v19 =	vadd.f32 $2.000000030e-01, v23  }
0x252: {  	v6 =	vshrl.u32 v18, $0x17;
	v18 =	vsel vm2, $0x1, v53;
	(erf) = vrcp.f32 v28  }
0x253: {  	v6 =	vadd.s32 v18, v6;
	v35 =	vld.idx.msk [tilespmem:v13+s19+$0x0 ss:$0x1], $0xffff;
	v23 =	vadd.f32 $1.428571490e-01, v36;
	v19 =	vmul.f32 v19, v63  }
0x254: {  	v7 =	vmul.f32 $5.000000000e-01, v7;
	v3 =	vtrunc.f32 v3;
	v6 =	vadd.s32 $0xFFFFFF81, v6;
	v42 =	vld.idx.msk [tilespmem:v12+s19+$0x70 ss:$0x1], $0xffff  }
0x255: {  	v6 =	vcvt.s32.f32 v6;
	v23 =	vmul.f32 v23, v27;
	v19 =	vadd.f32 $3.333333430e-01, v19  }
0x256: {  	v4 =	vshll.u32 v4, $0x2;
	v5 =	vmul.f32 $5.000000000e-01, v5;
	v3 =	vcvt.f32.s32 v3  }
0x257: {  	v6 =	vmul.f32 $6.931471820e-01, v6;
	v23 =	vadd.f32 $2.000000030e-01, v23;
	v19 =	vmul.f32 v19, v63  }
0x258: {  	v18 =	vadd.f32 v21, v21;
	v20 =	vshrl.u32 v20, $0x17;
	v7 =	vsub.f32 v7, v35  }
0x259: {  	vm0 =	vlt.f32 v42, $5.000000000e-01;
	v37 =	vld.idx.msk [tilespmem:v14+s19+$0x0 ss:$0x1], $0xffff;
	v38 =	vmul.f32 v23, v27;
	v19 =	vadd.f32 $1.000000000e+00, v19  }
0x25a: {  	v39 =	vor.u32 $0x1, v4;
	vm0 =	vmneg vm0;
	v41 =	vadd.f32 $-1.000000000e+00, v26  }
0x25b: {  	v2 =	vmul.f32 v2, v7;
	v7 =	vmul.f32 v19, v18;
	v18 =	vadd.f32 $3.333333430e-01, v38;
	v43 =	vpop (erf)  }
0x25c: {  	v3 =	vnsel vm0, $0x0, v3;
	v40 =	vsel vm3, $0x1, v53;
	v19 =	vld.idx.msk [tilespmem:v4+s31+$0x0], $0xffff;
	v21 =	vmul.f32 v43, v41  }
0x25d: {  	v44 =	vor.u32 $0x2, v4;
	v20 =	vadd.s32 v40, v20;
	v18 =	vmul.f32 v18, v27  }
0x25e: {  	v20 =	vadd.s32 $0xFFFFFF81, v20;
	v5 =	vsub.f32 v5, v37;
	v45 =	vmul.f32 v21, v21  }
0x25f: {  	v20 =	vcvt.s32.f32 v20;
	v24 =	vadd.f32 v32, v32;
	v18 =	vadd.f32 $1.000000000e+00, v18  }
0x260: {  	v0 =	vmul.f32 v0, v5;
	v6 =	vadd.f32 v7, v6;
	v46 =	vmul.f32 v45, v51  }
0x261: {  	v23 =	vld.idx.msk [tilespmem:v39+s31+$0x0], $0xffff;
	v2 =	vsub.f32 v19, v2;
	v7 =	vmul.f32 v18, v24;
	v18 =	vmul.f32 $6.931471820e-01, v20  }
0x262: {  	v56 =	vand.u32 $0xFFFFFF80, v3;
	v4 =	vor.u32 $0x3, v4;
	v20 =	vadd.f32 $1.428571490e-01, v46  }
0x263: {  	v19 =	vmul.f32 $5.000000000e-01, v2;
	v7 =	vadd.f32 v7, v18;
	v18 =	vand.u32 $0x7FFFFFFF, v2  }
0x264: {  	v47 =	vadd.f32 $-5.000000000e-01, v18;
	vm1 =	vlt.f32 v18, $1.000000000e+00;
	v18 =	vmul.f32 v20, v45  }
0x265: {  	v3 =	vand.u32 $0x7F, v3;
	v17 =	vadd.s32 v17, v56  }
0x266: {  	v0 =	vsub.f32 v23, v0;
	v2 =	vmul.f32 v19, v2;
	v19 =	vld.idx.msk [tilespmem:v44+s31+$0x0], $0xffff;
	v18 =	vadd.f32 $2.000000030e-01, v18  }
0x267: {  	v3 =	vor.u32 v3, v17  }
0x268: {  	v55 =	vshrl.u32 v22, $0x17;
	v48 =	vmul.f32 $5.000000000e-01, v0;
	v4 =	vld.idx.msk [tilespmem:v4+s31+$0x0], $0xffff;
	v18 =	vmul.f32 v18, v45  }
0x269: {  	v57 =	vsel vm4, $0x1, v53;
	v49 =	vand.u32 $0x7FFFFFFF, v0;
	v6 =	vmul.f32 v6, v52  }
0x26a: {  	v54 =	vadd.f32 $-5.000000000e-01, v49;
	v0 =	vmul.f32 v48, v0;
	v18 =	vadd.f32 $3.333333430e-01, v18  }
0x26b: {  	vm12 =	vlt.f32 v49, $1.000000000e+00;
	v7 =	vmul.f32 v7, v52;
	v6 =	vsub.f32 v19, v6  }
0x26c: {  	v0 =	vsel vm12, v0, v54;
	v20 =	vadd.s32 v57, v55;
	v5 =	vmul.f32 v18, v45  }
0x26d: {  	v4 =	vsub.f32 v4, v7;
	v17 =	vmul.f32 $5.000000000e-01, v6;
	v7 =	vadd.s32 $0xFFFFFF81, v20  }
0x26e: {  	v7 =	vcvt.s32.f32 v7;
	v18 =	vadd.f32 v21, v21;
	v5 =	vadd.f32 $1.000000000e+00, v5  }
0x26f: {  	v2 =	vsel vm1, v2, v47;
	v19 =	vand.u32 $0x7FFFFFFF, v6;
	v6 =	vmul.f32 v17, v6  }
0x270: {  	v17 =	vadd.f32 $-5.000000000e-01, v19;
	v7 =	vmul.f32 $6.931471820e-01, v7;
	v5 =	vmul.f32 v5, v18  }
0x271: {  	v3 =	vld.idx.msk [tilespmem:v3+s30+$0x0], $0xffff;
	v0 =	vadd.f32 v0, v2;
	v58 =	vmul.f32 $5.000000000e-01, v4;
	vm13 =	vlt.f32 v19, $1.000000000e+00  }
0x272: {  	v59 =	vsel vm13, v6, v17;
	v6 =	vand.u32 $0x7FFFFFFF, v4;
	v5 =	vadd.f32 v5, v7  }
0x273: {  	v4 =	vmul.f32 v58, v4;
	v17 =	vadd.f32 $-5.000000000e-01, v6  }
0x274: {  	v0 =	vadd.f32 v59, v0;
	vm14 =	vlt.f32 v6, $1.000000000e+00;
	v1 =	vadd.f32 v5, v1  }
0x275: {  	s0 =	sadd.s32 s3, s21;
	p0 =	sne.s32 s18, $0x180;
	v60 =	vsel vm14, v4, v17  }
.Ltmp4:
0x276: {  	v61 =	vmov s0;
	v0 =	vadd.f32 v60, v0;
	v1 =	vsub.f32 v1, v3;
	(pc) =	sbr.rel @p0 .LBB2_11-.Ltmp4, $4  }
0x277: {  	vm15 =	vgt.u32 v61, v11;
	v63 =	vsel vm0, $0x1, v53  }
0x278: {  	vm1 =	vmor vm15, vm0;
	v0 =	vnsel vm0, $0x0, v0;
	v62 =	vmax.f32 v1, $0.0e+00  }
0x279: {  	v9 =	vadd.f32 v0, v9;
	v1 =	vnsel vm0, $0x0, v1;
	v0 =	vsel vm1, $0x0, v62  }
0x27a: {  	s18 =	sadd.s32 $0x40, s18;
	s3 =	sadd.s32 $0x10, s3;
	v10 =	vadd.s32 v63, v10;
	v8 =	vadd.f32 v1, v8;
	[tilespmem:v12+s19+$0x44B0 ss:$0x1] =	vst.idx.msk $0xffff, v0  }
0x27b: {  	s20 =	sadd.s32 $0x1, s20  }
0x27c: {  	p0 =	sne.s32 s20, $0x26  }
.Ltmp5:
0x27d: {  	_ = 	snop;
	(pc) =	sbr.rel @p0 .LBB2_8-.Ltmp5, $4  }
0x27e: {  	s10 =	sadd.s32 $0xE0, s10;
	s11 =	sadd.s32 $0xE0, s11  }
0x27f: {  	s12 =	sadd.s32 $0xE0, s12;
	s14 =	sadd.s32 $0xE0, s14;
	s15 =	sadd.s32 $0xE0, s15  }
0x280: {  	s7 =	sadd.s32 $0xE0, s7;
	s16 =	sadd.s32 $0xE0, s16;
	s17 =	sadd.s32 $0xE0, s17  }
0x281: {  	s13 =	sadd.s32 $0xE0, s13;
	s24 =	sadd.s32 $0xE0, s24;
	s21 =	sadd.s32 $0xE0, s21  }
0x282: {  	s0 =	simm.s32 $0x1  }
0x283: {  	_ =	swait.ge [sflag:s0], $0x3800  }
0x284: {  	[sflag:s0] =	ssyncset.done $0x0  }
0x285: {  	s24 =	simm.s32 $0x4;
	[sflag:s0] =	ssyncadd.s32 $0xFFFFC800  }
0x286: {  	_ =	swait.ge [sflag:s24], $0x200  }
0x287: {  	s3 =	simm.s32 $0x0;
	[sflag:s24] =	ssyncset.done $0x0  }
0x288: {  	s7 =	simm.s32 $0x2140;
	s17 =	simm.s32 $0x40000000;
	[sflag:s24] =	ssyncadd.s32 $0xFFFFFE00  }
.LBB2_14:
0x289: {  	s9 =	sshra.s32 s3, $0x2  }
0x28a: {  	v0 =	vld [tilespmem:s9+$0xD360]  }
0x28b: {  	v2 =	vld [tilespmem:s9+$0x6840]  }
0x28c: {  	v15 =	vld [tilespmem:s9+$0x8AC0];
	_ =	sdelay $0x3  }
0x28d: {  	v3 =	vmul.f32 $1.000000010e-01, v2  }
0x28e: {  	v1 =	vshll.u32 v0, $0x3;
	v34 =	vmul.f32 $1.000000010e-01, v15  }
0x28f: {  	s0 =	sadd.s32 $0xFFFFDEC0, s7;
	v4 =	vor.u32 $0x2, v1;
	(erf) = vrcp.f32 v3  }
0x290: {  	v14 =	vor.u32 s0, v50;
	(erf) = vrcp.f32 v34  }
0x291: {  	v12 =	vshll.u32 v14, $0x7;
	(erf) = vrcp.f32 v2  }
0x292: {  	v16 =	vor.u32 $0x1, v12  }
0x293: {  	v17 =	vor.u32 $0x2, v12;
	v7 =	vld.idx.msk [tilespmem:v1+s2+$0x0], $0xffff  }
0x294: {  	v18 =	vor.u32 $0x3, v12;
	v13 =	vld.idx.msk [tilespmem:v4+s2+$0x0], $0xffff  }
0x295: {  	v19 =	vor.u32 $0x4, v12  }
0x296: {  	v39 =	vor.u32 $0x5, v12;
	v20 =	vld.idx.msk [tilespmem:v12+s26+$0x0], $0xffff  }
0x297: {  	v22 =	vor.u32 $0x6, v12;
	v21 =	vld.idx.msk [tilespmem:v16+s26+$0x0], $0xffff  }
0x298: {  	v41 =	vor.u32 $0x7, v12;
	v23 =	vld.idx.msk [tilespmem:v17+s26+$0x0], $0xffff;
	v6 =	vpop (erf)  }
0x299: {  	v24 =	vor.u32 $0x8, v12;
	v18 =	vld.idx.msk [tilespmem:v18+s26+$0x0], $0xffff;
	v37 =	vsub.f32 v13, v7;
	v0 =	vpop (erf)  }
0x29a: {  	v26 =	vor.u32 $0x9, v12;
	v19 =	vld.idx.msk [tilespmem:v19+s26+$0x0], $0xffff;
	v38 =	vpop (erf)  }
0x29b: {  	v42 =	vor.u32 $0xA, v12;
	v27 =	vld.idx.msk [tilespmem:v39+s26+$0x0], $0xffff;
	v3 =	vmul.f32 v38, v37  }
0x29c: {  	v44 =	vor.u32 $0xC, v12;
	v22 =	vld.idx.msk [tilespmem:v22+s26+$0x0], $0xffff  }
0x29d: {  	v30 =	vor.u32 $0xD, v12;
	v29 =	vld.idx.msk [tilespmem:v41+s26+$0x0], $0xffff;
	v40 =	vand.u32 $0x7FFFFF, v3  }
0x29e: {  	v33 =	vor.u32 $0x12, v12;
	v24 =	vld.idx.msk [tilespmem:v24+s26+$0x0], $0xffff;
	v16 =	vor.u32 $0x3F800000, v40  }
0x29f: {  	v35 =	vor.u32 $0x1, v1;
	v26 =	vld.idx.msk [tilespmem:v26+s26+$0x0], $0xffff;
	v25 =	vmul.f32 $5.000000000e-01, v16  }
0x2a0: {  	v36 =	vor.u32 $0x3, v1;
	v31 =	vld.idx.msk [tilespmem:v42+s26+$0x0], $0xffff;
	vm2 =	vgt.f32 v16, $1.414213540e+00  }
0x2a1: {  	v46 =	vor.u32 $0xF, v12;
	v32 =	vld.idx.msk [tilespmem:v44+s26+$0x0], $0xffff;
	v16 =	vsel vm2, v25, v16  }
0x2a2: {  	v47 =	vor.u32 $0x10, v12;
	v30 =	vld.idx.msk [tilespmem:v30+s26+$0x0], $0xffff;
	v28 =	vadd.f32 $1.000000000e+00, v16  }
0x2a3: {  	v33 =	vld.idx.msk [tilespmem:v33+s26+$0x0], $0xffff;
	v34 =	vor.u32 $0x13, v12  }
0x2a4: {  	v48 =	vor.u32 $0x11, v12;
	v4 =	vld.idx.msk [tilespmem:v35+s2+$0x0], $0xffff;
	(erf) = vrcp.f32 v28  }
0x2a5: {  	v43 =	vor.u32 $0xB, v12;
	v5 =	vld.idx.msk [tilespmem:v36+s2+$0x0], $0xffff;
	(erf) = vrcp.f32 v15  }
0x2a6: {  	v45 =	vor.u32 $0xE, v12;
	v35 =	vld.idx.msk [tilespmem:v46+s26+$0x0], $0xffff  }
0x2a7: {  	v36 =	vld.idx.msk [tilespmem:v47+s26+$0x0], $0xffff  }
0x2a8: {  	v34 =	vld.idx.msk [tilespmem:v34+s26+$0x0], $0xffff  }
0x2a9: {  	v49 =	vor.u32 $0x14, v12;
	v37 =	vld.idx.msk [tilespmem:v48+s26+$0x0], $0xffff  }
0x2aa: {  	v25 =	vld.idx.msk [tilespmem:v43+s26+$0x0], $0xffff  }
0x2ab: {  	v28 =	vld.idx.msk [tilespmem:v45+s26+$0x0], $0xffff  }
0x2ac: {  	v55 =	vmax.f32 v20, v21;
	v39 =	vmax.f32 v23, v18;
	v41 =	vmax.f32 v22, v29  }
0x2ad: {  	v56 =	vmax.f32 v24, v26;
	v54 =	vsub.f32 v5, v4;
	v40 =	vmax.f32 v19, v27;
	v17 =	vpop (erf)  }
0x2ae: {  	v42 =	vld.idx.msk [tilespmem:v49+s26+$0x0], $0xffff;
	v44 =	vmax.f32 v32, v30;
	v59 =	vmax.f32 v33, v34;
	v40 =	vmax.f32 v40, v41;
	v38 =	vpop (erf)  }
0x2af: {  	v58 =	vmax.f32 v36, v37;
	v43 =	vmax.f32 v31, v25;
	v15 =	vmul.f32 v38, v54  }
0x2b0: {  	v41 =	vmax.f32 v58, v59;
	v2 =	vmax.f32 v56, v43;
	v57 =	vmax.f32 v28, v35  }
0x2b1: {  	v38 =	vmax.f32 v55, v39;
	v39 =	vmax.f32 v44, v57;
	v60 =	vand.u32 $0x7FFFFF, v15  }
0x2b2: {  	v38 =	vmax.f32 v38, v40;
	v2 =	vmax.f32 v2, v39;
	v61 =	vor.u32 $0x3F800000, v60  }
0x2b3: {  	v63 =	vmax.f32 v41, v42;
	v2 =	vmax.f32 v38, v2;
	v62 =	vmul.f32 $5.000000000e-01, v61  }
0x2b4: {  	v2 =	vmax.f32 v2, v63;
	vm3 =	vgt.f32 v61, $1.414213540e+00  }
0x2b5: {  	v20 =	vsub.f32 v20, v2;
	v38 =	vsel vm3, v62, v61  }
0x2b6: {  	v21 =	vsub.f32 v21, v2;
	v39 =	vadd.f32 $1.000000000e+00, v38  }
0x2b7: {  	v23 =	vsub.f32 v23, v2;
	v20 =	vmul.f32 $1.442695020e+00, v20  }
0x2b8: {  	v18 =	vsub.f32 v18, v2;
	v21 =	vmul.f32 $1.442695020e+00, v21;
	(erf) = vrcp.f32 v39  }
0x2b9: {  	v19 =	vsub.f32 v19, v2;
	v41 =	vmul.f32 $1.442695020e+00, v23;
	(erf) = vpow2.f32 v20  }
0x2ba: {  	v43 =	vsub.f32 v27, v2;
	v18 =	vmul.f32 $1.442695020e+00, v18;
	(erf) = vpow2.f32 v21  }
0x2bb: {  	v44 =	vsub.f32 v22, v2;
	v19 =	vmul.f32 $1.442695020e+00, v19;
	(erf) = vpow2.f32 v41  }
0x2bc: {  	v46 =	vsub.f32 v29, v2;
	v45 =	vmul.f32 $1.442695020e+00, v43;
	(erf) = vpow2.f32 v18  }
0x2bd: {  	v48 =	vsub.f32 v24, v2;
	v47 =	vmul.f32 $1.442695020e+00, v44;
	(erf) = vpow2.f32 v19  }
0x2be: {  	v54 =	vsub.f32 v26, v2;
	v49 =	vmul.f32 $1.442695020e+00, v46;
	(erf) = vpow2.f32 v45  }
0x2bf: {  	v56 =	vsub.f32 v31, v2;
	v55 =	vmul.f32 $1.442695020e+00, v48;
	(erf) = vpow2.f32 v47  }
0x2c0: {  	v58 =	vsub.f32 v25, v2;
	v57 =	vmul.f32 $1.442695020e+00, v54;
	(erf) = vpow2.f32 v49  }
0x2c1: {  	v60 =	vsub.f32 v32, v2;
	v59 =	vmul.f32 $1.442695020e+00, v56;
	v22 =	vpop (erf);
	(erf) = vpow2.f32 v55  }
0x2c2: {  	v61 =	vmul.f32 $1.442695020e+00, v58;
	v62 =	vsub.f32 v30, v2;
	v23 =	vpop (erf);
	(erf) = vpow2.f32 v57  }
0x2c3: {  	v29 =	vsub.f32 v28, v2;
	v63 =	vmul.f32 $1.442695020e+00, v60;
	v24 =	vpop (erf);
	(erf) = vpow2.f32 v59  }
0x2c4: {  	v31 =	vsub.f32 v35, v2;
	v30 =	vmul.f32 $1.442695020e+00, v62;
	v25 =	vpop (erf);
	(erf) = vpow2.f32 v61  }
0x2c5: {  	v35 =	vsub.f32 v36, v2;
	v32 =	vmul.f32 $1.442695020e+00, v29;
	v26 =	vpop (erf);
	(erf) = vpow2.f32 v63  }
0x2c6: {  	v36 =	vmul.f32 $1.442695020e+00, v31;
	v39 =	vsub.f32 v37, v2;
	v27 =	vpop (erf);
	(erf) = vpow2.f32 v30  }
0x2c7: {  	v43 =	vsub.f32 v33, v2;
	v41 =	vmul.f32 $1.442695020e+00, v35;
	v40 =	vpop (erf);
	(erf) = vpow2.f32 v32  }
0x2c8: {  	v46 =	vsub.f32 v34, v2;
	v45 =	vmul.f32 $1.442695020e+00, v39;
	v44 =	vpop (erf);
	(erf) = vpow2.f32 v36  }
0x2c9: {  	v48 =	vmul.f32 $1.442695020e+00, v43;
	v47 =	vpop (erf);
	(erf) = vpow2.f32 v41  }
0x2ca: {  	v54 =	vmul.f32 $1.442695020e+00, v46;
	v49 =	vpop (erf);
	(erf) = vpow2.f32 v45  }
0x2cb: {  	v55 =	vpop (erf);
	(erf) = vpow2.f32 v48  }
0x2cc: {  	v59 =	vsub.f32 v42, v2;
	v56 =	vpop (erf);
	(erf) = vpow2.f32 v54  }
0x2cd: {  	v57 =	vpop (erf)  }
0x2ce: {  	v32 =	vmul.f32 $1.442695020e+00, v59;
	v58 =	vpop (erf)  }
0x2cf: {  	v60 =	vpop (erf)  }
0x2d0: {  	v39 =	vadd.f32 v40, v27;
	v40 =	vadd.f32 v47, v44;
	(erf) = vpow2.f32 v32;
	v61 =	vpop (erf)  }
0x2d1: {  	v23 =	vadd.f32 v24, v23;
	v32 =	vadd.f32 v26, v25;
	v62 =	vpop (erf)  }
0x2d2: {  	v20 =	vadd.f32 v55, v49;
	v45 =	vadd.f32 v40, v39;
	v63 =	vpop (erf)  }
0x2d3: {  	v18 =	vadd.f32 v57, v56;
	v23 =	vadd.f32 v32, v23;
	v37 =	vpop (erf)  }
0x2d4: {  	v43 =	vadd.f32 v60, v58;
	v44 =	vadd.f32 v62, v61;
	v41 =	vpop (erf)  }
0x2d5: {  	v18 =	vadd.f32 v18, v20;
	v25 =	vadd.f32 v37, v63;
	v42 =	vpop (erf)  }
0x2d6: {  	v46 =	vadd.f32 v44, v43;
	v19 =	vadd.f32 v42, v41  }
0x2d7: {  	v47 =	vadd.f32 v45, v23  }
0x2d8: {  	v18 =	vadd.f32 v46, v18;
	v19 =	vadd.f32 v19, v25  }
0x2d9: {  	v48 =	vpop (erf)  }
0x2da: {  	v18 =	vadd.f32 v18, v47;
	v19 =	vadd.f32 v19, v48;
	_ =	sdelay $0x1  }
0x2db: {  	v1 =	vor.u32 $0x4, v1;
	v7 =	vadd.f32 v13, v7;
	v49 =	vld [tilespmem:s9+$0x2340];
	v18 =	vadd.f32 v18, v19  }
0x2dc: {  	v16 =	vadd.f32 $-1.000000000e+00, v16  }
0x2dd: {  	v7 =	vmul.f32 $5.000000000e-01, v7;
	v55 =	vand.u32 $0x7FFFFF, v18  }
0x2de: {  	v54 =	vmul.f32 v17, v16;
	v56 =	vadd.f32 $-1.000000000e+00, v38;
	v16 =	vor.u32 $0x3F800000, v55  }
0x2df: {  	v59 =	vmul.f32 $5.000000000e-01, v16  }
0x2e0: {  	v1 =	vld.idx.msk [tilespmem:v1+s2+$0x0], $0xffff;
	v17 =	vmul.f32 v22, v56;
	v7 =	vsub.f32 v7, v49;
	vm4 =	vgt.f32 v16, $1.414213540e+00  }
0x2e1: {  	v16 =	vsel vm4, v59, v16  }
0x2e2: {  	v6 =	vmul.f32 v6, v7;
	v7 =	vmul.f32 v17, v17;
	v61 =	vadd.f32 $1.000000000e+00, v16  }
0x2e3: {  	v4 =	vadd.f32 v5, v4;
	v57 =	vmul.f32 v54, v54  }
0x2e4: {  	v14 =	vshll.u32 v14, $0x2;
	v62 =	vmul.f32 v7, v51;
	(erf) = vrcp.f32 v61  }
0x2e5: {  	v4 =	vmul.f32 $5.000000000e-01, v4;
	v1 =	vadd.f32 $1.000000000e+00, v1;
	v3 =	vshrl.u32 v3, $0x17  }
0x2e6: {  	v28 =	vsel vm2, $0x1, v53;
	v60 =	vmul.f32 v57, v51;
	v23 =	vadd.f32 $1.428571490e-01, v62  }
0x2e7: {  	v1 =	vtrunc.f32 v1;
	v15 =	vshrl.u32 v15, $0x17;
	v3 =	vadd.s32 v28, v3  }
0x2e8: {  	v33 =	vsel vm3, $0x1, v53;
	v20 =	vadd.f32 $1.428571490e-01, v60;
	v23 =	vmul.f32 v23, v7  }
0x2e9: {  	v1 =	vcvt.f32.s32 v1;
	v3 =	vadd.s32 $0xFFFFFF81, v3;
	v15 =	vadd.s32 v33, v15  }
0x2ea: {  	v15 =	vadd.s32 $0xFFFFFF81, v15;
	v58 =	vld.idx.msk [tilespmem:v14+s28+$0x0], $0xffff;
	v20 =	vmul.f32 v20, v57;
	v34 =	vadd.f32 $2.000000030e-01, v23  }
0x2eb: {  	v3 =	vcvt.s32.f32 v3;
	v15 =	vcvt.s32.f32 v15  }
0x2ec: {  	v30 =	vadd.f32 $2.000000030e-01, v20;
	v20 =	vmul.f32 v34, v7;
	v16 =	vadd.f32 $-1.000000000e+00, v16  }
0x2ed: {  	v3 =	vmul.f32 $6.931471820e-01, v3;
	v35 =	vor.u32 $0x1, v14;
	v40 =	vmul.f32 $6.931471820e-01, v15;
	v36 =	vpop (erf)  }
0x2ee: {  	v13 =	vadd.f32 v54, v54;
	v20 =	vadd.f32 $3.333333430e-01, v20;
	v16 =	vmul.f32 v36, v16  }
0x2ef: {  	v17 =	vadd.f32 v17, v17;
	v63 =	vld [tilespmem:s9+$0xB140];
	v44 =	vor.u32 $0x3, v14;
	v6 =	vsub.f32 v58, v6  }
0x2f0: {  	v37 =	vld [tilespmem:s9+$0x45C0];
	v42 =	vor.u32 $0x2, v14;
	v7 =	vmul.f32 v20, v7;
	v38 =	vmul.f32 v16, v16  }
0x2f1: {  	v29 =	vmul.f32 $5.000000000e-01, v6;
	v31 =	vand.u32 $0x7FFFFFFF, v6;
	v5 =	vmul.f32 v30, v57  }
0x2f2: {  	v32 =	vadd.f32 $-5.000000000e-01, v31;
	v7 =	vadd.f32 $1.000000000e+00, v7;
	v39 =	vmul.f32 v38, v51  }
0x2f3: {  	vm0 =	vlt.f32 v31, $1.000000000e+00;
	v6 =	vmul.f32 v29, v6;
	v5 =	vadd.f32 $3.333333430e-01, v5  }
0x2f4: {  	vm10 =	vlt.f32 v63, $5.000000000e-01;
	v19 =	vld.idx.msk [tilespmem:v35+s28+$0x0], $0xffff;
	v7 =	vmul.f32 v7, v17;
	v41 =	vadd.f32 $1.428571490e-01, v39  }
0x2f5: {  	v4 =	vsub.f32 v4, v37;
	vm11 =	vmneg vm10;
	v5 =	vmul.f32 v5, v57  }
0x2f6: {  	v6 =	vsel vm0, v6, v32;
	v43 =	vadd.f32 v7, v40;
	v7 =	vmul.f32 v41, v38  }
0x2f7: {  	v0 =	vmul.f32 v0, v4;
	v1 =	vnsel vm11, $0x0, v1;
	v5 =	vadd.f32 $1.000000000e+00, v5  }
0x2f8: {  	v49 =	vand.u32 $0xFFFFFF80, v1;
	v1 =	vand.u32 $0x7F, v1;
	v7 =	vadd.f32 $2.000000030e-01, v7  }
0x2f9: {  	v12 =	vadd.s32 v12, v49;
	v5 =	vmul.f32 v5, v13;
	v0 =	vsub.f32 v19, v0  }
0x2fa: {  	v4 =	vld.idx.msk [tilespmem:v42+s28+$0x0], $0xffff;
	v18 =	vshrl.u32 v18, $0x17;
	v1 =	vor.u32 v1, v12;
	v7 =	vmul.f32 v7, v38  }
0x2fb: {  	v47 =	vsel vm4, $0x1, v53;
	v3 =	vadd.f32 v5, v3;
	v45 =	vmul.f32 $5.000000000e-01, v0  }
0x2fc: {  	v54 =	vadd.s32 v47, v18;
	v46 =	vand.u32 $0x7FFFFFFF, v0;
	v7 =	vadd.f32 $3.333333430e-01, v7  }
0x2fd: {  	v13 =	vld.idx.msk [tilespmem:v44+s28+$0x0], $0xffff;
	v3 =	vmul.f32 v3, v52;
	v48 =	vadd.f32 $-5.000000000e-01, v46;
	v0 =	vmul.f32 v45, v0  }
0x2fe: {  	v55 =	vadd.s32 $0xFFFFFF81, v54;
	vm12 =	vlt.f32 v46, $1.000000000e+00;
	v7 =	vmul.f32 v7, v38  }
0x2ff: {  	v3 =	vsub.f32 v4, v3;
	v4 =	vcvt.s32.f32 v55;
	v0 =	vsel vm12, v0, v48  }
0x300: {  	v5 =	vmul.f32 v43, v52;
	v56 =	vadd.f32 v16, v16;
	v7 =	vadd.f32 $1.000000000e+00, v7  }
0x301: {  	v0 =	vadd.f32 v0, v6;
	v6 =	vmul.f32 $5.000000000e-01, v3;
	v57 =	vand.u32 $0x7FFFFFFF, v3  }
0x302: {  	v4 =	vmul.f32 $6.931471820e-01, v4;
	v5 =	vsub.f32 v13, v5;
	v7 =	vmul.f32 v7, v56  }
0x303: {  	v1 =	vld.idx.msk [tilespmem:v1+s26+$0x0], $0xffff;
	v3 =	vmul.f32 v6, v3;
	v6 =	vadd.f32 $-5.000000000e-01, v57  }
0x304: {  	vm13 =	vlt.f32 v57, $1.000000000e+00;
	v58 =	vmul.f32 $5.000000000e-01, v5;
	v4 =	vadd.f32 v7, v4  }
0x305: {  	v3 =	vsel vm13, v3, v6;
	v59 =	vand.u32 $0x7FFFFFFF, v5  }
0x306: {  	v6 =	vadd.f32 $-5.000000000e-01, v59;
	v5 =	vmul.f32 v58, v5;
	v2 =	vadd.f32 v4, v2  }
0x307: {  	p0 =	sne.s32 s3, $0x180;
	v0 =	vadd.f32 v3, v0;
	vm14 =	vlt.f32 v59, $1.000000000e+00  }
.Ltmp6:
0x308: {  	v61 =	vmov s7;
	v60 =	vsel vm14, v5, v6;
	v1 =	vsub.f32 v2, v1;
	(pc) =	sbr.rel @p0 .LBB2_14-.Ltmp6, $4  }
0x309: {  	vm15 =	vgt.u32 v61, v11;
	v0 =	vadd.f32 v60, v0  }
0x30a: {  	v63 =	vsel vm11, $0x1, v53;
	vm0 =	vmor vm15, vm11;
	v62 =	vmax.f32 v1, $0.0e+00  }
0x30b: {  	v0 =	vnsel vm11, $0x0, v0;
	v1 =	vnsel vm11, $0x0, v1;
	v2 =	vsel vm0, $0x0, v62  }
0x30c: {  	s3 =	sadd.s32 $0x40, s3;
	v10 =	vadd.s32 v63, v10;
	s7 =	sadd.s32 $0x10, s7;
	v9 =	vadd.f32 v0, v9;
	v8 =	vadd.f32 v1, v8;
	[tilespmem:s9+$0xF580] =	vst v2  }
0x30d: {  	s0 =	rddreg [dreg:$0xe];
	s24 =	simm.s32 $0x5  }
0x30e: {  	[tilespmem:s31], [sflag:$0x5] =	stream.strided.gather [hbm4b:s0+s23], $0x200, s25, s23, $0x38;
	[tilespmem:$0x19F00] =	vst v63  }
0x30f: {  	_ =	swait.ge [sflag:s24], $0x200  }
0x310: {  	[sflag:s24] =	ssyncset.done $0x0  }
0x311: {  	s28 =	simm.s32 $0x3;
	[sflag:s24] =	ssyncadd.s32 $0xFFFFFE00  }
0x312: {  	_ =	swait.ge [sflag:s28], $0x3800  }
0x313: {  	[sflag:s28] =	ssyncset.done $0x0  }
0x314: {  	s3 =	simm.s32 $0x0;
	s7 =	simm.s32 $0x21B0;
	[sflag:s28] =	ssyncadd.s32 $0xFFFFC800  }
.LBB2_16:
0x315: {  	s9 =	sshra.s32 s3, $0x2  }
0x316: {  	v0 =	vld [tilespmem:s9+$0xD3D0]  }
0x317: {  	v2 =	vld [tilespmem:s9+$0x68B0]  }
0x318: {  	v15 =	vld [tilespmem:s9+$0x8B30];
	_ =	sdelay $0x3  }
0x319: {  	v3 =	vmul.f32 $1.000000010e-01, v2  }
0x31a: {  	v1 =	vshll.u32 v0, $0x3;
	v34 =	vmul.f32 $1.000000010e-01, v15  }
0x31b: {  	s0 =	sadd.s32 $0xFFFFDE50, s7;
	v4 =	vor.u32 $0x2, v1;
	(erf) = vrcp.f32 v3  }
0x31c: {  	v14 =	vor.u32 s0, v50;
	(erf) = vrcp.f32 v34  }
0x31d: {  	v12 =	vshll.u32 v14, $0x7;
	(erf) = vrcp.f32 v2  }
0x31e: {  	v16 =	vor.u32 $0x1, v12  }
0x31f: {  	v17 =	vor.u32 $0x2, v12;
	v7 =	vld.idx.msk [tilespmem:v1+s2+$0x0], $0xffff  }
0x320: {  	v18 =	vor.u32 $0x3, v12;
	v13 =	vld.idx.msk [tilespmem:v4+s2+$0x0], $0xffff  }
0x321: {  	v19 =	vor.u32 $0x4, v12  }
0x322: {  	v39 =	vor.u32 $0x5, v12;
	v20 =	vld.idx.msk [tilespmem:v12+s29+$0x0], $0xffff  }
0x323: {  	v22 =	vor.u32 $0x6, v12;
	v21 =	vld.idx.msk [tilespmem:v16+s29+$0x0], $0xffff  }
0x324: {  	v41 =	vor.u32 $0x7, v12;
	v23 =	vld.idx.msk [tilespmem:v17+s29+$0x0], $0xffff;
	v6 =	vpop (erf)  }
0x325: {  	v24 =	vor.u32 $0x8, v12;
	v18 =	vld.idx.msk [tilespmem:v18+s29+$0x0], $0xffff;
	v37 =	vsub.f32 v13, v7;
	v0 =	vpop (erf)  }
0x326: {  	v26 =	vor.u32 $0x9, v12;
	v19 =	vld.idx.msk [tilespmem:v19+s29+$0x0], $0xffff;
	v38 =	vpop (erf)  }
0x327: {  	v42 =	vor.u32 $0xA, v12;
	v27 =	vld.idx.msk [tilespmem:v39+s29+$0x0], $0xffff;
	v3 =	vmul.f32 v38, v37  }
0x328: {  	v44 =	vor.u32 $0xC, v12;
	v22 =	vld.idx.msk [tilespmem:v22+s29+$0x0], $0xffff  }
0x329: {  	v30 =	vor.u32 $0xD, v12;
	v29 =	vld.idx.msk [tilespmem:v41+s29+$0x0], $0xffff;
	v40 =	vand.u32 $0x7FFFFF, v3  }
0x32a: {  	v33 =	vor.u32 $0x12, v12;
	v24 =	vld.idx.msk [tilespmem:v24+s29+$0x0], $0xffff;
	v16 =	vor.u32 $0x3F800000, v40  }
0x32b: {  	v35 =	vor.u32 $0x1, v1;
	v26 =	vld.idx.msk [tilespmem:v26+s29+$0x0], $0xffff;
	v25 =	vmul.f32 $5.000000000e-01, v16  }
0x32c: {  	v36 =	vor.u32 $0x3, v1;
	v31 =	vld.idx.msk [tilespmem:v42+s29+$0x0], $0xffff;
	vm2 =	vgt.f32 v16, $1.414213540e+00  }
0x32d: {  	v46 =	vor.u32 $0xF, v12;
	v32 =	vld.idx.msk [tilespmem:v44+s29+$0x0], $0xffff;
	v16 =	vsel vm2, v25, v16  }
0x32e: {  	v47 =	vor.u32 $0x10, v12;
	v30 =	vld.idx.msk [tilespmem:v30+s29+$0x0], $0xffff;
	v28 =	vadd.f32 $1.000000000e+00, v16  }
0x32f: {  	v33 =	vld.idx.msk [tilespmem:v33+s29+$0x0], $0xffff;
	v34 =	vor.u32 $0x13, v12  }
0x330: {  	v48 =	vor.u32 $0x11, v12;
	v4 =	vld.idx.msk [tilespmem:v35+s2+$0x0], $0xffff;
	(erf) = vrcp.f32 v28  }
0x331: {  	v43 =	vor.u32 $0xB, v12;
	v5 =	vld.idx.msk [tilespmem:v36+s2+$0x0], $0xffff;
	(erf) = vrcp.f32 v15  }
0x332: {  	v45 =	vor.u32 $0xE, v12;
	v35 =	vld.idx.msk [tilespmem:v46+s29+$0x0], $0xffff  }
0x333: {  	v36 =	vld.idx.msk [tilespmem:v47+s29+$0x0], $0xffff  }
0x334: {  	v34 =	vld.idx.msk [tilespmem:v34+s29+$0x0], $0xffff  }
0x335: {  	v49 =	vor.u32 $0x14, v12;
	v37 =	vld.idx.msk [tilespmem:v48+s29+$0x0], $0xffff  }
0x336: {  	v25 =	vld.idx.msk [tilespmem:v43+s29+$0x0], $0xffff  }
0x337: {  	v28 =	vld.idx.msk [tilespmem:v45+s29+$0x0], $0xffff  }
0x338: {  	v55 =	vmax.f32 v20, v21;
	v39 =	vmax.f32 v23, v18;
	v41 =	vmax.f32 v22, v29  }
0x339: {  	v56 =	vmax.f32 v24, v26;
	v54 =	vsub.f32 v5, v4;
	v40 =	vmax.f32 v19, v27;
	v17 =	vpop (erf)  }
0x33a: {  	v42 =	vld.idx.msk [tilespmem:v49+s29+$0x0], $0xffff;
	v44 =	vmax.f32 v32, v30;
	v59 =	vmax.f32 v33, v34;
	v40 =	vmax.f32 v40, v41;
	v38 =	vpop (erf)  }
0x33b: {  	v58 =	vmax.f32 v36, v37;
	v43 =	vmax.f32 v31, v25;
	v15 =	vmul.f32 v38, v54  }
0x33c: {  	v41 =	vmax.f32 v58, v59;
	v2 =	vmax.f32 v56, v43;
	v57 =	vmax.f32 v28, v35  }
0x33d: {  	v38 =	vmax.f32 v55, v39;
	v39 =	vmax.f32 v44, v57;
	v60 =	vand.u32 $0x7FFFFF, v15  }
0x33e: {  	v38 =	vmax.f32 v38, v40;
	v2 =	vmax.f32 v2, v39;
	v61 =	vor.u32 $0x3F800000, v60  }
0x33f: {  	v63 =	vmax.f32 v41, v42;
	v2 =	vmax.f32 v38, v2;
	v62 =	vmul.f32 $5.000000000e-01, v61  }
0x340: {  	v2 =	vmax.f32 v2, v63;
	vm3 =	vgt.f32 v61, $1.414213540e+00  }
0x341: {  	v20 =	vsub.f32 v20, v2;
	v38 =	vsel vm3, v62, v61  }
0x342: {  	v21 =	vsub.f32 v21, v2;
	v39 =	vadd.f32 $1.000000000e+00, v38  }
0x343: {  	v23 =	vsub.f32 v23, v2;
	v20 =	vmul.f32 $1.442695020e+00, v20  }
0x344: {  	v18 =	vsub.f32 v18, v2;
	v21 =	vmul.f32 $1.442695020e+00, v21;
	(erf) = vrcp.f32 v39  }
0x345: {  	v19 =	vsub.f32 v19, v2;
	v41 =	vmul.f32 $1.442695020e+00, v23;
	(erf) = vpow2.f32 v20  }
0x346: {  	v43 =	vsub.f32 v27, v2;
	v18 =	vmul.f32 $1.442695020e+00, v18;
	(erf) = vpow2.f32 v21  }
0x347: {  	v44 =	vsub.f32 v22, v2;
	v19 =	vmul.f32 $1.442695020e+00, v19;
	(erf) = vpow2.f32 v41  }
0x348: {  	v46 =	vsub.f32 v29, v2;
	v45 =	vmul.f32 $1.442695020e+00, v43;
	(erf) = vpow2.f32 v18  }
0x349: {  	v48 =	vsub.f32 v24, v2;
	v47 =	vmul.f32 $1.442695020e+00, v44;
	(erf) = vpow2.f32 v19  }
0x34a: {  	v54 =	vsub.f32 v26, v2;
	v49 =	vmul.f32 $1.442695020e+00, v46;
	(erf) = vpow2.f32 v45  }
0x34b: {  	v56 =	vsub.f32 v31, v2;
	v55 =	vmul.f32 $1.442695020e+00, v48;
	(erf) = vpow2.f32 v47  }
0x34c: {  	v58 =	vsub.f32 v25, v2;
	v57 =	vmul.f32 $1.442695020e+00, v54;
	(erf) = vpow2.f32 v49  }
0x34d: {  	v60 =	vsub.f32 v32, v2;
	v59 =	vmul.f32 $1.442695020e+00, v56;
	v22 =	vpop (erf);
	(erf) = vpow2.f32 v55  }
0x34e: {  	v61 =	vmul.f32 $1.442695020e+00, v58;
	v62 =	vsub.f32 v30, v2;
	v23 =	vpop (erf);
	(erf) = vpow2.f32 v57  }
0x34f: {  	v29 =	vsub.f32 v28, v2;
	v63 =	vmul.f32 $1.442695020e+00, v60;
	v24 =	vpop (erf);
	(erf) = vpow2.f32 v59  }
0x350: {  	v31 =	vsub.f32 v35, v2;
	v30 =	vmul.f32 $1.442695020e+00, v62;
	v25 =	vpop (erf);
	(erf) = vpow2.f32 v61  }
0x351: {  	v35 =	vsub.f32 v36, v2;
	v32 =	vmul.f32 $1.442695020e+00, v29;
	v26 =	vpop (erf);
	(erf) = vpow2.f32 v63  }
0x352: {  	v36 =	vmul.f32 $1.442695020e+00, v31;
	v39 =	vsub.f32 v37, v2;
	v27 =	vpop (erf);
	(erf) = vpow2.f32 v30  }
0x353: {  	v43 =	vsub.f32 v33, v2;
	v41 =	vmul.f32 $1.442695020e+00, v35;
	v40 =	vpop (erf);
	(erf) = vpow2.f32 v32  }
0x354: {  	v46 =	vsub.f32 v34, v2;
	v45 =	vmul.f32 $1.442695020e+00, v39;
	v44 =	vpop (erf);
	(erf) = vpow2.f32 v36  }
0x355: {  	v48 =	vmul.f32 $1.442695020e+00, v43;
	v47 =	vpop (erf);
	(erf) = vpow2.f32 v41  }
0x356: {  	v54 =	vmul.f32 $1.442695020e+00, v46;
	v49 =	vpop (erf);
	(erf) = vpow2.f32 v45  }
0x357: {  	v55 =	vpop (erf);
	(erf) = vpow2.f32 v48  }
0x358: {  	v59 =	vsub.f32 v42, v2;
	v56 =	vpop (erf);
	(erf) = vpow2.f32 v54  }
0x359: {  	v57 =	vpop (erf)  }
0x35a: {  	v32 =	vmul.f32 $1.442695020e+00, v59;
	v58 =	vpop (erf)  }
0x35b: {  	v60 =	vpop (erf)  }
0x35c: {  	v39 =	vadd.f32 v40, v27;
	v40 =	vadd.f32 v47, v44;
	(erf) = vpow2.f32 v32;
	v61 =	vpop (erf)  }
0x35d: {  	v23 =	vadd.f32 v24, v23;
	v32 =	vadd.f32 v26, v25;
	v62 =	vpop (erf)  }
0x35e: {  	v20 =	vadd.f32 v55, v49;
	v45 =	vadd.f32 v40, v39;
	v63 =	vpop (erf)  }
0x35f: {  	v18 =	vadd.f32 v57, v56;
	v23 =	vadd.f32 v32, v23;
	v37 =	vpop (erf)  }
0x360: {  	v43 =	vadd.f32 v60, v58;
	v44 =	vadd.f32 v62, v61;
	v41 =	vpop (erf)  }
0x361: {  	v18 =	vadd.f32 v18, v20;
	v25 =	vadd.f32 v37, v63;
	v42 =	vpop (erf)  }
0x362: {  	v46 =	vadd.f32 v44, v43;
	v19 =	vadd.f32 v42, v41  }
0x363: {  	v47 =	vadd.f32 v45, v23  }
0x364: {  	v18 =	vadd.f32 v46, v18;
	v19 =	vadd.f32 v19, v25  }
0x365: {  	v48 =	vpop (erf)  }
0x366: {  	v18 =	vadd.f32 v18, v47;
	v19 =	vadd.f32 v19, v48;
	_ =	sdelay $0x1  }
0x367: {  	v1 =	vor.u32 $0x4, v1;
	v7 =	vadd.f32 v13, v7;
	v49 =	vld [tilespmem:s9+$0x23B0];
	v18 =	vadd.f32 v18, v19  }
0x368: {  	v16 =	vadd.f32 $-1.000000000e+00, v16  }
0x369: {  	v7 =	vmul.f32 $5.000000000e-01, v7;
	v55 =	vand.u32 $0x7FFFFF, v18  }
0x36a: {  	v54 =	vmul.f32 v17, v16;
	v56 =	vadd.f32 $-1.000000000e+00, v38;
	v16 =	vor.u32 $0x3F800000, v55  }
0x36b: {  	v59 =	vmul.f32 $5.000000000e-01, v16  }
0x36c: {  	v1 =	vld.idx.msk [tilespmem:v1+s2+$0x0], $0xffff;
	v17 =	vmul.f32 v22, v56;
	v7 =	vsub.f32 v7, v49;
	vm4 =	vgt.f32 v16, $1.414213540e+00  }
0x36d: {  	v16 =	vsel vm4, v59, v16  }
0x36e: {  	v6 =	vmul.f32 v6, v7;
	v7 =	vmul.f32 v17, v17;
	v61 =	vadd.f32 $1.000000000e+00, v16  }
0x36f: {  	v4 =	vadd.f32 v5, v4;
	v57 =	vmul.f32 v54, v54  }
0x370: {  	v14 =	vshll.u32 v14, $0x2;
	v62 =	vmul.f32 v7, v51;
	(erf) = vrcp.f32 v61  }
0x371: {  	v4 =	vmul.f32 $5.000000000e-01, v4;
	v1 =	vadd.f32 $1.000000000e+00, v1;
	v3 =	vshrl.u32 v3, $0x17  }
0x372: {  	v28 =	vsel vm2, $0x1, v53;
	v60 =	vmul.f32 v57, v51;
	v23 =	vadd.f32 $1.428571490e-01, v62  }
0x373: {  	v1 =	vtrunc.f32 v1;
	v15 =	vshrl.u32 v15, $0x17;
	v3 =	vadd.s32 v28, v3  }
0x374: {  	v33 =	vsel vm3, $0x1, v53;
	v20 =	vadd.f32 $1.428571490e-01, v60;
	v23 =	vmul.f32 v23, v7  }
0x375: {  	v1 =	vcvt.f32.s32 v1;
	v3 =	vadd.s32 $0xFFFFFF81, v3;
	v15 =	vadd.s32 v33, v15  }
0x376: {  	v15 =	vadd.s32 $0xFFFFFF81, v15;
	v58 =	vld.idx.msk [tilespmem:v14+s31+$0x0], $0xffff;
	v20 =	vmul.f32 v20, v57;
	v34 =	vadd.f32 $2.000000030e-01, v23  }
0x377: {  	v3 =	vcvt.s32.f32 v3;
	v15 =	vcvt.s32.f32 v15  }
0x378: {  	v30 =	vadd.f32 $2.000000030e-01, v20;
	v20 =	vmul.f32 v34, v7;
	v16 =	vadd.f32 $-1.000000000e+00, v16  }
0x379: {  	v3 =	vmul.f32 $6.931471820e-01, v3;
	v35 =	vor.u32 $0x1, v14;
	v40 =	vmul.f32 $6.931471820e-01, v15;
	v36 =	vpop (erf)  }
0x37a: {  	v13 =	vadd.f32 v54, v54;
	v20 =	vadd.f32 $3.333333430e-01, v20;
	v16 =	vmul.f32 v36, v16  }
0x37b: {  	v17 =	vadd.f32 v17, v17;
	v63 =	vld [tilespmem:s9+$0xB1B0];
	v44 =	vor.u32 $0x3, v14;
	v6 =	vsub.f32 v58, v6  }
0x37c: {  	v37 =	vld [tilespmem:s9+$0x4630];
	v42 =	vor.u32 $0x2, v14;
	v7 =	vmul.f32 v20, v7;
	v38 =	vmul.f32 v16, v16  }
0x37d: {  	v29 =	vmul.f32 $5.000000000e-01, v6;
	v31 =	vand.u32 $0x7FFFFFFF, v6;
	v5 =	vmul.f32 v30, v57  }
0x37e: {  	v32 =	vadd.f32 $-5.000000000e-01, v31;
	v7 =	vadd.f32 $1.000000000e+00, v7;
	v39 =	vmul.f32 v38, v51  }
0x37f: {  	vm0 =	vlt.f32 v31, $1.000000000e+00;
	v6 =	vmul.f32 v29, v6;
	v5 =	vadd.f32 $3.333333430e-01, v5  }
0x380: {  	vm10 =	vlt.f32 v63, $5.000000000e-01;
	v19 =	vld.idx.msk [tilespmem:v35+s31+$0x0], $0xffff;
	v7 =	vmul.f32 v7, v17;
	v41 =	vadd.f32 $1.428571490e-01, v39  }
0x381: {  	v4 =	vsub.f32 v4, v37;
	vm11 =	vmneg vm10;
	v5 =	vmul.f32 v5, v57  }
0x382: {  	v6 =	vsel vm0, v6, v32;
	v43 =	vadd.f32 v7, v40;
	v7 =	vmul.f32 v41, v38  }
0x383: {  	v0 =	vmul.f32 v0, v4;
	v1 =	vnsel vm11, $0x0, v1;
	v5 =	vadd.f32 $1.000000000e+00, v5  }
0x384: {  	v49 =	vand.u32 $0xFFFFFF80, v1;
	v1 =	vand.u32 $0x7F, v1;
	v7 =	vadd.f32 $2.000000030e-01, v7  }
0x385: {  	v12 =	vadd.s32 v12, v49;
	v5 =	vmul.f32 v5, v13;
	v0 =	vsub.f32 v19, v0  }
0x386: {  	v4 =	vld.idx.msk [tilespmem:v42+s31+$0x0], $0xffff;
	v18 =	vshrl.u32 v18, $0x17;
	v1 =	vor.u32 v1, v12;
	v7 =	vmul.f32 v7, v38  }
0x387: {  	v47 =	vsel vm4, $0x1, v53;
	v3 =	vadd.f32 v5, v3;
	v45 =	vmul.f32 $5.000000000e-01, v0  }
0x388: {  	v54 =	vadd.s32 v47, v18;
	v46 =	vand.u32 $0x7FFFFFFF, v0;
	v7 =	vadd.f32 $3.333333430e-01, v7  }
0x389: {  	v13 =	vld.idx.msk [tilespmem:v44+s31+$0x0], $0xffff;
	v3 =	vmul.f32 v3, v52;
	v48 =	vadd.f32 $-5.000000000e-01, v46;
	v0 =	vmul.f32 v45, v0  }
0x38a: {  	v55 =	vadd.s32 $0xFFFFFF81, v54;
	vm12 =	vlt.f32 v46, $1.000000000e+00;
	v7 =	vmul.f32 v7, v38  }
0x38b: {  	v3 =	vsub.f32 v4, v3;
	v4 =	vcvt.s32.f32 v55;
	v0 =	vsel vm12, v0, v48  }
0x38c: {  	v5 =	vmul.f32 v43, v52;
	v56 =	vadd.f32 v16, v16;
	v7 =	vadd.f32 $1.000000000e+00, v7  }
0x38d: {  	v0 =	vadd.f32 v0, v6;
	v6 =	vmul.f32 $5.000000000e-01, v3;
	v57 =	vand.u32 $0x7FFFFFFF, v3  }
0x38e: {  	v4 =	vmul.f32 $6.931471820e-01, v4;
	v5 =	vsub.f32 v13, v5;
	v7 =	vmul.f32 v7, v56  }
0x38f: {  	v1 =	vld.idx.msk [tilespmem:v1+s29+$0x0], $0xffff;
	v3 =	vmul.f32 v6, v3;
	v6 =	vadd.f32 $-5.000000000e-01, v57  }
0x390: {  	vm13 =	vlt.f32 v57, $1.000000000e+00;
	v58 =	vmul.f32 $5.000000000e-01, v5;
	v4 =	vadd.f32 v7, v4  }
0x391: {  	v3 =	vsel vm13, v3, v6;
	v59 =	vand.u32 $0x7FFFFFFF, v5  }
0x392: {  	v6 =	vadd.f32 $-5.000000000e-01, v59;
	v5 =	vmul.f32 v58, v5;
	v2 =	vadd.f32 v4, v2  }
0x393: {  	p0 =	sne.s32 s3, $0x180;
	v0 =	vadd.f32 v3, v0;
	vm14 =	vlt.f32 v59, $1.000000000e+00  }
.Ltmp7:
0x394: {  	v61 =	vmov s7;
	v60 =	vsel vm14, v5, v6;
	v1 =	vsub.f32 v2, v1;
	(pc) =	sbr.rel @p0 .LBB2_16-.Ltmp7, $4  }
0x395: {  	vm15 =	vgt.u32 v61, v11;
	v0 =	vadd.f32 v60, v0  }
0x396: {  	v63 =	vsel vm11, $0x1, v53;
	vm0 =	vmor vm15, vm11;
	v62 =	vmax.f32 v1, $0.0e+00  }
0x397: {  	v0 =	vnsel vm11, $0x0, v0;
	v1 =	vnsel vm11, $0x0, v1;
	v2 =	vsel vm0, $0x0, v62  }
0x398: {  	s3 =	sadd.s32 $0x40, s3;
	v10 =	vadd.s32 v63, v10;
	s7 =	sadd.s32 $0x10, s7;
	v9 =	vadd.f32 v0, v9;
	v8 =	vadd.f32 v1, v8;
	[tilespmem:s9+$0xF5F0] =	vst v2  }
0x399: {  	(xrf0) =	vadd.scan.msk.s32 $0xffff, v10;
	_ =	sdelay $0x5  }
0x39a: {  	v0, _, _ =	vpop (xrf0)  }
0x39b: {  	(v2sf) =	vpush v0, $0xF;
	_ =	sdelay $0xe  }
0x39c: {  	s7 =	spop (v2sf)  }
0x39d: {  	s9 =	smul.u32 $0x3, s7;
	_ =	sdelay $0x1  }
0x39e: {  	s3 =	simm.s32 $0x0;
	p0 =	slt.s32 s9, $0x221B  }
0x39f: {  	s12 =	simm.s32 $0x0;
	s11 =	simm.s32 $0x0;
	s9 =	simm.s32 @!p0 $0x221B  }
.LBB2_18:
0x3a0: {  	s0 =	simm.s32 $0x0  }
0x3a1: {  	v1 =	vld [tilespmem:s0+$0xD560]  }
0x3a2: {  	v3 =	vld [tilespmem:s0+$0xD570]  }
0x3a3: {  	v4 =	vld [tilespmem:s0+$0xD530]  }
0x3a4: {  	v5 =	vld [tilespmem:s0+$0xD540]  }
0x3a5: {  	v6 =	vld [tilespmem:s0+$0xD550]  }
0x3a6: {  	v7 =	vld [tilespmem:s0+$0xD510]  }
0x3a7: {  	v10 =	vld [tilespmem:s0+$0xD520]  }
0x3a8: {  	v11 =	vld [tilespmem:s0+$0xD4D0]  }
0x3a9: {  	v12 =	vld [tilespmem:s0+$0xD4E0]  }
0x3aa: {  	v14 =	vld [tilespmem:s0+$0xD4F0]  }
0x3ab: {  	s1 =	sshrl.u32 s17, s11;
	v15 =	vld [tilespmem:s0+$0xD4A0]  }
0x3ac: {  	s10 =	sor.u32 s1, s12;
	v16 =	vld [tilespmem:s0+$0xD4B0]  }
0x3ad: {  	v2 =	vimm.s32 $0x0;
	v17 =	vld [tilespmem:s0+$0xD4C0];
	v0 =	vmov s10  }
0x3ae: {  	vm0 =	vge.s32 v1, v0;
	vm1 =	vge.s32 v4, v0;
	vm10 =	vge.s32 v5, v0  }
0x3af: {  	v18 =	vld [tilespmem:s0+$0xD470];
	vm11 =	vge.s32 v3, v0;
	vm9 =	vge.s32 v7, v0;
	vm5 =	vge.s32 v10, v0  }
0x3b0: {  	v13 =	vld [tilespmem:s0+$0xD490];
	vm12 =	vge.s32 v6, v0;
	vm6 =	vge.s32 v11, v0;
	vm4 =	vge.s32 v12, v0  }
0x3b1: {  	v11 =	vld [tilespmem:s0+$0xD440];
	vm2 =	vge.s32 v14, v0;
	vm7 =	vge.s32 v15, v0;
	vm3 =	vge.s32 v16, v0  }
0x3b2: {  	v12 =	vld [tilespmem:s0+$0xD450];
	vm8 =	vge.s32 v17, v0;
	v7 =	vimm.s32 $0x0;
	v1 =	vmpcnt.ones.xlane vm0  }
0x3b3: {  	s16 =	sand.u32 $0x3FF0, s3;
	v14 =	vld [tilespmem:s0+$0xD460];
	v10 =	vimm.s32 $0x0;
	v4 =	vmpcnt.ones.xlane vm1;
	v3 =	vmpcnt.ones.xlane vm11  }
0x3b4: {  	s13 =	simm.s32 $0x540;
	s14 =	simm.s32 $0x0;
	v15 =	vld [tilespmem:s16+$0xD580];
	vm0 =	vge.s32 v18, v0;
	v5 =	vmpcnt.ones.xlane vm10;
	v6 =	vmpcnt.ones.xlane vm12  }
.LBB2_19:
0x3b5: {  	p0 =	sne.s32 s13, $0x8340;
	vm1 =	vge.s32 v13, v0;
	v13 =	vld [tilespmem:s16+$0xD500];
	v16 =	vmpcnt.ones.xlane vm9;
	v17 =	vmpcnt.ones.xlane vm5  }
0x3b6: {  	s15 =	sshra.s32 s13, $0x2;
	v18 =	vmpcnt.ones.xlane vm6;
	v19 =	vmpcnt.ones.xlane vm4;
	vm5 =	vge.s32 v11, v0;
	v11 =	vld [tilespmem:s16+$0xD480]  }
0x3b7: {  	v21 =	vmpcnt.ones.xlane vm2;
	v20 =	vld [tilespmem:s15+$0xD560];
	vm4 =	vge.s32 v12, v0;
	v12 =	vmpcnt.ones.xlane vm7  }
0x3b8: {  	v23 =	vmpcnt.ones.xlane vm8;
	v22 =	vld [tilespmem:s15+$0xD570];
	vm2 =	vge.s32 v14, v0;
	v14 =	vmpcnt.ones.xlane vm3  }
0x3b9: {  	v25 =	vmpcnt.ones.xlane vm0;
	v26 =	vmpcnt.ones.xlane vm1;
	v24 =	vld [tilespmem:s15+$0xD530];
	vm0 =	vge.s32 v15, v0  }
0x3ba: {  	v27 =	vmpcnt.ones.xlane vm5;
	v28 =	vmpcnt.ones.xlane vm4;
	v15 =	vld [tilespmem:s15+$0xD540];
	vm1 =	vge.s32 v13, v0  }
0x3bb: {  	v13 =	vmpcnt.ones.xlane vm2;
	v29 =	vld [tilespmem:s15+$0xD550];
	vm2 =	vge.s32 v11, v0;
	v11 =	vmpcnt.ones.xlane vm0  }
0x3bc: {  	v31 =	vmpcnt.ones.xlane vm1;
	v30 =	vld [tilespmem:s15+$0xD510];
	vm8 =	vge.s32 v20, v0;
	v20 =	vmpcnt.ones.xlane vm2  }
0x3bd: {  	v2 =	vadd.s32 v2, v27;
	v7 =	vadd.s32 v7, v28;
	v10 =	vadd.s32 v10, v13;
	v32 =	vld [tilespmem:s15+$0xD520]  }
0x3be: {  	v2 =	vadd.s32 v25, v2;
	v10 =	vadd.s32 v26, v10;
	v27 =	vld [tilespmem:s15+$0xD4D0];
	v7 =	vadd.s32 v20, v7  }
0x3bf: {  	v2 =	vadd.s32 v12, v2;
	v10 =	vadd.s32 v23, v10;
	v20 =	vld [tilespmem:s15+$0xD4E0];
	v7 =	vadd.s32 v14, v7  }
0x3c0: {  	v2 =	vadd.s32 v18, v2;
	v10 =	vadd.s32 v21, v10;
	v12 =	vld [tilespmem:s15+$0xD4F0];
	v7 =	vadd.s32 v19, v7  }
0x3c1: {  	v2 =	vadd.s32 v31, v2;
	v10 =	vadd.s32 v17, v10;
	v14 =	vld [tilespmem:s15+$0xD4A0];
	v7 =	vadd.s32 v16, v7  }
0x3c2: {  	v2 =	vadd.s32 v4, v2;
	v16 =	vld [tilespmem:s15+$0xD4B0];
	v4 =	vadd.s32 v5, v7;
	v5 =	vadd.s32 v6, v10  }
0x3c3: {  	v2 =	vadd.s32 v1, v2;
	v6 =	vld [tilespmem:s15+$0xD4C0];
	v7 =	vadd.s32 v3, v4;
	v10 =	vadd.s32 v11, v5  }
0x3c4: {  	vm10 =	vge.s32 v22, v0;
	vm0 =	vge.s32 v24, v0;
	vm1 =	vge.s32 v15, v0;
	v5 =	vld [tilespmem:s15+$0xD470]  }
.Ltmp8:
0x3c5: {  	vm11 =	vge.s32 v29, v0;
	vm9 =	vge.s32 v30, v0;
	vm5 =	vge.s32 v32, v0;
	v13 =	vld [tilespmem:s15+$0xD490];
	(pc) =	sbr.rel @p0 .LBB2_19-.Ltmp8, $4  }
0x3c6: {  	vm6 =	vge.s32 v27, v0;
	vm4 =	vge.s32 v20, v0;
	vm2 =	vge.s32 v12, v0;
	v11 =	vld [tilespmem:s15+$0xD440]  }
0x3c7: {  	s14 =	sadd.s32 $0x150, s14;
	v1 =	vmpcnt.ones.xlane vm8;
	vm7 =	vge.s32 v14, v0;
	v12 =	vld [tilespmem:s15+$0xD450];
	vm3 =	vge.s32 v16, v0  }
0x3c8: {  	s16 =	sand.u32 $0x3FF0, s14;
	v4 =	vmpcnt.ones.xlane vm0;
	v3 =	vmpcnt.ones.xlane vm10;
	v14 =	vld [tilespmem:s15+$0xD460];
	vm8 =	vge.s32 v6, v0  }
0x3c9: {  	s13 =	sadd.s32 $0x540, s13;
	v6 =	vmpcnt.ones.xlane vm11;
	vm0 =	vge.s32 v5, v0;
	v5 =	vmpcnt.ones.xlane vm1;
	v15 =	vld [tilespmem:s16+$0xD580]  }
0x3ca: {  	v16 =	vmpcnt.ones.xlane vm9;
	v56 =	vmpcnt.ones.xlane vm5  }
0x3cb: {  	v17 =	vld [tilespmem:s16+$0xD480];
	v18 =	vmpcnt.ones.xlane vm6;
	v20 =	vmpcnt.ones.xlane vm7  }
0x3cc: {  	vm1 =	vge.s32 v13, v0;
	v19 =	vld [tilespmem:s16+$0xD500];
	v57 =	vmpcnt.ones.xlane vm2;
	v21 =	vmpcnt.ones.xlane vm3  }
0x3cd: {  	v58 =	vmpcnt.ones.xlane vm8;
	v22 =	vmpcnt.ones.xlane vm0;
	vm10 =	vge.s32 v11, v0  }
0x3ce: {  	v11 =	vmpcnt.ones.xlane vm4;
	v23 =	vmpcnt.ones.xlane vm1;
	vm11 =	vge.s32 v12, v0  }
0x3cf: {  	v59 =	vmpcnt.ones.xlane vm10;
	vm12 =	vge.s32 v14, v0;
	v24 =	vmpcnt.ones.xlane vm11  }
0x3d0: {  	vm13 =	vge.s32 v15, v0;
	v25 =	vmpcnt.ones.xlane vm12;
	vm14 =	vge.s32 v17, v0  }
0x3d1: {  	v2 =	vadd.s32 v2, v59;
	vm15 =	vge.s32 v19, v0;
	v17 =	vmpcnt.ones.xlane vm14  }
0x3d2: {  	v60 =	vmpcnt.ones.xlane vm13;
	v7 =	vadd.s32 v7, v24;
	v2 =	vadd.s32 v22, v2  }
0x3d3: {  	v19 =	vmpcnt.ones.xlane vm15;
	v10 =	vadd.s32 v10, v25;
	v7 =	vadd.s32 v17, v7  }
0x3d4: {  	v2 =	vadd.s32 v20, v2;
	v10 =	vadd.s32 v23, v10;
	v7 =	vadd.s32 v21, v7  }
0x3d5: {  	v2 =	vadd.s32 v18, v2;
	v10 =	vadd.s32 v58, v10;
	v7 =	vadd.s32 v11, v7  }
0x3d6: {  	v2 =	vadd.s32 v19, v2;
	v10 =	vadd.s32 v57, v10;
	v7 =	vadd.s32 v16, v7  }
0x3d7: {  	v2 =	vadd.s32 v4, v2;
	v10 =	vadd.s32 v56, v10;
	v61 =	vadd.s32 v5, v7  }
0x3d8: {  	v1 =	vadd.s32 v1, v2;
	v62 =	vadd.s32 v6, v10;
	v63 =	vadd.s32 v3, v61  }
0x3d9: {  	v0 =	vadd.s32 v60, v62;
	v1 =	vadd.s32 v1, v63  }
0x3da: {  	v0 =	vadd.s32 v0, v1  }
0x3db: {  	(v2sf) =	vpush v0, $0x0;
	_ =	sdelay $0xe  }
0x3dc: {  	s0 =	spop (v2sf)  }
0x3dd: {  	s11 =	sadd.s32 $0x1, s11;
	p0 =	slt.s32 s0, s9  }
0x3de: {  	s10 =	smov.u32 @p0 s12;
	p0 =	sne.s32 s11, $0x1F  }
.Ltmp9:
0x3df: {  	_ = 	snop;
	(pc) =	sbr.rel @p0 .LBB2_18-.Ltmp9, $2  }
0x3e0: {  	_ =	sdelay $0x2  }
0x3e1: {  	s12 =	smov.u32 s10  }
0x3e2: {  	s11 =	simm.s32 $0x0  }
0x3e3: {  	v0 =	vld [tilespmem:s11+$0xD440];
	_ =	sdelay $0x1  }
0x3e4: {  	v1 =	vld [tilespmem:s11+$0xD450];
	_ =	sdelay $0x1  }
0x3e5: {  	v10 =	vmov s10;
	v2 =	vld [tilespmem:s11+$0xD460]  }
0x3e6: {  	vm0 =	vlt.s32 v10, v0  }
0x3e7: {  	v3 =	vimm.f32 $0.0e+00;
	s3 =	simm.s32 $0x0;
	v4 =	vld [tilespmem:s11+$0xD470];
	v0 =	vnsel vm0, $0x0, v0  }
0x3e8: {  	s12 =	sand.u32 $0x3FF0, s3;
	vm1 =	vlt.s32 v10, v1;
	v0 =	vadd.f32 v0, v3  }
0x3e9: {  	v1 =	vnsel vm1, $0x0, v1;
	v3 =	vld [tilespmem:s12+$0xD480]  }
0x3ea: {  	vm2 =	vlt.s32 v10, v2;
	v0 =	vadd.f32 v1, v0  }
0x3eb: {  	v1 =	vnsel vm2, $0x0, v2;
	v2 =	vld [tilespmem:s11+$0xD490]  }
0x3ec: {  	vm3 =	vlt.s32 v10, v4;
	v0 =	vadd.f32 v1, v0  }
0x3ed: {  	v1 =	vnsel vm3, $0x0, v4;
	v4 =	vld [tilespmem:s11+$0xD4A0]  }
0x3ee: {  	vm4 =	vlt.s32 v10, v3;
	v0 =	vadd.f32 v1, v0  }
0x3ef: {  	v1 =	vnsel vm4, $0x0, v3;
	v3 =	vld [tilespmem:s11+$0xD4B0]  }
0x3f0: {  	v6 =	vld [tilespmem:s11+$0xD4E0];
	vm5 =	vlt.s32 v10, v2;
	v0 =	vadd.f32 v1, v0  }
0x3f1: {  	v1 =	vnsel vm5, $0x0, v2;
	v2 =	vld [tilespmem:s11+$0xD4C0]  }
0x3f2: {  	vm6 =	vlt.s32 v10, v4;
	v0 =	vadd.f32 v1, v0  }
0x3f3: {  	v14 =	vimm.s32 $0x0;
	v1 =	vnsel vm6, $0x0, v4;
	v4 =	vld [tilespmem:s11+$0xD4D0]  }
0x3f4: {  	v5 =	vmpcnt.ones.xlane vm0;
	vm7 =	vlt.s32 v10, v3;
	v1 =	vadd.f32 v1, v0  }
0x3f5: {  	v12 =	vld [tilespmem:s11+$0xD4F0];
	v7 =	vmpcnt.ones.xlane vm2;
	v11 =	vmpcnt.ones.xlane vm3;
	v3 =	vnsel vm7, $0x0, v3  }
0x3f6: {  	v17 =	vld [tilespmem:s11+$0xD550];
	vm2 =	vlt.s32 v10, v6;
	vm0 =	vlt.s32 v10, v2;
	v1 =	vadd.f32 v3, v1  }
0x3f7: {  	v5 =	vadd.s32 v14, v5;
	v6 =	vnsel vm2, $0x0, v6;
	v2 =	vnsel vm0, $0x0, v2  }
0x3f8: {  	v15 =	vld [tilespmem:s12+$0xD500];
	v3 =	vmpcnt.ones.xlane vm1;
	vm1 =	vlt.s32 v10, v4;
	v1 =	vadd.f32 v2, v1  }
0x3f9: {  	v13 =	vmpcnt.ones.xlane vm5;
	v16 =	vmpcnt.ones.xlane vm6;
	v4 =	vnsel vm1, $0x0, v4  }
0x3fa: {  	v2 =	vmpcnt.ones.xlane vm4;
	v3 =	vadd.s32 v3, v5;
	v1 =	vadd.f32 v4, v1  }
0x3fb: {  	v58 =	vld [tilespmem:s11+$0xD510];
	v5 =	vmpcnt.ones.xlane vm0;
	vm0 =	vlt.s32 v10, v12;
	vm4 =	vlt.s32 v10, v17  }
0x3fc: {  	v3 =	vadd.s32 v7, v3;
	v7 =	vmpcnt.ones.xlane vm1;
	v1 =	vadd.f32 v6, v1  }
0x3fd: {  	vm1 =	vlt.s32 v10, v15;
	v12 =	vnsel vm0, $0x0, v12;
	v3 =	vadd.s32 v11, v3;
	v6 =	vld [tilespmem:s11+$0xD520]  }
0x3fe: {  	v4 =	vmpcnt.ones.xlane vm7;
	v2 =	vadd.s32 v2, v3;
	v1 =	vadd.f32 v12, v1  }
0x3ff: {  	v59 =	vld [tilespmem:s11+$0xD530];
	v15 =	vnsel vm1, $0x0, v15;
	v3 =	vmpcnt.ones.xlane vm0;
	v2 =	vadd.s32 v13, v2  }
0x400: {  	vm0 =	vlt.s32 v10, v58;
	v2 =	vadd.s32 v16, v2;
	v1 =	vadd.f32 v15, v1  }
0x401: {  	v60 =	vld [tilespmem:s11+$0xD540];
	v62 =	vmpcnt.ones.xlane vm1;
	v61 =	vnsel vm0, $0x0, v58;
	v2 =	vadd.s32 v4, v2  }
0x402: {  	v0 =	vld [tilespmem:s11+$0xD570];
	v5 =	vadd.s32 v5, v2;
	vm1 =	vlt.s32 v10, v6;
	v13 =	vadd.f32 v61, v1  }
0x403: {  	v11 =	vmpcnt.ones.xlane vm2;
	v2 =	vld [tilespmem:s12+$0xD580];
	v5 =	vadd.s32 v7, v5;
	v4 =	vnsel vm1, $0x0, v6  }
0x404: {  	v1 =	vld [tilespmem:s11+$0xD560];
	v6 =	vmpcnt.ones.xlane vm0;
	vm0 =	vlt.s32 v10, v59;
	v4 =	vadd.f32 v4, v13  }
0x405: {  	v5 =	vadd.s32 v11, v5;
	v63 =	vmpcnt.ones.xlane vm1;
	v7 =	vnsel vm0, $0x0, v59  }
0x406: {  	vm1 =	vlt.s32 v10, v60;
	v3 =	vadd.s32 v3, v5;
	v7 =	vadd.f32 v7, v4  }
0x407: {  	vm3 =	vlt.s32 v10, v0;
	v5 =	vnsel vm1, $0x0, v60;
	v3 =	vadd.s32 v62, v3  }
0x408: {  	vm6 =	vlt.s32 v10, v2;
	v4 =	vmpcnt.ones.xlane vm0;
	v7 =	vadd.f32 v5, v7  }
0x409: {  	vm12 =	vlt.s32 v10, v1;
	v5 =	vadd.s32 v6, v3;
	v6 =	vnsel vm4, $0x0, v17  }
0x40a: {  	s12 =	simm.s32 $0xA80;
	s11 =	simm.s32 $0x150;
	v3 =	vmpcnt.ones.xlane vm1;
	v5 =	vadd.s32 v63, v5;
	v6 =	vadd.f32 v6, v7  }
.LBB2_22:
0x40b: {  	_ = 	snop  }
0x40c: {  	v7 =	vld [tilespmem:s11+$0xD440];
	v1 =	vnsel vm12, $0x0, v1;
	v4 =	vadd.s32 v4, v5;
	v5 =	vmpcnt.ones.xlane vm4  }
0x40d: {  	v1 =	vadd.f32 v1, v6;
	v3 =	vadd.s32 v3, v4;
	v4 =	vmpcnt.ones.xlane vm12  }
0x40e: {  	v11 =	vnsel vm3, $0x0, v0;
	v6 =	vld [tilespmem:s11+$0xD450];
	v3 =	vadd.s32 v5, v3  }
0x40f: {  	v5 =	vmpcnt.ones.xlane vm3;
	v3 =	vadd.s32 v4, v3;
	v4 =	vadd.f32 v11, v1  }
0x410: {  	v12 =	vld [tilespmem:s11+$0xD460];
	v2 =	vnsel vm6, $0x0, v2;
	v11 =	vmpcnt.ones.xlane vm6  }
0x411: {  	v3 =	vadd.s32 v5, v3;
	vm6 =	vlt.s32 v10, v7;
	v2 =	vadd.f32 v2, v4  }
0x412: {  	s3 =	sadd.s32 $0x150, s3;
	v5 =	vadd.s32 v11, v3;
	v3 =	vnsel vm6, $0x0, v7;
	v4 =	vld [tilespmem:s11+$0xD470]  }
0x413: {  	s0 =	sand.u32 $0x3FF0, s3;
	vm7 =	vlt.s32 v10, v6;
	v2 =	vadd.f32 v3, v2  }
0x414: {  	v7 =	vld [tilespmem:s0+$0xD480];
	v6 =	vnsel vm7, $0x0, v6  }
0x415: {  	vm9 =	vlt.s32 v10, v12;
	v2 =	vadd.f32 v6, v2  }
0x416: {  	v46 =	vld [tilespmem:s11+$0xD490];
	v11 =	vnsel vm9, $0x0, v12  }
0x417: {  	vm11 =	vlt.s32 v10, v4;
	v2 =	vadd.f32 v11, v2  }
0x418: {  	v13 =	vld [tilespmem:s11+$0xD4A0];
	v4 =	vnsel vm11, $0x0, v4  }
0x419: {  	vm12 =	vlt.s32 v10, v7;
	v2 =	vadd.f32 v4, v2  }
0x41a: {  	v0 =	vld [tilespmem:s11+$0xD570];
	v7 =	vnsel vm12, $0x0, v7  }
0x41b: {  	v14 =	vld [tilespmem:s11+$0xD4B0];
	vm13 =	vlt.s32 v10, v46;
	v2 =	vadd.f32 v7, v2  }
0x41c: {  	v12 =	vnsel vm13, $0x0, v46;
	v3 =	vld [tilespmem:s11+$0xD550]  }
0x41d: {  	v15 =	vld [tilespmem:s11+$0xD4C0];
	vm15 =	vlt.s32 v10, v13;
	v2 =	vadd.f32 v12, v2  }
0x41e: {  	v13 =	vnsel vm15, $0x0, v13  }
0x41f: {  	v16 =	vld [tilespmem:s11+$0xD4D0];
	vm1 =	vlt.s32 v10, v0;
	v13 =	vadd.f32 v13, v2;
	v2 =	vimm.s32 $0x0  }
0x420: {  	vm0 =	vlt.s32 v10, v14;
	v2 =	vsel vm1, $0xFFFFFFFF, v2  }
0x421: {  	v17 =	vld [tilespmem:s11+$0xD4E0];
	v14 =	vnsel vm0, $0x0, v14;
	vm1 =	vlt.s32 v10, v3;
	[tilespmem:$0x1FD70] =	vst v2;
	v2 =	vimm.s32 $0x0  }
0x422: {  	v6 =	vld [tilespmem:s11+$0xD540];
	v13 =	vadd.f32 v14, v13;
	v2 =	vsel vm1, $0xFFFFFFFF, v2;
	vm1 =	vlt.s32 v10, v15  }
0x423: {  	v47 =	vld [tilespmem:s11+$0xD4F0];
	v15 =	vnsel vm1, $0x0, v15  }
0x424: {  	vm3 =	vlt.s32 v10, v16;
	v13 =	vadd.f32 v15, v13  }
0x425: {  	v48 =	vld [tilespmem:s0+$0xD500];
	v49 =	vnsel vm3, $0x0, v16  }
0x426: {  	vm4 =	vlt.s32 v10, v17;
	v13 =	vadd.f32 v49, v13  }
0x427: {  	v18 =	vimm.s32 $0x0;
	v17 =	vnsel vm4, $0x0, v17;
	vm2 =	vlt.s32 v10, v6;
	v7 =	vld [tilespmem:s11+$0xD510]  }
0x428: {  	v18 =	vsel vm2, $0xFFFFFFFF, v18;
	vm2 =	vlt.s32 v10, v47;
	v13 =	vadd.f32 v17, v13  }
0x429: {  	v50 =	vmpcnt.ones.xlane vm6;
	v52 =	vmpcnt.ones.xlane vm9;
	v4 =	vld [tilespmem:s11+$0xD520];
	v12 =	vnsel vm2, $0x0, v47  }
0x42a: {  	v51 =	vmpcnt.ones.xlane vm7;
	vm7 =	vlt.s32 v10, v48;
	v12 =	vadd.f32 v12, v13  }
0x42b: {  	v55 =	vmpcnt.ones.xlane vm13;
	v5 =	vadd.s32 v5, v50;
	v11 =	vld [tilespmem:s11+$0xD530];
	v14 =	vnsel vm7, $0x0, v48  }
0x42c: {  	v5 =	vadd.s32 v51, v5;
	vm14 =	vlt.s32 v10, v7;
	v12 =	vadd.f32 v14, v12  }
0x42d: {  	v5 =	vadd.s32 v52, v5;
	v53 =	vmpcnt.ones.xlane vm11;
	v7 =	vnsel vm14, $0x0, v7  }
0x42e: {  	v1 =	vld [tilespmem:s11+$0xD560];
	v54 =	vmpcnt.ones.xlane vm12;
	vm10 =	vlt.s32 v10, v4;
	v7 =	vadd.f32 v7, v12  }
0x42f: {  	v56 =	vmpcnt.ones.xlane vm15;
	v5 =	vadd.s32 v53, v5;
	v4 =	vnsel vm10, $0x0, v4;
	v60 =	vld [tilespmem:$0x1FD70]  }
0x430: {  	v5 =	vadd.s32 v54, v5;
	vm8 =	vlt.s32 v10, v11;
	[tilespmem:$0x1FD80] =	vst v2;
	v2 =	vld [tilespmem:s0+$0xD580];
	v4 =	vadd.f32 v4, v7  }
0x431: {  	v57 =	vmpcnt.ones.xlane vm0;
	v5 =	vadd.s32 v55, v5;
	[tilespmem:$0x1FD90] =	vst v18;
	v11 =	vnsel vm8, $0x0, v11;
	v62 =	vld [tilespmem:$0x1FD80]  }
0x432: {  	v5 =	vadd.s32 v56, v5;
	v58 =	vmpcnt.ones.xlane vm1;
	v4 =	vadd.f32 v11, v4;
	v11 =	vld [tilespmem:$0x1FD90]  }
0x433: {  	v59 =	vmpcnt.ones.xlane vm3;
	v5 =	vadd.s32 v57, v5  }
0x434: {  	v61 =	vmpcnt.ones.xlane vm4;
	vm5 =	vlt.s32 v10, v1;
	v5 =	vadd.s32 v58, v5  }
0x435: {  	v63 =	vmpcnt.ones.xlane vm7;
	vm12 =	vmmov vm5;
	v5 =	vadd.s32 v59, v5  }
0x436: {  	p0 =	sne.s32 s12, $0x8340;
	vm3 =	vnez.u8 v60;
	v5 =	vadd.s32 v61, v5;
	v7 =	vmpcnt.ones.xlane vm2  }
.Ltmp10:
0x437: {  	vm6 =	vlt.s32 v10, v2;
	vm4 =	vnez.u8 v62;
	vm0 =	vnez.u8 v11;
	(pc) =	sbr.rel @p0 .LBB2_22-.Ltmp10, $4  }
0x438: {  	v5 =	vadd.s32 v7, v5;
	v7 =	vmpcnt.ones.xlane vm14;
	v6 =	vnsel vm0, $0x0, v6  }
0x439: {  	v5 =	vadd.s32 v63, v5;
	v11 =	vmpcnt.ones.xlane vm10;
	v6 =	vadd.f32 v6, v4  }
0x43a: {  	v5 =	vadd.s32 v7, v5;
	v7 =	vnsel vm4, $0x0, v3;
	v3 =	vmpcnt.ones.xlane vm0  }
0x43b: {  	s11 =	sshra.s32 s12, $0x2;
	s12 =	sadd.s32 $0x540, s12;
	v4 =	vmpcnt.ones.xlane vm8;
	v5 =	vadd.s32 v11, v5;
	v6 =	vadd.f32 v7, v6  }
0x43c: {  	v7 =	vld [tilespmem:s11+$0xD440];
	v1 =	vnsel vm12, $0x0, v1  }
0x43d: {  	v1 =	vadd.f32 v1, v6  }
0x43e: {  	v38 =	vld [tilespmem:s11+$0xD450];
	v0 =	vnsel vm3, $0x0, v0  }
0x43f: {  	v0 =	vadd.f32 v0, v1  }
0x440: {  	v2 =	vnsel vm6, $0x0, v2;
	v1 =	vld [tilespmem:s11+$0xD460]  }
0x441: {  	vm0 =	vlt.s32 v10, v7;
	v0 =	vadd.f32 v2, v0  }
0x442: {  	v39 =	vld [tilespmem:s11+$0xD470];
	s0 =	sadd.s32 $0x150, s3;
	v2 =	vnsel vm0, $0x0, v7  }
0x443: {  	s3 =	sand.u32 $0x3FF0, s0;
	vm1 =	vlt.s32 v10, v38;
	v0 =	vadd.f32 v2, v0  }
0x444: {  	v40 =	vld [tilespmem:s3+$0xD480];
	v2 =	vnsel vm1, $0x0, v38  }
0x445: {  	vm2 =	vlt.s32 v10, v1;
	v0 =	vadd.f32 v2, v0  }
0x446: {  	v1 =	vnsel vm2, $0x0, v1;
	v2 =	vld [tilespmem:s11+$0xD490]  }
0x447: {  	vm15 =	vlt.s32 v10, v39;
	v0 =	vadd.f32 v1, v0  }
0x448: {  	v41 =	vld [tilespmem:s11+$0xD4A0];
	v1 =	vnsel vm15, $0x0, v39  }
0x449: {  	vm7 =	vlt.s32 v10, v40;
	v0 =	vadd.f32 v1, v0  }
0x44a: {  	v42 =	vld [tilespmem:s11+$0xD4B0];
	v1 =	vnsel vm7, $0x0, v40  }
0x44b: {  	vm8 =	vlt.s32 v10, v2;
	v0 =	vadd.f32 v1, v0  }
0x44c: {  	v1 =	vnsel vm8, $0x0, v2;
	v2 =	vld [tilespmem:s11+$0xD4C0]  }
0x44d: {  	vm10 =	vlt.s32 v10, v41;
	v0 =	vadd.f32 v1, v0  }
0x44e: {  	v43 =	vld [tilespmem:s11+$0xD4D0];
	v1 =	vnsel vm10, $0x0, v41  }
0x44f: {  	vm11 =	vlt.s32 v10, v42;
	v0 =	vadd.f32 v1, v0  }
0x450: {  	v6 =	vnsel vm11, $0x0, v42;
	v1 =	vld [tilespmem:s11+$0xD4E0]  }
0x451: {  	vm5 =	vmmov vm6;
	v45 =	vld [tilespmem:s11+$0xD4F0];
	vm9 =	vlt.s32 v10, v2;
	v0 =	vadd.f32 v6, v0  }
0x452: {  	v44 =	vmpcnt.ones.xlane vm4;
	v48 =	vld [tilespmem:s11+$0xD510];
	v4 =	vadd.s32 v4, v5;
	v2 =	vnsel vm9, $0x0, v2  }
0x453: {  	v49 =	vld [tilespmem:s11+$0xD520];
	v3 =	vadd.s32 v3, v4;
	vm4 =	vlt.s32 v10, v43;
	v0 =	vadd.f32 v2, v0  }
0x454: {  	v11 =	vmpcnt.ones.xlane vm12;
	v46 =	vld [tilespmem:s3+$0xD500];
	v3 =	vadd.s32 v44, v3;
	v7 =	vnsel vm4, $0x0, v43  }
0x455: {  	v2 =	vmpcnt.ones.xlane vm3;
	vm3 =	vlt.s32 v10, v1;
	v0 =	vadd.f32 v7, v0  }
0x456: {  	v12 =	vmpcnt.ones.xlane vm5;
	v3 =	vadd.s32 v11, v3;
	v1 =	vnsel vm3, $0x0, v1  }
0x457: {  	v13 =	vmpcnt.ones.xlane vm1;
	vm1 =	vlt.s32 v10, v45;
	v0 =	vadd.f32 v1, v0  }
0x458: {  	vm13 =	vlt.s32 v10, v48;
	vm14 =	vlt.s32 v10, v49;
	v5 =	vnsel vm1, $0x0, v45  }
0x459: {  	v47 =	vmpcnt.ones.xlane vm0;
	vm12 =	vlt.s32 v10, v46;
	v0 =	vadd.f32 v5, v0  }
0x45a: {  	v14 =	vmpcnt.ones.xlane vm15;
	v4 =	vnsel vm12, $0x0, v46;
	v2 =	vadd.s32 v2, v3;
	v3 =	vld [tilespmem:s11+$0xD530]  }
0x45b: {  	v51 =	vmpcnt.ones.xlane vm10;
	v16 =	vmpcnt.ones.xlane vm11;
	v0 =	vadd.f32 v4, v0  }
0x45c: {  	v52 =	vld [tilespmem:s11+$0xD540];
	v11 =	vnsel vm14, $0x0, v49;
	v50 =	vmpcnt.ones.xlane vm7;
	v6 =	vnsel vm13, $0x0, v48  }
0x45d: {  	v58 =	vmpcnt.ones.xlane vm1;
	v2 =	vadd.s32 v12, v2;
	v0 =	vadd.f32 v6, v0  }
0x45e: {  	v53 =	vld [tilespmem:s11+$0xD550];
	v59 =	vmpcnt.ones.xlane vm12;
	v1 =	vmpcnt.ones.xlane vm2;
	v2 =	vadd.s32 v2, v47  }
0x45f: {  	v55 =	vld [tilespmem:s11+$0xD560];
	v2 =	vadd.s32 v13, v2;
	vm15 =	vlt.s32 v10, v3;
	v0 =	vadd.f32 v11, v0  }
0x460: {  	v15 =	vmpcnt.ones.xlane vm8;
	v1 =	vadd.s32 v1, v2;
	v3 =	vnsel vm15, $0x0, v3  }
0x461: {  	vm8 =	vlt.s32 v10, v52;
	v1 =	vadd.s32 v14, v1;
	v0 =	vadd.f32 v3, v0  }
0x462: {  	v54 =	vmpcnt.ones.xlane vm9;
	v12 =	vnsel vm8, $0x0, v52;
	v1 =	vadd.s32 v50, v1;
	v3 =	vld [tilespmem:s11+$0xD570]  }
0x463: {  	v57 =	vld [tilespmem:s3+$0xD580];
	vm9 =	vlt.s32 v10, v53;
	v1 =	vadd.s32 v15, v1;
	v0 =	vadd.f32 v12, v0  }
0x464: {  	vm10 =	vlt.s32 v10, v55;
	v1 =	vadd.s32 v51, v1;
	v6 =	vnsel vm9, $0x0, v53  }
0x465: {  	v2 =	vmpcnt.ones.xlane vm4;
	v1 =	vadd.s32 v16, v1;
	v0 =	vadd.f32 v6, v0  }
0x466: {  	(xrf2) =	vadd.scan.msk.f32 $0xffff, v9;
	v60 =	vnsel vm10, $0x0, v55;
	v56 =	vmpcnt.ones.xlane vm3;
	v1 =	vadd.s32 v54, v1  }
0x467: {  	(xrf2) =	vadd.scan.msk.f32 $0xffff, v8;
	v1 =	vadd.s32 v2, v1;
	vm11 =	vlt.s32 v10, v3;
	v0 =	vadd.f32 v60, v0  }
0x468: {  	vm12 =	vlt.s32 v10, v57;
	v1 =	vadd.s32 v56, v1;
	v3 =	vnsel vm11, $0x0, v3  }
0x469: {  	v2 =	vmpcnt.ones.xlane vm13;
	v1 =	vadd.s32 v58, v1;
	v0 =	vadd.f32 v3, v0  }
0x46a: {  	v61 =	vnsel vm12, $0x0, v57;
	v1 =	vadd.s32 v59, v1;
	v3 =	vmpcnt.ones.xlane vm14  }
0x46b: {  	v62 =	vmpcnt.ones.xlane vm15;
	v1 =	vadd.s32 v2, v1;
	v0 =	vadd.f32 v61, v0  }
0x46c: {  	v2 =	vmpcnt.ones.xlane vm8;
	v1 =	vadd.s32 v3, v1;
	v3 =	vmpcnt.ones.xlane vm9  }
0x46d: {  	v1 =	vadd.s32 v62, v1;
	(xrf2) =	vadd.scan.msk.f32 $0xffff, v0  }
0x46e: {  	v0 =	vmpcnt.ones.xlane vm10;
	v1 =	vadd.s32 v2, v1  }
0x46f: {  	v2 =	vmpcnt.ones.xlane vm11;
	v1 =	vadd.s32 v3, v1  }
0x470: {  	v3, _, _ =	vpop (xrf2);
	v0 =	vadd.s32 v0, v1;
	v1 =	vmpcnt.ones.xlane vm12  }
0x471: {  	v63, _, _ =	vpop (xrf2);
	v0 =	vadd.s32 v2, v0  }
0x472: {  	v0 =	vadd.s32 v1, v0;
	(v2sf) =	vpush v63, $0xF  }
0x473: {  	(v2sf) =	vpush v0, $0x0;
	_ =	sdelay $0x3  }
0x474: {  	v0, _, _ =	vpop (xrf2)  }
0x475: {  	(v2sf) =	vpush v0, $0xF;
	_ =	sdelay $0x8  }
0x476: {  	s19 =	spop (v2sf)  }
0x477: {  	s1 =	spop (v2sf)  }
0x478: {  	s1 =	ssub.s32 s9, s1  }
0x479: {  	s1 =	scvt.s32.f32 s1;
	_ =	sdelay $0x1  }
0x47a: {  	s1 =	smul.f32 s1, s10  }
0x47b: {  	s20 =	spop (v2sf)  }
0x47c: {  	s1 =	sadd.f32 s1, s20;
	_ =	sdelay $0x1  }
0x47d: {  	s0 =	sadd.f32 s1, s19  }
0x47e: {  	v0 =	vbroadcast v3, $0xF  }
0x47f: {  	s21 =	scvt.s32.f32 s7;
	vm13 =	vmmov $0x1;
	vm14 =	vcmask $0x704;
	v1 =	vmov s0  }
0x480: {  	v0 =	vnsel vm13, $0x0, v0;
	v1 =	vnsel vm14, $0x0, v1  }
0x481: {  	vm15 =	vcmask $0xB08;
	v0 =	vadd.f32 v1, v0;
	v1 =	vmov s21  }
0x482: {  	v1 =	vnsel vm15, $0x0, v1  }
0x483: {  	v0 =	vadd.f32 v0, v1;
	_ =	sdelay $0x1  }
0x484: {  	s22 =	rddreg [dreg:$0xf];
	s24 =	simm.s32 $0x19E80;
	s1 =	simm.s32 $0x6;
	[tilespmem:$0x19E80] =	vst v0  }
0x485: {  	[hbm4b:s22+s2] =	stream.linear.scatter [tilespmem:s24], [sflag:$0x6], $0x80, $0x38;
	[tilespmem:$0x19F00] =	vst v63  }
0x486: {  	_ =	swait.ge [sflag:s1], $0x80  }
0x487: {  	s28 =	rddreg [dreg:$0x11]  }
0x488: {  	s29 =	rddreg [dreg:$0x10];
	s3 =	sadd.s32 $0x1, s28  }
0x489: {  	p0 =	sne.s32 s3, s29  }
.Ltmp11:
0x48a: {  	_ = 	snop;
	(pc) =	sbr.rel @p0 .LBB2_1-.Ltmp11, $3  }
0x48b: {  	_ =	sdelay $0x1  }
0x48c: {  	[sflag:s1] =	ssyncset.done $0x0  }
0x48d: {  	v2 =	vimm.f32 $0.0e+00;
	v0 =	vimm.f32 $-1.000000000e+00;
	[sflag:s1] =	ssyncadd.s32 $0xFFFFFF80  }
0x48e: {  	_ =	sfence.sel $0x180000  }
0x48f: {  	[bflag:$0x0] =	sbarrier.arrive $0xFFFF  }
0x490: {  	_ =	strace $0x90000047  }
0x491: {  	s0 =	stileid.u32;
	[bflag:$0x2] =	sbarrier.arrive $0xFFFF  }
0x492: {  	p0 =	sne.s32 s0, $0x0;
	s0 =	rddreg [dreg:$0x1]  }
0x493: {  	s0 =	sadd.s32 @!p0 $0x100000, s0  }
0x494: {  	[sflag:s0] =	ssyncadd.tile.s32 @!p0 $0x1;
	_ =	shalt  }
.Lfunc_end2:
_tile_overlayer_lowered:
.L_overlay_start_2:
0x495: {  	(tag) =	ssettag $0x2  }
0x496: {  	s0 =	rddreg [dreg:$0x0];
	s2 =	stileid.u32  }
0x497: {  	s1 =	rddreg [dreg:$0x1];
	p0 =	sne.s32 s2, $0x0  }
0x498: {  	s3 =	rddreg [dreg:$0x2];
	[bflag:$0x3] =	sbarrier.arrive $0xFFFF;
	s2 =	simm.s32 @!p0 $0x1C06  }
0x499: {  	[timem:s3], [sflag:s2] =	dma.local @!p0 [hbm:s0], s1  }
0x49a: {  	s0 =	simm.s32 @!p0 $0x6  }
0x49b: {  	_ =	swait.ge @!p0 [sflag:s0], s1  }
0x49c: {  	s1 =	ssub.s32 @!p0 $0x0, s1;
	[sflag:s0] =	ssyncset.done @!p0 $0x0  }
0x49d: {  	[sflag:s0] =	ssyncadd.s32 @!p0 s1  }
0x49e: {  	[bflag:$0x3] =	sbarrier.arrive $0xFFFF  }
0x49f: {  	_ =	shalt  }

</sc_bundles>
